<compile_context>
chip_gen: v7x
topology: tpu7x:2x2x1
jax: 0.10.2.dev20260603
libtpu: 0.0.44.dev20260713+nightly
codegen_flags: <defaults>
</compile_context>

<pallas_src>
import jax
import jax.numpy as jnp
from jax.experimental import pallas as pl
from jax.experimental.pallas import tpu as pltpu

_NMS_THRESHOLD = 8.0
_PRE_NMS_TOPK = 5000
_MAX_OUTPUT = 2560
_MIN_SCORE = 0.2

_BLK = 256
_NBLK = 20
_NPAD = _BLK * _NBLK


def _nms_kernel(s_row_ref, x_row_ref, y_row_ref, s_col_ref, x_col_ref,
                y_col_ref, scores_out_ref, locs_out_ref, keep_ref):
    d2_thr = _NMS_THRESHOLD * _NMS_THRESHOLD

    ii = jax.lax.broadcasted_iota(jnp.int32, (_BLK, _BLK), 0)
    jj = jax.lax.broadcasted_iota(jnp.int32, (_BLK, _BLK), 1)
    strict_upper = jnp.where(jj > ii, 1.0, 0.0)

    keep_ref[...] = jnp.zeros((_NBLK, _BLK), jnp.float32)

    for b in range(_NBLK):
        o = b * _BLK
        xb_r = x_row_ref[b:b + 1, :]
        yb_r = y_row_ref[b:b + 1, :]
        sb_r = s_row_ref[b:b + 1, :]
        xb_c = x_col_ref[o:o + _BLK, :]
        yb_c = y_col_ref[o:o + _BLK, :]
        valid = jnp.where(sb_r >= _MIN_SCORE, 1.0, 0.0)

        def cross_body(p, acc):
            q = p * _BLK
            xp_c = x_col_ref[pl.ds(q, _BLK), :]
            yp_c = y_col_ref[pl.ds(q, _BLK), :]
            kp_r = keep_ref[pl.ds(p, 1), :]
            dx = xp_c - xb_r
            dy = yp_c - yb_r
            hit = jnp.where(dx * dx + dy * dy < d2_thr, 1.0, 0.0)
            return acc + jax.lax.dot(kp_r, hit,
                                     preferred_element_type=jnp.float32)

        cross = jnp.zeros((1, _BLK), jnp.float32)
        if b > 0:
            cross = jax.lax.fori_loop(0, b, cross_body, cross)

        dxb = xb_c - xb_r
        dyb = yb_c - yb_r
        sup = jnp.where(dxb * dxb + dyb * dyb < d2_thr, 1.0, 0.0) * strict_upper

        undec = valid * jnp.where(cross > 0.5, 0.0, 1.0)
        kept = jnp.zeros((1, _BLK), jnp.float32)

        def rounds_cond(state):
            u, _ = state
            return jnp.sum(u) > 0.0

        def rounds_body(state):
            u, k = state
            uv = jax.lax.dot(u, sup, preferred_element_type=jnp.float32)
            newly = u * jnp.where(uv > 0.5, 0.0, 1.0)
            killed = jax.lax.dot(newly, sup, preferred_element_type=jnp.float32)
            k2 = k + newly
            u2 = u * (1.0 - newly) * jnp.where(killed > 0.5, 0.0, 1.0)
            return u2, k2

        _, keep_blk = jax.lax.while_loop(rounds_cond, rounds_body,
                                         (undec, kept))
        keep_ref[b:b + 1, :] = keep_blk

    keep_mat = keep_ref[...]
    incl = jnp.where(jj >= ii, 1.0, 0.0)
    c_in = jax.lax.dot(keep_mat, incl, preferred_element_type=jnp.float32)
    tot = jax.lax.dot(keep_mat, jnp.ones((_BLK, 1), jnp.float32),
                      preferred_element_type=jnp.float32)
    bi = jax.lax.broadcasted_iota(jnp.int32, (_NBLK, _NBLK), 0)
    bj = jax.lax.broadcasted_iota(jnp.int32, (_NBLK, _NBLK), 1)
    blower = jnp.where(bj < bi, 1.0, 0.0)
    off = jax.lax.dot(blower, tot, preferred_element_type=jnp.float32)
    ranks = c_in + off

    slots = jax.lax.broadcasted_iota(jnp.int32, (_MAX_OUTPUT, 1), 0).astype(jnp.float32)
    acc_s = jnp.zeros((_MAX_OUTPUT, 1), jnp.float32)
    acc_x = jnp.zeros((_MAX_OUTPUT, 1), jnp.float32)
    acc_y = jnp.zeros((_MAX_OUTPUT, 1), jnp.float32)
    cnt = jnp.zeros((_MAX_OUTPUT, 1), jnp.float32)
    for b in range(_NBLK):
        rb = ranks[b:b + 1, :]
        kb = keep_mat[b:b + 1, :]
        onehot = jnp.where((rb - 1.0 == slots) & (kb > 0.5), 1.0, 0.0)
        acc_s = acc_s + jnp.sum(onehot * s_row_ref[b:b + 1, :],
                                axis=1, keepdims=True)
        acc_x = acc_x + jnp.sum(onehot * x_row_ref[b:b + 1, :],
                                axis=1, keepdims=True)
        acc_y = acc_y + jnp.sum(onehot * y_row_ref[b:b + 1, :],
                                axis=1, keepdims=True)
        cnt = cnt + jnp.sum(onehot, axis=1, keepdims=True)
    scores_out_ref[...] = jnp.where(cnt > 0.5, acc_s, -1.0)
    locs_out_ref[...] = jnp.where(cnt > 0.5,
                                  jnp.concatenate([acc_x, acc_y], axis=1),
                                  -1.0)


def _run_nms(scores_sorted, locs_sorted):
    pad = _NPAD - scores_sorted.shape[0]
    s_p = jnp.concatenate([scores_sorted, jnp.full((pad,), -1.0, jnp.float32)])
    x_p = jnp.concatenate([locs_sorted[:, 0], jnp.full((pad,), -1.0, jnp.float32)])
    y_p = jnp.concatenate([locs_sorted[:, 1], jnp.full((pad,), -1.0, jnp.float32)])
    out_scores, out_locs = pl.pallas_call(
        _nms_kernel,
        out_shape=[
            jax.ShapeDtypeStruct((_MAX_OUTPUT, 1), jnp.float32),
            jax.ShapeDtypeStruct((_MAX_OUTPUT, 2), jnp.float32),
        ],
        scratch_shapes=[
            pltpu.VMEM((_NBLK, _BLK), jnp.float32),
        ],
    )(
        s_p.reshape(_NBLK, _BLK),
        x_p.reshape(_NBLK, _BLK),
        y_p.reshape(_NBLK, _BLK),
        s_p.reshape(_NPAD, 1),
        x_p.reshape(_NPAD, 1),
        y_p.reshape(_NPAD, 1),
    )
    return out_scores.reshape(-1), out_locs


def kernel(scores_0, regressions_0, scores_1, regressions_1):
    scores = {"0": scores_0, "1": scores_1}
    regressions = {"0": regressions_0, "1": regressions_1}
    scores_list = []
    loc_list = []
    for k in ("0", "1"):
        s = scores[k].squeeze(-1)
        r = regressions[k]
        height, width = s.shape
        loc = jnp.mgrid[:height, :width] + 0.5
        loc = loc.transpose(1, 2, 0) + r
        is_valid = ((loc > 0.0).all(axis=-1)
                    & (loc[:, :, 0] < height) & (loc[:, :, 1] < width))
        s = jnp.where(is_valid, s, 0)
        loc = loc * (2 ** int(k))
        loc_list.append(loc.reshape(-1, 2))
        scores_list.append(s.reshape(-1))
    scores_flat = jnp.concatenate(scores_list, axis=0)
    locations = jnp.concatenate(loc_list, axis=0)

    _FILTER = 0.9
    _CAP = 36864
    mask = scores_flat > _FILTER
    cnt = jnp.sum(mask.astype(jnp.int32))

    def _fast(_):
        idx = jnp.where(mask, size=_CAP, fill_value=0)[0]
        sg = jnp.where(jnp.arange(_CAP) < cnt, scores_flat[idx], -1.0)
        ts, sl = jax.lax.top_k(sg, _PRE_NMS_TOPK)
        return ts, idx[sl]

    def _slow(_):
        ts, sl = jax.lax.top_k(scores_flat, _PRE_NMS_TOPK)
        return ts, sl

    top_scores, selections = jax.lax.cond(
        (cnt >= _PRE_NMS_TOPK) & (cnt <= _CAP), _fast, _slow, None)
    top_locs = locations[selections]
    return _run_nms(top_scores, top_locs)

# --- scband reference (transcript-rebuilt; emitter-appended) ---
"""Pipeline reference for scband-detector-53738630808032 (READ-ONLY COPY).

The authoritative reference and input builder live on the scoring server;
editing this copy changes nothing except your own understanding.
"""

import jax, jax.numpy as jnp
import numpy as np

TEST_NMS_THRESHOLD = 8.0
TEST_PRE_NMS_TOPK = 5000
TEST_MAX_OUTPUT = 2560
TEST_MIN_SCORE = 0.2


def setup_inputs(seed: int = 0) -> dict:
    key = jax.random.key(seed)
    k0, k1, k2, k3 = jax.random.split(key, 4)
    return {
        "scores_0": jax.random.uniform(k0, (512, 512, 1), dtype=jnp.float32),
        "regressions_0": jax.random.normal(k1, (512, 512, 2), dtype=jnp.float32),
        "scores_1": jax.random.uniform(k2, (256, 256, 1), dtype=jnp.float32),
        "regressions_1": jax.random.normal(k3, (256, 256, 2), dtype=jnp.float32),
    }


def _sorted_non_max_suppression(scores, locations, output_size, threshold, score_threshold):
    # scores sorted descending; similarity = 1/dist^2, suppress if similarity > threshold
    n = scores.shape[0]
    idx = jnp.arange(n)

    def body(i, keep):
        d2 = jnp.sum((locations - locations[i]) ** 2, axis=-1)
        sim = 1.0 / d2
        suppressed = jnp.any(keep & (idx < i) & (sim > threshold))
        valid = scores[i] >= score_threshold
        return keep.at[i].set(valid & jnp.logical_not(suppressed))

    keep = jax.lax.fori_loop(0, n, body, jnp.zeros((n,), dtype=bool))
    sel = jnp.where(keep, size=output_size, fill_value=-1)[0]
    out_scores = jnp.where(sel >= 0, scores[sel], -1.0)
    out_locations = jnp.where((sel >= 0)[:, None], locations[sel], -1.0)
    return out_scores, out_locations


def _proposal_locations(lpn_scores, lpn_regression):
    scores_list = []
    loc_list = []
    for k in lpn_scores:
        s = lpn_scores[k].squeeze(-1)
        r = lpn_regression[k]
        height, width = s.shape
        loc = jnp.mgrid[:height, :width] + 0.5
        loc = loc.transpose(1, 2, 0) + r
        is_valid = (loc > 0.0).all(axis=-1) & (loc[:, :, 0] < height) & (loc[:, :, 1] < width)
        s = jnp.where(is_valid, s, 0)
        loc = loc * (2 ** int(k))
        loc_list.append(loc.reshape(-1, 2))
        scores_list.append(s.reshape(-1))
    scores = jnp.concatenate(scores_list, axis=0)
    locations = jnp.concatenate(loc_list, axis=0)
    topk = TEST_PRE_NMS_TOPK
    if topk <= 0 or topk > scores.size:
        topk = scores.size
    scores, selections = jax.lax.top_k(scores, topk)
    locations = locations[selections]
    threshold = 1 / TEST_NMS_THRESHOLD / TEST_NMS_THRESHOLD
    scores, locations = _sorted_non_max_suppression(
        scores, locations, TEST_MAX_OUTPUT, threshold, TEST_MIN_SCORE
    )
    return scores, locations


def reference(scores_0, regressions_0, scores_1, regressions_1):
    scores = {"0": jax.lax.stop_gradient(scores_0), "1": jax.lax.stop_gradient(scores_1)}
    regressions = {"0": jax.lax.stop_gradient(regressions_0), "1": jax.lax.stop_gradient(regressions_1)}
    pred_scores, pred_locations = _proposal_locations(scores, regressions)
    return pred_scores, pred_locations

if __name__ == "__main__":
    import jax
    _d = setup_inputs()
    print(jax.jit(kernel)(*tuple(_d.values())))

</pallas_src>

<mosaic_0001>
module attributes {stable_mosaic.version = 14 : i64} {
  func.func @_nms_kernel(%arg0: memref<20x256xf32, #tpu.memory_space<vmem>>, %arg1: memref<20x256xf32, #tpu.memory_space<vmem>>, %arg2: memref<20x256xf32, #tpu.memory_space<vmem>>, %arg3: memref<5120x1xf32, #tpu.memory_space<vmem>>, %arg4: memref<5120x1xf32, #tpu.memory_space<vmem>>, %arg5: memref<5120x1xf32, #tpu.memory_space<vmem>>, %arg6: memref<2560x1xf32, #tpu.memory_space<vmem>>, %arg7: memref<2560x2xf32, #tpu.memory_space<vmem>>, %arg8: memref<20x256xf32, #tpu.memory_space<vmem>>) attributes {dimension_semantics = [], scalar_prefetch = 0 : i64, scratch_operands = 1 : i64, tpu.core_type = #tpu.core_type<tc>} {
    %iota3A = tpu.iota {dimensions = array<i32: 0>} : vector<256x256xi32>
    %iota3A_0 = tpu.iota {dimensions = array<i32: 1>} : vector<256x256xi32>
    %gt3A = arith.cmpi sgt, %iota3A_0, %iota3A : vector<256x256xi32>
    %jit3A = arith.constant 1.000000e+00 : f32
    %jit3A_1 = arith.constant 0.000000e+00 : f32
    %broadcast_in_dim3A = vector.broadcast %jit3A : f32 to vector<256x256xf32>
    %broadcast_in_dim3A_2 = vector.broadcast %jit3A_1 : f32 to vector<256x256xf32>
    %select_n3A = arith.select %gt3A, %broadcast_in_dim3A, %broadcast_in_dim3A_2 : vector<256x256xi1>, vector<256x256xf32>
    %broadcast_in_dim3A_3 = arith.constant 0.000000e+00 : f32
    %broadcast_in_dim3A_4 = vector.broadcast %broadcast_in_dim3A_3 : f32 to vector<20x256xf32>
    %swap3A = arith.constant 0 : index
    %swap3A_5 = arith.constant 0 : index
    %swap3A_6 = vector.load %arg8[%swap3A, %swap3A_5] : memref<20x256xf32, #tpu.memory_space<vmem>>, vector<20x256xf32>
    tpu.vector_store %arg8[%swap3A, %swap3A_5], %broadcast_in_dim3A_4 {strides = array<i32>} : memref<20x256xf32, #tpu.memory_space<vmem>>, vector<20x256xf32>,
    %get3A = arith.constant 0 : index
    %get3A_7 = arith.constant 0 : index
    %get3A_8 = vector.load %arg1[%get3A, %get3A_7] : memref<20x256xf32, #tpu.memory_space<vmem>>, vector<1x256xf32>
    %get3A_9 = arith.constant 0 : index
    %get3A_10 = arith.constant 0 : index
    %get3A_11 = vector.load %arg2[%get3A_9, %get3A_10] : memref<20x256xf32, #tpu.memory_space<vmem>>, vector<1x256xf32>
    %get3A_12 = arith.constant 0 : index
    %get3A_13 = arith.constant 0 : index
    %get3A_14 = vector.load %arg0[%get3A_12, %get3A_13] : memref<20x256xf32, #tpu.memory_space<vmem>>, vector<1x256xf32>
    %get3A_15 = arith.constant 0 : index
    %get3A_16 = arith.constant 0 : index
    %get3A_17 = vector.load %arg4[%get3A_15, %get3A_16] : memref<5120x1xf32, #tpu.memory_space<vmem>>, vector<256x1xf32>
    %get3A_18 = arith.constant 0 : index
    %get3A_19 = arith.constant 0 : index
    %get3A_20 = vector.load %arg5[%get3A_18, %get3A_19] : memref<5120x1xf32, #tpu.memory_space<vmem>>, vector<256x1xf32>
    %ge3A = arith.constant 2.000000e-01 : f32
    %ge3A_21 = vector.broadcast %ge3A : f32 to vector<1x256xf32>
    %ge3A_22 = arith.cmpf oge, %get3A_14, %ge3A_21 : vector<1x256xf32>
    %jit3A_23 = arith.constant 1.000000e+00 : f32
    %jit3A_24 = arith.constant 0.000000e+00 : f32
    %broadcast_in_dim3A_25 = vector.broadcast %jit3A_23 : f32 to vector<1x256xf32>
    %broadcast_in_dim3A_26 = vector.broadcast %jit3A_24 : f32 to vector<1x256xf32>
    %select_n3A_27 = arith.select %ge3A_22, %broadcast_in_dim3A_25, %broadcast_in_dim3A_26 : vector<1x256xi1>, vector<1x256xf32>
    %broadcast_in_dim3A_28 = arith.constant 0.000000e+00 : f32
    %broadcast_in_dim3A_29 = vector.broadcast %broadcast_in_dim3A_28 : f32 to vector<1x256xf32>
    %sub3A = vector.broadcast %get3A_17 : vector<256x1xf32> to vector<256x256xf32>
    %sub3A_30 = vector.broadcast %get3A_8 : vector<1x256xf32> to vector<256x256xf32>
    %sub3A_31 = arith.subf %sub3A, %sub3A_30 : vector<256x256xf32>
    %sub3A_32 = vector.broadcast %get3A_20 : vector<256x1xf32> to vector<256x256xf32>
    %sub3A_33 = vector.broadcast %get3A_11 : vector<1x256xf32> to vector<256x256xf32>
    %sub3A_34 = arith.subf %sub3A_32, %sub3A_33 : vector<256x256xf32>
    %mul3A = arith.mulf %sub3A_31, %sub3A_31 : vector<256x256xf32>
    %mul3A_35 = arith.mulf %sub3A_34, %sub3A_34 : vector<256x256xf32>
    %add3A = arith.addf %mul3A, %mul3A_35 : vector<256x256xf32>
    %lt3A = arith.constant 6.400000e+01 : f32
    %lt3A_36 = vector.broadcast %lt3A : f32 to vector<256x256xf32>
    %lt3A_37 = arith.cmpf olt, %add3A, %lt3A_36 : vector<256x256xf32>
    %jit3A_38 = arith.constant 1.000000e+00 : f32
    %jit3A_39 = arith.constant 0.000000e+00 : f32
    %broadcast_in_dim3A_40 = vector.broadcast %jit3A_38 : f32 to vector<256x256xf32>
    %broadcast_in_dim3A_41 = vector.broadcast %jit3A_39 : f32 to vector<256x256xf32>
    %select_n3A_42 = arith.select %lt3A_37, %broadcast_in_dim3A_40, %broadcast_in_dim3A_41 : vector<256x256xi1>, vector<256x256xf32>
    %mul3A_43 = arith.mulf %select_n3A_42, %select_n3A : vector<256x256xf32>
    %gt3A_44 = arith.constant 5.000000e-01 : f32
    %gt3A_45 = vector.broadcast %gt3A_44 : f32 to vector<1x256xf32>
    %gt3A_46 = arith.cmpf ogt, %broadcast_in_dim3A_29, %gt3A_45 : vector<1x256xf32>
    %jit3A_47 = arith.constant 0.000000e+00 : f32
    %jit3A_48 = arith.constant 1.000000e+00 : f32
    %broadcast_in_dim3A_49 = vector.broadcast %jit3A_47 : f32 to vector<1x256xf32>
    %broadcast_in_dim3A_50 = vector.broadcast %jit3A_48 : f32 to vector<1x256xf32>
    %select_n3A_51 = arith.select %gt3A_46, %broadcast_in_dim3A_49, %broadcast_in_dim3A_50 : vector<1x256xi1>, vector<1x256xf32>
    %mul3A_52 = arith.mulf %select_n3A_27, %select_n3A_51 : vector<1x256xf32>
    %broadcast_in_dim3A_53 = arith.constant 0.000000e+00 : f32
    %broadcast_in_dim3A_54 = vector.broadcast %broadcast_in_dim3A_53 : f32 to vector<1x256xf32>
    %while3A:2 = scf.while (%while3A_2331 = %mul3A_52, %while3A_2332 = %broadcast_in_dim3A_54) : (vector<1x256xf32>, vector<1x256xf32>) -> (vector<1x256xf32>, vector<1x256xf32>) {
      %reduce_sum3A_2333 = vector.shape_cast %while3A_2331 : vector<1x256xf32> to vector<1x1x256xf32>
      %reduce_sum3A_2334 = arith.constant dense<0.000000e+00> : vector<1xf32>
      %reduce_sum3A_2335 = vector.multi_reduction <add>, %reduce_sum3A_2333, %reduce_sum3A_2334 [1, 2] : vector<1x1x256xf32> to vector<1xf32>
      %reduce_sum3A_2336 = vector.shape_cast %reduce_sum3A_2335 : vector<1xf32> to vector<1x1x1xf32>
      %reduce_sum3A_2337 = vector.extract %reduce_sum3A_2336[0, 0, 0] : f32 from vector<1x1x1xf32>
      %gt3A_2338 = arith.constant 0.000000e+00 : f32
      %gt3A_2339 = arith.cmpf ogt, %reduce_sum3A_2337, %gt3A_2338 : f32
      scf.condition(%gt3A_2339) %while3A_2331, %while3A_2332 : vector<1x256xf32>, vector<1x256xf32>
    } do {
    ^bb0(%while3A_2331: vector<1x256xf32>, %while3A_2332: vector<1x256xf32>):
      %dot_general3A_2333 = arith.constant dense<0.000000e+00> : vector<1x256xf32>
      %dot_general3A_2334 = tpu.matmul %while3A_2331, %mul3A_43, %dot_general3A_2333 {dimension_numbers = #tpu.dot_dimension_numbers<[1], [0], [0], [1], [0, 0, 1, 1], [], []>, transpose_lhs_hint = false} : vector<1x256xf32>, vector<256x256xf32>, vector<1x256xf32> -> vector<1x256xf32>
      %gt3A_2335 = arith.constant 5.000000e-01 : f32
      %gt3A_2336 = vector.broadcast %gt3A_2335 : f32 to vector<1x256xf32>
      %gt3A_2337 = arith.cmpf ogt, %dot_general3A_2334, %gt3A_2336 : vector<1x256xf32>
      %jit3A_2338 = arith.constant 0.000000e+00 : f32
      %jit3A_2339 = arith.constant 1.000000e+00 : f32
      %broadcast_in_dim3A_2340 = vector.broadcast %jit3A_2338 : f32 to vector<1x256xf32>
      %broadcast_in_dim3A_2341 = vector.broadcast %jit3A_2339 : f32 to vector<1x256xf32>
      %select_n3A_2342 = arith.select %gt3A_2337, %broadcast_in_dim3A_2340, %broadcast_in_dim3A_2341 : vector<1x256xi1>, vector<1x256xf32>
      %mul3A_2343 = arith.mulf %while3A_2331, %select_n3A_2342 : vector<1x256xf32>
      %dot_general3A_2344 = arith.constant dense<0.000000e+00> : vector<1x256xf32>
      %dot_general3A_2345 = tpu.matmul %mul3A_2343, %mul3A_43, %dot_general3A_2344 {dimension_numbers = #tpu.dot_dimension_numbers<[1], [0], [0], [1], [0, 0, 1, 1], [], []>, transpose_lhs_hint = false} : vector<1x256xf32>, vector<256x256xf32>, vector<1x256xf32> -> vector<1x256xf32>
      %add3A_2346 = arith.addf %while3A_2332, %mul3A_2343 : vector<1x256xf32>
      %sub3A_2347 = arith.constant 1.000000e+00 : f32
      %sub3A_2348 = vector.broadcast %sub3A_2347 : f32 to vector<1x256xf32>
      %sub3A_2349 = arith.subf %sub3A_2348, %mul3A_2343 : vector<1x256xf32>
      %mul3A_2350 = arith.mulf %while3A_2331, %sub3A_2349 : vector<1x256xf32>
      %gt3A_2351 = arith.constant 5.000000e-01 : f32
      %gt3A_2352 = vector.broadcast %gt3A_2351 : f32 to vector<1x256xf32>
      %gt3A_2353 = arith.cmpf ogt, %dot_general3A_2345, %gt3A_2352 : vector<1x256xf32>
      %jit3A_2354 = arith.constant 0.000000e+00 : f32
      %jit3A_2355 = arith.constant 1.000000e+00 : f32
      %broadcast_in_dim3A_2356 = vector.broadcast %jit3A_2354 : f32 to vector<1x256xf32>
      %broadcast_in_dim3A_2357 = vector.broadcast %jit3A_2355 : f32 to vector<1x256xf32>
      %select_n3A_2358 = arith.select %gt3A_2353, %broadcast_in_dim3A_2356, %broadcast_in_dim3A_2357 : vector<1x256xi1>, vector<1x256xf32>
      %mul3A_2359 = arith.mulf %mul3A_2350, %select_n3A_2358 : vector<1x256xf32>
      scf.yield %mul3A_2359, %add3A_2346 : vector<1x256xf32>, vector<1x256xf32>
    }
    %swap3A_55 = arith.constant 0 : index
    %swap3A_56 = arith.constant 0 : index
    %swap3A_57 = vector.load %arg8[%swap3A_55, %swap3A_56] : memref<20x256xf32, #tpu.memory_space<vmem>>, vector<1x256xf32>
    tpu.vector_store %arg8[%swap3A_55, %swap3A_56], %while3A#1 {strides = array<i32>} : memref<20x256xf32, #tpu.memory_space<vmem>>, vector<1x256xf32>,
    %get3A_58 = arith.constant 1 : index
    %get3A_59 = arith.constant 0 : index
    %get3A_60 = vector.load %arg1[%get3A_58, %get3A_59] : memref<20x256xf32, #tpu.memory_space<vmem>>, vector<1x256xf32>
    %get3A_61 = arith.constant 1 : index
    %get3A_62 = arith.constant 0 : index
    %get3A_63 = vector.load %arg2[%get3A_61, %get3A_62] : memref<20x256xf32, #tpu.memory_space<vmem>>, vector<1x256xf32>
    %get3A_64 = arith.constant 1 : index
    %get3A_65 = arith.constant 0 : index
    %get3A_66 = vector.load %arg0[%get3A_64, %get3A_65] : memref<20x256xf32, #tpu.memory_space<vmem>>, vector<1x256xf32>
    %get3A_67 = arith.constant 256 : index
    %get3A_68 = arith.constant 0 : index
    %get3A_69 = vector.load %arg4[%get3A_67, %get3A_68] : memref<5120x1xf32, #tpu.memory_space<vmem>>, vector<256x1xf32>
    %get3A_70 = arith.constant 256 : index
    %get3A_71 = arith.constant 0 : index
    %get3A_72 = vector.load %arg5[%get3A_70, %get3A_71] : memref<5120x1xf32, #tpu.memory_space<vmem>>, vector<256x1xf32>
    %ge3A_73 = arith.constant 2.000000e-01 : f32
    %ge3A_74 = vector.broadcast %ge3A_73 : f32 to vector<1x256xf32>
    %ge3A_75 = arith.cmpf oge, %get3A_66, %ge3A_74 : vector<1x256xf32>
    %jit3A_76 = arith.constant 1.000000e+00 : f32
    %jit3A_77 = arith.constant 0.000000e+00 : f32
    %broadcast_in_dim3A_78 = vector.broadcast %jit3A_76 : f32 to vector<1x256xf32>
    %broadcast_in_dim3A_79 = vector.broadcast %jit3A_77 : f32 to vector<1x256xf32>
    %select_n3A_80 = arith.select %ge3A_75, %broadcast_in_dim3A_78, %broadcast_in_dim3A_79 : vector<1x256xi1>, vector<1x256xf32>
    %broadcast_in_dim3A_81 = arith.constant 0.000000e+00 : f32
    %broadcast_in_dim3A_82 = vector.broadcast %broadcast_in_dim3A_81 : f32 to vector<1x256xf32>
    %scan3A = arith.constant 0 : i32
    %mul3A_83 = arith.constant 256 : i32
    %mul3A_84 = arith.muli %scan3A, %mul3A_83 : i32
    %get3A_85 = arith.index_cast %mul3A_84 : i32 to index
    %get3A_86 = arith.constant 0 : index
    %get3A_87 = vector.load %arg4[%get3A_85, %get3A_86] : memref<5120x1xf32, #tpu.memory_space<vmem>>, vector<256x1xf32>
    %get3A_88 = arith.index_cast %mul3A_84 : i32 to index
    %get3A_89 = arith.constant 0 : index
    %get3A_90 = vector.load %arg5[%get3A_88, %get3A_89] : memref<5120x1xf32, #tpu.memory_space<vmem>>, vector<256x1xf32>
    %get3A_91 = arith.index_cast %scan3A : i32 to index
    %get3A_92 = arith.constant 0 : index
    %get3A_93 = vector.load %arg8[%get3A_91, %get3A_92] : memref<20x256xf32, #tpu.memory_space<vmem>>, vector<1x256xf32>
    %sub3A_94 = vector.broadcast %get3A_87 : vector<256x1xf32> to vector<256x256xf32>
    %sub3A_95 = vector.broadcast %get3A_60 : vector<1x256xf32> to vector<256x256xf32>
    %sub3A_96 = arith.subf %sub3A_94, %sub3A_95 : vector<256x256xf32>
    %sub3A_97 = vector.broadcast %get3A_90 : vector<256x1xf32> to vector<256x256xf32>
    %sub3A_98 = vector.broadcast %get3A_63 : vector<1x256xf32> to vector<256x256xf32>
    %sub3A_99 = arith.subf %sub3A_97, %sub3A_98 : vector<256x256xf32>
    %mul3A_100 = arith.mulf %sub3A_96, %sub3A_96 : vector<256x256xf32>
    %mul3A_101 = arith.mulf %sub3A_99, %sub3A_99 : vector<256x256xf32>
    %add3A_102 = arith.addf %mul3A_100, %mul3A_101 : vector<256x256xf32>
    %lt3A_103 = arith.constant 6.400000e+01 : f32
    %lt3A_104 = vector.broadcast %lt3A_103 : f32 to vector<256x256xf32>
    %lt3A_105 = arith.cmpf olt, %add3A_102, %lt3A_104 : vector<256x256xf32>
    %jit3A_106 = arith.constant 1.000000e+00 : f32
    %jit3A_107 = arith.constant 0.000000e+00 : f32
    %broadcast_in_dim3A_108 = vector.broadcast %jit3A_106 : f32 to vector<256x256xf32>
    %broadcast_in_dim3A_109 = vector.broadcast %jit3A_107 : f32 to vector<256x256xf32>
    %select_n3A_110 = arith.select %lt3A_105, %broadcast_in_dim3A_108, %broadcast_in_dim3A_109 : vector<256x256xi1>, vector<256x256xf32>
    %dot_general3A = arith.constant dense<0.000000e+00> : vector<1x256xf32>
    %dot_general3A_111 = tpu.matmul %get3A_93, %select_n3A_110, %dot_general3A {dimension_numbers = #tpu.dot_dimension_numbers<[1], [0], [0], [1], [0, 0, 1, 1], [], []>, transpose_lhs_hint = false} : vector<1x256xf32>, vector<256x256xf32>, vector<1x256xf32> -> vector<1x256xf32>
    %add3A_112 = arith.addf %broadcast_in_dim3A_82, %dot_general3A_111 : vector<1x256xf32>
    %scan3A_113 = arith.constant 1 : i32
    %sub3A_114 = vector.broadcast %get3A_69 : vector<256x1xf32> to vector<256x256xf32>
    %sub3A_115 = vector.broadcast %get3A_60 : vector<1x256xf32> to vector<256x256xf32>
    %sub3A_116 = arith.subf %sub3A_114, %sub3A_115 : vector<256x256xf32>
    %sub3A_117 = vector.broadcast %get3A_72 : vector<256x1xf32> to vector<256x256xf32>
    %sub3A_118 = vector.broadcast %get3A_63 : vector<1x256xf32> to vector<256x256xf32>
    %sub3A_119 = arith.subf %sub3A_117, %sub3A_118 : vector<256x256xf32>
    %mul3A_120 = arith.mulf %sub3A_116, %sub3A_116 : vector<256x256xf32>
    %mul3A_121 = arith.mulf %sub3A_119, %sub3A_119 : vector<256x256xf32>
    %add3A_122 = arith.addf %mul3A_120, %mul3A_121 : vector<256x256xf32>
    %lt3A_123 = arith.constant 6.400000e+01 : f32
    %lt3A_124 = vector.broadcast %lt3A_123 : f32 to vector<256x256xf32>
    %lt3A_125 = arith.cmpf olt, %add3A_122, %lt3A_124 : vector<256x256xf32>
    %jit3A_126 = arith.constant 1.000000e+00 : f32
    %jit3A_127 = arith.constant 0.000000e+00 : f32
    %broadcast_in_dim3A_128 = vector.broadcast %jit3A_126 : f32 to vector<256x256xf32>
    %broadcast_in_dim3A_129 = vector.broadcast %jit3A_127 : f32 to vector<256x256xf32>
    %select_n3A_130 = arith.select %lt3A_125, %broadcast_in_dim3A_128, %broadcast_in_dim3A_129 : vector<256x256xi1>, vector<256x256xf32>
    %mul3A_131 = arith.mulf %select_n3A_130, %select_n3A : vector<256x256xf32>
    %gt3A_132 = arith.constant 5.000000e-01 : f32
    %gt3A_133 = vector.broadcast %gt3A_132 : f32 to vector<1x256xf32>
    %gt3A_134 = arith.cmpf ogt, %add3A_112, %gt3A_133 : vector<1x256xf32>
    %jit3A_135 = arith.constant 0.000000e+00 : f32
    %jit3A_136 = arith.constant 1.000000e+00 : f32
    %broadcast_in_dim3A_137 = vector.broadcast %jit3A_135 : f32 to vector<1x256xf32>
    %broadcast_in_dim3A_138 = vector.broadcast %jit3A_136 : f32 to vector<1x256xf32>
    %select_n3A_139 = arith.select %gt3A_134, %broadcast_in_dim3A_137, %broadcast_in_dim3A_138 : vector<1x256xi1>, vector<1x256xf32>
    %mul3A_140 = arith.mulf %select_n3A_80, %select_n3A_139 : vector<1x256xf32>
    %broadcast_in_dim3A_141 = arith.constant 0.000000e+00 : f32
    %broadcast_in_dim3A_142 = vector.broadcast %broadcast_in_dim3A_141 : f32 to vector<1x256xf32>
    %while3A_143:2 = scf.while (%while3A_2331 = %mul3A_140, %while3A_2332 = %broadcast_in_dim3A_142) : (vector<1x256xf32>, vector<1x256xf32>) -> (vector<1x256xf32>, vector<1x256xf32>) {
      %reduce_sum3A_2333 = vector.shape_cast %while3A_2331 : vector<1x256xf32> to vector<1x1x256xf32>
      %reduce_sum3A_2334 = arith.constant dense<0.000000e+00> : vector<1xf32>
      %reduce_sum3A_2335 = vector.multi_reduction <add>, %reduce_sum3A_2333, %reduce_sum3A_2334 [1, 2] : vector<1x1x256xf32> to vector<1xf32>
      %reduce_sum3A_2336 = vector.shape_cast %reduce_sum3A_2335 : vector<1xf32> to vector<1x1x1xf32>
      %reduce_sum3A_2337 = vector.extract %reduce_sum3A_2336[0, 0, 0] : f32 from vector<1x1x1xf32>
      %gt3A_2338 = arith.constant 0.000000e+00 : f32
      %gt3A_2339 = arith.cmpf ogt, %reduce_sum3A_2337, %gt3A_2338 : f32
      scf.condition(%gt3A_2339) %while3A_2331, %while3A_2332 : vector<1x256xf32>, vector<1x256xf32>
    } do {
    ^bb0(%while3A_2331: vector<1x256xf32>, %while3A_2332: vector<1x256xf32>):
      %dot_general3A_2333 = arith.constant dense<0.000000e+00> : vector<1x256xf32>
      %dot_general3A_2334 = tpu.matmul %while3A_2331, %mul3A_131, %dot_general3A_2333 {dimension_numbers = #tpu.dot_dimension_numbers<[1], [0], [0], [1], [0, 0, 1, 1], [], []>, transpose_lhs_hint = false} : vector<1x256xf32>, vector<256x256xf32>, vector<1x256xf32> -> vector<1x256xf32>
      %gt3A_2335 = arith.constant 5.000000e-01 : f32
      %gt3A_2336 = vector.broadcast %gt3A_2335 : f32 to vector<1x256xf32>
      %gt3A_2337 = arith.cmpf ogt, %dot_general3A_2334, %gt3A_2336 : vector<1x256xf32>
      %jit3A_2338 = arith.constant 0.000000e+00 : f32
      %jit3A_2339 = arith.constant 1.000000e+00 : f32
      %broadcast_in_dim3A_2340 = vector.broadcast %jit3A_2338 : f32 to vector<1x256xf32>
      %broadcast_in_dim3A_2341 = vector.broadcast %jit3A_2339 : f32 to vector<1x256xf32>
      %select_n3A_2342 = arith.select %gt3A_2337, %broadcast_in_dim3A_2340, %broadcast_in_dim3A_2341 : vector<1x256xi1>, vector<1x256xf32>
      %mul3A_2343 = arith.mulf %while3A_2331, %select_n3A_2342 : vector<1x256xf32>
      %dot_general3A_2344 = arith.constant dense<0.000000e+00> : vector<1x256xf32>
      %dot_general3A_2345 = tpu.matmul %mul3A_2343, %mul3A_131, %dot_general3A_2344 {dimension_numbers = #tpu.dot_dimension_numbers<[1], [0], [0], [1], [0, 0, 1, 1], [], []>, transpose_lhs_hint = false} : vector<1x256xf32>, vector<256x256xf32>, vector<1x256xf32> -> vector<1x256xf32>
      %add3A_2346 = arith.addf %while3A_2332, %mul3A_2343 : vector<1x256xf32>
      %sub3A_2347 = arith.constant 1.000000e+00 : f32
      %sub3A_2348 = vector.broadcast %sub3A_2347 : f32 to vector<1x256xf32>
      %sub3A_2349 = arith.subf %sub3A_2348, %mul3A_2343 : vector<1x256xf32>
      %mul3A_2350 = arith.mulf %while3A_2331, %sub3A_2349 : vector<1x256xf32>
      %gt3A_2351 = arith.constant 5.000000e-01 : f32
      %gt3A_2352 = vector.broadcast %gt3A_2351 : f32 to vector<1x256xf32>
      %gt3A_2353 = arith.cmpf ogt, %dot_general3A_2345, %gt3A_2352 : vector<1x256xf32>
      %jit3A_2354 = arith.constant 0.000000e+00 : f32
      %jit3A_2355 = arith.constant 1.000000e+00 : f32
      %broadcast_in_dim3A_2356 = vector.broadcast %jit3A_2354 : f32 to vector<1x256xf32>
      %broadcast_in_dim3A_2357 = vector.broadcast %jit3A_2355 : f32 to vector<1x256xf32>
      %select_n3A_2358 = arith.select %gt3A_2353, %broadcast_in_dim3A_2356, %broadcast_in_dim3A_2357 : vector<1x256xi1>, vector<1x256xf32>
      %mul3A_2359 = arith.mulf %mul3A_2350, %select_n3A_2358 : vector<1x256xf32>
      scf.yield %mul3A_2359, %add3A_2346 : vector<1x256xf32>, vector<1x256xf32>
    }
    %swap3A_144 = arith.constant 1 : index
    %swap3A_145 = arith.constant 0 : index
    %swap3A_146 = vector.load %arg8[%swap3A_144, %swap3A_145] : memref<20x256xf32, #tpu.memory_space<vmem>>, vector<1x256xf32>
    tpu.vector_store %arg8[%swap3A_144, %swap3A_145], %while3A_143#1 {strides = array<i32>} : memref<20x256xf32, #tpu.memory_space<vmem>>, vector<1x256xf32>,
    %get3A_147 = arith.constant 2 : index
    %get3A_148 = arith.constant 0 : index
    %get3A_149 = vector.load %arg1[%get3A_147, %get3A_148] : memref<20x256xf32, #tpu.memory_space<vmem>>, vector<1x256xf32>
    %get3A_150 = arith.constant 2 : index
    %get3A_151 = arith.constant 0 : index
    %get3A_152 = vector.load %arg2[%get3A_150, %get3A_151] : memref<20x256xf32, #tpu.memory_space<vmem>>, vector<1x256xf32>
    %get3A_153 = arith.constant 2 : index
    %get3A_154 = arith.constant 0 : index
    %get3A_155 = vector.load %arg0[%get3A_153, %get3A_154] : memref<20x256xf32, #tpu.memory_space<vmem>>, vector<1x256xf32>
    %get3A_156 = arith.constant 512 : index
    %get3A_157 = arith.constant 0 : index
    %get3A_158 = vector.load %arg4[%get3A_156, %get3A_157] : memref<5120x1xf32, #tpu.memory_space<vmem>>, vector<256x1xf32>
    %get3A_159 = arith.constant 512 : index
    %get3A_160 = arith.constant 0 : index
    %get3A_161 = vector.load %arg5[%get3A_159, %get3A_160] : memref<5120x1xf32, #tpu.memory_space<vmem>>, vector<256x1xf32>
    %ge3A_162 = arith.constant 2.000000e-01 : f32
    %ge3A_163 = vector.broadcast %ge3A_162 : f32 to vector<1x256xf32>
    %ge3A_164 = arith.cmpf oge, %get3A_155, %ge3A_163 : vector<1x256xf32>
    %jit3A_165 = arith.constant 1.000000e+00 : f32
    %jit3A_166 = arith.constant 0.000000e+00 : f32
    %broadcast_in_dim3A_167 = vector.broadcast %jit3A_165 : f32 to vector<1x256xf32>
    %broadcast_in_dim3A_168 = vector.broadcast %jit3A_166 : f32 to vector<1x256xf32>
    %select_n3A_169 = arith.select %ge3A_164, %broadcast_in_dim3A_167, %broadcast_in_dim3A_168 : vector<1x256xi1>, vector<1x256xf32>
    %broadcast_in_dim3A_170 = arith.constant 0.000000e+00 : f32
    %broadcast_in_dim3A_171 = vector.broadcast %broadcast_in_dim3A_170 : f32 to vector<1x256xf32>
    %scan3A_172 = arith.constant 0 : i32
    %scan3A_173 = arith.constant 2 : i32
    %scan3A_174 = arith.addi %scan3A_172, %scan3A_173 : i32
    %scan3A_175 = arith.constant 1 : i32
    %scan3A_176 = scf.for %scan3A_2331 = %scan3A_172 to %scan3A_174 step %scan3A_175 iter_args(%scan3A_2332 = %broadcast_in_dim3A_171) -> (vector<1x256xf32>)  : i32 {
      %mul3A_2333 = arith.constant 256 : i32
      %mul3A_2334 = arith.muli %scan3A_2331, %mul3A_2333 : i32
      %get3A_2335 = arith.index_cast %mul3A_2334 : i32 to index
      %get3A_2336 = arith.constant 0 : index
      %get3A_2337 = vector.load %arg4[%get3A_2335, %get3A_2336] : memref<5120x1xf32, #tpu.memory_space<vmem>>, vector<256x1xf32>
      %get3A_2338 = arith.index_cast %mul3A_2334 : i32 to index
      %get3A_2339 = arith.constant 0 : index
      %get3A_2340 = vector.load %arg5[%get3A_2338, %get3A_2339] : memref<5120x1xf32, #tpu.memory_space<vmem>>, vector<256x1xf32>
      %get3A_2341 = arith.index_cast %scan3A_2331 : i32 to index
      %get3A_2342 = arith.constant 0 : index
      %get3A_2343 = vector.load %arg8[%get3A_2341, %get3A_2342] : memref<20x256xf32, #tpu.memory_space<vmem>>, vector<1x256xf32>
      %sub3A_2344 = vector.broadcast %get3A_2337 : vector<256x1xf32> to vector<256x256xf32>
      %sub3A_2345 = vector.broadcast %get3A_149 : vector<1x256xf32> to vector<256x256xf32>
      %sub3A_2346 = arith.subf %sub3A_2344, %sub3A_2345 : vector<256x256xf32>
      %sub3A_2347 = vector.broadcast %get3A_2340 : vector<256x1xf32> to vector<256x256xf32>
      %sub3A_2348 = vector.broadcast %get3A_152 : vector<1x256xf32> to vector<256x256xf32>
      %sub3A_2349 = arith.subf %sub3A_2347, %sub3A_2348 : vector<256x256xf32>
      %mul3A_2350 = arith.mulf %sub3A_2346, %sub3A_2346 : vector<256x256xf32>
      %mul3A_2351 = arith.mulf %sub3A_2349, %sub3A_2349 : vector<256x256xf32>
      %add3A_2352 = arith.addf %mul3A_2350, %mul3A_2351 : vector<256x256xf32>
      %lt3A_2353 = arith.constant 6.400000e+01 : f32
      %lt3A_2354 = vector.broadcast %lt3A_2353 : f32 to vector<256x256xf32>
      %lt3A_2355 = arith.cmpf olt, %add3A_2352, %lt3A_2354 : vector<256x256xf32>
      %jit3A_2356 = arith.constant 1.000000e+00 : f32
      %jit3A_2357 = arith.constant 0.000000e+00 : f32
      %broadcast_in_dim3A_2358 = vector.broadcast %jit3A_2356 : f32 to vector<256x256xf32>
      %broadcast_in_dim3A_2359 = vector.broadcast %jit3A_2357 : f32 to vector<256x256xf32>
      %select_n3A_2360 = arith.select %lt3A_2355, %broadcast_in_dim3A_2358, %broadcast_in_dim3A_2359 : vector<256x256xi1>, vector<256x256xf32>
      %dot_general3A_2361 = arith.constant dense<0.000000e+00> : vector<1x256xf32>
      %dot_general3A_2362 = tpu.matmul %get3A_2343, %select_n3A_2360, %dot_general3A_2361 {dimension_numbers = #tpu.dot_dimension_numbers<[1], [0], [0], [1], [0, 0, 1, 1], [], []>, transpose_lhs_hint = false} : vector<1x256xf32>, vector<256x256xf32>, vector<1x256xf32> -> vector<1x256xf32>
      %add3A_2363 = arith.addf %scan3A_2332, %dot_general3A_2362 : vector<1x256xf32>
      scf.yield %add3A_2363 : vector<1x256xf32>
    }
    %scan3A_177 = arith.constant 2 : i32
    %sub3A_178 = vector.broadcast %get3A_158 : vector<256x1xf32> to vector<256x256xf32>
    %sub3A_179 = vector.broadcast %get3A_149 : vector<1x256xf32> to vector<256x256xf32>
    %sub3A_180 = arith.subf %sub3A_178, %sub3A_179 : vector<256x256xf32>
    %sub3A_181 = vector.broadcast %get3A_161 : vector<256x1xf32> to vector<256x256xf32>
    %sub3A_182 = vector.broadcast %get3A_152 : vector<1x256xf32> to vector<256x256xf32>
    %sub3A_183 = arith.subf %sub3A_181, %sub3A_182 : vector<256x256xf32>
    %mul3A_184 = arith.mulf %sub3A_180, %sub3A_180 : vector<256x256xf32>
    %mul3A_185 = arith.mulf %sub3A_183, %sub3A_183 : vector<256x256xf32>
    %add3A_186 = arith.addf %mul3A_184, %mul3A_185 : vector<256x256xf32>
    %lt3A_187 = arith.constant 6.400000e+01 : f32
    %lt3A_188 = vector.broadcast %lt3A_187 : f32 to vector<256x256xf32>
    %lt3A_189 = arith.cmpf olt, %add3A_186, %lt3A_188 : vector<256x256xf32>
    %jit3A_190 = arith.constant 1.000000e+00 : f32
    %jit3A_191 = arith.constant 0.000000e+00 : f32
    %broadcast_in_dim3A_192 = vector.broadcast %jit3A_190 : f32 to vector<256x256xf32>
    %broadcast_in_dim3A_193 = vector.broadcast %jit3A_191 : f32 to vector<256x256xf32>
    %select_n3A_194 = arith.select %lt3A_189, %broadcast_in_dim3A_192, %broadcast_in_dim3A_193 : vector<256x256xi1>, vector<256x256xf32>
    %mul3A_195 = arith.mulf %select_n3A_194, %select_n3A : vector<256x256xf32>
    %gt3A_196 = arith.constant 5.000000e-01 : f32
    %gt3A_197 = vector.broadcast %gt3A_196 : f32 to vector<1x256xf32>
    %gt3A_198 = arith.cmpf ogt, %scan3A_176, %gt3A_197 : vector<1x256xf32>
    %jit3A_199 = arith.constant 0.000000e+00 : f32
    %jit3A_200 = arith.constant 1.000000e+00 : f32
    %broadcast_in_dim3A_201 = vector.broadcast %jit3A_199 : f32 to vector<1x256xf32>
    %broadcast_in_dim3A_202 = vector.broadcast %jit3A_200 : f32 to vector<1x256xf32>
    %select_n3A_203 = arith.select %gt3A_198, %broadcast_in_dim3A_201, %broadcast_in_dim3A_202 : vector<1x256xi1>, vector<1x256xf32>
    %mul3A_204 = arith.mulf %select_n3A_169, %select_n3A_203 : vector<1x256xf32>
    %broadcast_in_dim3A_205 = arith.constant 0.000000e+00 : f32
    %broadcast_in_dim3A_206 = vector.broadcast %broadcast_in_dim3A_205 : f32 to vector<1x256xf32>
    %while3A_207:2 = scf.while (%while3A_2331 = %mul3A_204, %while3A_2332 = %broadcast_in_dim3A_206) : (vector<1x256xf32>, vector<1x256xf32>) -> (vector<1x256xf32>, vector<1x256xf32>) {
      %reduce_sum3A_2333 = vector.shape_cast %while3A_2331 : vector<1x256xf32> to vector<1x1x256xf32>
      %reduce_sum3A_2334 = arith.constant dense<0.000000e+00> : vector<1xf32>
      %reduce_sum3A_2335 = vector.multi_reduction <add>, %reduce_sum3A_2333, %reduce_sum3A_2334 [1, 2] : vector<1x1x256xf32> to vector<1xf32>
      %reduce_sum3A_2336 = vector.shape_cast %reduce_sum3A_2335 : vector<1xf32> to vector<1x1x1xf32>
      %reduce_sum3A_2337 = vector.extract %reduce_sum3A_2336[0, 0, 0] : f32 from vector<1x1x1xf32>
      %gt3A_2338 = arith.constant 0.000000e+00 : f32
      %gt3A_2339 = arith.cmpf ogt, %reduce_sum3A_2337, %gt3A_2338 : f32
      scf.condition(%gt3A_2339) %while3A_2331, %while3A_2332 : vector<1x256xf32>, vector<1x256xf32>
    } do {
    ^bb0(%while3A_2331: vector<1x256xf32>, %while3A_2332: vector<1x256xf32>):
      %dot_general3A_2333 = arith.constant dense<0.000000e+00> : vector<1x256xf32>
      %dot_general3A_2334 = tpu.matmul %while3A_2331, %mul3A_195, %dot_general3A_2333 {dimension_numbers = #tpu.dot_dimension_numbers<[1], [0], [0], [1], [0, 0, 1, 1], [], []>, transpose_lhs_hint = false} : vector<1x256xf32>, vector<256x256xf32>, vector<1x256xf32> -> vector<1x256xf32>
      %gt3A_2335 = arith.constant 5.000000e-01 : f32
      %gt3A_2336 = vector.broadcast %gt3A_2335 : f32 to vector<1x256xf32>
      %gt3A_2337 = arith.cmpf ogt, %dot_general3A_2334, %gt3A_2336 : vector<1x256xf32>
      %jit3A_2338 = arith.constant 0.000000e+00 : f32
      %jit3A_2339 = arith.constant 1.000000e+00 : f32
      %broadcast_in_dim3A_2340 = vector.broadcast %jit3A_2338 : f32 to vector<1x256xf32>
      %broadcast_in_dim3A_2341 = vector.broadcast %jit3A_2339 : f32 to vector<1x256xf32>
      %select_n3A_2342 = arith.select %gt3A_2337, %broadcast_in_dim3A_2340, %broadcast_in_dim3A_2341 : vector<1x256xi1>, vector<1x256xf32>
      %mul3A_2343 = arith.mulf %while3A_2331, %select_n3A_2342 : vector<1x256xf32>
      %dot_general3A_2344 = arith.constant dense<0.000000e+00> : vector<1x256xf32>
      %dot_general3A_2345 = tpu.matmul %mul3A_2343, %mul3A_195, %dot_general3A_2344 {dimension_numbers = #tpu.dot_dimension_numbers<[1], [0], [0], [1], [0, 0, 1, 1], [], []>, transpose_lhs_hint = false} : vector<1x256xf32>, vector<256x256xf32>, vector<1x256xf32> -> vector<1x256xf32>
      %add3A_2346 = arith.addf %while3A_2332, %mul3A_2343 : vector<1x256xf32>
      %sub3A_2347 = arith.constant 1.000000e+00 : f32
      %sub3A_2348 = vector.broadcast %sub3A_2347 : f32 to vector<1x256xf32>
      %sub3A_2349 = arith.subf %sub3A_2348, %mul3A_2343 : vector<1x256xf32>
      %mul3A_2350 = arith.mulf %while3A_2331, %sub3A_2349 : vector<1x256xf32>
      %gt3A_2351 = arith.constant 5.000000e-01 : f32
      %gt3A_2352 = vector.broadcast %gt3A_2351 : f32 to vector<1x256xf32>
      %gt3A_2353 = arith.cmpf ogt, %dot_general3A_2345, %gt3A_2352 : vector<1x256xf32>
      %jit3A_2354 = arith.constant 0.000000e+00 : f32
      %jit3A_2355 = arith.constant 1.000000e+00 : f32
      %broadcast_in_dim3A_2356 = vector.broadcast %jit3A_2354 : f32 to vector<1x256xf32>
      %broadcast_in_dim3A_2357 = vector.broadcast %jit3A_2355 : f32 to vector<1x256xf32>
      %select_n3A_2358 = arith.select %gt3A_2353, %broadcast_in_dim3A_2356, %broadcast_in_dim3A_2357 : vector<1x256xi1>, vector<1x256xf32>
      %mul3A_2359 = arith.mulf %mul3A_2350, %select_n3A_2358 : vector<1x256xf32>
      scf.yield %mul3A_2359, %add3A_2346 : vector<1x256xf32>, vector<1x256xf32>
    }
    %swap3A_208 = arith.constant 2 : index
    %swap3A_209 = arith.constant 0 : index
    %swap3A_210 = vector.load %arg8[%swap3A_208, %swap3A_209] : memref<20x256xf32, #tpu.memory_space<vmem>>, vector<1x256xf32>
    tpu.vector_store %arg8[%swap3A_208, %swap3A_209], %while3A_207#1 {strides = array<i32>} : memref<20x256xf32, #tpu.memory_space<vmem>>, vector<1x256xf32>,
    %get3A_211 = arith.constant 3 : index
    %get3A_212 = arith.constant 0 : index
    %get3A_213 = vector.load %arg1[%get3A_211, %get3A_212] : memref<20x256xf32, #tpu.memory_space<vmem>>, vector<1x256xf32>
    %get3A_214 = arith.constant 3 : index
    %get3A_215 = arith.constant 0 : index
    %get3A_216 = vector.load %arg2[%get3A_214, %get3A_215] : memref<20x256xf32, #tpu.memory_space<vmem>>, vector<1x256xf32>
    %get3A_217 = arith.constant 3 : index
    %get3A_218 = arith.constant 0 : index
    %get3A_219 = vector.load %arg0[%get3A_217, %get3A_218] : memref<20x256xf32, #tpu.memory_space<vmem>>, vector<1x256xf32>
    %get3A_220 = arith.constant 768 : index
    %get3A_221 = arith.constant 0 : index
    %get3A_222 = vector.load %arg4[%get3A_220, %get3A_221] : memref<5120x1xf32, #tpu.memory_space<vmem>>, vector<256x1xf32>
    %get3A_223 = arith.constant 768 : index
    %get3A_224 = arith.constant 0 : index
    %get3A_225 = vector.load %arg5[%get3A_223, %get3A_224] : memref<5120x1xf32, #tpu.memory_space<vmem>>, vector<256x1xf32>
    %ge3A_226 = arith.constant 2.000000e-01 : f32
    %ge3A_227 = vector.broadcast %ge3A_226 : f32 to vector<1x256xf32>
    %ge3A_228 = arith.cmpf oge, %get3A_219, %ge3A_227 : vector<1x256xf32>
    %jit3A_229 = arith.constant 1.000000e+00 : f32
    %jit3A_230 = arith.constant 0.000000e+00 : f32
    %broadcast_in_dim3A_231 = vector.broadcast %jit3A_229 : f32 to vector<1x256xf32>
    %broadcast_in_dim3A_232 = vector.broadcast %jit3A_230 : f32 to vector<1x256xf32>
    %select_n3A_233 = arith.select %ge3A_228, %broadcast_in_dim3A_231, %broadcast_in_dim3A_232 : vector<1x256xi1>, vector<1x256xf32>
    %broadcast_in_dim3A_234 = arith.constant 0.000000e+00 : f32
    %broadcast_in_dim3A_235 = vector.broadcast %broadcast_in_dim3A_234 : f32 to vector<1x256xf32>
    %scan3A_236 = arith.constant 0 : i32
    %scan3A_237 = arith.constant 3 : i32
    %scan3A_238 = arith.addi %scan3A_236, %scan3A_237 : i32
    %scan3A_239 = arith.constant 1 : i32
    %scan3A_240 = scf.for %scan3A_2331 = %scan3A_236 to %scan3A_238 step %scan3A_239 iter_args(%scan3A_2332 = %broadcast_in_dim3A_235) -> (vector<1x256xf32>)  : i32 {
      %mul3A_2333 = arith.constant 256 : i32
      %mul3A_2334 = arith.muli %scan3A_2331, %mul3A_2333 : i32
      %get3A_2335 = arith.index_cast %mul3A_2334 : i32 to index
      %get3A_2336 = arith.constant 0 : index
      %get3A_2337 = vector.load %arg4[%get3A_2335, %get3A_2336] : memref<5120x1xf32, #tpu.memory_space<vmem>>, vector<256x1xf32>
      %get3A_2338 = arith.index_cast %mul3A_2334 : i32 to index
      %get3A_2339 = arith.constant 0 : index
      %get3A_2340 = vector.load %arg5[%get3A_2338, %get3A_2339] : memref<5120x1xf32, #tpu.memory_space<vmem>>, vector<256x1xf32>
      %get3A_2341 = arith.index_cast %scan3A_2331 : i32 to index
      %get3A_2342 = arith.constant 0 : index
      %get3A_2343 = vector.load %arg8[%get3A_2341, %get3A_2342] : memref<20x256xf32, #tpu.memory_space<vmem>>, vector<1x256xf32>
      %sub3A_2344 = vector.broadcast %get3A_2337 : vector<256x1xf32> to vector<256x256xf32>
      %sub3A_2345 = vector.broadcast %get3A_213 : vector<1x256xf32> to vector<256x256xf32>
      %sub3A_2346 = arith.subf %sub3A_2344, %sub3A_2345 : vector<256x256xf32>
      %sub3A_2347 = vector.broadcast %get3A_2340 : vector<256x1xf32> to vector<256x256xf32>
      %sub3A_2348 = vector.broadcast %get3A_216 : vector<1x256xf32> to vector<256x256xf32>
      %sub3A_2349 = arith.subf %sub3A_2347, %sub3A_2348 : vector<256x256xf32>
      %mul3A_2350 = arith.mulf %sub3A_2346, %sub3A_2346 : vector<256x256xf32>
      %mul3A_2351 = arith.mulf %sub3A_2349, %sub3A_2349 : vector<256x256xf32>
      %add3A_2352 = arith.addf %mul3A_2350, %mul3A_2351 : vector<256x256xf32>
      %lt3A_2353 = arith.constant 6.400000e+01 : f32
      %lt3A_2354 = vector.broadcast %lt3A_2353 : f32 to vector<256x256xf32>
      %lt3A_2355 = arith.cmpf olt, %add3A_2352, %lt3A_2354 : vector<256x256xf32>
      %jit3A_2356 = arith.constant 1.000000e+00 : f32
      %jit3A_2357 = arith.constant 0.000000e+00 : f32
      %broadcast_in_dim3A_2358 = vector.broadcast %jit3A_2356 : f32 to vector<256x256xf32>
      %broadcast_in_dim3A_2359 = vector.broadcast %jit3A_2357 : f32 to vector<256x256xf32>
      %select_n3A_2360 = arith.select %lt3A_2355, %broadcast_in_dim3A_2358, %broadcast_in_dim3A_2359 : vector<256x256xi1>, vector<256x256xf32>
      %dot_general3A_2361 = arith.constant dense<0.000000e+00> : vector<1x256xf32>
      %dot_general3A_2362 = tpu.matmul %get3A_2343, %select_n3A_2360, %dot_general3A_2361 {dimension_numbers = #tpu.dot_dimension_numbers<[1], [0], [0], [1], [0, 0, 1, 1], [], []>, transpose_lhs_hint = false} : vector<1x256xf32>, vector<256x256xf32>, vector<1x256xf32> -> vector<1x256xf32>
      %add3A_2363 = arith.addf %scan3A_2332, %dot_general3A_2362 : vector<1x256xf32>
      scf.yield %add3A_2363 : vector<1x256xf32>
    }
    %scan3A_241 = arith.constant 3 : i32
    %sub3A_242 = vector.broadcast %get3A_222 : vector<256x1xf32> to vector<256x256xf32>
    %sub3A_243 = vector.broadcast %get3A_213 : vector<1x256xf32> to vector<256x256xf32>
    %sub3A_244 = arith.subf %sub3A_242, %sub3A_243 : vector<256x256xf32>
    %sub3A_245 = vector.broadcast %get3A_225 : vector<256x1xf32> to vector<256x256xf32>
    %sub3A_246 = vector.broadcast %get3A_216 : vector<1x256xf32> to vector<256x256xf32>
    %sub3A_247 = arith.subf %sub3A_245, %sub3A_246 : vector<256x256xf32>
    %mul3A_248 = arith.mulf %sub3A_244, %sub3A_244 : vector<256x256xf32>
    %mul3A_249 = arith.mulf %sub3A_247, %sub3A_247 : vector<256x256xf32>
    %add3A_250 = arith.addf %mul3A_248, %mul3A_249 : vector<256x256xf32>
    %lt3A_251 = arith.constant 6.400000e+01 : f32
    %lt3A_252 = vector.broadcast %lt3A_251 : f32 to vector<256x256xf32>
    %lt3A_253 = arith.cmpf olt, %add3A_250, %lt3A_252 : vector<256x256xf32>
    %jit3A_254 = arith.constant 1.000000e+00 : f32
    %jit3A_255 = arith.constant 0.000000e+00 : f32
    %broadcast_in_dim3A_256 = vector.broadcast %jit3A_254 : f32 to vector<256x256xf32>
    %broadcast_in_dim3A_257 = vector.broadcast %jit3A_255 : f32 to vector<256x256xf32>
    %select_n3A_258 = arith.select %lt3A_253, %broadcast_in_dim3A_256, %broadcast_in_dim3A_257 : vector<256x256xi1>, vector<256x256xf32>
    %mul3A_259 = arith.mulf %select_n3A_258, %select_n3A : vector<256x256xf32>
    %gt3A_260 = arith.constant 5.000000e-01 : f32
    %gt3A_261 = vector.broadcast %gt3A_260 : f32 to vector<1x256xf32>
    %gt3A_262 = arith.cmpf ogt, %scan3A_240, %gt3A_261 : vector<1x256xf32>
    %jit3A_263 = arith.constant 0.000000e+00 : f32
    %jit3A_264 = arith.constant 1.000000e+00 : f32
    %broadcast_in_dim3A_265 = vector.broadcast %jit3A_263 : f32 to vector<1x256xf32>
    %broadcast_in_dim3A_266 = vector.broadcast %jit3A_264 : f32 to vector<1x256xf32>
    %select_n3A_267 = arith.select %gt3A_262, %broadcast_in_dim3A_265, %broadcast_in_dim3A_266 : vector<1x256xi1>, vector<1x256xf32>
    %mul3A_268 = arith.mulf %select_n3A_233, %select_n3A_267 : vector<1x256xf32>
    %broadcast_in_dim3A_269 = arith.constant 0.000000e+00 : f32
    %broadcast_in_dim3A_270 = vector.broadcast %broadcast_in_dim3A_269 : f32 to vector<1x256xf32>
    %while3A_271:2 = scf.while (%while3A_2331 = %mul3A_268, %while3A_2332 = %broadcast_in_dim3A_270) : (vector<1x256xf32>, vector<1x256xf32>) -> (vector<1x256xf32>, vector<1x256xf32>) {
      %reduce_sum3A_2333 = vector.shape_cast %while3A_2331 : vector<1x256xf32> to vector<1x1x256xf32>
      %reduce_sum3A_2334 = arith.constant dense<0.000000e+00> : vector<1xf32>
      %reduce_sum3A_2335 = vector.multi_reduction <add>, %reduce_sum3A_2333, %reduce_sum3A_2334 [1, 2] : vector<1x1x256xf32> to vector<1xf32>
      %reduce_sum3A_2336 = vector.shape_cast %reduce_sum3A_2335 : vector<1xf32> to vector<1x1x1xf32>
      %reduce_sum3A_2337 = vector.extract %reduce_sum3A_2336[0, 0, 0] : f32 from vector<1x1x1xf32>
      %gt3A_2338 = arith.constant 0.000000e+00 : f32
      %gt3A_2339 = arith.cmpf ogt, %reduce_sum3A_2337, %gt3A_2338 : f32
      scf.condition(%gt3A_2339) %while3A_2331, %while3A_2332 : vector<1x256xf32>, vector<1x256xf32>
    } do {
    ^bb0(%while3A_2331: vector<1x256xf32>, %while3A_2332: vector<1x256xf32>):
      %dot_general3A_2333 = arith.constant dense<0.000000e+00> : vector<1x256xf32>
      %dot_general3A_2334 = tpu.matmul %while3A_2331, %mul3A_259, %dot_general3A_2333 {dimension_numbers = #tpu.dot_dimension_numbers<[1], [0], [0], [1], [0, 0, 1, 1], [], []>, transpose_lhs_hint = false} : vector<1x256xf32>, vector<256x256xf32>, vector<1x256xf32> -> vector<1x256xf32>
      %gt3A_2335 = arith.constant 5.000000e-01 : f32
      %gt3A_2336 = vector.broadcast %gt3A_2335 : f32 to vector<1x256xf32>
      %gt3A_2337 = arith.cmpf ogt, %dot_general3A_2334, %gt3A_2336 : vector<1x256xf32>
      %jit3A_2338 = arith.constant 0.000000e+00 : f32
      %jit3A_2339 = arith.constant 1.000000e+00 : f32
      %broadcast_in_dim3A_2340 = vector.broadcast %jit3A_2338 : f32 to vector<1x256xf32>
      %broadcast_in_dim3A_2341 = vector.broadcast %jit3A_2339 : f32 to vector<1x256xf32>
      %select_n3A_2342 = arith.select %gt3A_2337, %broadcast_in_dim3A_2340, %broadcast_in_dim3A_2341 : vector<1x256xi1>, vector<1x256xf32>
      %mul3A_2343 = arith.mulf %while3A_2331, %select_n3A_2342 : vector<1x256xf32>
      %dot_general3A_2344 = arith.constant dense<0.000000e+00> : vector<1x256xf32>
      %dot_general3A_2345 = tpu.matmul %mul3A_2343, %mul3A_259, %dot_general3A_2344 {dimension_numbers = #tpu.dot_dimension_numbers<[1], [0], [0], [1], [0, 0, 1, 1], [], []>, transpose_lhs_hint = false} : vector<1x256xf32>, vector<256x256xf32>, vector<1x256xf32> -> vector<1x256xf32>
      %add3A_2346 = arith.addf %while3A_2332, %mul3A_2343 : vector<1x256xf32>
      %sub3A_2347 = arith.constant 1.000000e+00 : f32
      %sub3A_2348 = vector.broadcast %sub3A_2347 : f32 to vector<1x256xf32>
      %sub3A_2349 = arith.subf %sub3A_2348, %mul3A_2343 : vector<1x256xf32>
      %mul3A_2350 = arith.mulf %while3A_2331, %sub3A_2349 : vector<1x256xf32>
      %gt3A_2351 = arith.constant 5.000000e-01 : f32
      %gt3A_2352 = vector.broadcast %gt3A_2351 : f32 to vector<1x256xf32>
      %gt3A_2353 = arith.cmpf ogt, %dot_general3A_2345, %gt3A_2352 : vector<1x256xf32>
      %jit3A_2354 = arith.constant 0.000000e+00 : f32
      %jit3A_2355 = arith.constant 1.000000e+00 : f32
      %broadcast_in_dim3A_2356 = vector.broadcast %jit3A_2354 : f32 to vector<1x256xf32>
      %broadcast_in_dim3A_2357 = vector.broadcast %jit3A_2355 : f32 to vector<1x256xf32>
      %select_n3A_2358 = arith.select %gt3A_2353, %broadcast_in_dim3A_2356, %broadcast_in_dim3A_2357 : vector<1x256xi1>, vector<1x256xf32>
      %mul3A_2359 = arith.mulf %mul3A_2350, %select_n3A_2358 : vector<1x256xf32>
      scf.yield %mul3A_2359, %add3A_2346 : vector<1x256xf32>, vector<1x256xf32>
    }
    %swap3A_272 = arith.constant 3 : index
    %swap3A_273 = arith.constant 0 : index
    %swap3A_274 = vector.load %arg8[%swap3A_272, %swap3A_273] : memref<20x256xf32, #tpu.memory_space<vmem>>, vector<1x256xf32>
    tpu.vector_store %arg8[%swap3A_272, %swap3A_273], %while3A_271#1 {strides = array<i32>} : memref<20x256xf32, #tpu.memory_space<vmem>>, vector<1x256xf32>,
    %get3A_275 = arith.constant 4 : index
    %get3A_276 = arith.constant 0 : index
    %get3A_277 = vector.load %arg1[%get3A_275, %get3A_276] : memref<20x256xf32, #tpu.memory_space<vmem>>, vector<1x256xf32>
    %get3A_278 = arith.constant 4 : index
    %get3A_279 = arith.constant 0 : index
    %get3A_280 = vector.load %arg2[%get3A_278, %get3A_279] : memref<20x256xf32, #tpu.memory_space<vmem>>, vector<1x256xf32>
    %get3A_281 = arith.constant 4 : index
    %get3A_282 = arith.constant 0 : index
    %get3A_283 = vector.load %arg0[%get3A_281, %get3A_282] : memref<20x256xf32, #tpu.memory_space<vmem>>, vector<1x256xf32>
    %get3A_284 = arith.constant 1024 : index
    %get3A_285 = arith.constant 0 : index
    %get3A_286 = vector.load %arg4[%get3A_284, %get3A_285] : memref<5120x1xf32, #tpu.memory_space<vmem>>, vector<256x1xf32>
    %get3A_287 = arith.constant 1024 : index
    %get3A_288 = arith.constant 0 : index
    %get3A_289 = vector.load %arg5[%get3A_287, %get3A_288] : memref<5120x1xf32, #tpu.memory_space<vmem>>, vector<256x1xf32>
    %ge3A_290 = arith.constant 2.000000e-01 : f32
    %ge3A_291 = vector.broadcast %ge3A_290 : f32 to vector<1x256xf32>
    %ge3A_292 = arith.cmpf oge, %get3A_283, %ge3A_291 : vector<1x256xf32>
    %jit3A_293 = arith.constant 1.000000e+00 : f32
    %jit3A_294 = arith.constant 0.000000e+00 : f32
    %broadcast_in_dim3A_295 = vector.broadcast %jit3A_293 : f32 to vector<1x256xf32>
    %broadcast_in_dim3A_296 = vector.broadcast %jit3A_294 : f32 to vector<1x256xf32>
    %select_n3A_297 = arith.select %ge3A_292, %broadcast_in_dim3A_295, %broadcast_in_dim3A_296 : vector<1x256xi1>, vector<1x256xf32>
    %broadcast_in_dim3A_298 = arith.constant 0.000000e+00 : f32
    %broadcast_in_dim3A_299 = vector.broadcast %broadcast_in_dim3A_298 : f32 to vector<1x256xf32>
    %scan3A_300 = arith.constant 0 : i32
    %scan3A_301 = arith.constant 4 : i32
    %scan3A_302 = arith.addi %scan3A_300, %scan3A_301 : i32
    %scan3A_303 = arith.constant 1 : i32
    %scan3A_304 = scf.for %scan3A_2331 = %scan3A_300 to %scan3A_302 step %scan3A_303 iter_args(%scan3A_2332 = %broadcast_in_dim3A_299) -> (vector<1x256xf32>)  : i32 {
      %mul3A_2333 = arith.constant 256 : i32
      %mul3A_2334 = arith.muli %scan3A_2331, %mul3A_2333 : i32
      %get3A_2335 = arith.index_cast %mul3A_2334 : i32 to index
      %get3A_2336 = arith.constant 0 : index
      %get3A_2337 = vector.load %arg4[%get3A_2335, %get3A_2336] : memref<5120x1xf32, #tpu.memory_space<vmem>>, vector<256x1xf32>
      %get3A_2338 = arith.index_cast %mul3A_2334 : i32 to index
      %get3A_2339 = arith.constant 0 : index
      %get3A_2340 = vector.load %arg5[%get3A_2338, %get3A_2339] : memref<5120x1xf32, #tpu.memory_space<vmem>>, vector<256x1xf32>
      %get3A_2341 = arith.index_cast %scan3A_2331 : i32 to index
      %get3A_2342 = arith.constant 0 : index
      %get3A_2343 = vector.load %arg8[%get3A_2341, %get3A_2342] : memref<20x256xf32, #tpu.memory_space<vmem>>, vector<1x256xf32>
      %sub3A_2344 = vector.broadcast %get3A_2337 : vector<256x1xf32> to vector<256x256xf32>
      %sub3A_2345 = vector.broadcast %get3A_277 : vector<1x256xf32> to vector<256x256xf32>
      %sub3A_2346 = arith.subf %sub3A_2344, %sub3A_2345 : vector<256x256xf32>
      %sub3A_2347 = vector.broadcast %get3A_2340 : vector<256x1xf32> to vector<256x256xf32>
      %sub3A_2348 = vector.broadcast %get3A_280 : vector<1x256xf32> to vector<256x256xf32>
      %sub3A_2349 = arith.subf %sub3A_2347, %sub3A_2348 : vector<256x256xf32>
      %mul3A_2350 = arith.mulf %sub3A_2346, %sub3A_2346 : vector<256x256xf32>
      %mul3A_2351 = arith.mulf %sub3A_2349, %sub3A_2349 : vector<256x256xf32>
      %add3A_2352 = arith.addf %mul3A_2350, %mul3A_2351 : vector<256x256xf32>
      %lt3A_2353 = arith.constant 6.400000e+01 : f32
      %lt3A_2354 = vector.broadcast %lt3A_2353 : f32 to vector<256x256xf32>
      %lt3A_2355 = arith.cmpf olt, %add3A_2352, %lt3A_2354 : vector<256x256xf32>
      %jit3A_2356 = arith.constant 1.000000e+00 : f32
      %jit3A_2357 = arith.constant 0.000000e+00 : f32
      %broadcast_in_dim3A_2358 = vector.broadcast %jit3A_2356 : f32 to vector<256x256xf32>
      %broadcast_in_dim3A_2359 = vector.broadcast %jit3A_2357 : f32 to vector<256x256xf32>
      %select_n3A_2360 = arith.select %lt3A_2355, %broadcast_in_dim3A_2358, %broadcast_in_dim3A_2359 : vector<256x256xi1>, vector<256x256xf32>
      %dot_general3A_2361 = arith.constant dense<0.000000e+00> : vector<1x256xf32>
      %dot_general3A_2362 = tpu.matmul %get3A_2343, %select_n3A_2360, %dot_general3A_2361 {dimension_numbers = #tpu.dot_dimension_numbers<[1], [0], [0], [1], [0, 0, 1, 1], [], []>, transpose_lhs_hint = false} : vector<1x256xf32>, vector<256x256xf32>, vector<1x256xf32> -> vector<1x256xf32>
      %add3A_2363 = arith.addf %scan3A_2332, %dot_general3A_2362 : vector<1x256xf32>
      scf.yield %add3A_2363 : vector<1x256xf32>
    }
    %scan3A_305 = arith.constant 4 : i32
    %sub3A_306 = vector.broadcast %get3A_286 : vector<256x1xf32> to vector<256x256xf32>
    %sub3A_307 = vector.broadcast %get3A_277 : vector<1x256xf32> to vector<256x256xf32>
    %sub3A_308 = arith.subf %sub3A_306, %sub3A_307 : vector<256x256xf32>
    %sub3A_309 = vector.broadcast %get3A_289 : vector<256x1xf32> to vector<256x256xf32>
    %sub3A_310 = vector.broadcast %get3A_280 : vector<1x256xf32> to vector<256x256xf32>
    %sub3A_311 = arith.subf %sub3A_309, %sub3A_310 : vector<256x256xf32>
    %mul3A_312 = arith.mulf %sub3A_308, %sub3A_308 : vector<256x256xf32>
    %mul3A_313 = arith.mulf %sub3A_311, %sub3A_311 : vector<256x256xf32>
    %add3A_314 = arith.addf %mul3A_312, %mul3A_313 : vector<256x256xf32>
    %lt3A_315 = arith.constant 6.400000e+01 : f32
    %lt3A_316 = vector.broadcast %lt3A_315 : f32 to vector<256x256xf32>
    %lt3A_317 = arith.cmpf olt, %add3A_314, %lt3A_316 : vector<256x256xf32>
    %jit3A_318 = arith.constant 1.000000e+00 : f32
    %jit3A_319 = arith.constant 0.000000e+00 : f32
    %broadcast_in_dim3A_320 = vector.broadcast %jit3A_318 : f32 to vector<256x256xf32>
    %broadcast_in_dim3A_321 = vector.broadcast %jit3A_319 : f32 to vector<256x256xf32>
    %select_n3A_322 = arith.select %lt3A_317, %broadcast_in_dim3A_320, %broadcast_in_dim3A_321 : vector<256x256xi1>, vector<256x256xf32>
    %mul3A_323 = arith.mulf %select_n3A_322, %select_n3A : vector<256x256xf32>
    %gt3A_324 = arith.constant 5.000000e-01 : f32
    %gt3A_325 = vector.broadcast %gt3A_324 : f32 to vector<1x256xf32>
    %gt3A_326 = arith.cmpf ogt, %scan3A_304, %gt3A_325 : vector<1x256xf32>
    %jit3A_327 = arith.constant 0.000000e+00 : f32
    %jit3A_328 = arith.constant 1.000000e+00 : f32
    %broadcast_in_dim3A_329 = vector.broadcast %jit3A_327 : f32 to vector<1x256xf32>
    %broadcast_in_dim3A_330 = vector.broadcast %jit3A_328 : f32 to vector<1x256xf32>
    %select_n3A_331 = arith.select %gt3A_326, %broadcast_in_dim3A_329, %broadcast_in_dim3A_330 : vector<1x256xi1>, vector<1x256xf32>
    %mul3A_332 = arith.mulf %select_n3A_297, %select_n3A_331 : vector<1x256xf32>
    %broadcast_in_dim3A_333 = arith.constant 0.000000e+00 : f32
    %broadcast_in_dim3A_334 = vector.broadcast %broadcast_in_dim3A_333 : f32 to vector<1x256xf32>
    %while3A_335:2 = scf.while (%while3A_2331 = %mul3A_332, %while3A_2332 = %broadcast_in_dim3A_334) : (vector<1x256xf32>, vector<1x256xf32>) -> (vector<1x256xf32>, vector<1x256xf32>) {
      %reduce_sum3A_2333 = vector.shape_cast %while3A_2331 : vector<1x256xf32> to vector<1x1x256xf32>
      %reduce_sum3A_2334 = arith.constant dense<0.000000e+00> : vector<1xf32>
      %reduce_sum3A_2335 = vector.multi_reduction <add>, %reduce_sum3A_2333, %reduce_sum3A_2334 [1, 2] : vector<1x1x256xf32> to vector<1xf32>
      %reduce_sum3A_2336 = vector.shape_cast %reduce_sum3A_2335 : vector<1xf32> to vector<1x1x1xf32>
      %reduce_sum3A_2337 = vector.extract %reduce_sum3A_2336[0, 0, 0] : f32 from vector<1x1x1xf32>
      %gt3A_2338 = arith.constant 0.000000e+00 : f32
      %gt3A_2339 = arith.cmpf ogt, %reduce_sum3A_2337, %gt3A_2338 : f32
      scf.condition(%gt3A_2339) %while3A_2331, %while3A_2332 : vector<1x256xf32>, vector<1x256xf32>
    } do {
    ^bb0(%while3A_2331: vector<1x256xf32>, %while3A_2332: vector<1x256xf32>):
      %dot_general3A_2333 = arith.constant dense<0.000000e+00> : vector<1x256xf32>
      %dot_general3A_2334 = tpu.matmul %while3A_2331, %mul3A_323, %dot_general3A_2333 {dimension_numbers = #tpu.dot_dimension_numbers<[1], [0], [0], [1], [0, 0, 1, 1], [], []>, transpose_lhs_hint = false} : vector<1x256xf32>, vector<256x256xf32>, vector<1x256xf32> -> vector<1x256xf32>
      %gt3A_2335 = arith.constant 5.000000e-01 : f32
      %gt3A_2336 = vector.broadcast %gt3A_2335 : f32 to vector<1x256xf32>
      %gt3A_2337 = arith.cmpf ogt, %dot_general3A_2334, %gt3A_2336 : vector<1x256xf32>
      %jit3A_2338 = arith.constant 0.000000e+00 : f32
      %jit3A_2339 = arith.constant 1.000000e+00 : f32
      %broadcast_in_dim3A_2340 = vector.broadcast %jit3A_2338 : f32 to vector<1x256xf32>
      %broadcast_in_dim3A_2341 = vector.broadcast %jit3A_2339 : f32 to vector<1x256xf32>
      %select_n3A_2342 = arith.select %gt3A_2337, %broadcast_in_dim3A_2340, %broadcast_in_dim3A_2341 : vector<1x256xi1>, vector<1x256xf32>
      %mul3A_2343 = arith.mulf %while3A_2331, %select_n3A_2342 : vector<1x256xf32>
      %dot_general3A_2344 = arith.constant dense<0.000000e+00> : vector<1x256xf32>
      %dot_general3A_2345 = tpu.matmul %mul3A_2343, %mul3A_323, %dot_general3A_2344 {dimension_numbers = #tpu.dot_dimension_numbers<[1], [0], [0], [1], [0, 0, 1, 1], [], []>, transpose_lhs_hint = false} : vector<1x256xf32>, vector<256x256xf32>, vector<1x256xf32> -> vector<1x256xf32>
      %add3A_2346 = arith.addf %while3A_2332, %mul3A_2343 : vector<1x256xf32>
      %sub3A_2347 = arith.constant 1.000000e+00 : f32
      %sub3A_2348 = vector.broadcast %sub3A_2347 : f32 to vector<1x256xf32>
      %sub3A_2349 = arith.subf %sub3A_2348, %mul3A_2343 : vector<1x256xf32>
      %mul3A_2350 = arith.mulf %while3A_2331, %sub3A_2349 : vector<1x256xf32>
      %gt3A_2351 = arith.constant 5.000000e-01 : f32
      %gt3A_2352 = vector.broadcast %gt3A_2351 : f32 to vector<1x256xf32>
      %gt3A_2353 = arith.cmpf ogt, %dot_general3A_2345, %gt3A_2352 : vector<1x256xf32>
      %jit3A_2354 = arith.constant 0.000000e+00 : f32
      %jit3A_2355 = arith.constant 1.000000e+00 : f32
      %broadcast_in_dim3A_2356 = vector.broadcast %jit3A_2354 : f32 to vector<1x256xf32>
      %broadcast_in_dim3A_2357 = vector.broadcast %jit3A_2355 : f32 to vector<1x256xf32>
      %select_n3A_2358 = arith.select %gt3A_2353, %broadcast_in_dim3A_2356, %broadcast_in_dim3A_2357 : vector<1x256xi1>, vector<1x256xf32>
      %mul3A_2359 = arith.mulf %mul3A_2350, %select_n3A_2358 : vector<1x256xf32>
      scf.yield %mul3A_2359, %add3A_2346 : vector<1x256xf32>, vector<1x256xf32>
    }
    %swap3A_336 = arith.constant 4 : index
    %swap3A_337 = arith.constant 0 : index
    %swap3A_338 = vector.load %arg8[%swap3A_336, %swap3A_337] : memref<20x256xf32, #tpu.memory_space<vmem>>, vector<1x256xf32>
    tpu.vector_store %arg8[%swap3A_336, %swap3A_337], %while3A_335#1 {strides = array<i32>} : memref<20x256xf32, #tpu.memory_space<vmem>>, vector<1x256xf32>,
    %get3A_339 = arith.constant 5 : index
    %get3A_340 = arith.constant 0 : index
    %get3A_341 = vector.load %arg1[%get3A_339, %get3A_340] : memref<20x256xf32, #tpu.memory_space<vmem>>, vector<1x256xf32>
    %get3A_342 = arith.constant 5 : index
    %get3A_343 = arith.constant 0 : index
    %get3A_344 = vector.load %arg2[%get3A_342, %get3A_343] : memref<20x256xf32, #tpu.memory_space<vmem>>, vector<1x256xf32>
    %get3A_345 = arith.constant 5 : index
    %get3A_346 = arith.constant 0 : index
    %get3A_347 = vector.load %arg0[%get3A_345, %get3A_346] : memref<20x256xf32, #tpu.memory_space<vmem>>, vector<1x256xf32>
    %get3A_348 = arith.constant 1280 : index
    %get3A_349 = arith.constant 0 : index
    %get3A_350 = vector.load %arg4[%get3A_348, %get3A_349] : memref<5120x1xf32, #tpu.memory_space<vmem>>, vector<256x1xf32>
    %get3A_351 = arith.constant 1280 : index
    %get3A_352 = arith.constant 0 : index
    %get3A_353 = vector.load %arg5[%get3A_351, %get3A_352] : memref<5120x1xf32, #tpu.memory_space<vmem>>, vector<256x1xf32>
    %ge3A_354 = arith.constant 2.000000e-01 : f32
    %ge3A_355 = vector.broadcast %ge3A_354 : f32 to vector<1x256xf32>
    %ge3A_356 = arith.cmpf oge, %get3A_347, %ge3A_355 : vector<1x256xf32>
    %jit3A_357 = arith.constant 1.000000e+00 : f32
    %jit3A_358 = arith.constant 0.000000e+00 : f32
    %broadcast_in_dim3A_359 = vector.broadcast %jit3A_357 : f32 to vector<1x256xf32>
    %broadcast_in_dim3A_360 = vector.broadcast %jit3A_358 : f32 to vector<1x256xf32>
    %select_n3A_361 = arith.select %ge3A_356, %broadcast_in_dim3A_359, %broadcast_in_dim3A_360 : vector<1x256xi1>, vector<1x256xf32>
    %broadcast_in_dim3A_362 = arith.constant 0.000000e+00 : f32
    %broadcast_in_dim3A_363 = vector.broadcast %broadcast_in_dim3A_362 : f32 to vector<1x256xf32>
    %scan3A_364 = arith.constant 0 : i32
    %scan3A_365 = arith.constant 5 : i32
    %scan3A_366 = arith.addi %scan3A_364, %scan3A_365 : i32
    %scan3A_367 = arith.constant 1 : i32
    %scan3A_368 = scf.for %scan3A_2331 = %scan3A_364 to %scan3A_366 step %scan3A_367 iter_args(%scan3A_2332 = %broadcast_in_dim3A_363) -> (vector<1x256xf32>)  : i32 {
      %mul3A_2333 = arith.constant 256 : i32
      %mul3A_2334 = arith.muli %scan3A_2331, %mul3A_2333 : i32
      %get3A_2335 = arith.index_cast %mul3A_2334 : i32 to index
      %get3A_2336 = arith.constant 0 : index
      %get3A_2337 = vector.load %arg4[%get3A_2335, %get3A_2336] : memref<5120x1xf32, #tpu.memory_space<vmem>>, vector<256x1xf32>
      %get3A_2338 = arith.index_cast %mul3A_2334 : i32 to index
      %get3A_2339 = arith.constant 0 : index
      %get3A_2340 = vector.load %arg5[%get3A_2338, %get3A_2339] : memref<5120x1xf32, #tpu.memory_space<vmem>>, vector<256x1xf32>
      %get3A_2341 = arith.index_cast %scan3A_2331 : i32 to index
      %get3A_2342 = arith.constant 0 : index
      %get3A_2343 = vector.load %arg8[%get3A_2341, %get3A_2342] : memref<20x256xf32, #tpu.memory_space<vmem>>, vector<1x256xf32>
      %sub3A_2344 = vector.broadcast %get3A_2337 : vector<256x1xf32> to vector<256x256xf32>
      %sub3A_2345 = vector.broadcast %get3A_341 : vector<1x256xf32> to vector<256x256xf32>
      %sub3A_2346 = arith.subf %sub3A_2344, %sub3A_2345 : vector<256x256xf32>
      %sub3A_2347 = vector.broadcast %get3A_2340 : vector<256x1xf32> to vector<256x256xf32>
      %sub3A_2348 = vector.broadcast %get3A_344 : vector<1x256xf32> to vector<256x256xf32>
      %sub3A_2349 = arith.subf %sub3A_2347, %sub3A_2348 : vector<256x256xf32>
      %mul3A_2350 = arith.mulf %sub3A_2346, %sub3A_2346 : vector<256x256xf32>
      %mul3A_2351 = arith.mulf %sub3A_2349, %sub3A_2349 : vector<256x256xf32>
      %add3A_2352 = arith.addf %mul3A_2350, %mul3A_2351 : vector<256x256xf32>
      %lt3A_2353 = arith.constant 6.400000e+01 : f32
      %lt3A_2354 = vector.broadcast %lt3A_2353 : f32 to vector<256x256xf32>
      %lt3A_2355 = arith.cmpf olt, %add3A_2352, %lt3A_2354 : vector<256x256xf32>
      %jit3A_2356 = arith.constant 1.000000e+00 : f32
      %jit3A_2357 = arith.constant 0.000000e+00 : f32
      %broadcast_in_dim3A_2358 = vector.broadcast %jit3A_2356 : f32 to vector<256x256xf32>
      %broadcast_in_dim3A_2359 = vector.broadcast %jit3A_2357 : f32 to vector<256x256xf32>
      %select_n3A_2360 = arith.select %lt3A_2355, %broadcast_in_dim3A_2358, %broadcast_in_dim3A_2359 : vector<256x256xi1>, vector<256x256xf32>
      %dot_general3A_2361 = arith.constant dense<0.000000e+00> : vector<1x256xf32>
      %dot_general3A_2362 = tpu.matmul %get3A_2343, %select_n3A_2360, %dot_general3A_2361 {dimension_numbers = #tpu.dot_dimension_numbers<[1], [0], [0], [1], [0, 0, 1, 1], [], []>, transpose_lhs_hint = false} : vector<1x256xf32>, vector<256x256xf32>, vector<1x256xf32> -> vector<1x256xf32>
      %add3A_2363 = arith.addf %scan3A_2332, %dot_general3A_2362 : vector<1x256xf32>
      scf.yield %add3A_2363 : vector<1x256xf32>
    }
    %scan3A_369 = arith.constant 5 : i32
    %sub3A_370 = vector.broadcast %get3A_350 : vector<256x1xf32> to vector<256x256xf32>
    %sub3A_371 = vector.broadcast %get3A_341 : vector<1x256xf32> to vector<256x256xf32>
    %sub3A_372 = arith.subf %sub3A_370, %sub3A_371 : vector<256x256xf32>
    %sub3A_373 = vector.broadcast %get3A_353 : vector<256x1xf32> to vector<256x256xf32>
    %sub3A_374 = vector.broadcast %get3A_344 : vector<1x256xf32> to vector<256x256xf32>
    %sub3A_375 = arith.subf %sub3A_373, %sub3A_374 : vector<256x256xf32>
    %mul3A_376 = arith.mulf %sub3A_372, %sub3A_372 : vector<256x256xf32>
    %mul3A_377 = arith.mulf %sub3A_375, %sub3A_375 : vector<256x256xf32>
    %add3A_378 = arith.addf %mul3A_376, %mul3A_377 : vector<256x256xf32>
    %lt3A_379 = arith.constant 6.400000e+01 : f32
    %lt3A_380 = vector.broadcast %lt3A_379 : f32 to vector<256x256xf32>
    %lt3A_381 = arith.cmpf olt, %add3A_378, %lt3A_380 : vector<256x256xf32>
    %jit3A_382 = arith.constant 1.000000e+00 : f32
    %jit3A_383 = arith.constant 0.000000e+00 : f32
    %broadcast_in_dim3A_384 = vector.broadcast %jit3A_382 : f32 to vector<256x256xf32>
    %broadcast_in_dim3A_385 = vector.broadcast %jit3A_383 : f32 to vector<256x256xf32>
    %select_n3A_386 = arith.select %lt3A_381, %broadcast_in_dim3A_384, %broadcast_in_dim3A_385 : vector<256x256xi1>, vector<256x256xf32>
    %mul3A_387 = arith.mulf %select_n3A_386, %select_n3A : vector<256x256xf32>
    %gt3A_388 = arith.constant 5.000000e-01 : f32
    %gt3A_389 = vector.broadcast %gt3A_388 : f32 to vector<1x256xf32>
    %gt3A_390 = arith.cmpf ogt, %scan3A_368, %gt3A_389 : vector<1x256xf32>
    %jit3A_391 = arith.constant 0.000000e+00 : f32
    %jit3A_392 = arith.constant 1.000000e+00 : f32
    %broadcast_in_dim3A_393 = vector.broadcast %jit3A_391 : f32 to vector<1x256xf32>
    %broadcast_in_dim3A_394 = vector.broadcast %jit3A_392 : f32 to vector<1x256xf32>
    %select_n3A_395 = arith.select %gt3A_390, %broadcast_in_dim3A_393, %broadcast_in_dim3A_394 : vector<1x256xi1>, vector<1x256xf32>
    %mul3A_396 = arith.mulf %select_n3A_361, %select_n3A_395 : vector<1x256xf32>
    %broadcast_in_dim3A_397 = arith.constant 0.000000e+00 : f32
    %broadcast_in_dim3A_398 = vector.broadcast %broadcast_in_dim3A_397 : f32 to vector<1x256xf32>
    %while3A_399:2 = scf.while (%while3A_2331 = %mul3A_396, %while3A_2332 = %broadcast_in_dim3A_398) : (vector<1x256xf32>, vector<1x256xf32>) -> (vector<1x256xf32>, vector<1x256xf32>) {
      %reduce_sum3A_2333 = vector.shape_cast %while3A_2331 : vector<1x256xf32> to vector<1x1x256xf32>
      %reduce_sum3A_2334 = arith.constant dense<0.000000e+00> : vector<1xf32>
      %reduce_sum3A_2335 = vector.multi_reduction <add>, %reduce_sum3A_2333, %reduce_sum3A_2334 [1, 2] : vector<1x1x256xf32> to vector<1xf32>
      %reduce_sum3A_2336 = vector.shape_cast %reduce_sum3A_2335 : vector<1xf32> to vector<1x1x1xf32>
      %reduce_sum3A_2337 = vector.extract %reduce_sum3A_2336[0, 0, 0] : f32 from vector<1x1x1xf32>
      %gt3A_2338 = arith.constant 0.000000e+00 : f32
      %gt3A_2339 = arith.cmpf ogt, %reduce_sum3A_2337, %gt3A_2338 : f32
      scf.condition(%gt3A_2339) %while3A_2331, %while3A_2332 : vector<1x256xf32>, vector<1x256xf32>
    } do {
    ^bb0(%while3A_2331: vector<1x256xf32>, %while3A_2332: vector<1x256xf32>):
      %dot_general3A_2333 = arith.constant dense<0.000000e+00> : vector<1x256xf32>
      %dot_general3A_2334 = tpu.matmul %while3A_2331, %mul3A_387, %dot_general3A_2333 {dimension_numbers = #tpu.dot_dimension_numbers<[1], [0], [0], [1], [0, 0, 1, 1], [], []>, transpose_lhs_hint = false} : vector<1x256xf32>, vector<256x256xf32>, vector<1x256xf32> -> vector<1x256xf32>
      %gt3A_2335 = arith.constant 5.000000e-01 : f32
      %gt3A_2336 = vector.broadcast %gt3A_2335 : f32 to vector<1x256xf32>
      %gt3A_2337 = arith.cmpf ogt, %dot_general3A_2334, %gt3A_2336 : vector<1x256xf32>
      %jit3A_2338 = arith.constant 0.000000e+00 : f32
      %jit3A_2339 = arith.constant 1.000000e+00 : f32
      %broadcast_in_dim3A_2340 = vector.broadcast %jit3A_2338 : f32 to vector<1x256xf32>
      %broadcast_in_dim3A_2341 = vector.broadcast %jit3A_2339 : f32 to vector<1x256xf32>
      %select_n3A_2342 = arith.select %gt3A_2337, %broadcast_in_dim3A_2340, %broadcast_in_dim3A_2341 : vector<1x256xi1>, vector<1x256xf32>
      %mul3A_2343 = arith.mulf %while3A_2331, %select_n3A_2342 : vector<1x256xf32>
      %dot_general3A_2344 = arith.constant dense<0.000000e+00> : vector<1x256xf32>
      %dot_general3A_2345 = tpu.matmul %mul3A_2343, %mul3A_387, %dot_general3A_2344 {dimension_numbers = #tpu.dot_dimension_numbers<[1], [0], [0], [1], [0, 0, 1, 1], [], []>, transpose_lhs_hint = false} : vector<1x256xf32>, vector<256x256xf32>, vector<1x256xf32> -> vector<1x256xf32>
      %add3A_2346 = arith.addf %while3A_2332, %mul3A_2343 : vector<1x256xf32>
      %sub3A_2347 = arith.constant 1.000000e+00 : f32
      %sub3A_2348 = vector.broadcast %sub3A_2347 : f32 to vector<1x256xf32>
      %sub3A_2349 = arith.subf %sub3A_2348, %mul3A_2343 : vector<1x256xf32>
      %mul3A_2350 = arith.mulf %while3A_2331, %sub3A_2349 : vector<1x256xf32>
      %gt3A_2351 = arith.constant 5.000000e-01 : f32
      %gt3A_2352 = vector.broadcast %gt3A_2351 : f32 to vector<1x256xf32>
      %gt3A_2353 = arith.cmpf ogt, %dot_general3A_2345, %gt3A_2352 : vector<1x256xf32>
      %jit3A_2354 = arith.constant 0.000000e+00 : f32
      %jit3A_2355 = arith.constant 1.000000e+00 : f32
      %broadcast_in_dim3A_2356 = vector.broadcast %jit3A_2354 : f32 to vector<1x256xf32>
      %broadcast_in_dim3A_2357 = vector.broadcast %jit3A_2355 : f32 to vector<1x256xf32>
      %select_n3A_2358 = arith.select %gt3A_2353, %broadcast_in_dim3A_2356, %broadcast_in_dim3A_2357 : vector<1x256xi1>, vector<1x256xf32>
      %mul3A_2359 = arith.mulf %mul3A_2350, %select_n3A_2358 : vector<1x256xf32>
      scf.yield %mul3A_2359, %add3A_2346 : vector<1x256xf32>, vector<1x256xf32>
    }
    %swap3A_400 = arith.constant 5 : index
    %swap3A_401 = arith.constant 0 : index
    %swap3A_402 = vector.load %arg8[%swap3A_400, %swap3A_401] : memref<20x256xf32, #tpu.memory_space<vmem>>, vector<1x256xf32>
    tpu.vector_store %arg8[%swap3A_400, %swap3A_401], %while3A_399#1 {strides = array<i32>} : memref<20x256xf32, #tpu.memory_space<vmem>>, vector<1x256xf32>,
    %get3A_403 = arith.constant 6 : index
    %get3A_404 = arith.constant 0 : index
    %get3A_405 = vector.load %arg1[%get3A_403, %get3A_404] : memref<20x256xf32, #tpu.memory_space<vmem>>, vector<1x256xf32>
    %get3A_406 = arith.constant 6 : index
    %get3A_407 = arith.constant 0 : index
    %get3A_408 = vector.load %arg2[%get3A_406, %get3A_407] : memref<20x256xf32, #tpu.memory_space<vmem>>, vector<1x256xf32>
    %get3A_409 = arith.constant 6 : index
    %get3A_410 = arith.constant 0 : index
    %get3A_411 = vector.load %arg0[%get3A_409, %get3A_410] : memref<20x256xf32, #tpu.memory_space<vmem>>, vector<1x256xf32>
    %get3A_412 = arith.constant 1536 : index
    %get3A_413 = arith.constant 0 : index
    %get3A_414 = vector.load %arg4[%get3A_412, %get3A_413] : memref<5120x1xf32, #tpu.memory_space<vmem>>, vector<256x1xf32>
    %get3A_415 = arith.constant 1536 : index
    %get3A_416 = arith.constant 0 : index
    %get3A_417 = vector.load %arg5[%get3A_415, %get3A_416] : memref<5120x1xf32, #tpu.memory_space<vmem>>, vector<256x1xf32>
    %ge3A_418 = arith.constant 2.000000e-01 : f32
    %ge3A_419 = vector.broadcast %ge3A_418 : f32 to vector<1x256xf32>
    %ge3A_420 = arith.cmpf oge, %get3A_411, %ge3A_419 : vector<1x256xf32>
    %jit3A_421 = arith.constant 1.000000e+00 : f32
    %jit3A_422 = arith.constant 0.000000e+00 : f32
    %broadcast_in_dim3A_423 = vector.broadcast %jit3A_421 : f32 to vector<1x256xf32>
    %broadcast_in_dim3A_424 = vector.broadcast %jit3A_422 : f32 to vector<1x256xf32>
    %select_n3A_425 = arith.select %ge3A_420, %broadcast_in_dim3A_423, %broadcast_in_dim3A_424 : vector<1x256xi1>, vector<1x256xf32>
    %broadcast_in_dim3A_426 = arith.constant 0.000000e+00 : f32
    %broadcast_in_dim3A_427 = vector.broadcast %broadcast_in_dim3A_426 : f32 to vector<1x256xf32>
    %scan3A_428 = arith.constant 0 : i32
    %scan3A_429 = arith.constant 6 : i32
    %scan3A_430 = arith.addi %scan3A_428, %scan3A_429 : i32
    %scan3A_431 = arith.constant 1 : i32
    %scan3A_432 = scf.for %scan3A_2331 = %scan3A_428 to %scan3A_430 step %scan3A_431 iter_args(%scan3A_2332 = %broadcast_in_dim3A_427) -> (vector<1x256xf32>)  : i32 {
      %mul3A_2333 = arith.constant 256 : i32
      %mul3A_2334 = arith.muli %scan3A_2331, %mul3A_2333 : i32
      %get3A_2335 = arith.index_cast %mul3A_2334 : i32 to index
      %get3A_2336 = arith.constant 0 : index
      %get3A_2337 = vector.load %arg4[%get3A_2335, %get3A_2336] : memref<5120x1xf32, #tpu.memory_space<vmem>>, vector<256x1xf32>
      %get3A_2338 = arith.index_cast %mul3A_2334 : i32 to index
      %get3A_2339 = arith.constant 0 : index
      %get3A_2340 = vector.load %arg5[%get3A_2338, %get3A_2339] : memref<5120x1xf32, #tpu.memory_space<vmem>>, vector<256x1xf32>
      %get3A_2341 = arith.index_cast %scan3A_2331 : i32 to index
      %get3A_2342 = arith.constant 0 : index
      %get3A_2343 = vector.load %arg8[%get3A_2341, %get3A_2342] : memref<20x256xf32, #tpu.memory_space<vmem>>, vector<1x256xf32>
      %sub3A_2344 = vector.broadcast %get3A_2337 : vector<256x1xf32> to vector<256x256xf32>
      %sub3A_2345 = vector.broadcast %get3A_405 : vector<1x256xf32> to vector<256x256xf32>
      %sub3A_2346 = arith.subf %sub3A_2344, %sub3A_2345 : vector<256x256xf32>
      %sub3A_2347 = vector.broadcast %get3A_2340 : vector<256x1xf32> to vector<256x256xf32>
      %sub3A_2348 = vector.broadcast %get3A_408 : vector<1x256xf32> to vector<256x256xf32>
      %sub3A_2349 = arith.subf %sub3A_2347, %sub3A_2348 : vector<256x256xf32>
      %mul3A_2350 = arith.mulf %sub3A_2346, %sub3A_2346 : vector<256x256xf32>
      %mul3A_2351 = arith.mulf %sub3A_2349, %sub3A_2349 : vector<256x256xf32>
      %add3A_2352 = arith.addf %mul3A_2350, %mul3A_2351 : vector<256x256xf32>
      %lt3A_2353 = arith.constant 6.400000e+01 : f32
      %lt3A_2354 = vector.broadcast %lt3A_2353 : f32 to vector<256x256xf32>
      %lt3A_2355 = arith.cmpf olt, %add3A_2352, %lt3A_2354 : vector<256x256xf32>
      %jit3A_2356 = arith.constant 1.000000e+00 : f32
      %jit3A_2357 = arith.constant 0.000000e+00 : f32
      %broadcast_in_dim3A_2358 = vector.broadcast %jit3A_2356 : f32 to vector<256x256xf32>
      %broadcast_in_dim3A_2359 = vector.broadcast %jit3A_2357 : f32 to vector<256x256xf32>
      %select_n3A_2360 = arith.select %lt3A_2355, %broadcast_in_dim3A_2358, %broadcast_in_dim3A_2359 : vector<256x256xi1>, vector<256x256xf32>
      %dot_general3A_2361 = arith.constant dense<0.000000e+00> : vector<1x256xf32>
      %dot_general3A_2362 = tpu.matmul %get3A_2343, %select_n3A_2360, %dot_general3A_2361 {dimension_numbers = #tpu.dot_dimension_numbers<[1], [0], [0], [1], [0, 0, 1, 1], [], []>, transpose_lhs_hint = false} : vector<1x256xf32>, vector<256x256xf32>, vector<1x256xf32> -> vector<1x256xf32>
      %add3A_2363 = arith.addf %scan3A_2332, %dot_general3A_2362 : vector<1x256xf32>
      scf.yield %add3A_2363 : vector<1x256xf32>
    }
    %scan3A_433 = arith.constant 6 : i32
    %sub3A_434 = vector.broadcast %get3A_414 : vector<256x1xf32> to vector<256x256xf32>
    %sub3A_435 = vector.broadcast %get3A_405 : vector<1x256xf32> to vector<256x256xf32>
    %sub3A_436 = arith.subf %sub3A_434, %sub3A_435 : vector<256x256xf32>
    %sub3A_437 = vector.broadcast %get3A_417 : vector<256x1xf32> to vector<256x256xf32>
    %sub3A_438 = vector.broadcast %get3A_408 : vector<1x256xf32> to vector<256x256xf32>
    %sub3A_439 = arith.subf %sub3A_437, %sub3A_438 : vector<256x256xf32>
    %mul3A_440 = arith.mulf %sub3A_436, %sub3A_436 : vector<256x256xf32>
    %mul3A_441 = arith.mulf %sub3A_439, %sub3A_439 : vector<256x256xf32>
    %add3A_442 = arith.addf %mul3A_440, %mul3A_441 : vector<256x256xf32>
    %lt3A_443 = arith.constant 6.400000e+01 : f32
    %lt3A_444 = vector.broadcast %lt3A_443 : f32 to vector<256x256xf32>
    %lt3A_445 = arith.cmpf olt, %add3A_442, %lt3A_444 : vector<256x256xf32>
    %jit3A_446 = arith.constant 1.000000e+00 : f32
    %jit3A_447 = arith.constant 0.000000e+00 : f32
    %broadcast_in_dim3A_448 = vector.broadcast %jit3A_446 : f32 to vector<256x256xf32>
    %broadcast_in_dim3A_449 = vector.broadcast %jit3A_447 : f32 to vector<256x256xf32>
    %select_n3A_450 = arith.select %lt3A_445, %broadcast_in_dim3A_448, %broadcast_in_dim3A_449 : vector<256x256xi1>, vector<256x256xf32>
    %mul3A_451 = arith.mulf %select_n3A_450, %select_n3A : vector<256x256xf32>
    %gt3A_452 = arith.constant 5.000000e-01 : f32
    %gt3A_453 = vector.broadcast %gt3A_452 : f32 to vector<1x256xf32>
    %gt3A_454 = arith.cmpf ogt, %scan3A_432, %gt3A_453 : vector<1x256xf32>
    %jit3A_455 = arith.constant 0.000000e+00 : f32
    %jit3A_456 = arith.constant 1.000000e+00 : f32
    %broadcast_in_dim3A_457 = vector.broadcast %jit3A_455 : f32 to vector<1x256xf32>
    %broadcast_in_dim3A_458 = vector.broadcast %jit3A_456 : f32 to vector<1x256xf32>
    %select_n3A_459 = arith.select %gt3A_454, %broadcast_in_dim3A_457, %broadcast_in_dim3A_458 : vector<1x256xi1>, vector<1x256xf32>
    %mul3A_460 = arith.mulf %select_n3A_425, %select_n3A_459 : vector<1x256xf32>
    %broadcast_in_dim3A_461 = arith.constant 0.000000e+00 : f32
    %broadcast_in_dim3A_462 = vector.broadcast %broadcast_in_dim3A_461 : f32 to vector<1x256xf32>
    %while3A_463:2 = scf.while (%while3A_2331 = %mul3A_460, %while3A_2332 = %broadcast_in_dim3A_462) : (vector<1x256xf32>, vector<1x256xf32>) -> (vector<1x256xf32>, vector<1x256xf32>) {
      %reduce_sum3A_2333 = vector.shape_cast %while3A_2331 : vector<1x256xf32> to vector<1x1x256xf32>
      %reduce_sum3A_2334 = arith.constant dense<0.000000e+00> : vector<1xf32>
      %reduce_sum3A_2335 = vector.multi_reduction <add>, %reduce_sum3A_2333, %reduce_sum3A_2334 [1, 2] : vector<1x1x256xf32> to vector<1xf32>
      %reduce_sum3A_2336 = vector.shape_cast %reduce_sum3A_2335 : vector<1xf32> to vector<1x1x1xf32>
      %reduce_sum3A_2337 = vector.extract %reduce_sum3A_2336[0, 0, 0] : f32 from vector<1x1x1xf32>
      %gt3A_2338 = arith.constant 0.000000e+00 : f32
      %gt3A_2339 = arith.cmpf ogt, %reduce_sum3A_2337, %gt3A_2338 : f32
      scf.condition(%gt3A_2339) %while3A_2331, %while3A_2332 : vector<1x256xf32>, vector<1x256xf32>
    } do {
    ^bb0(%while3A_2331: vector<1x256xf32>, %while3A_2332: vector<1x256xf32>):
      %dot_general3A_2333 = arith.constant dense<0.000000e+00> : vector<1x256xf32>
      %dot_general3A_2334 = tpu.matmul %while3A_2331, %mul3A_451, %dot_general3A_2333 {dimension_numbers = #tpu.dot_dimension_numbers<[1], [0], [0], [1], [0, 0, 1, 1], [], []>, transpose_lhs_hint = false} : vector<1x256xf32>, vector<256x256xf32>, vector<1x256xf32> -> vector<1x256xf32>
      %gt3A_2335 = arith.constant 5.000000e-01 : f32
      %gt3A_2336 = vector.broadcast %gt3A_2335 : f32 to vector<1x256xf32>
      %gt3A_2337 = arith.cmpf ogt, %dot_general3A_2334, %gt3A_2336 : vector<1x256xf32>
      %jit3A_2338 = arith.constant 0.000000e+00 : f32
      %jit3A_2339 = arith.constant 1.000000e+00 : f32
      %broadcast_in_dim3A_2340 = vector.broadcast %jit3A_2338 : f32 to vector<1x256xf32>
      %broadcast_in_dim3A_2341 = vector.broadcast %jit3A_2339 : f32 to vector<1x256xf32>
      %select_n3A_2342 = arith.select %gt3A_2337, %broadcast_in_dim3A_2340, %broadcast_in_dim3A_2341 : vector<1x256xi1>, vector<1x256xf32>
      %mul3A_2343 = arith.mulf %while3A_2331, %select_n3A_2342 : vector<1x256xf32>
      %dot_general3A_2344 = arith.constant dense<0.000000e+00> : vector<1x256xf32>
      %dot_general3A_2345 = tpu.matmul %mul3A_2343, %mul3A_451, %dot_general3A_2344 {dimension_numbers = #tpu.dot_dimension_numbers<[1], [0], [0], [1], [0, 0, 1, 1], [], []>, transpose_lhs_hint = false} : vector<1x256xf32>, vector<256x256xf32>, vector<1x256xf32> -> vector<1x256xf32>
      %add3A_2346 = arith.addf %while3A_2332, %mul3A_2343 : vector<1x256xf32>
      %sub3A_2347 = arith.constant 1.000000e+00 : f32
      %sub3A_2348 = vector.broadcast %sub3A_2347 : f32 to vector<1x256xf32>
      %sub3A_2349 = arith.subf %sub3A_2348, %mul3A_2343 : vector<1x256xf32>
      %mul3A_2350 = arith.mulf %while3A_2331, %sub3A_2349 : vector<1x256xf32>
      %gt3A_2351 = arith.constant 5.000000e-01 : f32
      %gt3A_2352 = vector.broadcast %gt3A_2351 : f32 to vector<1x256xf32>
      %gt3A_2353 = arith.cmpf ogt, %dot_general3A_2345, %gt3A_2352 : vector<1x256xf32>
      %jit3A_2354 = arith.constant 0.000000e+00 : f32
      %jit3A_2355 = arith.constant 1.000000e+00 : f32
      %broadcast_in_dim3A_2356 = vector.broadcast %jit3A_2354 : f32 to vector<1x256xf32>
      %broadcast_in_dim3A_2357 = vector.broadcast %jit3A_2355 : f32 to vector<1x256xf32>
      %select_n3A_2358 = arith.select %gt3A_2353, %broadcast_in_dim3A_2356, %broadcast_in_dim3A_2357 : vector<1x256xi1>, vector<1x256xf32>
      %mul3A_2359 = arith.mulf %mul3A_2350, %select_n3A_2358 : vector<1x256xf32>
      scf.yield %mul3A_2359, %add3A_2346 : vector<1x256xf32>, vector<1x256xf32>
    }
    %swap3A_464 = arith.constant 6 : index
    %swap3A_465 = arith.constant 0 : index
    %swap3A_466 = vector.load %arg8[%swap3A_464, %swap3A_465] : memref<20x256xf32, #tpu.memory_space<vmem>>, vector<1x256xf32>
    tpu.vector_store %arg8[%swap3A_464, %swap3A_465], %while3A_463#1 {strides = array<i32>} : memref<20x256xf32, #tpu.memory_space<vmem>>, vector<1x256xf32>,
    %get3A_467 = arith.constant 7 : index
    %get3A_468 = arith.constant 0 : index
    %get3A_469 = vector.load %arg1[%get3A_467, %get3A_468] : memref<20x256xf32, #tpu.memory_space<vmem>>, vector<1x256xf32>
    %get3A_470 = arith.constant 7 : index
    %get3A_471 = arith.constant 0 : index
    %get3A_472 = vector.load %arg2[%get3A_470, %get3A_471] : memref<20x256xf32, #tpu.memory_space<vmem>>, vector<1x256xf32>
    %get3A_473 = arith.constant 7 : index
    %get3A_474 = arith.constant 0 : index
    %get3A_475 = vector.load %arg0[%get3A_473, %get3A_474] : memref<20x256xf32, #tpu.memory_space<vmem>>, vector<1x256xf32>
    %get3A_476 = arith.constant 1792 : index
    %get3A_477 = arith.constant 0 : index
    %get3A_478 = vector.load %arg4[%get3A_476, %get3A_477] : memref<5120x1xf32, #tpu.memory_space<vmem>>, vector<256x1xf32>
    %get3A_479 = arith.constant 1792 : index
    %get3A_480 = arith.constant 0 : index
    %get3A_481 = vector.load %arg5[%get3A_479, %get3A_480] : memref<5120x1xf32, #tpu.memory_space<vmem>>, vector<256x1xf32>
    %ge3A_482 = arith.constant 2.000000e-01 : f32
    %ge3A_483 = vector.broadcast %ge3A_482 : f32 to vector<1x256xf32>
    %ge3A_484 = arith.cmpf oge, %get3A_475, %ge3A_483 : vector<1x256xf32>
    %jit3A_485 = arith.constant 1.000000e+00 : f32
    %jit3A_486 = arith.constant 0.000000e+00 : f32
    %broadcast_in_dim3A_487 = vector.broadcast %jit3A_485 : f32 to vector<1x256xf32>
    %broadcast_in_dim3A_488 = vector.broadcast %jit3A_486 : f32 to vector<1x256xf32>
    %select_n3A_489 = arith.select %ge3A_484, %broadcast_in_dim3A_487, %broadcast_in_dim3A_488 : vector<1x256xi1>, vector<1x256xf32>
    %broadcast_in_dim3A_490 = arith.constant 0.000000e+00 : f32
    %broadcast_in_dim3A_491 = vector.broadcast %broadcast_in_dim3A_490 : f32 to vector<1x256xf32>
    %scan3A_492 = arith.constant 0 : i32
    %scan3A_493 = arith.constant 7 : i32
    %scan3A_494 = arith.addi %scan3A_492, %scan3A_493 : i32
    %scan3A_495 = arith.constant 1 : i32
    %scan3A_496 = scf.for %scan3A_2331 = %scan3A_492 to %scan3A_494 step %scan3A_495 iter_args(%scan3A_2332 = %broadcast_in_dim3A_491) -> (vector<1x256xf32>)  : i32 {
      %mul3A_2333 = arith.constant 256 : i32
      %mul3A_2334 = arith.muli %scan3A_2331, %mul3A_2333 : i32
      %get3A_2335 = arith.index_cast %mul3A_2334 : i32 to index
      %get3A_2336 = arith.constant 0 : index
      %get3A_2337 = vector.load %arg4[%get3A_2335, %get3A_2336] : memref<5120x1xf32, #tpu.memory_space<vmem>>, vector<256x1xf32>
      %get3A_2338 = arith.index_cast %mul3A_2334 : i32 to index
      %get3A_2339 = arith.constant 0 : index
      %get3A_2340 = vector.load %arg5[%get3A_2338, %get3A_2339] : memref<5120x1xf32, #tpu.memory_space<vmem>>, vector<256x1xf32>
      %get3A_2341 = arith.index_cast %scan3A_2331 : i32 to index
      %get3A_2342 = arith.constant 0 : index
      %get3A_2343 = vector.load %arg8[%get3A_2341, %get3A_2342] : memref<20x256xf32, #tpu.memory_space<vmem>>, vector<1x256xf32>
      %sub3A_2344 = vector.broadcast %get3A_2337 : vector<256x1xf32> to vector<256x256xf32>
      %sub3A_2345 = vector.broadcast %get3A_469 : vector<1x256xf32> to vector<256x256xf32>
      %sub3A_2346 = arith.subf %sub3A_2344, %sub3A_2345 : vector<256x256xf32>
      %sub3A_2347 = vector.broadcast %get3A_2340 : vector<256x1xf32> to vector<256x256xf32>
      %sub3A_2348 = vector.broadcast %get3A_472 : vector<1x256xf32> to vector<256x256xf32>
      %sub3A_2349 = arith.subf %sub3A_2347, %sub3A_2348 : vector<256x256xf32>
      %mul3A_2350 = arith.mulf %sub3A_2346, %sub3A_2346 : vector<256x256xf32>
      %mul3A_2351 = arith.mulf %sub3A_2349, %sub3A_2349 : vector<256x256xf32>
      %add3A_2352 = arith.addf %mul3A_2350, %mul3A_2351 : vector<256x256xf32>
      %lt3A_2353 = arith.constant 6.400000e+01 : f32
      %lt3A_2354 = vector.broadcast %lt3A_2353 : f32 to vector<256x256xf32>
      %lt3A_2355 = arith.cmpf olt, %add3A_2352, %lt3A_2354 : vector<256x256xf32>
      %jit3A_2356 = arith.constant 1.000000e+00 : f32
      %jit3A_2357 = arith.constant 0.000000e+00 : f32
      %broadcast_in_dim3A_2358 = vector.broadcast %jit3A_2356 : f32 to vector<256x256xf32>
      %broadcast_in_dim3A_2359 = vector.broadcast %jit3A_2357 : f32 to vector<256x256xf32>
      %select_n3A_2360 = arith.select %lt3A_2355, %broadcast_in_dim3A_2358, %broadcast_in_dim3A_2359 : vector<256x256xi1>, vector<256x256xf32>
      %dot_general3A_2361 = arith.constant dense<0.000000e+00> : vector<1x256xf32>
      %dot_general3A_2362 = tpu.matmul %get3A_2343, %select_n3A_2360, %dot_general3A_2361 {dimension_numbers = #tpu.dot_dimension_numbers<[1], [0], [0], [1], [0, 0, 1, 1], [], []>, transpose_lhs_hint = false} : vector<1x256xf32>, vector<256x256xf32>, vector<1x256xf32> -> vector<1x256xf32>
      %add3A_2363 = arith.addf %scan3A_2332, %dot_general3A_2362 : vector<1x256xf32>
      scf.yield %add3A_2363 : vector<1x256xf32>
    }
    %scan3A_497 = arith.constant 7 : i32
    %sub3A_498 = vector.broadcast %get3A_478 : vector<256x1xf32> to vector<256x256xf32>
    %sub3A_499 = vector.broadcast %get3A_469 : vector<1x256xf32> to vector<256x256xf32>
    %sub3A_500 = arith.subf %sub3A_498, %sub3A_499 : vector<256x256xf32>
    %sub3A_501 = vector.broadcast %get3A_481 : vector<256x1xf32> to vector<256x256xf32>
    %sub3A_502 = vector.broadcast %get3A_472 : vector<1x256xf32> to vector<256x256xf32>
    %sub3A_503 = arith.subf %sub3A_501, %sub3A_502 : vector<256x256xf32>
    %mul3A_504 = arith.mulf %sub3A_500, %sub3A_500 : vector<256x256xf32>
    %mul3A_505 = arith.mulf %sub3A_503, %sub3A_503 : vector<256x256xf32>
    %add3A_506 = arith.addf %mul3A_504, %mul3A_505 : vector<256x256xf32>
    %lt3A_507 = arith.constant 6.400000e+01 : f32
    %lt3A_508 = vector.broadcast %lt3A_507 : f32 to vector<256x256xf32>
    %lt3A_509 = arith.cmpf olt, %add3A_506, %lt3A_508 : vector<256x256xf32>
    %jit3A_510 = arith.constant 1.000000e+00 : f32
    %jit3A_511 = arith.constant 0.000000e+00 : f32
    %broadcast_in_dim3A_512 = vector.broadcast %jit3A_510 : f32 to vector<256x256xf32>
    %broadcast_in_dim3A_513 = vector.broadcast %jit3A_511 : f32 to vector<256x256xf32>
    %select_n3A_514 = arith.select %lt3A_509, %broadcast_in_dim3A_512, %broadcast_in_dim3A_513 : vector<256x256xi1>, vector<256x256xf32>
    %mul3A_515 = arith.mulf %select_n3A_514, %select_n3A : vector<256x256xf32>
    %gt3A_516 = arith.constant 5.000000e-01 : f32
    %gt3A_517 = vector.broadcast %gt3A_516 : f32 to vector<1x256xf32>
    %gt3A_518 = arith.cmpf ogt, %scan3A_496, %gt3A_517 : vector<1x256xf32>
    %jit3A_519 = arith.constant 0.000000e+00 : f32
    %jit3A_520 = arith.constant 1.000000e+00 : f32
    %broadcast_in_dim3A_521 = vector.broadcast %jit3A_519 : f32 to vector<1x256xf32>
    %broadcast_in_dim3A_522 = vector.broadcast %jit3A_520 : f32 to vector<1x256xf32>
    %select_n3A_523 = arith.select %gt3A_518, %broadcast_in_dim3A_521, %broadcast_in_dim3A_522 : vector<1x256xi1>, vector<1x256xf32>
    %mul3A_524 = arith.mulf %select_n3A_489, %select_n3A_523 : vector<1x256xf32>
    %broadcast_in_dim3A_525 = arith.constant 0.000000e+00 : f32
    %broadcast_in_dim3A_526 = vector.broadcast %broadcast_in_dim3A_525 : f32 to vector<1x256xf32>
    %while3A_527:2 = scf.while (%while3A_2331 = %mul3A_524, %while3A_2332 = %broadcast_in_dim3A_526) : (vector<1x256xf32>, vector<1x256xf32>) -> (vector<1x256xf32>, vector<1x256xf32>) {
      %reduce_sum3A_2333 = vector.shape_cast %while3A_2331 : vector<1x256xf32> to vector<1x1x256xf32>
      %reduce_sum3A_2334 = arith.constant dense<0.000000e+00> : vector<1xf32>
      %reduce_sum3A_2335 = vector.multi_reduction <add>, %reduce_sum3A_2333, %reduce_sum3A_2334 [1, 2] : vector<1x1x256xf32> to vector<1xf32>
      %reduce_sum3A_2336 = vector.shape_cast %reduce_sum3A_2335 : vector<1xf32> to vector<1x1x1xf32>
      %reduce_sum3A_2337 = vector.extract %reduce_sum3A_2336[0, 0, 0] : f32 from vector<1x1x1xf32>
      %gt3A_2338 = arith.constant 0.000000e+00 : f32
      %gt3A_2339 = arith.cmpf ogt, %reduce_sum3A_2337, %gt3A_2338 : f32
      scf.condition(%gt3A_2339) %while3A_2331, %while3A_2332 : vector<1x256xf32>, vector<1x256xf32>
    } do {
    ^bb0(%while3A_2331: vector<1x256xf32>, %while3A_2332: vector<1x256xf32>):
      %dot_general3A_2333 = arith.constant dense<0.000000e+00> : vector<1x256xf32>
      %dot_general3A_2334 = tpu.matmul %while3A_2331, %mul3A_515, %dot_general3A_2333 {dimension_numbers = #tpu.dot_dimension_numbers<[1], [0], [0], [1], [0, 0, 1, 1], [], []>, transpose_lhs_hint = false} : vector<1x256xf32>, vector<256x256xf32>, vector<1x256xf32> -> vector<1x256xf32>
      %gt3A_2335 = arith.constant 5.000000e-01 : f32
      %gt3A_2336 = vector.broadcast %gt3A_2335 : f32 to vector<1x256xf32>
      %gt3A_2337 = arith.cmpf ogt, %dot_general3A_2334, %gt3A_2336 : vector<1x256xf32>
      %jit3A_2338 = arith.constant 0.000000e+00 : f32
      %jit3A_2339 = arith.constant 1.000000e+00 : f32
      %broadcast_in_dim3A_2340 = vector.broadcast %jit3A_2338 : f32 to vector<1x256xf32>
      %broadcast_in_dim3A_2341 = vector.broadcast %jit3A_2339 : f32 to vector<1x256xf32>
      %select_n3A_2342 = arith.select %gt3A_2337, %broadcast_in_dim3A_2340, %broadcast_in_dim3A_2341 : vector<1x256xi1>, vector<1x256xf32>
      %mul3A_2343 = arith.mulf %while3A_2331, %select_n3A_2342 : vector<1x256xf32>
      %dot_general3A_2344 = arith.constant dense<0.000000e+00> : vector<1x256xf32>
      %dot_general3A_2345 = tpu.matmul %mul3A_2343, %mul3A_515, %dot_general3A_2344 {dimension_numbers = #tpu.dot_dimension_numbers<[1], [0], [0], [1], [0, 0, 1, 1], [], []>, transpose_lhs_hint = false} : vector<1x256xf32>, vector<256x256xf32>, vector<1x256xf32> -> vector<1x256xf32>
      %add3A_2346 = arith.addf %while3A_2332, %mul3A_2343 : vector<1x256xf32>
      %sub3A_2347 = arith.constant 1.000000e+00 : f32
      %sub3A_2348 = vector.broadcast %sub3A_2347 : f32 to vector<1x256xf32>
      %sub3A_2349 = arith.subf %sub3A_2348, %mul3A_2343 : vector<1x256xf32>
      %mul3A_2350 = arith.mulf %while3A_2331, %sub3A_2349 : vector<1x256xf32>
      %gt3A_2351 = arith.constant 5.000000e-01 : f32
      %gt3A_2352 = vector.broadcast %gt3A_2351 : f32 to vector<1x256xf32>
      %gt3A_2353 = arith.cmpf ogt, %dot_general3A_2345, %gt3A_2352 : vector<1x256xf32>
      %jit3A_2354 = arith.constant 0.000000e+00 : f32
      %jit3A_2355 = arith.constant 1.000000e+00 : f32
      %broadcast_in_dim3A_2356 = vector.broadcast %jit3A_2354 : f32 to vector<1x256xf32>
      %broadcast_in_dim3A_2357 = vector.broadcast %jit3A_2355 : f32 to vector<1x256xf32>
      %select_n3A_2358 = arith.select %gt3A_2353, %broadcast_in_dim3A_2356, %broadcast_in_dim3A_2357 : vector<1x256xi1>, vector<1x256xf32>
      %mul3A_2359 = arith.mulf %mul3A_2350, %select_n3A_2358 : vector<1x256xf32>
      scf.yield %mul3A_2359, %add3A_2346 : vector<1x256xf32>, vector<1x256xf32>
    }
    %swap3A_528 = arith.constant 7 : index
    %swap3A_529 = arith.constant 0 : index
    %swap3A_530 = vector.load %arg8[%swap3A_528, %swap3A_529] : memref<20x256xf32, #tpu.memory_space<vmem>>, vector<1x256xf32>
    tpu.vector_store %arg8[%swap3A_528, %swap3A_529], %while3A_527#1 {strides = array<i32>} : memref<20x256xf32, #tpu.memory_space<vmem>>, vector<1x256xf32>,
    %get3A_531 = arith.constant 8 : index
    %get3A_532 = arith.constant 0 : index
    %get3A_533 = vector.load %arg1[%get3A_531, %get3A_532] : memref<20x256xf32, #tpu.memory_space<vmem>>, vector<1x256xf32>
    %get3A_534 = arith.constant 8 : index
    %get3A_535 = arith.constant 0 : index
    %get3A_536 = vector.load %arg2[%get3A_534, %get3A_535] : memref<20x256xf32, #tpu.memory_space<vmem>>, vector<1x256xf32>
    %get3A_537 = arith.constant 8 : index
    %get3A_538 = arith.constant 0 : index
    %get3A_539 = vector.load %arg0[%get3A_537, %get3A_538] : memref<20x256xf32, #tpu.memory_space<vmem>>, vector<1x256xf32>
    %get3A_540 = arith.constant 2048 : index
    %get3A_541 = arith.constant 0 : index
    %get3A_542 = vector.load %arg4[%get3A_540, %get3A_541] : memref<5120x1xf32, #tpu.memory_space<vmem>>, vector<256x1xf32>
    %get3A_543 = arith.constant 2048 : index
    %get3A_544 = arith.constant 0 : index
    %get3A_545 = vector.load %arg5[%get3A_543, %get3A_544] : memref<5120x1xf32, #tpu.memory_space<vmem>>, vector<256x1xf32>
    %ge3A_546 = arith.constant 2.000000e-01 : f32
    %ge3A_547 = vector.broadcast %ge3A_546 : f32 to vector<1x256xf32>
    %ge3A_548 = arith.cmpf oge, %get3A_539, %ge3A_547 : vector<1x256xf32>
    %jit3A_549 = arith.constant 1.000000e+00 : f32
    %jit3A_550 = arith.constant 0.000000e+00 : f32
    %broadcast_in_dim3A_551 = vector.broadcast %jit3A_549 : f32 to vector<1x256xf32>
    %broadcast_in_dim3A_552 = vector.broadcast %jit3A_550 : f32 to vector<1x256xf32>
    %select_n3A_553 = arith.select %ge3A_548, %broadcast_in_dim3A_551, %broadcast_in_dim3A_552 : vector<1x256xi1>, vector<1x256xf32>
    %broadcast_in_dim3A_554 = arith.constant 0.000000e+00 : f32
    %broadcast_in_dim3A_555 = vector.broadcast %broadcast_in_dim3A_554 : f32 to vector<1x256xf32>
    %scan3A_556 = arith.constant 0 : i32
    %scan3A_557 = arith.constant 8 : i32
    %scan3A_558 = arith.addi %scan3A_556, %scan3A_557 : i32
    %scan3A_559 = arith.constant 1 : i32
    %scan3A_560 = scf.for %scan3A_2331 = %scan3A_556 to %scan3A_558 step %scan3A_559 iter_args(%scan3A_2332 = %broadcast_in_dim3A_555) -> (vector<1x256xf32>)  : i32 {
      %mul3A_2333 = arith.constant 256 : i32
      %mul3A_2334 = arith.muli %scan3A_2331, %mul3A_2333 : i32
      %get3A_2335 = arith.index_cast %mul3A_2334 : i32 to index
      %get3A_2336 = arith.constant 0 : index
      %get3A_2337 = vector.load %arg4[%get3A_2335, %get3A_2336] : memref<5120x1xf32, #tpu.memory_space<vmem>>, vector<256x1xf32>
      %get3A_2338 = arith.index_cast %mul3A_2334 : i32 to index
      %get3A_2339 = arith.constant 0 : index
      %get3A_2340 = vector.load %arg5[%get3A_2338, %get3A_2339] : memref<5120x1xf32, #tpu.memory_space<vmem>>, vector<256x1xf32>
      %get3A_2341 = arith.index_cast %scan3A_2331 : i32 to index
      %get3A_2342 = arith.constant 0 : index
      %get3A_2343 = vector.load %arg8[%get3A_2341, %get3A_2342] : memref<20x256xf32, #tpu.memory_space<vmem>>, vector<1x256xf32>
      %sub3A_2344 = vector.broadcast %get3A_2337 : vector<256x1xf32> to vector<256x256xf32>
      %sub3A_2345 = vector.broadcast %get3A_533 : vector<1x256xf32> to vector<256x256xf32>
      %sub3A_2346 = arith.subf %sub3A_2344, %sub3A_2345 : vector<256x256xf32>
      %sub3A_2347 = vector.broadcast %get3A_2340 : vector<256x1xf32> to vector<256x256xf32>
      %sub3A_2348 = vector.broadcast %get3A_536 : vector<1x256xf32> to vector<256x256xf32>
      %sub3A_2349 = arith.subf %sub3A_2347, %sub3A_2348 : vector<256x256xf32>
      %mul3A_2350 = arith.mulf %sub3A_2346, %sub3A_2346 : vector<256x256xf32>
      %mul3A_2351 = arith.mulf %sub3A_2349, %sub3A_2349 : vector<256x256xf32>
      %add3A_2352 = arith.addf %mul3A_2350, %mul3A_2351 : vector<256x256xf32>
      %lt3A_2353 = arith.constant 6.400000e+01 : f32
      %lt3A_2354 = vector.broadcast %lt3A_2353 : f32 to vector<256x256xf32>
      %lt3A_2355 = arith.cmpf olt, %add3A_2352, %lt3A_2354 : vector<256x256xf32>
      %jit3A_2356 = arith.constant 1.000000e+00 : f32
      %jit3A_2357 = arith.constant 0.000000e+00 : f32
      %broadcast_in_dim3A_2358 = vector.broadcast %jit3A_2356 : f32 to vector<256x256xf32>
      %broadcast_in_dim3A_2359 = vector.broadcast %jit3A_2357 : f32 to vector<256x256xf32>
      %select_n3A_2360 = arith.select %lt3A_2355, %broadcast_in_dim3A_2358, %broadcast_in_dim3A_2359 : vector<256x256xi1>, vector<256x256xf32>
      %dot_general3A_2361 = arith.constant dense<0.000000e+00> : vector<1x256xf32>
      %dot_general3A_2362 = tpu.matmul %get3A_2343, %select_n3A_2360, %dot_general3A_2361 {dimension_numbers = #tpu.dot_dimension_numbers<[1], [0], [0], [1], [0, 0, 1, 1], [], []>, transpose_lhs_hint = false} : vector<1x256xf32>, vector<256x256xf32>, vector<1x256xf32> -> vector<1x256xf32>
      %add3A_2363 = arith.addf %scan3A_2332, %dot_general3A_2362 : vector<1x256xf32>
      scf.yield %add3A_2363 : vector<1x256xf32>
    }
    %scan3A_561 = arith.constant 8 : i32
    %sub3A_562 = vector.broadcast %get3A_542 : vector<256x1xf32> to vector<256x256xf32>
    %sub3A_563 = vector.broadcast %get3A_533 : vector<1x256xf32> to vector<256x256xf32>
    %sub3A_564 = arith.subf %sub3A_562, %sub3A_563 : vector<256x256xf32>
    %sub3A_565 = vector.broadcast %get3A_545 : vector<256x1xf32> to vector<256x256xf32>
    %sub3A_566 = vector.broadcast %get3A_536 : vector<1x256xf32> to vector<256x256xf32>
    %sub3A_567 = arith.subf %sub3A_565, %sub3A_566 : vector<256x256xf32>
    %mul3A_568 = arith.mulf %sub3A_564, %sub3A_564 : vector<256x256xf32>
    %mul3A_569 = arith.mulf %sub3A_567, %sub3A_567 : vector<256x256xf32>
    %add3A_570 = arith.addf %mul3A_568, %mul3A_569 : vector<256x256xf32>
    %lt3A_571 = arith.constant 6.400000e+01 : f32
    %lt3A_572 = vector.broadcast %lt3A_571 : f32 to vector<256x256xf32>
    %lt3A_573 = arith.cmpf olt, %add3A_570, %lt3A_572 : vector<256x256xf32>
    %jit3A_574 = arith.constant 1.000000e+00 : f32
    %jit3A_575 = arith.constant 0.000000e+00 : f32
    %broadcast_in_dim3A_576 = vector.broadcast %jit3A_574 : f32 to vector<256x256xf32>
    %broadcast_in_dim3A_577 = vector.broadcast %jit3A_575 : f32 to vector<256x256xf32>
    %select_n3A_578 = arith.select %lt3A_573, %broadcast_in_dim3A_576, %broadcast_in_dim3A_577 : vector<256x256xi1>, vector<256x256xf32>
    %mul3A_579 = arith.mulf %select_n3A_578, %select_n3A : vector<256x256xf32>
    %gt3A_580 = arith.constant 5.000000e-01 : f32
    %gt3A_581 = vector.broadcast %gt3A_580 : f32 to vector<1x256xf32>
    %gt3A_582 = arith.cmpf ogt, %scan3A_560, %gt3A_581 : vector<1x256xf32>
    %jit3A_583 = arith.constant 0.000000e+00 : f32
    %jit3A_584 = arith.constant 1.000000e+00 : f32
    %broadcast_in_dim3A_585 = vector.broadcast %jit3A_583 : f32 to vector<1x256xf32>
    %broadcast_in_dim3A_586 = vector.broadcast %jit3A_584 : f32 to vector<1x256xf32>
    %select_n3A_587 = arith.select %gt3A_582, %broadcast_in_dim3A_585, %broadcast_in_dim3A_586 : vector<1x256xi1>, vector<1x256xf32>
    %mul3A_588 = arith.mulf %select_n3A_553, %select_n3A_587 : vector<1x256xf32>
    %broadcast_in_dim3A_589 = arith.constant 0.000000e+00 : f32
    %broadcast_in_dim3A_590 = vector.broadcast %broadcast_in_dim3A_589 : f32 to vector<1x256xf32>
    %while3A_591:2 = scf.while (%while3A_2331 = %mul3A_588, %while3A_2332 = %broadcast_in_dim3A_590) : (vector<1x256xf32>, vector<1x256xf32>) -> (vector<1x256xf32>, vector<1x256xf32>) {
      %reduce_sum3A_2333 = vector.shape_cast %while3A_2331 : vector<1x256xf32> to vector<1x1x256xf32>
      %reduce_sum3A_2334 = arith.constant dense<0.000000e+00> : vector<1xf32>
      %reduce_sum3A_2335 = vector.multi_reduction <add>, %reduce_sum3A_2333, %reduce_sum3A_2334 [1, 2] : vector<1x1x256xf32> to vector<1xf32>
      %reduce_sum3A_2336 = vector.shape_cast %reduce_sum3A_2335 : vector<1xf32> to vector<1x1x1xf32>
      %reduce_sum3A_2337 = vector.extract %reduce_sum3A_2336[0, 0, 0] : f32 from vector<1x1x1xf32>
      %gt3A_2338 = arith.constant 0.000000e+00 : f32
      %gt3A_2339 = arith.cmpf ogt, %reduce_sum3A_2337, %gt3A_2338 : f32
      scf.condition(%gt3A_2339) %while3A_2331, %while3A_2332 : vector<1x256xf32>, vector<1x256xf32>
    } do {
    ^bb0(%while3A_2331: vector<1x256xf32>, %while3A_2332: vector<1x256xf32>):
      %dot_general3A_2333 = arith.constant dense<0.000000e+00> : vector<1x256xf32>
      %dot_general3A_2334 = tpu.matmul %while3A_2331, %mul3A_579, %dot_general3A_2333 {dimension_numbers = #tpu.dot_dimension_numbers<[1], [0], [0], [1], [0, 0, 1, 1], [], []>, transpose_lhs_hint = false} : vector<1x256xf32>, vector<256x256xf32>, vector<1x256xf32> -> vector<1x256xf32>
      %gt3A_2335 = arith.constant 5.000000e-01 : f32
      %gt3A_2336 = vector.broadcast %gt3A_2335 : f32 to vector<1x256xf32>
      %gt3A_2337 = arith.cmpf ogt, %dot_general3A_2334, %gt3A_2336 : vector<1x256xf32>
      %jit3A_2338 = arith.constant 0.000000e+00 : f32
      %jit3A_2339 = arith.constant 1.000000e+00 : f32
      %broadcast_in_dim3A_2340 = vector.broadcast %jit3A_2338 : f32 to vector<1x256xf32>
      %broadcast_in_dim3A_2341 = vector.broadcast %jit3A_2339 : f32 to vector<1x256xf32>
      %select_n3A_2342 = arith.select %gt3A_2337, %broadcast_in_dim3A_2340, %broadcast_in_dim3A_2341 : vector<1x256xi1>, vector<1x256xf32>
      %mul3A_2343 = arith.mulf %while3A_2331, %select_n3A_2342 : vector<1x256xf32>
      %dot_general3A_2344 = arith.constant dense<0.000000e+00> : vector<1x256xf32>
      %dot_general3A_2345 = tpu.matmul %mul3A_2343, %mul3A_579, %dot_general3A_2344 {dimension_numbers = #tpu.dot_dimension_numbers<[1], [0], [0], [1], [0, 0, 1, 1], [], []>, transpose_lhs_hint = false} : vector<1x256xf32>, vector<256x256xf32>, vector<1x256xf32> -> vector<1x256xf32>
      %add3A_2346 = arith.addf %while3A_2332, %mul3A_2343 : vector<1x256xf32>
      %sub3A_2347 = arith.constant 1.000000e+00 : f32
      %sub3A_2348 = vector.broadcast %sub3A_2347 : f32 to vector<1x256xf32>
      %sub3A_2349 = arith.subf %sub3A_2348, %mul3A_2343 : vector<1x256xf32>
      %mul3A_2350 = arith.mulf %while3A_2331, %sub3A_2349 : vector<1x256xf32>
      %gt3A_2351 = arith.constant 5.000000e-01 : f32
      %gt3A_2352 = vector.broadcast %gt3A_2351 : f32 to vector<1x256xf32>
      %gt3A_2353 = arith.cmpf ogt, %dot_general3A_2345, %gt3A_2352 : vector<1x256xf32>
      %jit3A_2354 = arith.constant 0.000000e+00 : f32
      %jit3A_2355 = arith.constant 1.000000e+00 : f32
      %broadcast_in_dim3A_2356 = vector.broadcast %jit3A_2354 : f32 to vector<1x256xf32>
      %broadcast_in_dim3A_2357 = vector.broadcast %jit3A_2355 : f32 to vector<1x256xf32>
      %select_n3A_2358 = arith.select %gt3A_2353, %broadcast_in_dim3A_2356, %broadcast_in_dim3A_2357 : vector<1x256xi1>, vector<1x256xf32>
      %mul3A_2359 = arith.mulf %mul3A_2350, %select_n3A_2358 : vector<1x256xf32>
      scf.yield %mul3A_2359, %add3A_2346 : vector<1x256xf32>, vector<1x256xf32>
    }
    %swap3A_592 = arith.constant 8 : index
    %swap3A_593 = arith.constant 0 : index
    %swap3A_594 = vector.load %arg8[%swap3A_592, %swap3A_593] : memref<20x256xf32, #tpu.memory_space<vmem>>, vector<1x256xf32>
    tpu.vector_store %arg8[%swap3A_592, %swap3A_593], %while3A_591#1 {strides = array<i32>} : memref<20x256xf32, #tpu.memory_space<vmem>>, vector<1x256xf32>,
    %get3A_595 = arith.constant 9 : index
    %get3A_596 = arith.constant 0 : index
    %get3A_597 = vector.load %arg1[%get3A_595, %get3A_596] : memref<20x256xf32, #tpu.memory_space<vmem>>, vector<1x256xf32>
    %get3A_598 = arith.constant 9 : index
    %get3A_599 = arith.constant 0 : index
    %get3A_600 = vector.load %arg2[%get3A_598, %get3A_599] : memref<20x256xf32, #tpu.memory_space<vmem>>, vector<1x256xf32>
    %get3A_601 = arith.constant 9 : index
    %get3A_602 = arith.constant 0 : index
    %get3A_603 = vector.load %arg0[%get3A_601, %get3A_602] : memref<20x256xf32, #tpu.memory_space<vmem>>, vector<1x256xf32>
    %get3A_604 = arith.constant 2304 : index
    %get3A_605 = arith.constant 0 : index
    %get3A_606 = vector.load %arg4[%get3A_604, %get3A_605] : memref<5120x1xf32, #tpu.memory_space<vmem>>, vector<256x1xf32>
    %get3A_607 = arith.constant 2304 : index
    %get3A_608 = arith.constant 0 : index
    %get3A_609 = vector.load %arg5[%get3A_607, %get3A_608] : memref<5120x1xf32, #tpu.memory_space<vmem>>, vector<256x1xf32>
    %ge3A_610 = arith.constant 2.000000e-01 : f32
    %ge3A_611 = vector.broadcast %ge3A_610 : f32 to vector<1x256xf32>
    %ge3A_612 = arith.cmpf oge, %get3A_603, %ge3A_611 : vector<1x256xf32>
    %jit3A_613 = arith.constant 1.000000e+00 : f32
    %jit3A_614 = arith.constant 0.000000e+00 : f32
    %broadcast_in_dim3A_615 = vector.broadcast %jit3A_613 : f32 to vector<1x256xf32>
    %broadcast_in_dim3A_616 = vector.broadcast %jit3A_614 : f32 to vector<1x256xf32>
    %select_n3A_617 = arith.select %ge3A_612, %broadcast_in_dim3A_615, %broadcast_in_dim3A_616 : vector<1x256xi1>, vector<1x256xf32>
    %broadcast_in_dim3A_618 = arith.constant 0.000000e+00 : f32
    %broadcast_in_dim3A_619 = vector.broadcast %broadcast_in_dim3A_618 : f32 to vector<1x256xf32>
    %scan3A_620 = arith.constant 0 : i32
    %scan3A_621 = arith.constant 9 : i32
    %scan3A_622 = arith.addi %scan3A_620, %scan3A_621 : i32
    %scan3A_623 = arith.constant 1 : i32
    %scan3A_624 = scf.for %scan3A_2331 = %scan3A_620 to %scan3A_622 step %scan3A_623 iter_args(%scan3A_2332 = %broadcast_in_dim3A_619) -> (vector<1x256xf32>)  : i32 {
      %mul3A_2333 = arith.constant 256 : i32
      %mul3A_2334 = arith.muli %scan3A_2331, %mul3A_2333 : i32
      %get3A_2335 = arith.index_cast %mul3A_2334 : i32 to index
      %get3A_2336 = arith.constant 0 : index
      %get3A_2337 = vector.load %arg4[%get3A_2335, %get3A_2336] : memref<5120x1xf32, #tpu.memory_space<vmem>>, vector<256x1xf32>
      %get3A_2338 = arith.index_cast %mul3A_2334 : i32 to index
      %get3A_2339 = arith.constant 0 : index
      %get3A_2340 = vector.load %arg5[%get3A_2338, %get3A_2339] : memref<5120x1xf32, #tpu.memory_space<vmem>>, vector<256x1xf32>
      %get3A_2341 = arith.index_cast %scan3A_2331 : i32 to index
      %get3A_2342 = arith.constant 0 : index
      %get3A_2343 = vector.load %arg8[%get3A_2341, %get3A_2342] : memref<20x256xf32, #tpu.memory_space<vmem>>, vector<1x256xf32>
      %sub3A_2344 = vector.broadcast %get3A_2337 : vector<256x1xf32> to vector<256x256xf32>
      %sub3A_2345 = vector.broadcast %get3A_597 : vector<1x256xf32> to vector<256x256xf32>
      %sub3A_2346 = arith.subf %sub3A_2344, %sub3A_2345 : vector<256x256xf32>
      %sub3A_2347 = vector.broadcast %get3A_2340 : vector<256x1xf32> to vector<256x256xf32>
      %sub3A_2348 = vector.broadcast %get3A_600 : vector<1x256xf32> to vector<256x256xf32>
      %sub3A_2349 = arith.subf %sub3A_2347, %sub3A_2348 : vector<256x256xf32>
      %mul3A_2350 = arith.mulf %sub3A_2346, %sub3A_2346 : vector<256x256xf32>
      %mul3A_2351 = arith.mulf %sub3A_2349, %sub3A_2349 : vector<256x256xf32>
      %add3A_2352 = arith.addf %mul3A_2350, %mul3A_2351 : vector<256x256xf32>
      %lt3A_2353 = arith.constant 6.400000e+01 : f32
      %lt3A_2354 = vector.broadcast %lt3A_2353 : f32 to vector<256x256xf32>
      %lt3A_2355 = arith.cmpf olt, %add3A_2352, %lt3A_2354 : vector<256x256xf32>
      %jit3A_2356 = arith.constant 1.000000e+00 : f32
      %jit3A_2357 = arith.constant 0.000000e+00 : f32
      %broadcast_in_dim3A_2358 = vector.broadcast %jit3A_2356 : f32 to vector<256x256xf32>
      %broadcast_in_dim3A_2359 = vector.broadcast %jit3A_2357 : f32 to vector<256x256xf32>
      %select_n3A_2360 = arith.select %lt3A_2355, %broadcast_in_dim3A_2358, %broadcast_in_dim3A_2359 : vector<256x256xi1>, vector<256x256xf32>
      %dot_general3A_2361 = arith.constant dense<0.000000e+00> : vector<1x256xf32>
      %dot_general3A_2362 = tpu.matmul %get3A_2343, %select_n3A_2360, %dot_general3A_2361 {dimension_numbers = #tpu.dot_dimension_numbers<[1], [0], [0], [1], [0, 0, 1, 1], [], []>, transpose_lhs_hint = false} : vector<1x256xf32>, vector<256x256xf32>, vector<1x256xf32> -> vector<1x256xf32>
      %add3A_2363 = arith.addf %scan3A_2332, %dot_general3A_2362 : vector<1x256xf32>
      scf.yield %add3A_2363 : vector<1x256xf32>
    }
    %scan3A_625 = arith.constant 9 : i32
    %sub3A_626 = vector.broadcast %get3A_606 : vector<256x1xf32> to vector<256x256xf32>
    %sub3A_627 = vector.broadcast %get3A_597 : vector<1x256xf32> to vector<256x256xf32>
    %sub3A_628 = arith.subf %sub3A_626, %sub3A_627 : vector<256x256xf32>
    %sub3A_629 = vector.broadcast %get3A_609 : vector<256x1xf32> to vector<256x256xf32>
    %sub3A_630 = vector.broadcast %get3A_600 : vector<1x256xf32> to vector<256x256xf32>
    %sub3A_631 = arith.subf %sub3A_629, %sub3A_630 : vector<256x256xf32>
    %mul3A_632 = arith.mulf %sub3A_628, %sub3A_628 : vector<256x256xf32>
    %mul3A_633 = arith.mulf %sub3A_631, %sub3A_631 : vector<256x256xf32>
    %add3A_634 = arith.addf %mul3A_632, %mul3A_633 : vector<256x256xf32>
    %lt3A_635 = arith.constant 6.400000e+01 : f32
    %lt3A_636 = vector.broadcast %lt3A_635 : f32 to vector<256x256xf32>
    %lt3A_637 = arith.cmpf olt, %add3A_634, %lt3A_636 : vector<256x256xf32>
    %jit3A_638 = arith.constant 1.000000e+00 : f32
    %jit3A_639 = arith.constant 0.000000e+00 : f32
    %broadcast_in_dim3A_640 = vector.broadcast %jit3A_638 : f32 to vector<256x256xf32>
    %broadcast_in_dim3A_641 = vector.broadcast %jit3A_639 : f32 to vector<256x256xf32>
    %select_n3A_642 = arith.select %lt3A_637, %broadcast_in_dim3A_640, %broadcast_in_dim3A_641 : vector<256x256xi1>, vector<256x256xf32>
    %mul3A_643 = arith.mulf %select_n3A_642, %select_n3A : vector<256x256xf32>
    %gt3A_644 = arith.constant 5.000000e-01 : f32
    %gt3A_645 = vector.broadcast %gt3A_644 : f32 to vector<1x256xf32>
    %gt3A_646 = arith.cmpf ogt, %scan3A_624, %gt3A_645 : vector<1x256xf32>
    %jit3A_647 = arith.constant 0.000000e+00 : f32
    %jit3A_648 = arith.constant 1.000000e+00 : f32
    %broadcast_in_dim3A_649 = vector.broadcast %jit3A_647 : f32 to vector<1x256xf32>
    %broadcast_in_dim3A_650 = vector.broadcast %jit3A_648 : f32 to vector<1x256xf32>
    %select_n3A_651 = arith.select %gt3A_646, %broadcast_in_dim3A_649, %broadcast_in_dim3A_650 : vector<1x256xi1>, vector<1x256xf32>
    %mul3A_652 = arith.mulf %select_n3A_617, %select_n3A_651 : vector<1x256xf32>
    %broadcast_in_dim3A_653 = arith.constant 0.000000e+00 : f32
    %broadcast_in_dim3A_654 = vector.broadcast %broadcast_in_dim3A_653 : f32 to vector<1x256xf32>
    %while3A_655:2 = scf.while (%while3A_2331 = %mul3A_652, %while3A_2332 = %broadcast_in_dim3A_654) : (vector<1x256xf32>, vector<1x256xf32>) -> (vector<1x256xf32>, vector<1x256xf32>) {
      %reduce_sum3A_2333 = vector.shape_cast %while3A_2331 : vector<1x256xf32> to vector<1x1x256xf32>
      %reduce_sum3A_2334 = arith.constant dense<0.000000e+00> : vector<1xf32>
      %reduce_sum3A_2335 = vector.multi_reduction <add>, %reduce_sum3A_2333, %reduce_sum3A_2334 [1, 2] : vector<1x1x256xf32> to vector<1xf32>
      %reduce_sum3A_2336 = vector.shape_cast %reduce_sum3A_2335 : vector<1xf32> to vector<1x1x1xf32>
      %reduce_sum3A_2337 = vector.extract %reduce_sum3A_2336[0, 0, 0] : f32 from vector<1x1x1xf32>
      %gt3A_2338 = arith.constant 0.000000e+00 : f32
      %gt3A_2339 = arith.cmpf ogt, %reduce_sum3A_2337, %gt3A_2338 : f32
      scf.condition(%gt3A_2339) %while3A_2331, %while3A_2332 : vector<1x256xf32>, vector<1x256xf32>
    } do {
    ^bb0(%while3A_2331: vector<1x256xf32>, %while3A_2332: vector<1x256xf32>):
      %dot_general3A_2333 = arith.constant dense<0.000000e+00> : vector<1x256xf32>
      %dot_general3A_2334 = tpu.matmul %while3A_2331, %mul3A_643, %dot_general3A_2333 {dimension_numbers = #tpu.dot_dimension_numbers<[1], [0], [0], [1], [0, 0, 1, 1], [], []>, transpose_lhs_hint = false} : vector<1x256xf32>, vector<256x256xf32>, vector<1x256xf32> -> vector<1x256xf32>
      %gt3A_2335 = arith.constant 5.000000e-01 : f32
      %gt3A_2336 = vector.broadcast %gt3A_2335 : f32 to vector<1x256xf32>
      %gt3A_2337 = arith.cmpf ogt, %dot_general3A_2334, %gt3A_2336 : vector<1x256xf32>
      %jit3A_2338 = arith.constant 0.000000e+00 : f32
      %jit3A_2339 = arith.constant 1.000000e+00 : f32
      %broadcast_in_dim3A_2340 = vector.broadcast %jit3A_2338 : f32 to vector<1x256xf32>
      %broadcast_in_dim3A_2341 = vector.broadcast %jit3A_2339 : f32 to vector<1x256xf32>
      %select_n3A_2342 = arith.select %gt3A_2337, %broadcast_in_dim3A_2340, %broadcast_in_dim3A_2341 : vector<1x256xi1>, vector<1x256xf32>
      %mul3A_2343 = arith.mulf %while3A_2331, %select_n3A_2342 : vector<1x256xf32>
      %dot_general3A_2344 = arith.constant dense<0.000000e+00> : vector<1x256xf32>
      %dot_general3A_2345 = tpu.matmul %mul3A_2343, %mul3A_643, %dot_general3A_2344 {dimension_numbers = #tpu.dot_dimension_numbers<[1], [0], [0], [1], [0, 0, 1, 1], [], []>, transpose_lhs_hint = false} : vector<1x256xf32>, vector<256x256xf32>, vector<1x256xf32> -> vector<1x256xf32>
      %add3A_2346 = arith.addf %while3A_2332, %mul3A_2343 : vector<1x256xf32>
      %sub3A_2347 = arith.constant 1.000000e+00 : f32
      %sub3A_2348 = vector.broadcast %sub3A_2347 : f32 to vector<1x256xf32>
      %sub3A_2349 = arith.subf %sub3A_2348, %mul3A_2343 : vector<1x256xf32>
      %mul3A_2350 = arith.mulf %while3A_2331, %sub3A_2349 : vector<1x256xf32>
      %gt3A_2351 = arith.constant 5.000000e-01 : f32
      %gt3A_2352 = vector.broadcast %gt3A_2351 : f32 to vector<1x256xf32>
      %gt3A_2353 = arith.cmpf ogt, %dot_general3A_2345, %gt3A_2352 : vector<1x256xf32>
      %jit3A_2354 = arith.constant 0.000000e+00 : f32
      %jit3A_2355 = arith.constant 1.000000e+00 : f32
      %broadcast_in_dim3A_2356 = vector.broadcast %jit3A_2354 : f32 to vector<1x256xf32>
      %broadcast_in_dim3A_2357 = vector.broadcast %jit3A_2355 : f32 to vector<1x256xf32>
      %select_n3A_2358 = arith.select %gt3A_2353, %broadcast_in_dim3A_2356, %broadcast_in_dim3A_2357 : vector<1x256xi1>, vector<1x256xf32>
      %mul3A_2359 = arith.mulf %mul3A_2350, %select_n3A_2358 : vector<1x256xf32>
      scf.yield %mul3A_2359, %add3A_2346 : vector<1x256xf32>, vector<1x256xf32>
    }
    %swap3A_656 = arith.constant 9 : index
    %swap3A_657 = arith.constant 0 : index
    %swap3A_658 = vector.load %arg8[%swap3A_656, %swap3A_657] : memref<20x256xf32, #tpu.memory_space<vmem>>, vector<1x256xf32>
    tpu.vector_store %arg8[%swap3A_656, %swap3A_657], %while3A_655#1 {strides = array<i32>} : memref<20x256xf32, #tpu.memory_space<vmem>>, vector<1x256xf32>,
    %get3A_659 = arith.constant 10 : index
    %get3A_660 = arith.constant 0 : index
    %get3A_661 = vector.load %arg1[%get3A_659, %get3A_660] : memref<20x256xf32, #tpu.memory_space<vmem>>, vector<1x256xf32>
    %get3A_662 = arith.constant 10 : index
    %get3A_663 = arith.constant 0 : index
    %get3A_664 = vector.load %arg2[%get3A_662, %get3A_663] : memref<20x256xf32, #tpu.memory_space<vmem>>, vector<1x256xf32>
    %get3A_665 = arith.constant 10 : index
    %get3A_666 = arith.constant 0 : index
    %get3A_667 = vector.load %arg0[%get3A_665, %get3A_666] : memref<20x256xf32, #tpu.memory_space<vmem>>, vector<1x256xf32>
    %get3A_668 = arith.constant 2560 : index
    %get3A_669 = arith.constant 0 : index
    %get3A_670 = vector.load %arg4[%get3A_668, %get3A_669] : memref<5120x1xf32, #tpu.memory_space<vmem>>, vector<256x1xf32>
    %get3A_671 = arith.constant 2560 : index
    %get3A_672 = arith.constant 0 : index
    %get3A_673 = vector.load %arg5[%get3A_671, %get3A_672] : memref<5120x1xf32, #tpu.memory_space<vmem>>, vector<256x1xf32>
    %ge3A_674 = arith.constant 2.000000e-01 : f32
    %ge3A_675 = vector.broadcast %ge3A_674 : f32 to vector<1x256xf32>
    %ge3A_676 = arith.cmpf oge, %get3A_667, %ge3A_675 : vector<1x256xf32>
    %jit3A_677 = arith.constant 1.000000e+00 : f32
    %jit3A_678 = arith.constant 0.000000e+00 : f32
    %broadcast_in_dim3A_679 = vector.broadcast %jit3A_677 : f32 to vector<1x256xf32>
    %broadcast_in_dim3A_680 = vector.broadcast %jit3A_678 : f32 to vector<1x256xf32>
    %select_n3A_681 = arith.select %ge3A_676, %broadcast_in_dim3A_679, %broadcast_in_dim3A_680 : vector<1x256xi1>, vector<1x256xf32>
    %broadcast_in_dim3A_682 = arith.constant 0.000000e+00 : f32
    %broadcast_in_dim3A_683 = vector.broadcast %broadcast_in_dim3A_682 : f32 to vector<1x256xf32>
    %scan3A_684 = arith.constant 0 : i32
    %scan3A_685 = arith.constant 10 : i32
    %scan3A_686 = arith.addi %scan3A_684, %scan3A_685 : i32
    %scan3A_687 = arith.constant 1 : i32
    %scan3A_688 = scf.for %scan3A_2331 = %scan3A_684 to %scan3A_686 step %scan3A_687 iter_args(%scan3A_2332 = %broadcast_in_dim3A_683) -> (vector<1x256xf32>)  : i32 {
      %mul3A_2333 = arith.constant 256 : i32
      %mul3A_2334 = arith.muli %scan3A_2331, %mul3A_2333 : i32
      %get3A_2335 = arith.index_cast %mul3A_2334 : i32 to index
      %get3A_2336 = arith.constant 0 : index
      %get3A_2337 = vector.load %arg4[%get3A_2335, %get3A_2336] : memref<5120x1xf32, #tpu.memory_space<vmem>>, vector<256x1xf32>
      %get3A_2338 = arith.index_cast %mul3A_2334 : i32 to index
      %get3A_2339 = arith.constant 0 : index
      %get3A_2340 = vector.load %arg5[%get3A_2338, %get3A_2339] : memref<5120x1xf32, #tpu.memory_space<vmem>>, vector<256x1xf32>
      %get3A_2341 = arith.index_cast %scan3A_2331 : i32 to index
      %get3A_2342 = arith.constant 0 : index
      %get3A_2343 = vector.load %arg8[%get3A_2341, %get3A_2342] : memref<20x256xf32, #tpu.memory_space<vmem>>, vector<1x256xf32>
      %sub3A_2344 = vector.broadcast %get3A_2337 : vector<256x1xf32> to vector<256x256xf32>
      %sub3A_2345 = vector.broadcast %get3A_661 : vector<1x256xf32> to vector<256x256xf32>
      %sub3A_2346 = arith.subf %sub3A_2344, %sub3A_2345 : vector<256x256xf32>
      %sub3A_2347 = vector.broadcast %get3A_2340 : vector<256x1xf32> to vector<256x256xf32>
      %sub3A_2348 = vector.broadcast %get3A_664 : vector<1x256xf32> to vector<256x256xf32>
      %sub3A_2349 = arith.subf %sub3A_2347, %sub3A_2348 : vector<256x256xf32>
      %mul3A_2350 = arith.mulf %sub3A_2346, %sub3A_2346 : vector<256x256xf32>
      %mul3A_2351 = arith.mulf %sub3A_2349, %sub3A_2349 : vector<256x256xf32>
      %add3A_2352 = arith.addf %mul3A_2350, %mul3A_2351 : vector<256x256xf32>
      %lt3A_2353 = arith.constant 6.400000e+01 : f32
      %lt3A_2354 = vector.broadcast %lt3A_2353 : f32 to vector<256x256xf32>
      %lt3A_2355 = arith.cmpf olt, %add3A_2352, %lt3A_2354 : vector<256x256xf32>
      %jit3A_2356 = arith.constant 1.000000e+00 : f32
      %jit3A_2357 = arith.constant 0.000000e+00 : f32
      %broadcast_in_dim3A_2358 = vector.broadcast %jit3A_2356 : f32 to vector<256x256xf32>
      %broadcast_in_dim3A_2359 = vector.broadcast %jit3A_2357 : f32 to vector<256x256xf32>
      %select_n3A_2360 = arith.select %lt3A_2355, %broadcast_in_dim3A_2358, %broadcast_in_dim3A_2359 : vector<256x256xi1>, vector<256x256xf32>
      %dot_general3A_2361 = arith.constant dense<0.000000e+00> : vector<1x256xf32>
      %dot_general3A_2362 = tpu.matmul %get3A_2343, %select_n3A_2360, %dot_general3A_2361 {dimension_numbers = #tpu.dot_dimension_numbers<[1], [0], [0], [1], [0, 0, 1, 1], [], []>, transpose_lhs_hint = false} : vector<1x256xf32>, vector<256x256xf32>, vector<1x256xf32> -> vector<1x256xf32>
      %add3A_2363 = arith.addf %scan3A_2332, %dot_general3A_2362 : vector<1x256xf32>
      scf.yield %add3A_2363 : vector<1x256xf32>
    }
    %scan3A_689 = arith.constant 10 : i32
    %sub3A_690 = vector.broadcast %get3A_670 : vector<256x1xf32> to vector<256x256xf32>
    %sub3A_691 = vector.broadcast %get3A_661 : vector<1x256xf32> to vector<256x256xf32>
    %sub3A_692 = arith.subf %sub3A_690, %sub3A_691 : vector<256x256xf32>
    %sub3A_693 = vector.broadcast %get3A_673 : vector<256x1xf32> to vector<256x256xf32>
    %sub3A_694 = vector.broadcast %get3A_664 : vector<1x256xf32> to vector<256x256xf32>
    %sub3A_695 = arith.subf %sub3A_693, %sub3A_694 : vector<256x256xf32>
    %mul3A_696 = arith.mulf %sub3A_692, %sub3A_692 : vector<256x256xf32>
    %mul3A_697 = arith.mulf %sub3A_695, %sub3A_695 : vector<256x256xf32>
    %add3A_698 = arith.addf %mul3A_696, %mul3A_697 : vector<256x256xf32>
    %lt3A_699 = arith.constant 6.400000e+01 : f32
    %lt3A_700 = vector.broadcast %lt3A_699 : f32 to vector<256x256xf32>
    %lt3A_701 = arith.cmpf olt, %add3A_698, %lt3A_700 : vector<256x256xf32>
    %jit3A_702 = arith.constant 1.000000e+00 : f32
    %jit3A_703 = arith.constant 0.000000e+00 : f32
    %broadcast_in_dim3A_704 = vector.broadcast %jit3A_702 : f32 to vector<256x256xf32>
    %broadcast_in_dim3A_705 = vector.broadcast %jit3A_703 : f32 to vector<256x256xf32>
    %select_n3A_706 = arith.select %lt3A_701, %broadcast_in_dim3A_704, %broadcast_in_dim3A_705 : vector<256x256xi1>, vector<256x256xf32>
    %mul3A_707 = arith.mulf %select_n3A_706, %select_n3A : vector<256x256xf32>
    %gt3A_708 = arith.constant 5.000000e-01 : f32
    %gt3A_709 = vector.broadcast %gt3A_708 : f32 to vector<1x256xf32>
    %gt3A_710 = arith.cmpf ogt, %scan3A_688, %gt3A_709 : vector<1x256xf32>
    %jit3A_711 = arith.constant 0.000000e+00 : f32
    %jit3A_712 = arith.constant 1.000000e+00 : f32
    %broadcast_in_dim3A_713 = vector.broadcast %jit3A_711 : f32 to vector<1x256xf32>
    %broadcast_in_dim3A_714 = vector.broadcast %jit3A_712 : f32 to vector<1x256xf32>
    %select_n3A_715 = arith.select %gt3A_710, %broadcast_in_dim3A_713, %broadcast_in_dim3A_714 : vector<1x256xi1>, vector<1x256xf32>
    %mul3A_716 = arith.mulf %select_n3A_681, %select_n3A_715 : vector<1x256xf32>
    %broadcast_in_dim3A_717 = arith.constant 0.000000e+00 : f32
    %broadcast_in_dim3A_718 = vector.broadcast %broadcast_in_dim3A_717 : f32 to vector<1x256xf32>
    %while3A_719:2 = scf.while (%while3A_2331 = %mul3A_716, %while3A_2332 = %broadcast_in_dim3A_718) : (vector<1x256xf32>, vector<1x256xf32>) -> (vector<1x256xf32>, vector<1x256xf32>) {
      %reduce_sum3A_2333 = vector.shape_cast %while3A_2331 : vector<1x256xf32> to vector<1x1x256xf32>
      %reduce_sum3A_2334 = arith.constant dense<0.000000e+00> : vector<1xf32>
      %reduce_sum3A_2335 = vector.multi_reduction <add>, %reduce_sum3A_2333, %reduce_sum3A_2334 [1, 2] : vector<1x1x256xf32> to vector<1xf32>
      %reduce_sum3A_2336 = vector.shape_cast %reduce_sum3A_2335 : vector<1xf32> to vector<1x1x1xf32>
      %reduce_sum3A_2337 = vector.extract %reduce_sum3A_2336[0, 0, 0] : f32 from vector<1x1x1xf32>
      %gt3A_2338 = arith.constant 0.000000e+00 : f32
      %gt3A_2339 = arith.cmpf ogt, %reduce_sum3A_2337, %gt3A_2338 : f32
      scf.condition(%gt3A_2339) %while3A_2331, %while3A_2332 : vector<1x256xf32>, vector<1x256xf32>
    } do {
    ^bb0(%while3A_2331: vector<1x256xf32>, %while3A_2332: vector<1x256xf32>):
      %dot_general3A_2333 = arith.constant dense<0.000000e+00> : vector<1x256xf32>
      %dot_general3A_2334 = tpu.matmul %while3A_2331, %mul3A_707, %dot_general3A_2333 {dimension_numbers = #tpu.dot_dimension_numbers<[1], [0], [0], [1], [0, 0, 1, 1], [], []>, transpose_lhs_hint = false} : vector<1x256xf32>, vector<256x256xf32>, vector<1x256xf32> -> vector<1x256xf32>
      %gt3A_2335 = arith.constant 5.000000e-01 : f32
      %gt3A_2336 = vector.broadcast %gt3A_2335 : f32 to vector<1x256xf32>
      %gt3A_2337 = arith.cmpf ogt, %dot_general3A_2334, %gt3A_2336 : vector<1x256xf32>
      %jit3A_2338 = arith.constant 0.000000e+00 : f32
      %jit3A_2339 = arith.constant 1.000000e+00 : f32
      %broadcast_in_dim3A_2340 = vector.broadcast %jit3A_2338 : f32 to vector<1x256xf32>
      %broadcast_in_dim3A_2341 = vector.broadcast %jit3A_2339 : f32 to vector<1x256xf32>
      %select_n3A_2342 = arith.select %gt3A_2337, %broadcast_in_dim3A_2340, %broadcast_in_dim3A_2341 : vector<1x256xi1>, vector<1x256xf32>
      %mul3A_2343 = arith.mulf %while3A_2331, %select_n3A_2342 : vector<1x256xf32>
      %dot_general3A_2344 = arith.constant dense<0.000000e+00> : vector<1x256xf32>
      %dot_general3A_2345 = tpu.matmul %mul3A_2343, %mul3A_707, %dot_general3A_2344 {dimension_numbers = #tpu.dot_dimension_numbers<[1], [0], [0], [1], [0, 0, 1, 1], [], []>, transpose_lhs_hint = false} : vector<1x256xf32>, vector<256x256xf32>, vector<1x256xf32> -> vector<1x256xf32>
      %add3A_2346 = arith.addf %while3A_2332, %mul3A_2343 : vector<1x256xf32>
      %sub3A_2347 = arith.constant 1.000000e+00 : f32
      %sub3A_2348 = vector.broadcast %sub3A_2347 : f32 to vector<1x256xf32>
      %sub3A_2349 = arith.subf %sub3A_2348, %mul3A_2343 : vector<1x256xf32>
      %mul3A_2350 = arith.mulf %while3A_2331, %sub3A_2349 : vector<1x256xf32>
      %gt3A_2351 = arith.constant 5.000000e-01 : f32
      %gt3A_2352 = vector.broadcast %gt3A_2351 : f32 to vector<1x256xf32>
      %gt3A_2353 = arith.cmpf ogt, %dot_general3A_2345, %gt3A_2352 : vector<1x256xf32>
      %jit3A_2354 = arith.constant 0.000000e+00 : f32
      %jit3A_2355 = arith.constant 1.000000e+00 : f32
      %broadcast_in_dim3A_2356 = vector.broadcast %jit3A_2354 : f32 to vector<1x256xf32>
      %broadcast_in_dim3A_2357 = vector.broadcast %jit3A_2355 : f32 to vector<1x256xf32>
      %select_n3A_2358 = arith.select %gt3A_2353, %broadcast_in_dim3A_2356, %broadcast_in_dim3A_2357 : vector<1x256xi1>, vector<1x256xf32>
      %mul3A_2359 = arith.mulf %mul3A_2350, %select_n3A_2358 : vector<1x256xf32>
      scf.yield %mul3A_2359, %add3A_2346 : vector<1x256xf32>, vector<1x256xf32>
    }
    %swap3A_720 = arith.constant 10 : index
    %swap3A_721 = arith.constant 0 : index
    %swap3A_722 = vector.load %arg8[%swap3A_720, %swap3A_721] : memref<20x256xf32, #tpu.memory_space<vmem>>, vector<1x256xf32>
    tpu.vector_store %arg8[%swap3A_720, %swap3A_721], %while3A_719#1 {strides = array<i32>} : memref<20x256xf32, #tpu.memory_space<vmem>>, vector<1x256xf32>,
    %get3A_723 = arith.constant 11 : index
    %get3A_724 = arith.constant 0 : index
    %get3A_725 = vector.load %arg1[%get3A_723, %get3A_724] : memref<20x256xf32, #tpu.memory_space<vmem>>, vector<1x256xf32>
    %get3A_726 = arith.constant 11 : index
    %get3A_727 = arith.constant 0 : index
    %get3A_728 = vector.load %arg2[%get3A_726, %get3A_727] : memref<20x256xf32, #tpu.memory_space<vmem>>, vector<1x256xf32>
    %get3A_729 = arith.constant 11 : index
    %get3A_730 = arith.constant 0 : index
    %get3A_731 = vector.load %arg0[%get3A_729, %get3A_730] : memref<20x256xf32, #tpu.memory_space<vmem>>, vector<1x256xf32>
    %get3A_732 = arith.constant 2816 : index
    %get3A_733 = arith.constant 0 : index
    %get3A_734 = vector.load %arg4[%get3A_732, %get3A_733] : memref<5120x1xf32, #tpu.memory_space<vmem>>, vector<256x1xf32>
    %get3A_735 = arith.constant 2816 : index
    %get3A_736 = arith.constant 0 : index
    %get3A_737 = vector.load %arg5[%get3A_735, %get3A_736] : memref<5120x1xf32, #tpu.memory_space<vmem>>, vector<256x1xf32>
    %ge3A_738 = arith.constant 2.000000e-01 : f32
    %ge3A_739 = vector.broadcast %ge3A_738 : f32 to vector<1x256xf32>
    %ge3A_740 = arith.cmpf oge, %get3A_731, %ge3A_739 : vector<1x256xf32>
    %jit3A_741 = arith.constant 1.000000e+00 : f32
    %jit3A_742 = arith.constant 0.000000e+00 : f32
    %broadcast_in_dim3A_743 = vector.broadcast %jit3A_741 : f32 to vector<1x256xf32>
    %broadcast_in_dim3A_744 = vector.broadcast %jit3A_742 : f32 to vector<1x256xf32>
    %select_n3A_745 = arith.select %ge3A_740, %broadcast_in_dim3A_743, %broadcast_in_dim3A_744 : vector<1x256xi1>, vector<1x256xf32>
    %broadcast_in_dim3A_746 = arith.constant 0.000000e+00 : f32
    %broadcast_in_dim3A_747 = vector.broadcast %broadcast_in_dim3A_746 : f32 to vector<1x256xf32>
    %scan3A_748 = arith.constant 0 : i32
    %scan3A_749 = arith.constant 11 : i32
    %scan3A_750 = arith.addi %scan3A_748, %scan3A_749 : i32
    %scan3A_751 = arith.constant 1 : i32
    %scan3A_752 = scf.for %scan3A_2331 = %scan3A_748 to %scan3A_750 step %scan3A_751 iter_args(%scan3A_2332 = %broadcast_in_dim3A_747) -> (vector<1x256xf32>)  : i32 {
      %mul3A_2333 = arith.constant 256 : i32
      %mul3A_2334 = arith.muli %scan3A_2331, %mul3A_2333 : i32
      %get3A_2335 = arith.index_cast %mul3A_2334 : i32 to index
      %get3A_2336 = arith.constant 0 : index
      %get3A_2337 = vector.load %arg4[%get3A_2335, %get3A_2336] : memref<5120x1xf32, #tpu.memory_space<vmem>>, vector<256x1xf32>
      %get3A_2338 = arith.index_cast %mul3A_2334 : i32 to index
      %get3A_2339 = arith.constant 0 : index
      %get3A_2340 = vector.load %arg5[%get3A_2338, %get3A_2339] : memref<5120x1xf32, #tpu.memory_space<vmem>>, vector<256x1xf32>
      %get3A_2341 = arith.index_cast %scan3A_2331 : i32 to index
      %get3A_2342 = arith.constant 0 : index
      %get3A_2343 = vector.load %arg8[%get3A_2341, %get3A_2342] : memref<20x256xf32, #tpu.memory_space<vmem>>, vector<1x256xf32>
      %sub3A_2344 = vector.broadcast %get3A_2337 : vector<256x1xf32> to vector<256x256xf32>
      %sub3A_2345 = vector.broadcast %get3A_725 : vector<1x256xf32> to vector<256x256xf32>
      %sub3A_2346 = arith.subf %sub3A_2344, %sub3A_2345 : vector<256x256xf32>
      %sub3A_2347 = vector.broadcast %get3A_2340 : vector<256x1xf32> to vector<256x256xf32>
      %sub3A_2348 = vector.broadcast %get3A_728 : vector<1x256xf32> to vector<256x256xf32>
      %sub3A_2349 = arith.subf %sub3A_2347, %sub3A_2348 : vector<256x256xf32>
      %mul3A_2350 = arith.mulf %sub3A_2346, %sub3A_2346 : vector<256x256xf32>
      %mul3A_2351 = arith.mulf %sub3A_2349, %sub3A_2349 : vector<256x256xf32>
      %add3A_2352 = arith.addf %mul3A_2350, %mul3A_2351 : vector<256x256xf32>
      %lt3A_2353 = arith.constant 6.400000e+01 : f32
      %lt3A_2354 = vector.broadcast %lt3A_2353 : f32 to vector<256x256xf32>
      %lt3A_2355 = arith.cmpf olt, %add3A_2352, %lt3A_2354 : vector<256x256xf32>
      %jit3A_2356 = arith.constant 1.000000e+00 : f32
      %jit3A_2357 = arith.constant 0.000000e+00 : f32
      %broadcast_in_dim3A_2358 = vector.broadcast %jit3A_2356 : f32 to vector<256x256xf32>
      %broadcast_in_dim3A_2359 = vector.broadcast %jit3A_2357 : f32 to vector<256x256xf32>
      %select_n3A_2360 = arith.select %lt3A_2355, %broadcast_in_dim3A_2358, %broadcast_in_dim3A_2359 : vector<256x256xi1>, vector<256x256xf32>
      %dot_general3A_2361 = arith.constant dense<0.000000e+00> : vector<1x256xf32>
      %dot_general3A_2362 = tpu.matmul %get3A_2343, %select_n3A_2360, %dot_general3A_2361 {dimension_numbers = #tpu.dot_dimension_numbers<[1], [0], [0], [1], [0, 0, 1, 1], [], []>, transpose_lhs_hint = false} : vector<1x256xf32>, vector<256x256xf32>, vector<1x256xf32> -> vector<1x256xf32>
      %add3A_2363 = arith.addf %scan3A_2332, %dot_general3A_2362 : vector<1x256xf32>
      scf.yield %add3A_2363 : vector<1x256xf32>
    }
    %scan3A_753 = arith.constant 11 : i32
    %sub3A_754 = vector.broadcast %get3A_734 : vector<256x1xf32> to vector<256x256xf32>
    %sub3A_755 = vector.broadcast %get3A_725 : vector<1x256xf32> to vector<256x256xf32>
    %sub3A_756 = arith.subf %sub3A_754, %sub3A_755 : vector<256x256xf32>
    %sub3A_757 = vector.broadcast %get3A_737 : vector<256x1xf32> to vector<256x256xf32>
    %sub3A_758 = vector.broadcast %get3A_728 : vector<1x256xf32> to vector<256x256xf32>
    %sub3A_759 = arith.subf %sub3A_757, %sub3A_758 : vector<256x256xf32>
    %mul3A_760 = arith.mulf %sub3A_756, %sub3A_756 : vector<256x256xf32>
    %mul3A_761 = arith.mulf %sub3A_759, %sub3A_759 : vector<256x256xf32>
    %add3A_762 = arith.addf %mul3A_760, %mul3A_761 : vector<256x256xf32>
    %lt3A_763 = arith.constant 6.400000e+01 : f32
    %lt3A_764 = vector.broadcast %lt3A_763 : f32 to vector<256x256xf32>
    %lt3A_765 = arith.cmpf olt, %add3A_762, %lt3A_764 : vector<256x256xf32>
    %jit3A_766 = arith.constant 1.000000e+00 : f32
    %jit3A_767 = arith.constant 0.000000e+00 : f32
    %broadcast_in_dim3A_768 = vector.broadcast %jit3A_766 : f32 to vector<256x256xf32>
    %broadcast_in_dim3A_769 = vector.broadcast %jit3A_767 : f32 to vector<256x256xf32>
    %select_n3A_770 = arith.select %lt3A_765, %broadcast_in_dim3A_768, %broadcast_in_dim3A_769 : vector<256x256xi1>, vector<256x256xf32>
    %mul3A_771 = arith.mulf %select_n3A_770, %select_n3A : vector<256x256xf32>
    %gt3A_772 = arith.constant 5.000000e-01 : f32
    %gt3A_773 = vector.broadcast %gt3A_772 : f32 to vector<1x256xf32>
    %gt3A_774 = arith.cmpf ogt, %scan3A_752, %gt3A_773 : vector<1x256xf32>
    %jit3A_775 = arith.constant 0.000000e+00 : f32
    %jit3A_776 = arith.constant 1.000000e+00 : f32
    %broadcast_in_dim3A_777 = vector.broadcast %jit3A_775 : f32 to vector<1x256xf32>
    %broadcast_in_dim3A_778 = vector.broadcast %jit3A_776 : f32 to vector<1x256xf32>
    %select_n3A_779 = arith.select %gt3A_774, %broadcast_in_dim3A_777, %broadcast_in_dim3A_778 : vector<1x256xi1>, vector<1x256xf32>
    %mul3A_780 = arith.mulf %select_n3A_745, %select_n3A_779 : vector<1x256xf32>
    %broadcast_in_dim3A_781 = arith.constant 0.000000e+00 : f32
    %broadcast_in_dim3A_782 = vector.broadcast %broadcast_in_dim3A_781 : f32 to vector<1x256xf32>
    %while3A_783:2 = scf.while (%while3A_2331 = %mul3A_780, %while3A_2332 = %broadcast_in_dim3A_782) : (vector<1x256xf32>, vector<1x256xf32>) -> (vector<1x256xf32>, vector<1x256xf32>) {
      %reduce_sum3A_2333 = vector.shape_cast %while3A_2331 : vector<1x256xf32> to vector<1x1x256xf32>
      %reduce_sum3A_2334 = arith.constant dense<0.000000e+00> : vector<1xf32>
      %reduce_sum3A_2335 = vector.multi_reduction <add>, %reduce_sum3A_2333, %reduce_sum3A_2334 [1, 2] : vector<1x1x256xf32> to vector<1xf32>
      %reduce_sum3A_2336 = vector.shape_cast %reduce_sum3A_2335 : vector<1xf32> to vector<1x1x1xf32>
      %reduce_sum3A_2337 = vector.extract %reduce_sum3A_2336[0, 0, 0] : f32 from vector<1x1x1xf32>
      %gt3A_2338 = arith.constant 0.000000e+00 : f32
      %gt3A_2339 = arith.cmpf ogt, %reduce_sum3A_2337, %gt3A_2338 : f32
      scf.condition(%gt3A_2339) %while3A_2331, %while3A_2332 : vector<1x256xf32>, vector<1x256xf32>
    } do {
    ^bb0(%while3A_2331: vector<1x256xf32>, %while3A_2332: vector<1x256xf32>):
      %dot_general3A_2333 = arith.constant dense<0.000000e+00> : vector<1x256xf32>
      %dot_general3A_2334 = tpu.matmul %while3A_2331, %mul3A_771, %dot_general3A_2333 {dimension_numbers = #tpu.dot_dimension_numbers<[1], [0], [0], [1], [0, 0, 1, 1], [], []>, transpose_lhs_hint = false} : vector<1x256xf32>, vector<256x256xf32>, vector<1x256xf32> -> vector<1x256xf32>
      %gt3A_2335 = arith.constant 5.000000e-01 : f32
      %gt3A_2336 = vector.broadcast %gt3A_2335 : f32 to vector<1x256xf32>
      %gt3A_2337 = arith.cmpf ogt, %dot_general3A_2334, %gt3A_2336 : vector<1x256xf32>
      %jit3A_2338 = arith.constant 0.000000e+00 : f32
      %jit3A_2339 = arith.constant 1.000000e+00 : f32
      %broadcast_in_dim3A_2340 = vector.broadcast %jit3A_2338 : f32 to vector<1x256xf32>
      %broadcast_in_dim3A_2341 = vector.broadcast %jit3A_2339 : f32 to vector<1x256xf32>
      %select_n3A_2342 = arith.select %gt3A_2337, %broadcast_in_dim3A_2340, %broadcast_in_dim3A_2341 : vector<1x256xi1>, vector<1x256xf32>
      %mul3A_2343 = arith.mulf %while3A_2331, %select_n3A_2342 : vector<1x256xf32>
      %dot_general3A_2344 = arith.constant dense<0.000000e+00> : vector<1x256xf32>
      %dot_general3A_2345 = tpu.matmul %mul3A_2343, %mul3A_771, %dot_general3A_2344 {dimension_numbers = #tpu.dot_dimension_numbers<[1], [0], [0], [1], [0, 0, 1, 1], [], []>, transpose_lhs_hint = false} : vector<1x256xf32>, vector<256x256xf32>, vector<1x256xf32> -> vector<1x256xf32>
      %add3A_2346 = arith.addf %while3A_2332, %mul3A_2343 : vector<1x256xf32>
      %sub3A_2347 = arith.constant 1.000000e+00 : f32
      %sub3A_2348 = vector.broadcast %sub3A_2347 : f32 to vector<1x256xf32>
      %sub3A_2349 = arith.subf %sub3A_2348, %mul3A_2343 : vector<1x256xf32>
      %mul3A_2350 = arith.mulf %while3A_2331, %sub3A_2349 : vector<1x256xf32>
      %gt3A_2351 = arith.constant 5.000000e-01 : f32
      %gt3A_2352 = vector.broadcast %gt3A_2351 : f32 to vector<1x256xf32>
      %gt3A_2353 = arith.cmpf ogt, %dot_general3A_2345, %gt3A_2352 : vector<1x256xf32>
      %jit3A_2354 = arith.constant 0.000000e+00 : f32
      %jit3A_2355 = arith.constant 1.000000e+00 : f32
      %broadcast_in_dim3A_2356 = vector.broadcast %jit3A_2354 : f32 to vector<1x256xf32>
      %broadcast_in_dim3A_2357 = vector.broadcast %jit3A_2355 : f32 to vector<1x256xf32>
      %select_n3A_2358 = arith.select %gt3A_2353, %broadcast_in_dim3A_2356, %broadcast_in_dim3A_2357 : vector<1x256xi1>, vector<1x256xf32>
      %mul3A_2359 = arith.mulf %mul3A_2350, %select_n3A_2358 : vector<1x256xf32>
      scf.yield %mul3A_2359, %add3A_2346 : vector<1x256xf32>, vector<1x256xf32>
    }
    %swap3A_784 = arith.constant 11 : index
    %swap3A_785 = arith.constant 0 : index
    %swap3A_786 = vector.load %arg8[%swap3A_784, %swap3A_785] : memref<20x256xf32, #tpu.memory_space<vmem>>, vector<1x256xf32>
    tpu.vector_store %arg8[%swap3A_784, %swap3A_785], %while3A_783#1 {strides = array<i32>} : memref<20x256xf32, #tpu.memory_space<vmem>>, vector<1x256xf32>,
    %get3A_787 = arith.constant 12 : index
    %get3A_788 = arith.constant 0 : index
    %get3A_789 = vector.load %arg1[%get3A_787, %get3A_788] : memref<20x256xf32, #tpu.memory_space<vmem>>, vector<1x256xf32>
    %get3A_790 = arith.constant 12 : index
    %get3A_791 = arith.constant 0 : index
    %get3A_792 = vector.load %arg2[%get3A_790, %get3A_791] : memref<20x256xf32, #tpu.memory_space<vmem>>, vector<1x256xf32>
    %get3A_793 = arith.constant 12 : index
    %get3A_794 = arith.constant 0 : index
    %get3A_795 = vector.load %arg0[%get3A_793, %get3A_794] : memref<20x256xf32, #tpu.memory_space<vmem>>, vector<1x256xf32>
    %get3A_796 = arith.constant 3072 : index
    %get3A_797 = arith.constant 0 : index
    %get3A_798 = vector.load %arg4[%get3A_796, %get3A_797] : memref<5120x1xf32, #tpu.memory_space<vmem>>, vector<256x1xf32>
    %get3A_799 = arith.constant 3072 : index
    %get3A_800 = arith.constant 0 : index
    %get3A_801 = vector.load %arg5[%get3A_799, %get3A_800] : memref<5120x1xf32, #tpu.memory_space<vmem>>, vector<256x1xf32>
    %ge3A_802 = arith.constant 2.000000e-01 : f32
    %ge3A_803 = vector.broadcast %ge3A_802 : f32 to vector<1x256xf32>
    %ge3A_804 = arith.cmpf oge, %get3A_795, %ge3A_803 : vector<1x256xf32>
    %jit3A_805 = arith.constant 1.000000e+00 : f32
    %jit3A_806 = arith.constant 0.000000e+00 : f32
    %broadcast_in_dim3A_807 = vector.broadcast %jit3A_805 : f32 to vector<1x256xf32>
    %broadcast_in_dim3A_808 = vector.broadcast %jit3A_806 : f32 to vector<1x256xf32>
    %select_n3A_809 = arith.select %ge3A_804, %broadcast_in_dim3A_807, %broadcast_in_dim3A_808 : vector<1x256xi1>, vector<1x256xf32>
    %broadcast_in_dim3A_810 = arith.constant 0.000000e+00 : f32
    %broadcast_in_dim3A_811 = vector.broadcast %broadcast_in_dim3A_810 : f32 to vector<1x256xf32>
    %scan3A_812 = arith.constant 0 : i32
    %scan3A_813 = arith.constant 12 : i32
    %scan3A_814 = arith.addi %scan3A_812, %scan3A_813 : i32
    %scan3A_815 = arith.constant 1 : i32
    %scan3A_816 = scf.for %scan3A_2331 = %scan3A_812 to %scan3A_814 step %scan3A_815 iter_args(%scan3A_2332 = %broadcast_in_dim3A_811) -> (vector<1x256xf32>)  : i32 {
      %mul3A_2333 = arith.constant 256 : i32
      %mul3A_2334 = arith.muli %scan3A_2331, %mul3A_2333 : i32
      %get3A_2335 = arith.index_cast %mul3A_2334 : i32 to index
      %get3A_2336 = arith.constant 0 : index
      %get3A_2337 = vector.load %arg4[%get3A_2335, %get3A_2336] : memref<5120x1xf32, #tpu.memory_space<vmem>>, vector<256x1xf32>
      %get3A_2338 = arith.index_cast %mul3A_2334 : i32 to index
      %get3A_2339 = arith.constant 0 : index
      %get3A_2340 = vector.load %arg5[%get3A_2338, %get3A_2339] : memref<5120x1xf32, #tpu.memory_space<vmem>>, vector<256x1xf32>
      %get3A_2341 = arith.index_cast %scan3A_2331 : i32 to index
      %get3A_2342 = arith.constant 0 : index
      %get3A_2343 = vector.load %arg8[%get3A_2341, %get3A_2342] : memref<20x256xf32, #tpu.memory_space<vmem>>, vector<1x256xf32>
      %sub3A_2344 = vector.broadcast %get3A_2337 : vector<256x1xf32> to vector<256x256xf32>
      %sub3A_2345 = vector.broadcast %get3A_789 : vector<1x256xf32> to vector<256x256xf32>
      %sub3A_2346 = arith.subf %sub3A_2344, %sub3A_2345 : vector<256x256xf32>
      %sub3A_2347 = vector.broadcast %get3A_2340 : vector<256x1xf32> to vector<256x256xf32>
      %sub3A_2348 = vector.broadcast %get3A_792 : vector<1x256xf32> to vector<256x256xf32>
      %sub3A_2349 = arith.subf %sub3A_2347, %sub3A_2348 : vector<256x256xf32>
      %mul3A_2350 = arith.mulf %sub3A_2346, %sub3A_2346 : vector<256x256xf32>
      %mul3A_2351 = arith.mulf %sub3A_2349, %sub3A_2349 : vector<256x256xf32>
      %add3A_2352 = arith.addf %mul3A_2350, %mul3A_2351 : vector<256x256xf32>
      %lt3A_2353 = arith.constant 6.400000e+01 : f32
      %lt3A_2354 = vector.broadcast %lt3A_2353 : f32 to vector<256x256xf32>
      %lt3A_2355 = arith.cmpf olt, %add3A_2352, %lt3A_2354 : vector<256x256xf32>
      %jit3A_2356 = arith.constant 1.000000e+00 : f32
      %jit3A_2357 = arith.constant 0.000000e+00 : f32
      %broadcast_in_dim3A_2358 = vector.broadcast %jit3A_2356 : f32 to vector<256x256xf32>
      %broadcast_in_dim3A_2359 = vector.broadcast %jit3A_2357 : f32 to vector<256x256xf32>
      %select_n3A_2360 = arith.select %lt3A_2355, %broadcast_in_dim3A_2358, %broadcast_in_dim3A_2359 : vector<256x256xi1>, vector<256x256xf32>
      %dot_general3A_2361 = arith.constant dense<0.000000e+00> : vector<1x256xf32>
      %dot_general3A_2362 = tpu.matmul %get3A_2343, %select_n3A_2360, %dot_general3A_2361 {dimension_numbers = #tpu.dot_dimension_numbers<[1], [0], [0], [1], [0, 0, 1, 1], [], []>, transpose_lhs_hint = false} : vector<1x256xf32>, vector<256x256xf32>, vector<1x256xf32> -> vector<1x256xf32>
      %add3A_2363 = arith.addf %scan3A_2332, %dot_general3A_2362 : vector<1x256xf32>
      scf.yield %add3A_2363 : vector<1x256xf32>
    }
    %scan3A_817 = arith.constant 12 : i32
    %sub3A_818 = vector.broadcast %get3A_798 : vector<256x1xf32> to vector<256x256xf32>
    %sub3A_819 = vector.broadcast %get3A_789 : vector<1x256xf32> to vector<256x256xf32>
    %sub3A_820 = arith.subf %sub3A_818, %sub3A_819 : vector<256x256xf32>
    %sub3A_821 = vector.broadcast %get3A_801 : vector<256x1xf32> to vector<256x256xf32>
    %sub3A_822 = vector.broadcast %get3A_792 : vector<1x256xf32> to vector<256x256xf32>
    %sub3A_823 = arith.subf %sub3A_821, %sub3A_822 : vector<256x256xf32>
    %mul3A_824 = arith.mulf %sub3A_820, %sub3A_820 : vector<256x256xf32>
    %mul3A_825 = arith.mulf %sub3A_823, %sub3A_823 : vector<256x256xf32>
    %add3A_826 = arith.addf %mul3A_824, %mul3A_825 : vector<256x256xf32>
    %lt3A_827 = arith.constant 6.400000e+01 : f32
    %lt3A_828 = vector.broadcast %lt3A_827 : f32 to vector<256x256xf32>
    %lt3A_829 = arith.cmpf olt, %add3A_826, %lt3A_828 : vector<256x256xf32>
    %jit3A_830 = arith.constant 1.000000e+00 : f32
    %jit3A_831 = arith.constant 0.000000e+00 : f32
    %broadcast_in_dim3A_832 = vector.broadcast %jit3A_830 : f32 to vector<256x256xf32>
    %broadcast_in_dim3A_833 = vector.broadcast %jit3A_831 : f32 to vector<256x256xf32>
    %select_n3A_834 = arith.select %lt3A_829, %broadcast_in_dim3A_832, %broadcast_in_dim3A_833 : vector<256x256xi1>, vector<256x256xf32>
    %mul3A_835 = arith.mulf %select_n3A_834, %select_n3A : vector<256x256xf32>
    %gt3A_836 = arith.constant 5.000000e-01 : f32
    %gt3A_837 = vector.broadcast %gt3A_836 : f32 to vector<1x256xf32>
    %gt3A_838 = arith.cmpf ogt, %scan3A_816, %gt3A_837 : vector<1x256xf32>
    %jit3A_839 = arith.constant 0.000000e+00 : f32
    %jit3A_840 = arith.constant 1.000000e+00 : f32
    %broadcast_in_dim3A_841 = vector.broadcast %jit3A_839 : f32 to vector<1x256xf32>
    %broadcast_in_dim3A_842 = vector.broadcast %jit3A_840 : f32 to vector<1x256xf32>
    %select_n3A_843 = arith.select %gt3A_838, %broadcast_in_dim3A_841, %broadcast_in_dim3A_842 : vector<1x256xi1>, vector<1x256xf32>
    %mul3A_844 = arith.mulf %select_n3A_809, %select_n3A_843 : vector<1x256xf32>
    %broadcast_in_dim3A_845 = arith.constant 0.000000e+00 : f32
    %broadcast_in_dim3A_846 = vector.broadcast %broadcast_in_dim3A_845 : f32 to vector<1x256xf32>
    %while3A_847:2 = scf.while (%while3A_2331 = %mul3A_844, %while3A_2332 = %broadcast_in_dim3A_846) : (vector<1x256xf32>, vector<1x256xf32>) -> (vector<1x256xf32>, vector<1x256xf32>) {
      %reduce_sum3A_2333 = vector.shape_cast %while3A_2331 : vector<1x256xf32> to vector<1x1x256xf32>
      %reduce_sum3A_2334 = arith.constant dense<0.000000e+00> : vector<1xf32>
      %reduce_sum3A_2335 = vector.multi_reduction <add>, %reduce_sum3A_2333, %reduce_sum3A_2334 [1, 2] : vector<1x1x256xf32> to vector<1xf32>
      %reduce_sum3A_2336 = vector.shape_cast %reduce_sum3A_2335 : vector<1xf32> to vector<1x1x1xf32>
      %reduce_sum3A_2337 = vector.extract %reduce_sum3A_2336[0, 0, 0] : f32 from vector<1x1x1xf32>
      %gt3A_2338 = arith.constant 0.000000e+00 : f32
      %gt3A_2339 = arith.cmpf ogt, %reduce_sum3A_2337, %gt3A_2338 : f32
      scf.condition(%gt3A_2339) %while3A_2331, %while3A_2332 : vector<1x256xf32>, vector<1x256xf32>
    } do {
    ^bb0(%while3A_2331: vector<1x256xf32>, %while3A_2332: vector<1x256xf32>):
      %dot_general3A_2333 = arith.constant dense<0.000000e+00> : vector<1x256xf32>
      %dot_general3A_2334 = tpu.matmul %while3A_2331, %mul3A_835, %dot_general3A_2333 {dimension_numbers = #tpu.dot_dimension_numbers<[1], [0], [0], [1], [0, 0, 1, 1], [], []>, transpose_lhs_hint = false} : vector<1x256xf32>, vector<256x256xf32>, vector<1x256xf32> -> vector<1x256xf32>
      %gt3A_2335 = arith.constant 5.000000e-01 : f32
      %gt3A_2336 = vector.broadcast %gt3A_2335 : f32 to vector<1x256xf32>
      %gt3A_2337 = arith.cmpf ogt, %dot_general3A_2334, %gt3A_2336 : vector<1x256xf32>
      %jit3A_2338 = arith.constant 0.000000e+00 : f32
      %jit3A_2339 = arith.constant 1.000000e+00 : f32
      %broadcast_in_dim3A_2340 = vector.broadcast %jit3A_2338 : f32 to vector<1x256xf32>
      %broadcast_in_dim3A_2341 = vector.broadcast %jit3A_2339 : f32 to vector<1x256xf32>
      %select_n3A_2342 = arith.select %gt3A_2337, %broadcast_in_dim3A_2340, %broadcast_in_dim3A_2341 : vector<1x256xi1>, vector<1x256xf32>
      %mul3A_2343 = arith.mulf %while3A_2331, %select_n3A_2342 : vector<1x256xf32>
      %dot_general3A_2344 = arith.constant dense<0.000000e+00> : vector<1x256xf32>
      %dot_general3A_2345 = tpu.matmul %mul3A_2343, %mul3A_835, %dot_general3A_2344 {dimension_numbers = #tpu.dot_dimension_numbers<[1], [0], [0], [1], [0, 0, 1, 1], [], []>, transpose_lhs_hint = false} : vector<1x256xf32>, vector<256x256xf32>, vector<1x256xf32> -> vector<1x256xf32>
      %add3A_2346 = arith.addf %while3A_2332, %mul3A_2343 : vector<1x256xf32>
      %sub3A_2347 = arith.constant 1.000000e+00 : f32
      %sub3A_2348 = vector.broadcast %sub3A_2347 : f32 to vector<1x256xf32>
      %sub3A_2349 = arith.subf %sub3A_2348, %mul3A_2343 : vector<1x256xf32>
      %mul3A_2350 = arith.mulf %while3A_2331, %sub3A_2349 : vector<1x256xf32>
      %gt3A_2351 = arith.constant 5.000000e-01 : f32
      %gt3A_2352 = vector.broadcast %gt3A_2351 : f32 to vector<1x256xf32>
      %gt3A_2353 = arith.cmpf ogt, %dot_general3A_2345, %gt3A_2352 : vector<1x256xf32>
      %jit3A_2354 = arith.constant 0.000000e+00 : f32
      %jit3A_2355 = arith.constant 1.000000e+00 : f32
      %broadcast_in_dim3A_2356 = vector.broadcast %jit3A_2354 : f32 to vector<1x256xf32>
      %broadcast_in_dim3A_2357 = vector.broadcast %jit3A_2355 : f32 to vector<1x256xf32>
      %select_n3A_2358 = arith.select %gt3A_2353, %broadcast_in_dim3A_2356, %broadcast_in_dim3A_2357 : vector<1x256xi1>, vector<1x256xf32>
      %mul3A_2359 = arith.mulf %mul3A_2350, %select_n3A_2358 : vector<1x256xf32>
      scf.yield %mul3A_2359, %add3A_2346 : vector<1x256xf32>, vector<1x256xf32>
    }
    %swap3A_848 = arith.constant 12 : index
    %swap3A_849 = arith.constant 0 : index
    %swap3A_850 = vector.load %arg8[%swap3A_848, %swap3A_849] : memref<20x256xf32, #tpu.memory_space<vmem>>, vector<1x256xf32>
    tpu.vector_store %arg8[%swap3A_848, %swap3A_849], %while3A_847#1 {strides = array<i32>} : memref<20x256xf32, #tpu.memory_space<vmem>>, vector<1x256xf32>,
    %get3A_851 = arith.constant 13 : index
    %get3A_852 = arith.constant 0 : index
    %get3A_853 = vector.load %arg1[%get3A_851, %get3A_852] : memref<20x256xf32, #tpu.memory_space<vmem>>, vector<1x256xf32>
    %get3A_854 = arith.constant 13 : index
    %get3A_855 = arith.constant 0 : index
    %get3A_856 = vector.load %arg2[%get3A_854, %get3A_855] : memref<20x256xf32, #tpu.memory_space<vmem>>, vector<1x256xf32>
    %get3A_857 = arith.constant 13 : index
    %get3A_858 = arith.constant 0 : index
    %get3A_859 = vector.load %arg0[%get3A_857, %get3A_858] : memref<20x256xf32, #tpu.memory_space<vmem>>, vector<1x256xf32>
    %get3A_860 = arith.constant 3328 : index
    %get3A_861 = arith.constant 0 : index
    %get3A_862 = vector.load %arg4[%get3A_860, %get3A_861] : memref<5120x1xf32, #tpu.memory_space<vmem>>, vector<256x1xf32>
    %get3A_863 = arith.constant 3328 : index
    %get3A_864 = arith.constant 0 : index
    %get3A_865 = vector.load %arg5[%get3A_863, %get3A_864] : memref<5120x1xf32, #tpu.memory_space<vmem>>, vector<256x1xf32>
    %ge3A_866 = arith.constant 2.000000e-01 : f32
    %ge3A_867 = vector.broadcast %ge3A_866 : f32 to vector<1x256xf32>
    %ge3A_868 = arith.cmpf oge, %get3A_859, %ge3A_867 : vector<1x256xf32>
    %jit3A_869 = arith.constant 1.000000e+00 : f32
    %jit3A_870 = arith.constant 0.000000e+00 : f32
    %broadcast_in_dim3A_871 = vector.broadcast %jit3A_869 : f32 to vector<1x256xf32>
    %broadcast_in_dim3A_872 = vector.broadcast %jit3A_870 : f32 to vector<1x256xf32>
    %select_n3A_873 = arith.select %ge3A_868, %broadcast_in_dim3A_871, %broadcast_in_dim3A_872 : vector<1x256xi1>, vector<1x256xf32>
    %broadcast_in_dim3A_874 = arith.constant 0.000000e+00 : f32
    %broadcast_in_dim3A_875 = vector.broadcast %broadcast_in_dim3A_874 : f32 to vector<1x256xf32>
    %scan3A_876 = arith.constant 0 : i32
    %scan3A_877 = arith.constant 13 : i32
    %scan3A_878 = arith.addi %scan3A_876, %scan3A_877 : i32
    %scan3A_879 = arith.constant 1 : i32
    %scan3A_880 = scf.for %scan3A_2331 = %scan3A_876 to %scan3A_878 step %scan3A_879 iter_args(%scan3A_2332 = %broadcast_in_dim3A_875) -> (vector<1x256xf32>)  : i32 {
      %mul3A_2333 = arith.constant 256 : i32
      %mul3A_2334 = arith.muli %scan3A_2331, %mul3A_2333 : i32
      %get3A_2335 = arith.index_cast %mul3A_2334 : i32 to index
      %get3A_2336 = arith.constant 0 : index
      %get3A_2337 = vector.load %arg4[%get3A_2335, %get3A_2336] : memref<5120x1xf32, #tpu.memory_space<vmem>>, vector<256x1xf32>
      %get3A_2338 = arith.index_cast %mul3A_2334 : i32 to index
      %get3A_2339 = arith.constant 0 : index
      %get3A_2340 = vector.load %arg5[%get3A_2338, %get3A_2339] : memref<5120x1xf32, #tpu.memory_space<vmem>>, vector<256x1xf32>
      %get3A_2341 = arith.index_cast %scan3A_2331 : i32 to index
      %get3A_2342 = arith.constant 0 : index
      %get3A_2343 = vector.load %arg8[%get3A_2341, %get3A_2342] : memref<20x256xf32, #tpu.memory_space<vmem>>, vector<1x256xf32>
      %sub3A_2344 = vector.broadcast %get3A_2337 : vector<256x1xf32> to vector<256x256xf32>
      %sub3A_2345 = vector.broadcast %get3A_853 : vector<1x256xf32> to vector<256x256xf32>
      %sub3A_2346 = arith.subf %sub3A_2344, %sub3A_2345 : vector<256x256xf32>
      %sub3A_2347 = vector.broadcast %get3A_2340 : vector<256x1xf32> to vector<256x256xf32>
      %sub3A_2348 = vector.broadcast %get3A_856 : vector<1x256xf32> to vector<256x256xf32>
      %sub3A_2349 = arith.subf %sub3A_2347, %sub3A_2348 : vector<256x256xf32>
      %mul3A_2350 = arith.mulf %sub3A_2346, %sub3A_2346 : vector<256x256xf32>
      %mul3A_2351 = arith.mulf %sub3A_2349, %sub3A_2349 : vector<256x256xf32>
      %add3A_2352 = arith.addf %mul3A_2350, %mul3A_2351 : vector<256x256xf32>
      %lt3A_2353 = arith.constant 6.400000e+01 : f32
      %lt3A_2354 = vector.broadcast %lt3A_2353 : f32 to vector<256x256xf32>
      %lt3A_2355 = arith.cmpf olt, %add3A_2352, %lt3A_2354 : vector<256x256xf32>
      %jit3A_2356 = arith.constant 1.000000e+00 : f32
      %jit3A_2357 = arith.constant 0.000000e+00 : f32
      %broadcast_in_dim3A_2358 = vector.broadcast %jit3A_2356 : f32 to vector<256x256xf32>
      %broadcast_in_dim3A_2359 = vector.broadcast %jit3A_2357 : f32 to vector<256x256xf32>
      %select_n3A_2360 = arith.select %lt3A_2355, %broadcast_in_dim3A_2358, %broadcast_in_dim3A_2359 : vector<256x256xi1>, vector<256x256xf32>
      %dot_general3A_2361 = arith.constant dense<0.000000e+00> : vector<1x256xf32>
      %dot_general3A_2362 = tpu.matmul %get3A_2343, %select_n3A_2360, %dot_general3A_2361 {dimension_numbers = #tpu.dot_dimension_numbers<[1], [0], [0], [1], [0, 0, 1, 1], [], []>, transpose_lhs_hint = false} : vector<1x256xf32>, vector<256x256xf32>, vector<1x256xf32> -> vector<1x256xf32>
      %add3A_2363 = arith.addf %scan3A_2332, %dot_general3A_2362 : vector<1x256xf32>
      scf.yield %add3A_2363 : vector<1x256xf32>
    }
    %scan3A_881 = arith.constant 13 : i32
    %sub3A_882 = vector.broadcast %get3A_862 : vector<256x1xf32> to vector<256x256xf32>
    %sub3A_883 = vector.broadcast %get3A_853 : vector<1x256xf32> to vector<256x256xf32>
    %sub3A_884 = arith.subf %sub3A_882, %sub3A_883 : vector<256x256xf32>
    %sub3A_885 = vector.broadcast %get3A_865 : vector<256x1xf32> to vector<256x256xf32>
    %sub3A_886 = vector.broadcast %get3A_856 : vector<1x256xf32> to vector<256x256xf32>
    %sub3A_887 = arith.subf %sub3A_885, %sub3A_886 : vector<256x256xf32>
    %mul3A_888 = arith.mulf %sub3A_884, %sub3A_884 : vector<256x256xf32>
    %mul3A_889 = arith.mulf %sub3A_887, %sub3A_887 : vector<256x256xf32>
    %add3A_890 = arith.addf %mul3A_888, %mul3A_889 : vector<256x256xf32>
    %lt3A_891 = arith.constant 6.400000e+01 : f32
    %lt3A_892 = vector.broadcast %lt3A_891 : f32 to vector<256x256xf32>
    %lt3A_893 = arith.cmpf olt, %add3A_890, %lt3A_892 : vector<256x256xf32>
    %jit3A_894 = arith.constant 1.000000e+00 : f32
    %jit3A_895 = arith.constant 0.000000e+00 : f32
    %broadcast_in_dim3A_896 = vector.broadcast %jit3A_894 : f32 to vector<256x256xf32>
    %broadcast_in_dim3A_897 = vector.broadcast %jit3A_895 : f32 to vector<256x256xf32>
    %select_n3A_898 = arith.select %lt3A_893, %broadcast_in_dim3A_896, %broadcast_in_dim3A_897 : vector<256x256xi1>, vector<256x256xf32>
    %mul3A_899 = arith.mulf %select_n3A_898, %select_n3A : vector<256x256xf32>
    %gt3A_900 = arith.constant 5.000000e-01 : f32
    %gt3A_901 = vector.broadcast %gt3A_900 : f32 to vector<1x256xf32>
    %gt3A_902 = arith.cmpf ogt, %scan3A_880, %gt3A_901 : vector<1x256xf32>
    %jit3A_903 = arith.constant 0.000000e+00 : f32
    %jit3A_904 = arith.constant 1.000000e+00 : f32
    %broadcast_in_dim3A_905 = vector.broadcast %jit3A_903 : f32 to vector<1x256xf32>
    %broadcast_in_dim3A_906 = vector.broadcast %jit3A_904 : f32 to vector<1x256xf32>
    %select_n3A_907 = arith.select %gt3A_902, %broadcast_in_dim3A_905, %broadcast_in_dim3A_906 : vector<1x256xi1>, vector<1x256xf32>
    %mul3A_908 = arith.mulf %select_n3A_873, %select_n3A_907 : vector<1x256xf32>
    %broadcast_in_dim3A_909 = arith.constant 0.000000e+00 : f32
    %broadcast_in_dim3A_910 = vector.broadcast %broadcast_in_dim3A_909 : f32 to vector<1x256xf32>
    %while3A_911:2 = scf.while (%while3A_2331 = %mul3A_908, %while3A_2332 = %broadcast_in_dim3A_910) : (vector<1x256xf32>, vector<1x256xf32>) -> (vector<1x256xf32>, vector<1x256xf32>) {
      %reduce_sum3A_2333 = vector.shape_cast %while3A_2331 : vector<1x256xf32> to vector<1x1x256xf32>
      %reduce_sum3A_2334 = arith.constant dense<0.000000e+00> : vector<1xf32>
      %reduce_sum3A_2335 = vector.multi_reduction <add>, %reduce_sum3A_2333, %reduce_sum3A_2334 [1, 2] : vector<1x1x256xf32> to vector<1xf32>
      %reduce_sum3A_2336 = vector.shape_cast %reduce_sum3A_2335 : vector<1xf32> to vector<1x1x1xf32>
      %reduce_sum3A_2337 = vector.extract %reduce_sum3A_2336[0, 0, 0] : f32 from vector<1x1x1xf32>
      %gt3A_2338 = arith.constant 0.000000e+00 : f32
      %gt3A_2339 = arith.cmpf ogt, %reduce_sum3A_2337, %gt3A_2338 : f32
      scf.condition(%gt3A_2339) %while3A_2331, %while3A_2332 : vector<1x256xf32>, vector<1x256xf32>
    } do {
    ^bb0(%while3A_2331: vector<1x256xf32>, %while3A_2332: vector<1x256xf32>):
      %dot_general3A_2333 = arith.constant dense<0.000000e+00> : vector<1x256xf32>
      %dot_general3A_2334 = tpu.matmul %while3A_2331, %mul3A_899, %dot_general3A_2333 {dimension_numbers = #tpu.dot_dimension_numbers<[1], [0], [0], [1], [0, 0, 1, 1], [], []>, transpose_lhs_hint = false} : vector<1x256xf32>, vector<256x256xf32>, vector<1x256xf32> -> vector<1x256xf32>
      %gt3A_2335 = arith.constant 5.000000e-01 : f32
      %gt3A_2336 = vector.broadcast %gt3A_2335 : f32 to vector<1x256xf32>
      %gt3A_2337 = arith.cmpf ogt, %dot_general3A_2334, %gt3A_2336 : vector<1x256xf32>
      %jit3A_2338 = arith.constant 0.000000e+00 : f32
      %jit3A_2339 = arith.constant 1.000000e+00 : f32
      %broadcast_in_dim3A_2340 = vector.broadcast %jit3A_2338 : f32 to vector<1x256xf32>
      %broadcast_in_dim3A_2341 = vector.broadcast %jit3A_2339 : f32 to vector<1x256xf32>
      %select_n3A_2342 = arith.select %gt3A_2337, %broadcast_in_dim3A_2340, %broadcast_in_dim3A_2341 : vector<1x256xi1>, vector<1x256xf32>
      %mul3A_2343 = arith.mulf %while3A_2331, %select_n3A_2342 : vector<1x256xf32>
      %dot_general3A_2344 = arith.constant dense<0.000000e+00> : vector<1x256xf32>
      %dot_general3A_2345 = tpu.matmul %mul3A_2343, %mul3A_899, %dot_general3A_2344 {dimension_numbers = #tpu.dot_dimension_numbers<[1], [0], [0], [1], [0, 0, 1, 1], [], []>, transpose_lhs_hint = false} : vector<1x256xf32>, vector<256x256xf32>, vector<1x256xf32> -> vector<1x256xf32>
      %add3A_2346 = arith.addf %while3A_2332, %mul3A_2343 : vector<1x256xf32>
      %sub3A_2347 = arith.constant 1.000000e+00 : f32
      %sub3A_2348 = vector.broadcast %sub3A_2347 : f32 to vector<1x256xf32>
      %sub3A_2349 = arith.subf %sub3A_2348, %mul3A_2343 : vector<1x256xf32>
      %mul3A_2350 = arith.mulf %while3A_2331, %sub3A_2349 : vector<1x256xf32>
      %gt3A_2351 = arith.constant 5.000000e-01 : f32
      %gt3A_2352 = vector.broadcast %gt3A_2351 : f32 to vector<1x256xf32>
      %gt3A_2353 = arith.cmpf ogt, %dot_general3A_2345, %gt3A_2352 : vector<1x256xf32>
      %jit3A_2354 = arith.constant 0.000000e+00 : f32
      %jit3A_2355 = arith.constant 1.000000e+00 : f32
      %broadcast_in_dim3A_2356 = vector.broadcast %jit3A_2354 : f32 to vector<1x256xf32>
      %broadcast_in_dim3A_2357 = vector.broadcast %jit3A_2355 : f32 to vector<1x256xf32>
      %select_n3A_2358 = arith.select %gt3A_2353, %broadcast_in_dim3A_2356, %broadcast_in_dim3A_2357 : vector<1x256xi1>, vector<1x256xf32>
      %mul3A_2359 = arith.mulf %mul3A_2350, %select_n3A_2358 : vector<1x256xf32>
      scf.yield %mul3A_2359, %add3A_2346 : vector<1x256xf32>, vector<1x256xf32>
    }
    %swap3A_912 = arith.constant 13 : index
    %swap3A_913 = arith.constant 0 : index
    %swap3A_914 = vector.load %arg8[%swap3A_912, %swap3A_913] : memref<20x256xf32, #tpu.memory_space<vmem>>, vector<1x256xf32>
    tpu.vector_store %arg8[%swap3A_912, %swap3A_913], %while3A_911#1 {strides = array<i32>} : memref<20x256xf32, #tpu.memory_space<vmem>>, vector<1x256xf32>,
    %get3A_915 = arith.constant 14 : index
    %get3A_916 = arith.constant 0 : index
    %get3A_917 = vector.load %arg1[%get3A_915, %get3A_916] : memref<20x256xf32, #tpu.memory_space<vmem>>, vector<1x256xf32>
    %get3A_918 = arith.constant 14 : index
    %get3A_919 = arith.constant 0 : index
    %get3A_920 = vector.load %arg2[%get3A_918, %get3A_919] : memref<20x256xf32, #tpu.memory_space<vmem>>, vector<1x256xf32>
    %get3A_921 = arith.constant 14 : index
    %get3A_922 = arith.constant 0 : index
    %get3A_923 = vector.load %arg0[%get3A_921, %get3A_922] : memref<20x256xf32, #tpu.memory_space<vmem>>, vector<1x256xf32>
    %get3A_924 = arith.constant 3584 : index
    %get3A_925 = arith.constant 0 : index
    %get3A_926 = vector.load %arg4[%get3A_924, %get3A_925] : memref<5120x1xf32, #tpu.memory_space<vmem>>, vector<256x1xf32>
    %get3A_927 = arith.constant 3584 : index
    %get3A_928 = arith.constant 0 : index
    %get3A_929 = vector.load %arg5[%get3A_927, %get3A_928] : memref<5120x1xf32, #tpu.memory_space<vmem>>, vector<256x1xf32>
    %ge3A_930 = arith.constant 2.000000e-01 : f32
    %ge3A_931 = vector.broadcast %ge3A_930 : f32 to vector<1x256xf32>
    %ge3A_932 = arith.cmpf oge, %get3A_923, %ge3A_931 : vector<1x256xf32>
    %jit3A_933 = arith.constant 1.000000e+00 : f32
    %jit3A_934 = arith.constant 0.000000e+00 : f32
    %broadcast_in_dim3A_935 = vector.broadcast %jit3A_933 : f32 to vector<1x256xf32>
    %broadcast_in_dim3A_936 = vector.broadcast %jit3A_934 : f32 to vector<1x256xf32>
    %select_n3A_937 = arith.select %ge3A_932, %broadcast_in_dim3A_935, %broadcast_in_dim3A_936 : vector<1x256xi1>, vector<1x256xf32>
    %broadcast_in_dim3A_938 = arith.constant 0.000000e+00 : f32
    %broadcast_in_dim3A_939 = vector.broadcast %broadcast_in_dim3A_938 : f32 to vector<1x256xf32>
    %scan3A_940 = arith.constant 0 : i32
    %scan3A_941 = arith.constant 14 : i32
    %scan3A_942 = arith.addi %scan3A_940, %scan3A_941 : i32
    %scan3A_943 = arith.constant 1 : i32
    %scan3A_944 = scf.for %scan3A_2331 = %scan3A_940 to %scan3A_942 step %scan3A_943 iter_args(%scan3A_2332 = %broadcast_in_dim3A_939) -> (vector<1x256xf32>)  : i32 {
      %mul3A_2333 = arith.constant 256 : i32
      %mul3A_2334 = arith.muli %scan3A_2331, %mul3A_2333 : i32
      %get3A_2335 = arith.index_cast %mul3A_2334 : i32 to index
      %get3A_2336 = arith.constant 0 : index
      %get3A_2337 = vector.load %arg4[%get3A_2335, %get3A_2336] : memref<5120x1xf32, #tpu.memory_space<vmem>>, vector<256x1xf32>
      %get3A_2338 = arith.index_cast %mul3A_2334 : i32 to index
      %get3A_2339 = arith.constant 0 : index
      %get3A_2340 = vector.load %arg5[%get3A_2338, %get3A_2339] : memref<5120x1xf32, #tpu.memory_space<vmem>>, vector<256x1xf32>
      %get3A_2341 = arith.index_cast %scan3A_2331 : i32 to index
      %get3A_2342 = arith.constant 0 : index
      %get3A_2343 = vector.load %arg8[%get3A_2341, %get3A_2342] : memref<20x256xf32, #tpu.memory_space<vmem>>, vector<1x256xf32>
      %sub3A_2344 = vector.broadcast %get3A_2337 : vector<256x1xf32> to vector<256x256xf32>
      %sub3A_2345 = vector.broadcast %get3A_917 : vector<1x256xf32> to vector<256x256xf32>
      %sub3A_2346 = arith.subf %sub3A_2344, %sub3A_2345 : vector<256x256xf32>
      %sub3A_2347 = vector.broadcast %get3A_2340 : vector<256x1xf32> to vector<256x256xf32>
      %sub3A_2348 = vector.broadcast %get3A_920 : vector<1x256xf32> to vector<256x256xf32>
      %sub3A_2349 = arith.subf %sub3A_2347, %sub3A_2348 : vector<256x256xf32>
      %mul3A_2350 = arith.mulf %sub3A_2346, %sub3A_2346 : vector<256x256xf32>
      %mul3A_2351 = arith.mulf %sub3A_2349, %sub3A_2349 : vector<256x256xf32>
      %add3A_2352 = arith.addf %mul3A_2350, %mul3A_2351 : vector<256x256xf32>
      %lt3A_2353 = arith.constant 6.400000e+01 : f32
      %lt3A_2354 = vector.broadcast %lt3A_2353 : f32 to vector<256x256xf32>
      %lt3A_2355 = arith.cmpf olt, %add3A_2352, %lt3A_2354 : vector<256x256xf32>
      %jit3A_2356 = arith.constant 1.000000e+00 : f32
      %jit3A_2357 = arith.constant 0.000000e+00 : f32
      %broadcast_in_dim3A_2358 = vector.broadcast %jit3A_2356 : f32 to vector<256x256xf32>
      %broadcast_in_dim3A_2359 = vector.broadcast %jit3A_2357 : f32 to vector<256x256xf32>
      %select_n3A_2360 = arith.select %lt3A_2355, %broadcast_in_dim3A_2358, %broadcast_in_dim3A_2359 : vector<256x256xi1>, vector<256x256xf32>
      %dot_general3A_2361 = arith.constant dense<0.000000e+00> : vector<1x256xf32>
      %dot_general3A_2362 = tpu.matmul %get3A_2343, %select_n3A_2360, %dot_general3A_2361 {dimension_numbers = #tpu.dot_dimension_numbers<[1], [0], [0], [1], [0, 0, 1, 1], [], []>, transpose_lhs_hint = false} : vector<1x256xf32>, vector<256x256xf32>, vector<1x256xf32> -> vector<1x256xf32>
      %add3A_2363 = arith.addf %scan3A_2332, %dot_general3A_2362 : vector<1x256xf32>
      scf.yield %add3A_2363 : vector<1x256xf32>
    }
    %scan3A_945 = arith.constant 14 : i32
    %sub3A_946 = vector.broadcast %get3A_926 : vector<256x1xf32> to vector<256x256xf32>
    %sub3A_947 = vector.broadcast %get3A_917 : vector<1x256xf32> to vector<256x256xf32>
    %sub3A_948 = arith.subf %sub3A_946, %sub3A_947 : vector<256x256xf32>
    %sub3A_949 = vector.broadcast %get3A_929 : vector<256x1xf32> to vector<256x256xf32>
    %sub3A_950 = vector.broadcast %get3A_920 : vector<1x256xf32> to vector<256x256xf32>
    %sub3A_951 = arith.subf %sub3A_949, %sub3A_950 : vector<256x256xf32>
    %mul3A_952 = arith.mulf %sub3A_948, %sub3A_948 : vector<256x256xf32>
    %mul3A_953 = arith.mulf %sub3A_951, %sub3A_951 : vector<256x256xf32>
    %add3A_954 = arith.addf %mul3A_952, %mul3A_953 : vector<256x256xf32>
    %lt3A_955 = arith.constant 6.400000e+01 : f32
    %lt3A_956 = vector.broadcast %lt3A_955 : f32 to vector<256x256xf32>
    %lt3A_957 = arith.cmpf olt, %add3A_954, %lt3A_956 : vector<256x256xf32>
    %jit3A_958 = arith.constant 1.000000e+00 : f32
    %jit3A_959 = arith.constant 0.000000e+00 : f32
    %broadcast_in_dim3A_960 = vector.broadcast %jit3A_958 : f32 to vector<256x256xf32>
    %broadcast_in_dim3A_961 = vector.broadcast %jit3A_959 : f32 to vector<256x256xf32>
    %select_n3A_962 = arith.select %lt3A_957, %broadcast_in_dim3A_960, %broadcast_in_dim3A_961 : vector<256x256xi1>, vector<256x256xf32>
    %mul3A_963 = arith.mulf %select_n3A_962, %select_n3A : vector<256x256xf32>
    %gt3A_964 = arith.constant 5.000000e-01 : f32
    %gt3A_965 = vector.broadcast %gt3A_964 : f32 to vector<1x256xf32>
    %gt3A_966 = arith.cmpf ogt, %scan3A_944, %gt3A_965 : vector<1x256xf32>
    %jit3A_967 = arith.constant 0.000000e+00 : f32
    %jit3A_968 = arith.constant 1.000000e+00 : f32
    %broadcast_in_dim3A_969 = vector.broadcast %jit3A_967 : f32 to vector<1x256xf32>
    %broadcast_in_dim3A_970 = vector.broadcast %jit3A_968 : f32 to vector<1x256xf32>
    %select_n3A_971 = arith.select %gt3A_966, %broadcast_in_dim3A_969, %broadcast_in_dim3A_970 : vector<1x256xi1>, vector<1x256xf32>
    %mul3A_972 = arith.mulf %select_n3A_937, %select_n3A_971 : vector<1x256xf32>
    %broadcast_in_dim3A_973 = arith.constant 0.000000e+00 : f32
    %broadcast_in_dim3A_974 = vector.broadcast %broadcast_in_dim3A_973 : f32 to vector<1x256xf32>
    %while3A_975:2 = scf.while (%while3A_2331 = %mul3A_972, %while3A_2332 = %broadcast_in_dim3A_974) : (vector<1x256xf32>, vector<1x256xf32>) -> (vector<1x256xf32>, vector<1x256xf32>) {
      %reduce_sum3A_2333 = vector.shape_cast %while3A_2331 : vector<1x256xf32> to vector<1x1x256xf32>
      %reduce_sum3A_2334 = arith.constant dense<0.000000e+00> : vector<1xf32>
      %reduce_sum3A_2335 = vector.multi_reduction <add>, %reduce_sum3A_2333, %reduce_sum3A_2334 [1, 2] : vector<1x1x256xf32> to vector<1xf32>
      %reduce_sum3A_2336 = vector.shape_cast %reduce_sum3A_2335 : vector<1xf32> to vector<1x1x1xf32>
      %reduce_sum3A_2337 = vector.extract %reduce_sum3A_2336[0, 0, 0] : f32 from vector<1x1x1xf32>
      %gt3A_2338 = arith.constant 0.000000e+00 : f32
      %gt3A_2339 = arith.cmpf ogt, %reduce_sum3A_2337, %gt3A_2338 : f32
      scf.condition(%gt3A_2339) %while3A_2331, %while3A_2332 : vector<1x256xf32>, vector<1x256xf32>
    } do {
    ^bb0(%while3A_2331: vector<1x256xf32>, %while3A_2332: vector<1x256xf32>):
      %dot_general3A_2333 = arith.constant dense<0.000000e+00> : vector<1x256xf32>
      %dot_general3A_2334 = tpu.matmul %while3A_2331, %mul3A_963, %dot_general3A_2333 {dimension_numbers = #tpu.dot_dimension_numbers<[1], [0], [0], [1], [0, 0, 1, 1], [], []>, transpose_lhs_hint = false} : vector<1x256xf32>, vector<256x256xf32>, vector<1x256xf32> -> vector<1x256xf32>
      %gt3A_2335 = arith.constant 5.000000e-01 : f32
      %gt3A_2336 = vector.broadcast %gt3A_2335 : f32 to vector<1x256xf32>
      %gt3A_2337 = arith.cmpf ogt, %dot_general3A_2334, %gt3A_2336 : vector<1x256xf32>
      %jit3A_2338 = arith.constant 0.000000e+00 : f32
      %jit3A_2339 = arith.constant 1.000000e+00 : f32
      %broadcast_in_dim3A_2340 = vector.broadcast %jit3A_2338 : f32 to vector<1x256xf32>
      %broadcast_in_dim3A_2341 = vector.broadcast %jit3A_2339 : f32 to vector<1x256xf32>
      %select_n3A_2342 = arith.select %gt3A_2337, %broadcast_in_dim3A_2340, %broadcast_in_dim3A_2341 : vector<1x256xi1>, vector<1x256xf32>
      %mul3A_2343 = arith.mulf %while3A_2331, %select_n3A_2342 : vector<1x256xf32>
      %dot_general3A_2344 = arith.constant dense<0.000000e+00> : vector<1x256xf32>
      %dot_general3A_2345 = tpu.matmul %mul3A_2343, %mul3A_963, %dot_general3A_2344 {dimension_numbers = #tpu.dot_dimension_numbers<[1], [0], [0], [1], [0, 0, 1, 1], [], []>, transpose_lhs_hint = false} : vector<1x256xf32>, vector<256x256xf32>, vector<1x256xf32> -> vector<1x256xf32>
      %add3A_2346 = arith.addf %while3A_2332, %mul3A_2343 : vector<1x256xf32>
      %sub3A_2347 = arith.constant 1.000000e+00 : f32
      %sub3A_2348 = vector.broadcast %sub3A_2347 : f32 to vector<1x256xf32>
      %sub3A_2349 = arith.subf %sub3A_2348, %mul3A_2343 : vector<1x256xf32>
      %mul3A_2350 = arith.mulf %while3A_2331, %sub3A_2349 : vector<1x256xf32>
      %gt3A_2351 = arith.constant 5.000000e-01 : f32
      %gt3A_2352 = vector.broadcast %gt3A_2351 : f32 to vector<1x256xf32>
      %gt3A_2353 = arith.cmpf ogt, %dot_general3A_2345, %gt3A_2352 : vector<1x256xf32>
      %jit3A_2354 = arith.constant 0.000000e+00 : f32
      %jit3A_2355 = arith.constant 1.000000e+00 : f32
      %broadcast_in_dim3A_2356 = vector.broadcast %jit3A_2354 : f32 to vector<1x256xf32>
      %broadcast_in_dim3A_2357 = vector.broadcast %jit3A_2355 : f32 to vector<1x256xf32>
      %select_n3A_2358 = arith.select %gt3A_2353, %broadcast_in_dim3A_2356, %broadcast_in_dim3A_2357 : vector<1x256xi1>, vector<1x256xf32>
      %mul3A_2359 = arith.mulf %mul3A_2350, %select_n3A_2358 : vector<1x256xf32>
      scf.yield %mul3A_2359, %add3A_2346 : vector<1x256xf32>, vector<1x256xf32>
    }
    %swap3A_976 = arith.constant 14 : index
    %swap3A_977 = arith.constant 0 : index
    %swap3A_978 = vector.load %arg8[%swap3A_976, %swap3A_977] : memref<20x256xf32, #tpu.memory_space<vmem>>, vector<1x256xf32>
    tpu.vector_store %arg8[%swap3A_976, %swap3A_977], %while3A_975#1 {strides = array<i32>} : memref<20x256xf32, #tpu.memory_space<vmem>>, vector<1x256xf32>,
    %get3A_979 = arith.constant 15 : index
    %get3A_980 = arith.constant 0 : index
    %get3A_981 = vector.load %arg1[%get3A_979, %get3A_980] : memref<20x256xf32, #tpu.memory_space<vmem>>, vector<1x256xf32>
    %get3A_982 = arith.constant 15 : index
    %get3A_983 = arith.constant 0 : index
    %get3A_984 = vector.load %arg2[%get3A_982, %get3A_983] : memref<20x256xf32, #tpu.memory_space<vmem>>, vector<1x256xf32>
    %get3A_985 = arith.constant 15 : index
    %get3A_986 = arith.constant 0 : index
    %get3A_987 = vector.load %arg0[%get3A_985, %get3A_986] : memref<20x256xf32, #tpu.memory_space<vmem>>, vector<1x256xf32>
    %get3A_988 = arith.constant 3840 : index
    %get3A_989 = arith.constant 0 : index
    %get3A_990 = vector.load %arg4[%get3A_988, %get3A_989] : memref<5120x1xf32, #tpu.memory_space<vmem>>, vector<256x1xf32>
    %get3A_991 = arith.constant 3840 : index
    %get3A_992 = arith.constant 0 : index
    %get3A_993 = vector.load %arg5[%get3A_991, %get3A_992] : memref<5120x1xf32, #tpu.memory_space<vmem>>, vector<256x1xf32>
    %ge3A_994 = arith.constant 2.000000e-01 : f32
    %ge3A_995 = vector.broadcast %ge3A_994 : f32 to vector<1x256xf32>
    %ge3A_996 = arith.cmpf oge, %get3A_987, %ge3A_995 : vector<1x256xf32>
    %jit3A_997 = arith.constant 1.000000e+00 : f32
    %jit3A_998 = arith.constant 0.000000e+00 : f32
    %broadcast_in_dim3A_999 = vector.broadcast %jit3A_997 : f32 to vector<1x256xf32>
    %broadcast_in_dim3A_1000 = vector.broadcast %jit3A_998 : f32 to vector<1x256xf32>
    %select_n3A_1001 = arith.select %ge3A_996, %broadcast_in_dim3A_999, %broadcast_in_dim3A_1000 : vector<1x256xi1>, vector<1x256xf32>
    %broadcast_in_dim3A_1002 = arith.constant 0.000000e+00 : f32
    %broadcast_in_dim3A_1003 = vector.broadcast %broadcast_in_dim3A_1002 : f32 to vector<1x256xf32>
    %scan3A_1004 = arith.constant 0 : i32
    %scan3A_1005 = arith.constant 15 : i32
    %scan3A_1006 = arith.addi %scan3A_1004, %scan3A_1005 : i32
    %scan3A_1007 = arith.constant 1 : i32
    %scan3A_1008 = scf.for %scan3A_2331 = %scan3A_1004 to %scan3A_1006 step %scan3A_1007 iter_args(%scan3A_2332 = %broadcast_in_dim3A_1003) -> (vector<1x256xf32>)  : i32 {
      %mul3A_2333 = arith.constant 256 : i32
      %mul3A_2334 = arith.muli %scan3A_2331, %mul3A_2333 : i32
      %get3A_2335 = arith.index_cast %mul3A_2334 : i32 to index
      %get3A_2336 = arith.constant 0 : index
      %get3A_2337 = vector.load %arg4[%get3A_2335, %get3A_2336] : memref<5120x1xf32, #tpu.memory_space<vmem>>, vector<256x1xf32>
      %get3A_2338 = arith.index_cast %mul3A_2334 : i32 to index
      %get3A_2339 = arith.constant 0 : index
      %get3A_2340 = vector.load %arg5[%get3A_2338, %get3A_2339] : memref<5120x1xf32, #tpu.memory_space<vmem>>, vector<256x1xf32>
      %get3A_2341 = arith.index_cast %scan3A_2331 : i32 to index
      %get3A_2342 = arith.constant 0 : index
      %get3A_2343 = vector.load %arg8[%get3A_2341, %get3A_2342] : memref<20x256xf32, #tpu.memory_space<vmem>>, vector<1x256xf32>
      %sub3A_2344 = vector.broadcast %get3A_2337 : vector<256x1xf32> to vector<256x256xf32>
      %sub3A_2345 = vector.broadcast %get3A_981 : vector<1x256xf32> to vector<256x256xf32>
      %sub3A_2346 = arith.subf %sub3A_2344, %sub3A_2345 : vector<256x256xf32>
      %sub3A_2347 = vector.broadcast %get3A_2340 : vector<256x1xf32> to vector<256x256xf32>
      %sub3A_2348 = vector.broadcast %get3A_984 : vector<1x256xf32> to vector<256x256xf32>
      %sub3A_2349 = arith.subf %sub3A_2347, %sub3A_2348 : vector<256x256xf32>
      %mul3A_2350 = arith.mulf %sub3A_2346, %sub3A_2346 : vector<256x256xf32>
      %mul3A_2351 = arith.mulf %sub3A_2349, %sub3A_2349 : vector<256x256xf32>
      %add3A_2352 = arith.addf %mul3A_2350, %mul3A_2351 : vector<256x256xf32>
      %lt3A_2353 = arith.constant 6.400000e+01 : f32
      %lt3A_2354 = vector.broadcast %lt3A_2353 : f32 to vector<256x256xf32>
      %lt3A_2355 = arith.cmpf olt, %add3A_2352, %lt3A_2354 : vector<256x256xf32>
      %jit3A_2356 = arith.constant 1.000000e+00 : f32
      %jit3A_2357 = arith.constant 0.000000e+00 : f32
      %broadcast_in_dim3A_2358 = vector.broadcast %jit3A_2356 : f32 to vector<256x256xf32>
      %broadcast_in_dim3A_2359 = vector.broadcast %jit3A_2357 : f32 to vector<256x256xf32>
      %select_n3A_2360 = arith.select %lt3A_2355, %broadcast_in_dim3A_2358, %broadcast_in_dim3A_2359 : vector<256x256xi1>, vector<256x256xf32>
      %dot_general3A_2361 = arith.constant dense<0.000000e+00> : vector<1x256xf32>
      %dot_general3A_2362 = tpu.matmul %get3A_2343, %select_n3A_2360, %dot_general3A_2361 {dimension_numbers = #tpu.dot_dimension_numbers<[1], [0], [0], [1], [0, 0, 1, 1], [], []>, transpose_lhs_hint = false} : vector<1x256xf32>, vector<256x256xf32>, vector<1x256xf32> -> vector<1x256xf32>
      %add3A_2363 = arith.addf %scan3A_2332, %dot_general3A_2362 : vector<1x256xf32>
      scf.yield %add3A_2363 : vector<1x256xf32>
    }
    %scan3A_1009 = arith.constant 15 : i32
    %sub3A_1010 = vector.broadcast %get3A_990 : vector<256x1xf32> to vector<256x256xf32>
    %sub3A_1011 = vector.broadcast %get3A_981 : vector<1x256xf32> to vector<256x256xf32>
    %sub3A_1012 = arith.subf %sub3A_1010, %sub3A_1011 : vector<256x256xf32>
    %sub3A_1013 = vector.broadcast %get3A_993 : vector<256x1xf32> to vector<256x256xf32>
    %sub3A_1014 = vector.broadcast %get3A_984 : vector<1x256xf32> to vector<256x256xf32>
    %sub3A_1015 = arith.subf %sub3A_1013, %sub3A_1014 : vector<256x256xf32>
    %mul3A_1016 = arith.mulf %sub3A_1012, %sub3A_1012 : vector<256x256xf32>
    %mul3A_1017 = arith.mulf %sub3A_1015, %sub3A_1015 : vector<256x256xf32>
    %add3A_1018 = arith.addf %mul3A_1016, %mul3A_1017 : vector<256x256xf32>
    %lt3A_1019 = arith.constant 6.400000e+01 : f32
    %lt3A_1020 = vector.broadcast %lt3A_1019 : f32 to vector<256x256xf32>
    %lt3A_1021 = arith.cmpf olt, %add3A_1018, %lt3A_1020 : vector<256x256xf32>
    %jit3A_1022 = arith.constant 1.000000e+00 : f32
    %jit3A_1023 = arith.constant 0.000000e+00 : f32
    %broadcast_in_dim3A_1024 = vector.broadcast %jit3A_1022 : f32 to vector<256x256xf32>
    %broadcast_in_dim3A_1025 = vector.broadcast %jit3A_1023 : f32 to vector<256x256xf32>
    %select_n3A_1026 = arith.select %lt3A_1021, %broadcast_in_dim3A_1024, %broadcast_in_dim3A_1025 : vector<256x256xi1>, vector<256x256xf32>
    %mul3A_1027 = arith.mulf %select_n3A_1026, %select_n3A : vector<256x256xf32>
    %gt3A_1028 = arith.constant 5.000000e-01 : f32
    %gt3A_1029 = vector.broadcast %gt3A_1028 : f32 to vector<1x256xf32>
    %gt3A_1030 = arith.cmpf ogt, %scan3A_1008, %gt3A_1029 : vector<1x256xf32>
    %jit3A_1031 = arith.constant 0.000000e+00 : f32
    %jit3A_1032 = arith.constant 1.000000e+00 : f32
    %broadcast_in_dim3A_1033 = vector.broadcast %jit3A_1031 : f32 to vector<1x256xf32>
    %broadcast_in_dim3A_1034 = vector.broadcast %jit3A_1032 : f32 to vector<1x256xf32>
    %select_n3A_1035 = arith.select %gt3A_1030, %broadcast_in_dim3A_1033, %broadcast_in_dim3A_1034 : vector<1x256xi1>, vector<1x256xf32>
    %mul3A_1036 = arith.mulf %select_n3A_1001, %select_n3A_1035 : vector<1x256xf32>
    %broadcast_in_dim3A_1037 = arith.constant 0.000000e+00 : f32
    %broadcast_in_dim3A_1038 = vector.broadcast %broadcast_in_dim3A_1037 : f32 to vector<1x256xf32>
    %while3A_1039:2 = scf.while (%while3A_2331 = %mul3A_1036, %while3A_2332 = %broadcast_in_dim3A_1038) : (vector<1x256xf32>, vector<1x256xf32>) -> (vector<1x256xf32>, vector<1x256xf32>) {
      %reduce_sum3A_2333 = vector.shape_cast %while3A_2331 : vector<1x256xf32> to vector<1x1x256xf32>
      %reduce_sum3A_2334 = arith.constant dense<0.000000e+00> : vector<1xf32>
      %reduce_sum3A_2335 = vector.multi_reduction <add>, %reduce_sum3A_2333, %reduce_sum3A_2334 [1, 2] : vector<1x1x256xf32> to vector<1xf32>
      %reduce_sum3A_2336 = vector.shape_cast %reduce_sum3A_2335 : vector<1xf32> to vector<1x1x1xf32>
      %reduce_sum3A_2337 = vector.extract %reduce_sum3A_2336[0, 0, 0] : f32 from vector<1x1x1xf32>
      %gt3A_2338 = arith.constant 0.000000e+00 : f32
      %gt3A_2339 = arith.cmpf ogt, %reduce_sum3A_2337, %gt3A_2338 : f32
      scf.condition(%gt3A_2339) %while3A_2331, %while3A_2332 : vector<1x256xf32>, vector<1x256xf32>
    } do {
    ^bb0(%while3A_2331: vector<1x256xf32>, %while3A_2332: vector<1x256xf32>):
      %dot_general3A_2333 = arith.constant dense<0.000000e+00> : vector<1x256xf32>
      %dot_general3A_2334 = tpu.matmul %while3A_2331, %mul3A_1027, %dot_general3A_2333 {dimension_numbers = #tpu.dot_dimension_numbers<[1], [0], [0], [1], [0, 0, 1, 1], [], []>, transpose_lhs_hint = false} : vector<1x256xf32>, vector<256x256xf32>, vector<1x256xf32> -> vector<1x256xf32>
      %gt3A_2335 = arith.constant 5.000000e-01 : f32
      %gt3A_2336 = vector.broadcast %gt3A_2335 : f32 to vector<1x256xf32>
      %gt3A_2337 = arith.cmpf ogt, %dot_general3A_2334, %gt3A_2336 : vector<1x256xf32>
      %jit3A_2338 = arith.constant 0.000000e+00 : f32
      %jit3A_2339 = arith.constant 1.000000e+00 : f32
      %broadcast_in_dim3A_2340 = vector.broadcast %jit3A_2338 : f32 to vector<1x256xf32>
      %broadcast_in_dim3A_2341 = vector.broadcast %jit3A_2339 : f32 to vector<1x256xf32>
      %select_n3A_2342 = arith.select %gt3A_2337, %broadcast_in_dim3A_2340, %broadcast_in_dim3A_2341 : vector<1x256xi1>, vector<1x256xf32>
      %mul3A_2343 = arith.mulf %while3A_2331, %select_n3A_2342 : vector<1x256xf32>
      %dot_general3A_2344 = arith.constant dense<0.000000e+00> : vector<1x256xf32>
      %dot_general3A_2345 = tpu.matmul %mul3A_2343, %mul3A_1027, %dot_general3A_2344 {dimension_numbers = #tpu.dot_dimension_numbers<[1], [0], [0], [1], [0, 0, 1, 1], [], []>, transpose_lhs_hint = false} : vector<1x256xf32>, vector<256x256xf32>, vector<1x256xf32> -> vector<1x256xf32>
      %add3A_2346 = arith.addf %while3A_2332, %mul3A_2343 : vector<1x256xf32>
      %sub3A_2347 = arith.constant 1.000000e+00 : f32
      %sub3A_2348 = vector.broadcast %sub3A_2347 : f32 to vector<1x256xf32>
      %sub3A_2349 = arith.subf %sub3A_2348, %mul3A_2343 : vector<1x256xf32>
      %mul3A_2350 = arith.mulf %while3A_2331, %sub3A_2349 : vector<1x256xf32>
      %gt3A_2351 = arith.constant 5.000000e-01 : f32
      %gt3A_2352 = vector.broadcast %gt3A_2351 : f32 to vector<1x256xf32>
      %gt3A_2353 = arith.cmpf ogt, %dot_general3A_2345, %gt3A_2352 : vector<1x256xf32>
      %jit3A_2354 = arith.constant 0.000000e+00 : f32
      %jit3A_2355 = arith.constant 1.000000e+00 : f32
      %broadcast_in_dim3A_2356 = vector.broadcast %jit3A_2354 : f32 to vector<1x256xf32>
      %broadcast_in_dim3A_2357 = vector.broadcast %jit3A_2355 : f32 to vector<1x256xf32>
      %select_n3A_2358 = arith.select %gt3A_2353, %broadcast_in_dim3A_2356, %broadcast_in_dim3A_2357 : vector<1x256xi1>, vector<1x256xf32>
      %mul3A_2359 = arith.mulf %mul3A_2350, %select_n3A_2358 : vector<1x256xf32>
      scf.yield %mul3A_2359, %add3A_2346 : vector<1x256xf32>, vector<1x256xf32>
    }
    %swap3A_1040 = arith.constant 15 : index
    %swap3A_1041 = arith.constant 0 : index
    %swap3A_1042 = vector.load %arg8[%swap3A_1040, %swap3A_1041] : memref<20x256xf32, #tpu.memory_space<vmem>>, vector<1x256xf32>
    tpu.vector_store %arg8[%swap3A_1040, %swap3A_1041], %while3A_1039#1 {strides = array<i32>} : memref<20x256xf32, #tpu.memory_space<vmem>>, vector<1x256xf32>,
    %get3A_1043 = arith.constant 16 : index
    %get3A_1044 = arith.constant 0 : index
    %get3A_1045 = vector.load %arg1[%get3A_1043, %get3A_1044] : memref<20x256xf32, #tpu.memory_space<vmem>>, vector<1x256xf32>
    %get3A_1046 = arith.constant 16 : index
    %get3A_1047 = arith.constant 0 : index
    %get3A_1048 = vector.load %arg2[%get3A_1046, %get3A_1047] : memref<20x256xf32, #tpu.memory_space<vmem>>, vector<1x256xf32>
    %get3A_1049 = arith.constant 16 : index
    %get3A_1050 = arith.constant 0 : index
    %get3A_1051 = vector.load %arg0[%get3A_1049, %get3A_1050] : memref<20x256xf32, #tpu.memory_space<vmem>>, vector<1x256xf32>
    %get3A_1052 = arith.constant 4096 : index
    %get3A_1053 = arith.constant 0 : index
    %get3A_1054 = vector.load %arg4[%get3A_1052, %get3A_1053] : memref<5120x1xf32, #tpu.memory_space<vmem>>, vector<256x1xf32>
    %get3A_1055 = arith.constant 4096 : index
    %get3A_1056 = arith.constant 0 : index
    %get3A_1057 = vector.load %arg5[%get3A_1055, %get3A_1056] : memref<5120x1xf32, #tpu.memory_space<vmem>>, vector<256x1xf32>
    %ge3A_1058 = arith.constant 2.000000e-01 : f32
    %ge3A_1059 = vector.broadcast %ge3A_1058 : f32 to vector<1x256xf32>
    %ge3A_1060 = arith.cmpf oge, %get3A_1051, %ge3A_1059 : vector<1x256xf32>
    %jit3A_1061 = arith.constant 1.000000e+00 : f32
    %jit3A_1062 = arith.constant 0.000000e+00 : f32
    %broadcast_in_dim3A_1063 = vector.broadcast %jit3A_1061 : f32 to vector<1x256xf32>
    %broadcast_in_dim3A_1064 = vector.broadcast %jit3A_1062 : f32 to vector<1x256xf32>
    %select_n3A_1065 = arith.select %ge3A_1060, %broadcast_in_dim3A_1063, %broadcast_in_dim3A_1064 : vector<1x256xi1>, vector<1x256xf32>
    %broadcast_in_dim3A_1066 = arith.constant 0.000000e+00 : f32
    %broadcast_in_dim3A_1067 = vector.broadcast %broadcast_in_dim3A_1066 : f32 to vector<1x256xf32>
    %scan3A_1068 = arith.constant 0 : i32
    %scan3A_1069 = arith.constant 16 : i32
    %scan3A_1070 = arith.addi %scan3A_1068, %scan3A_1069 : i32
    %scan3A_1071 = arith.constant 1 : i32
    %scan3A_1072 = scf.for %scan3A_2331 = %scan3A_1068 to %scan3A_1070 step %scan3A_1071 iter_args(%scan3A_2332 = %broadcast_in_dim3A_1067) -> (vector<1x256xf32>)  : i32 {
      %mul3A_2333 = arith.constant 256 : i32
      %mul3A_2334 = arith.muli %scan3A_2331, %mul3A_2333 : i32
      %get3A_2335 = arith.index_cast %mul3A_2334 : i32 to index
      %get3A_2336 = arith.constant 0 : index
      %get3A_2337 = vector.load %arg4[%get3A_2335, %get3A_2336] : memref<5120x1xf32, #tpu.memory_space<vmem>>, vector<256x1xf32>
      %get3A_2338 = arith.index_cast %mul3A_2334 : i32 to index
      %get3A_2339 = arith.constant 0 : index
      %get3A_2340 = vector.load %arg5[%get3A_2338, %get3A_2339] : memref<5120x1xf32, #tpu.memory_space<vmem>>, vector<256x1xf32>
      %get3A_2341 = arith.index_cast %scan3A_2331 : i32 to index
      %get3A_2342 = arith.constant 0 : index
      %get3A_2343 = vector.load %arg8[%get3A_2341, %get3A_2342] : memref<20x256xf32, #tpu.memory_space<vmem>>, vector<1x256xf32>
      %sub3A_2344 = vector.broadcast %get3A_2337 : vector<256x1xf32> to vector<256x256xf32>
      %sub3A_2345 = vector.broadcast %get3A_1045 : vector<1x256xf32> to vector<256x256xf32>
      %sub3A_2346 = arith.subf %sub3A_2344, %sub3A_2345 : vector<256x256xf32>
      %sub3A_2347 = vector.broadcast %get3A_2340 : vector<256x1xf32> to vector<256x256xf32>
      %sub3A_2348 = vector.broadcast %get3A_1048 : vector<1x256xf32> to vector<256x256xf32>
      %sub3A_2349 = arith.subf %sub3A_2347, %sub3A_2348 : vector<256x256xf32>
      %mul3A_2350 = arith.mulf %sub3A_2346, %sub3A_2346 : vector<256x256xf32>
      %mul3A_2351 = arith.mulf %sub3A_2349, %sub3A_2349 : vector<256x256xf32>
      %add3A_2352 = arith.addf %mul3A_2350, %mul3A_2351 : vector<256x256xf32>
      %lt3A_2353 = arith.constant 6.400000e+01 : f32
      %lt3A_2354 = vector.broadcast %lt3A_2353 : f32 to vector<256x256xf32>
      %lt3A_2355 = arith.cmpf olt, %add3A_2352, %lt3A_2354 : vector<256x256xf32>
      %jit3A_2356 = arith.constant 1.000000e+00 : f32
      %jit3A_2357 = arith.constant 0.000000e+00 : f32
      %broadcast_in_dim3A_2358 = vector.broadcast %jit3A_2356 : f32 to vector<256x256xf32>
      %broadcast_in_dim3A_2359 = vector.broadcast %jit3A_2357 : f32 to vector<256x256xf32>
      %select_n3A_2360 = arith.select %lt3A_2355, %broadcast_in_dim3A_2358, %broadcast_in_dim3A_2359 : vector<256x256xi1>, vector<256x256xf32>
      %dot_general3A_2361 = arith.constant dense<0.000000e+00> : vector<1x256xf32>
      %dot_general3A_2362 = tpu.matmul %get3A_2343, %select_n3A_2360, %dot_general3A_2361 {dimension_numbers = #tpu.dot_dimension_numbers<[1], [0], [0], [1], [0, 0, 1, 1], [], []>, transpose_lhs_hint = false} : vector<1x256xf32>, vector<256x256xf32>, vector<1x256xf32> -> vector<1x256xf32>
      %add3A_2363 = arith.addf %scan3A_2332, %dot_general3A_2362 : vector<1x256xf32>
      scf.yield %add3A_2363 : vector<1x256xf32>
    }
    %scan3A_1073 = arith.constant 16 : i32
    %sub3A_1074 = vector.broadcast %get3A_1054 : vector<256x1xf32> to vector<256x256xf32>
    %sub3A_1075 = vector.broadcast %get3A_1045 : vector<1x256xf32> to vector<256x256xf32>
    %sub3A_1076 = arith.subf %sub3A_1074, %sub3A_1075 : vector<256x256xf32>
    %sub3A_1077 = vector.broadcast %get3A_1057 : vector<256x1xf32> to vector<256x256xf32>
    %sub3A_1078 = vector.broadcast %get3A_1048 : vector<1x256xf32> to vector<256x256xf32>
    %sub3A_1079 = arith.subf %sub3A_1077, %sub3A_1078 : vector<256x256xf32>
    %mul3A_1080 = arith.mulf %sub3A_1076, %sub3A_1076 : vector<256x256xf32>
    %mul3A_1081 = arith.mulf %sub3A_1079, %sub3A_1079 : vector<256x256xf32>
    %add3A_1082 = arith.addf %mul3A_1080, %mul3A_1081 : vector<256x256xf32>
    %lt3A_1083 = arith.constant 6.400000e+01 : f32
    %lt3A_1084 = vector.broadcast %lt3A_1083 : f32 to vector<256x256xf32>
    %lt3A_1085 = arith.cmpf olt, %add3A_1082, %lt3A_1084 : vector<256x256xf32>
    %jit3A_1086 = arith.constant 1.000000e+00 : f32
    %jit3A_1087 = arith.constant 0.000000e+00 : f32
    %broadcast_in_dim3A_1088 = vector.broadcast %jit3A_1086 : f32 to vector<256x256xf32>
    %broadcast_in_dim3A_1089 = vector.broadcast %jit3A_1087 : f32 to vector<256x256xf32>
    %select_n3A_1090 = arith.select %lt3A_1085, %broadcast_in_dim3A_1088, %broadcast_in_dim3A_1089 : vector<256x256xi1>, vector<256x256xf32>
    %mul3A_1091 = arith.mulf %select_n3A_1090, %select_n3A : vector<256x256xf32>
    %gt3A_1092 = arith.constant 5.000000e-01 : f32
    %gt3A_1093 = vector.broadcast %gt3A_1092 : f32 to vector<1x256xf32>
    %gt3A_1094 = arith.cmpf ogt, %scan3A_1072, %gt3A_1093 : vector<1x256xf32>
    %jit3A_1095 = arith.constant 0.000000e+00 : f32
    %jit3A_1096 = arith.constant 1.000000e+00 : f32
    %broadcast_in_dim3A_1097 = vector.broadcast %jit3A_1095 : f32 to vector<1x256xf32>
    %broadcast_in_dim3A_1098 = vector.broadcast %jit3A_1096 : f32 to vector<1x256xf32>
    %select_n3A_1099 = arith.select %gt3A_1094, %broadcast_in_dim3A_1097, %broadcast_in_dim3A_1098 : vector<1x256xi1>, vector<1x256xf32>
    %mul3A_1100 = arith.mulf %select_n3A_1065, %select_n3A_1099 : vector<1x256xf32>
    %broadcast_in_dim3A_1101 = arith.constant 0.000000e+00 : f32
    %broadcast_in_dim3A_1102 = vector.broadcast %broadcast_in_dim3A_1101 : f32 to vector<1x256xf32>
    %while3A_1103:2 = scf.while (%while3A_2331 = %mul3A_1100, %while3A_2332 = %broadcast_in_dim3A_1102) : (vector<1x256xf32>, vector<1x256xf32>) -> (vector<1x256xf32>, vector<1x256xf32>) {
      %reduce_sum3A_2333 = vector.shape_cast %while3A_2331 : vector<1x256xf32> to vector<1x1x256xf32>
      %reduce_sum3A_2334 = arith.constant dense<0.000000e+00> : vector<1xf32>
      %reduce_sum3A_2335 = vector.multi_reduction <add>, %reduce_sum3A_2333, %reduce_sum3A_2334 [1, 2] : vector<1x1x256xf32> to vector<1xf32>
      %reduce_sum3A_2336 = vector.shape_cast %reduce_sum3A_2335 : vector<1xf32> to vector<1x1x1xf32>
      %reduce_sum3A_2337 = vector.extract %reduce_sum3A_2336[0, 0, 0] : f32 from vector<1x1x1xf32>
      %gt3A_2338 = arith.constant 0.000000e+00 : f32
      %gt3A_2339 = arith.cmpf ogt, %reduce_sum3A_2337, %gt3A_2338 : f32
      scf.condition(%gt3A_2339) %while3A_2331, %while3A_2332 : vector<1x256xf32>, vector<1x256xf32>
    } do {
    ^bb0(%while3A_2331: vector<1x256xf32>, %while3A_2332: vector<1x256xf32>):
      %dot_general3A_2333 = arith.constant dense<0.000000e+00> : vector<1x256xf32>
      %dot_general3A_2334 = tpu.matmul %while3A_2331, %mul3A_1091, %dot_general3A_2333 {dimension_numbers = #tpu.dot_dimension_numbers<[1], [0], [0], [1], [0, 0, 1, 1], [], []>, transpose_lhs_hint = false} : vector<1x256xf32>, vector<256x256xf32>, vector<1x256xf32> -> vector<1x256xf32>
      %gt3A_2335 = arith.constant 5.000000e-01 : f32
      %gt3A_2336 = vector.broadcast %gt3A_2335 : f32 to vector<1x256xf32>
      %gt3A_2337 = arith.cmpf ogt, %dot_general3A_2334, %gt3A_2336 : vector<1x256xf32>
      %jit3A_2338 = arith.constant 0.000000e+00 : f32
      %jit3A_2339 = arith.constant 1.000000e+00 : f32
      %broadcast_in_dim3A_2340 = vector.broadcast %jit3A_2338 : f32 to vector<1x256xf32>
      %broadcast_in_dim3A_2341 = vector.broadcast %jit3A_2339 : f32 to vector<1x256xf32>
      %select_n3A_2342 = arith.select %gt3A_2337, %broadcast_in_dim3A_2340, %broadcast_in_dim3A_2341 : vector<1x256xi1>, vector<1x256xf32>
      %mul3A_2343 = arith.mulf %while3A_2331, %select_n3A_2342 : vector<1x256xf32>
      %dot_general3A_2344 = arith.constant dense<0.000000e+00> : vector<1x256xf32>
      %dot_general3A_2345 = tpu.matmul %mul3A_2343, %mul3A_1091, %dot_general3A_2344 {dimension_numbers = #tpu.dot_dimension_numbers<[1], [0], [0], [1], [0, 0, 1, 1], [], []>, transpose_lhs_hint = false} : vector<1x256xf32>, vector<256x256xf32>, vector<1x256xf32> -> vector<1x256xf32>
      %add3A_2346 = arith.addf %while3A_2332, %mul3A_2343 : vector<1x256xf32>
      %sub3A_2347 = arith.constant 1.000000e+00 : f32
      %sub3A_2348 = vector.broadcast %sub3A_2347 : f32 to vector<1x256xf32>
      %sub3A_2349 = arith.subf %sub3A_2348, %mul3A_2343 : vector<1x256xf32>
      %mul3A_2350 = arith.mulf %while3A_2331, %sub3A_2349 : vector<1x256xf32>
      %gt3A_2351 = arith.constant 5.000000e-01 : f32
      %gt3A_2352 = vector.broadcast %gt3A_2351 : f32 to vector<1x256xf32>
      %gt3A_2353 = arith.cmpf ogt, %dot_general3A_2345, %gt3A_2352 : vector<1x256xf32>
      %jit3A_2354 = arith.constant 0.000000e+00 : f32
      %jit3A_2355 = arith.constant 1.000000e+00 : f32
      %broadcast_in_dim3A_2356 = vector.broadcast %jit3A_2354 : f32 to vector<1x256xf32>
      %broadcast_in_dim3A_2357 = vector.broadcast %jit3A_2355 : f32 to vector<1x256xf32>
      %select_n3A_2358 = arith.select %gt3A_2353, %broadcast_in_dim3A_2356, %broadcast_in_dim3A_2357 : vector<1x256xi1>, vector<1x256xf32>
      %mul3A_2359 = arith.mulf %mul3A_2350, %select_n3A_2358 : vector<1x256xf32>
      scf.yield %mul3A_2359, %add3A_2346 : vector<1x256xf32>, vector<1x256xf32>
    }
    %swap3A_1104 = arith.constant 16 : index
    %swap3A_1105 = arith.constant 0 : index
    %swap3A_1106 = vector.load %arg8[%swap3A_1104, %swap3A_1105] : memref<20x256xf32, #tpu.memory_space<vmem>>, vector<1x256xf32>
    tpu.vector_store %arg8[%swap3A_1104, %swap3A_1105], %while3A_1103#1 {strides = array<i32>} : memref<20x256xf32, #tpu.memory_space<vmem>>, vector<1x256xf32>,
    %get3A_1107 = arith.constant 17 : index
    %get3A_1108 = arith.constant 0 : index
    %get3A_1109 = vector.load %arg1[%get3A_1107, %get3A_1108] : memref<20x256xf32, #tpu.memory_space<vmem>>, vector<1x256xf32>
    %get3A_1110 = arith.constant 17 : index
    %get3A_1111 = arith.constant 0 : index
    %get3A_1112 = vector.load %arg2[%get3A_1110, %get3A_1111] : memref<20x256xf32, #tpu.memory_space<vmem>>, vector<1x256xf32>
    %get3A_1113 = arith.constant 17 : index
    %get3A_1114 = arith.constant 0 : index
    %get3A_1115 = vector.load %arg0[%get3A_1113, %get3A_1114] : memref<20x256xf32, #tpu.memory_space<vmem>>, vector<1x256xf32>
    %get3A_1116 = arith.constant 4352 : index
    %get3A_1117 = arith.constant 0 : index
    %get3A_1118 = vector.load %arg4[%get3A_1116, %get3A_1117] : memref<5120x1xf32, #tpu.memory_space<vmem>>, vector<256x1xf32>
    %get3A_1119 = arith.constant 4352 : index
    %get3A_1120 = arith.constant 0 : index
    %get3A_1121 = vector.load %arg5[%get3A_1119, %get3A_1120] : memref<5120x1xf32, #tpu.memory_space<vmem>>, vector<256x1xf32>
    %ge3A_1122 = arith.constant 2.000000e-01 : f32
    %ge3A_1123 = vector.broadcast %ge3A_1122 : f32 to vector<1x256xf32>
    %ge3A_1124 = arith.cmpf oge, %get3A_1115, %ge3A_1123 : vector<1x256xf32>
    %jit3A_1125 = arith.constant 1.000000e+00 : f32
    %jit3A_1126 = arith.constant 0.000000e+00 : f32
    %broadcast_in_dim3A_1127 = vector.broadcast %jit3A_1125 : f32 to vector<1x256xf32>
    %broadcast_in_dim3A_1128 = vector.broadcast %jit3A_1126 : f32 to vector<1x256xf32>
    %select_n3A_1129 = arith.select %ge3A_1124, %broadcast_in_dim3A_1127, %broadcast_in_dim3A_1128 : vector<1x256xi1>, vector<1x256xf32>
    %broadcast_in_dim3A_1130 = arith.constant 0.000000e+00 : f32
    %broadcast_in_dim3A_1131 = vector.broadcast %broadcast_in_dim3A_1130 : f32 to vector<1x256xf32>
    %scan3A_1132 = arith.constant 0 : i32
    %scan3A_1133 = arith.constant 17 : i32
    %scan3A_1134 = arith.addi %scan3A_1132, %scan3A_1133 : i32
    %scan3A_1135 = arith.constant 1 : i32
    %scan3A_1136 = scf.for %scan3A_2331 = %scan3A_1132 to %scan3A_1134 step %scan3A_1135 iter_args(%scan3A_2332 = %broadcast_in_dim3A_1131) -> (vector<1x256xf32>)  : i32 {
      %mul3A_2333 = arith.constant 256 : i32
      %mul3A_2334 = arith.muli %scan3A_2331, %mul3A_2333 : i32
      %get3A_2335 = arith.index_cast %mul3A_2334 : i32 to index
      %get3A_2336 = arith.constant 0 : index
      %get3A_2337 = vector.load %arg4[%get3A_2335, %get3A_2336] : memref<5120x1xf32, #tpu.memory_space<vmem>>, vector<256x1xf32>
      %get3A_2338 = arith.index_cast %mul3A_2334 : i32 to index
      %get3A_2339 = arith.constant 0 : index
      %get3A_2340 = vector.load %arg5[%get3A_2338, %get3A_2339] : memref<5120x1xf32, #tpu.memory_space<vmem>>, vector<256x1xf32>
      %get3A_2341 = arith.index_cast %scan3A_2331 : i32 to index
      %get3A_2342 = arith.constant 0 : index
      %get3A_2343 = vector.load %arg8[%get3A_2341, %get3A_2342] : memref<20x256xf32, #tpu.memory_space<vmem>>, vector<1x256xf32>
      %sub3A_2344 = vector.broadcast %get3A_2337 : vector<256x1xf32> to vector<256x256xf32>
      %sub3A_2345 = vector.broadcast %get3A_1109 : vector<1x256xf32> to vector<256x256xf32>
      %sub3A_2346 = arith.subf %sub3A_2344, %sub3A_2345 : vector<256x256xf32>
      %sub3A_2347 = vector.broadcast %get3A_2340 : vector<256x1xf32> to vector<256x256xf32>
      %sub3A_2348 = vector.broadcast %get3A_1112 : vector<1x256xf32> to vector<256x256xf32>
      %sub3A_2349 = arith.subf %sub3A_2347, %sub3A_2348 : vector<256x256xf32>
      %mul3A_2350 = arith.mulf %sub3A_2346, %sub3A_2346 : vector<256x256xf32>
      %mul3A_2351 = arith.mulf %sub3A_2349, %sub3A_2349 : vector<256x256xf32>
      %add3A_2352 = arith.addf %mul3A_2350, %mul3A_2351 : vector<256x256xf32>
      %lt3A_2353 = arith.constant 6.400000e+01 : f32
      %lt3A_2354 = vector.broadcast %lt3A_2353 : f32 to vector<256x256xf32>
      %lt3A_2355 = arith.cmpf olt, %add3A_2352, %lt3A_2354 : vector<256x256xf32>
      %jit3A_2356 = arith.constant 1.000000e+00 : f32
      %jit3A_2357 = arith.constant 0.000000e+00 : f32
      %broadcast_in_dim3A_2358 = vector.broadcast %jit3A_2356 : f32 to vector<256x256xf32>
      %broadcast_in_dim3A_2359 = vector.broadcast %jit3A_2357 : f32 to vector<256x256xf32>
      %select_n3A_2360 = arith.select %lt3A_2355, %broadcast_in_dim3A_2358, %broadcast_in_dim3A_2359 : vector<256x256xi1>, vector<256x256xf32>
      %dot_general3A_2361 = arith.constant dense<0.000000e+00> : vector<1x256xf32>
      %dot_general3A_2362 = tpu.matmul %get3A_2343, %select_n3A_2360, %dot_general3A_2361 {dimension_numbers = #tpu.dot_dimension_numbers<[1], [0], [0], [1], [0, 0, 1, 1], [], []>, transpose_lhs_hint = false} : vector<1x256xf32>, vector<256x256xf32>, vector<1x256xf32> -> vector<1x256xf32>
      %add3A_2363 = arith.addf %scan3A_2332, %dot_general3A_2362 : vector<1x256xf32>
      scf.yield %add3A_2363 : vector<1x256xf32>
    }
    %scan3A_1137 = arith.constant 17 : i32
    %sub3A_1138 = vector.broadcast %get3A_1118 : vector<256x1xf32> to vector<256x256xf32>
    %sub3A_1139 = vector.broadcast %get3A_1109 : vector<1x256xf32> to vector<256x256xf32>
    %sub3A_1140 = arith.subf %sub3A_1138, %sub3A_1139 : vector<256x256xf32>
    %sub3A_1141 = vector.broadcast %get3A_1121 : vector<256x1xf32> to vector<256x256xf32>
    %sub3A_1142 = vector.broadcast %get3A_1112 : vector<1x256xf32> to vector<256x256xf32>
    %sub3A_1143 = arith.subf %sub3A_1141, %sub3A_1142 : vector<256x256xf32>
    %mul3A_1144 = arith.mulf %sub3A_1140, %sub3A_1140 : vector<256x256xf32>
    %mul3A_1145 = arith.mulf %sub3A_1143, %sub3A_1143 : vector<256x256xf32>
    %add3A_1146 = arith.addf %mul3A_1144, %mul3A_1145 : vector<256x256xf32>
    %lt3A_1147 = arith.constant 6.400000e+01 : f32
    %lt3A_1148 = vector.broadcast %lt3A_1147 : f32 to vector<256x256xf32>
    %lt3A_1149 = arith.cmpf olt, %add3A_1146, %lt3A_1148 : vector<256x256xf32>
    %jit3A_1150 = arith.constant 1.000000e+00 : f32
    %jit3A_1151 = arith.constant 0.000000e+00 : f32
    %broadcast_in_dim3A_1152 = vector.broadcast %jit3A_1150 : f32 to vector<256x256xf32>
    %broadcast_in_dim3A_1153 = vector.broadcast %jit3A_1151 : f32 to vector<256x256xf32>
    %select_n3A_1154 = arith.select %lt3A_1149, %broadcast_in_dim3A_1152, %broadcast_in_dim3A_1153 : vector<256x256xi1>, vector<256x256xf32>
    %mul3A_1155 = arith.mulf %select_n3A_1154, %select_n3A : vector<256x256xf32>
    %gt3A_1156 = arith.constant 5.000000e-01 : f32
    %gt3A_1157 = vector.broadcast %gt3A_1156 : f32 to vector<1x256xf32>
    %gt3A_1158 = arith.cmpf ogt, %scan3A_1136, %gt3A_1157 : vector<1x256xf32>
    %jit3A_1159 = arith.constant 0.000000e+00 : f32
    %jit3A_1160 = arith.constant 1.000000e+00 : f32
    %broadcast_in_dim3A_1161 = vector.broadcast %jit3A_1159 : f32 to vector<1x256xf32>
    %broadcast_in_dim3A_1162 = vector.broadcast %jit3A_1160 : f32 to vector<1x256xf32>
    %select_n3A_1163 = arith.select %gt3A_1158, %broadcast_in_dim3A_1161, %broadcast_in_dim3A_1162 : vector<1x256xi1>, vector<1x256xf32>
    %mul3A_1164 = arith.mulf %select_n3A_1129, %select_n3A_1163 : vector<1x256xf32>
    %broadcast_in_dim3A_1165 = arith.constant 0.000000e+00 : f32
    %broadcast_in_dim3A_1166 = vector.broadcast %broadcast_in_dim3A_1165 : f32 to vector<1x256xf32>
    %while3A_1167:2 = scf.while (%while3A_2331 = %mul3A_1164, %while3A_2332 = %broadcast_in_dim3A_1166) : (vector<1x256xf32>, vector<1x256xf32>) -> (vector<1x256xf32>, vector<1x256xf32>) {
      %reduce_sum3A_2333 = vector.shape_cast %while3A_2331 : vector<1x256xf32> to vector<1x1x256xf32>
      %reduce_sum3A_2334 = arith.constant dense<0.000000e+00> : vector<1xf32>
      %reduce_sum3A_2335 = vector.multi_reduction <add>, %reduce_sum3A_2333, %reduce_sum3A_2334 [1, 2] : vector<1x1x256xf32> to vector<1xf32>
      %reduce_sum3A_2336 = vector.shape_cast %reduce_sum3A_2335 : vector<1xf32> to vector<1x1x1xf32>
      %reduce_sum3A_2337 = vector.extract %reduce_sum3A_2336[0, 0, 0] : f32 from vector<1x1x1xf32>
      %gt3A_2338 = arith.constant 0.000000e+00 : f32
      %gt3A_2339 = arith.cmpf ogt, %reduce_sum3A_2337, %gt3A_2338 : f32
      scf.condition(%gt3A_2339) %while3A_2331, %while3A_2332 : vector<1x256xf32>, vector<1x256xf32>
    } do {
    ^bb0(%while3A_2331: vector<1x256xf32>, %while3A_2332: vector<1x256xf32>):
      %dot_general3A_2333 = arith.constant dense<0.000000e+00> : vector<1x256xf32>
      %dot_general3A_2334 = tpu.matmul %while3A_2331, %mul3A_1155, %dot_general3A_2333 {dimension_numbers = #tpu.dot_dimension_numbers<[1], [0], [0], [1], [0, 0, 1, 1], [], []>, transpose_lhs_hint = false} : vector<1x256xf32>, vector<256x256xf32>, vector<1x256xf32> -> vector<1x256xf32>
      %gt3A_2335 = arith.constant 5.000000e-01 : f32
      %gt3A_2336 = vector.broadcast %gt3A_2335 : f32 to vector<1x256xf32>
      %gt3A_2337 = arith.cmpf ogt, %dot_general3A_2334, %gt3A_2336 : vector<1x256xf32>
      %jit3A_2338 = arith.constant 0.000000e+00 : f32
      %jit3A_2339 = arith.constant 1.000000e+00 : f32
      %broadcast_in_dim3A_2340 = vector.broadcast %jit3A_2338 : f32 to vector<1x256xf32>
      %broadcast_in_dim3A_2341 = vector.broadcast %jit3A_2339 : f32 to vector<1x256xf32>
      %select_n3A_2342 = arith.select %gt3A_2337, %broadcast_in_dim3A_2340, %broadcast_in_dim3A_2341 : vector<1x256xi1>, vector<1x256xf32>
      %mul3A_2343 = arith.mulf %while3A_2331, %select_n3A_2342 : vector<1x256xf32>
      %dot_general3A_2344 = arith.constant dense<0.000000e+00> : vector<1x256xf32>
      %dot_general3A_2345 = tpu.matmul %mul3A_2343, %mul3A_1155, %dot_general3A_2344 {dimension_numbers = #tpu.dot_dimension_numbers<[1], [0], [0], [1], [0, 0, 1, 1], [], []>, transpose_lhs_hint = false} : vector<1x256xf32>, vector<256x256xf32>, vector<1x256xf32> -> vector<1x256xf32>
      %add3A_2346 = arith.addf %while3A_2332, %mul3A_2343 : vector<1x256xf32>
      %sub3A_2347 = arith.constant 1.000000e+00 : f32
      %sub3A_2348 = vector.broadcast %sub3A_2347 : f32 to vector<1x256xf32>
      %sub3A_2349 = arith.subf %sub3A_2348, %mul3A_2343 : vector<1x256xf32>
      %mul3A_2350 = arith.mulf %while3A_2331, %sub3A_2349 : vector<1x256xf32>
      %gt3A_2351 = arith.constant 5.000000e-01 : f32
      %gt3A_2352 = vector.broadcast %gt3A_2351 : f32 to vector<1x256xf32>
      %gt3A_2353 = arith.cmpf ogt, %dot_general3A_2345, %gt3A_2352 : vector<1x256xf32>
      %jit3A_2354 = arith.constant 0.000000e+00 : f32
      %jit3A_2355 = arith.constant 1.000000e+00 : f32
      %broadcast_in_dim3A_2356 = vector.broadcast %jit3A_2354 : f32 to vector<1x256xf32>
      %broadcast_in_dim3A_2357 = vector.broadcast %jit3A_2355 : f32 to vector<1x256xf32>
      %select_n3A_2358 = arith.select %gt3A_2353, %broadcast_in_dim3A_2356, %broadcast_in_dim3A_2357 : vector<1x256xi1>, vector<1x256xf32>
      %mul3A_2359 = arith.mulf %mul3A_2350, %select_n3A_2358 : vector<1x256xf32>
      scf.yield %mul3A_2359, %add3A_2346 : vector<1x256xf32>, vector<1x256xf32>
    }
    %swap3A_1168 = arith.constant 17 : index
    %swap3A_1169 = arith.constant 0 : index
    %swap3A_1170 = vector.load %arg8[%swap3A_1168, %swap3A_1169] : memref<20x256xf32, #tpu.memory_space<vmem>>, vector<1x256xf32>
    tpu.vector_store %arg8[%swap3A_1168, %swap3A_1169], %while3A_1167#1 {strides = array<i32>} : memref<20x256xf32, #tpu.memory_space<vmem>>, vector<1x256xf32>,
    %get3A_1171 = arith.constant 18 : index
    %get3A_1172 = arith.constant 0 : index
    %get3A_1173 = vector.load %arg1[%get3A_1171, %get3A_1172] : memref<20x256xf32, #tpu.memory_space<vmem>>, vector<1x256xf32>
    %get3A_1174 = arith.constant 18 : index
    %get3A_1175 = arith.constant 0 : index
    %get3A_1176 = vector.load %arg2[%get3A_1174, %get3A_1175] : memref<20x256xf32, #tpu.memory_space<vmem>>, vector<1x256xf32>
    %get3A_1177 = arith.constant 18 : index
    %get3A_1178 = arith.constant 0 : index
    %get3A_1179 = vector.load %arg0[%get3A_1177, %get3A_1178] : memref<20x256xf32, #tpu.memory_space<vmem>>, vector<1x256xf32>
    %get3A_1180 = arith.constant 4608 : index
    %get3A_1181 = arith.constant 0 : index
    %get3A_1182 = vector.load %arg4[%get3A_1180, %get3A_1181] : memref<5120x1xf32, #tpu.memory_space<vmem>>, vector<256x1xf32>
    %get3A_1183 = arith.constant 4608 : index
    %get3A_1184 = arith.constant 0 : index
    %get3A_1185 = vector.load %arg5[%get3A_1183, %get3A_1184] : memref<5120x1xf32, #tpu.memory_space<vmem>>, vector<256x1xf32>
    %ge3A_1186 = arith.constant 2.000000e-01 : f32
    %ge3A_1187 = vector.broadcast %ge3A_1186 : f32 to vector<1x256xf32>
    %ge3A_1188 = arith.cmpf oge, %get3A_1179, %ge3A_1187 : vector<1x256xf32>
    %jit3A_1189 = arith.constant 1.000000e+00 : f32
    %jit3A_1190 = arith.constant 0.000000e+00 : f32
    %broadcast_in_dim3A_1191 = vector.broadcast %jit3A_1189 : f32 to vector<1x256xf32>
    %broadcast_in_dim3A_1192 = vector.broadcast %jit3A_1190 : f32 to vector<1x256xf32>
    %select_n3A_1193 = arith.select %ge3A_1188, %broadcast_in_dim3A_1191, %broadcast_in_dim3A_1192 : vector<1x256xi1>, vector<1x256xf32>
    %broadcast_in_dim3A_1194 = arith.constant 0.000000e+00 : f32
    %broadcast_in_dim3A_1195 = vector.broadcast %broadcast_in_dim3A_1194 : f32 to vector<1x256xf32>
    %scan3A_1196 = arith.constant 0 : i32
    %scan3A_1197 = arith.constant 18 : i32
    %scan3A_1198 = arith.addi %scan3A_1196, %scan3A_1197 : i32
    %scan3A_1199 = arith.constant 1 : i32
    %scan3A_1200 = scf.for %scan3A_2331 = %scan3A_1196 to %scan3A_1198 step %scan3A_1199 iter_args(%scan3A_2332 = %broadcast_in_dim3A_1195) -> (vector<1x256xf32>)  : i32 {
      %mul3A_2333 = arith.constant 256 : i32
      %mul3A_2334 = arith.muli %scan3A_2331, %mul3A_2333 : i32
      %get3A_2335 = arith.index_cast %mul3A_2334 : i32 to index
      %get3A_2336 = arith.constant 0 : index
      %get3A_2337 = vector.load %arg4[%get3A_2335, %get3A_2336] : memref<5120x1xf32, #tpu.memory_space<vmem>>, vector<256x1xf32>
      %get3A_2338 = arith.index_cast %mul3A_2334 : i32 to index
      %get3A_2339 = arith.constant 0 : index
      %get3A_2340 = vector.load %arg5[%get3A_2338, %get3A_2339] : memref<5120x1xf32, #tpu.memory_space<vmem>>, vector<256x1xf32>
      %get3A_2341 = arith.index_cast %scan3A_2331 : i32 to index
      %get3A_2342 = arith.constant 0 : index
      %get3A_2343 = vector.load %arg8[%get3A_2341, %get3A_2342] : memref<20x256xf32, #tpu.memory_space<vmem>>, vector<1x256xf32>
      %sub3A_2344 = vector.broadcast %get3A_2337 : vector<256x1xf32> to vector<256x256xf32>
      %sub3A_2345 = vector.broadcast %get3A_1173 : vector<1x256xf32> to vector<256x256xf32>
      %sub3A_2346 = arith.subf %sub3A_2344, %sub3A_2345 : vector<256x256xf32>
      %sub3A_2347 = vector.broadcast %get3A_2340 : vector<256x1xf32> to vector<256x256xf32>
      %sub3A_2348 = vector.broadcast %get3A_1176 : vector<1x256xf32> to vector<256x256xf32>
      %sub3A_2349 = arith.subf %sub3A_2347, %sub3A_2348 : vector<256x256xf32>
      %mul3A_2350 = arith.mulf %sub3A_2346, %sub3A_2346 : vector<256x256xf32>
      %mul3A_2351 = arith.mulf %sub3A_2349, %sub3A_2349 : vector<256x256xf32>
      %add3A_2352 = arith.addf %mul3A_2350, %mul3A_2351 : vector<256x256xf32>
      %lt3A_2353 = arith.constant 6.400000e+01 : f32
      %lt3A_2354 = vector.broadcast %lt3A_2353 : f32 to vector<256x256xf32>
      %lt3A_2355 = arith.cmpf olt, %add3A_2352, %lt3A_2354 : vector<256x256xf32>
      %jit3A_2356 = arith.constant 1.000000e+00 : f32
      %jit3A_2357 = arith.constant 0.000000e+00 : f32
      %broadcast_in_dim3A_2358 = vector.broadcast %jit3A_2356 : f32 to vector<256x256xf32>
      %broadcast_in_dim3A_2359 = vector.broadcast %jit3A_2357 : f32 to vector<256x256xf32>
      %select_n3A_2360 = arith.select %lt3A_2355, %broadcast_in_dim3A_2358, %broadcast_in_dim3A_2359 : vector<256x256xi1>, vector<256x256xf32>
      %dot_general3A_2361 = arith.constant dense<0.000000e+00> : vector<1x256xf32>
      %dot_general3A_2362 = tpu.matmul %get3A_2343, %select_n3A_2360, %dot_general3A_2361 {dimension_numbers = #tpu.dot_dimension_numbers<[1], [0], [0], [1], [0, 0, 1, 1], [], []>, transpose_lhs_hint = false} : vector<1x256xf32>, vector<256x256xf32>, vector<1x256xf32> -> vector<1x256xf32>
      %add3A_2363 = arith.addf %scan3A_2332, %dot_general3A_2362 : vector<1x256xf32>
      scf.yield %add3A_2363 : vector<1x256xf32>
    }
    %scan3A_1201 = arith.constant 18 : i32
    %sub3A_1202 = vector.broadcast %get3A_1182 : vector<256x1xf32> to vector<256x256xf32>
    %sub3A_1203 = vector.broadcast %get3A_1173 : vector<1x256xf32> to vector<256x256xf32>
    %sub3A_1204 = arith.subf %sub3A_1202, %sub3A_1203 : vector<256x256xf32>
    %sub3A_1205 = vector.broadcast %get3A_1185 : vector<256x1xf32> to vector<256x256xf32>
    %sub3A_1206 = vector.broadcast %get3A_1176 : vector<1x256xf32> to vector<256x256xf32>
    %sub3A_1207 = arith.subf %sub3A_1205, %sub3A_1206 : vector<256x256xf32>
    %mul3A_1208 = arith.mulf %sub3A_1204, %sub3A_1204 : vector<256x256xf32>
    %mul3A_1209 = arith.mulf %sub3A_1207, %sub3A_1207 : vector<256x256xf32>
    %add3A_1210 = arith.addf %mul3A_1208, %mul3A_1209 : vector<256x256xf32>
    %lt3A_1211 = arith.constant 6.400000e+01 : f32
    %lt3A_1212 = vector.broadcast %lt3A_1211 : f32 to vector<256x256xf32>
    %lt3A_1213 = arith.cmpf olt, %add3A_1210, %lt3A_1212 : vector<256x256xf32>
    %jit3A_1214 = arith.constant 1.000000e+00 : f32
    %jit3A_1215 = arith.constant 0.000000e+00 : f32
    %broadcast_in_dim3A_1216 = vector.broadcast %jit3A_1214 : f32 to vector<256x256xf32>
    %broadcast_in_dim3A_1217 = vector.broadcast %jit3A_1215 : f32 to vector<256x256xf32>
    %select_n3A_1218 = arith.select %lt3A_1213, %broadcast_in_dim3A_1216, %broadcast_in_dim3A_1217 : vector<256x256xi1>, vector<256x256xf32>
    %mul3A_1219 = arith.mulf %select_n3A_1218, %select_n3A : vector<256x256xf32>
    %gt3A_1220 = arith.constant 5.000000e-01 : f32
    %gt3A_1221 = vector.broadcast %gt3A_1220 : f32 to vector<1x256xf32>
    %gt3A_1222 = arith.cmpf ogt, %scan3A_1200, %gt3A_1221 : vector<1x256xf32>
    %jit3A_1223 = arith.constant 0.000000e+00 : f32
    %jit3A_1224 = arith.constant 1.000000e+00 : f32
    %broadcast_in_dim3A_1225 = vector.broadcast %jit3A_1223 : f32 to vector<1x256xf32>
    %broadcast_in_dim3A_1226 = vector.broadcast %jit3A_1224 : f32 to vector<1x256xf32>
    %select_n3A_1227 = arith.select %gt3A_1222, %broadcast_in_dim3A_1225, %broadcast_in_dim3A_1226 : vector<1x256xi1>, vector<1x256xf32>
    %mul3A_1228 = arith.mulf %select_n3A_1193, %select_n3A_1227 : vector<1x256xf32>
    %broadcast_in_dim3A_1229 = arith.constant 0.000000e+00 : f32
    %broadcast_in_dim3A_1230 = vector.broadcast %broadcast_in_dim3A_1229 : f32 to vector<1x256xf32>
    %while3A_1231:2 = scf.while (%while3A_2331 = %mul3A_1228, %while3A_2332 = %broadcast_in_dim3A_1230) : (vector<1x256xf32>, vector<1x256xf32>) -> (vector<1x256xf32>, vector<1x256xf32>) {
      %reduce_sum3A_2333 = vector.shape_cast %while3A_2331 : vector<1x256xf32> to vector<1x1x256xf32>
      %reduce_sum3A_2334 = arith.constant dense<0.000000e+00> : vector<1xf32>
      %reduce_sum3A_2335 = vector.multi_reduction <add>, %reduce_sum3A_2333, %reduce_sum3A_2334 [1, 2] : vector<1x1x256xf32> to vector<1xf32>
      %reduce_sum3A_2336 = vector.shape_cast %reduce_sum3A_2335 : vector<1xf32> to vector<1x1x1xf32>
      %reduce_sum3A_2337 = vector.extract %reduce_sum3A_2336[0, 0, 0] : f32 from vector<1x1x1xf32>
      %gt3A_2338 = arith.constant 0.000000e+00 : f32
      %gt3A_2339 = arith.cmpf ogt, %reduce_sum3A_2337, %gt3A_2338 : f32
      scf.condition(%gt3A_2339) %while3A_2331, %while3A_2332 : vector<1x256xf32>, vector<1x256xf32>
    } do {
    ^bb0(%while3A_2331: vector<1x256xf32>, %while3A_2332: vector<1x256xf32>):
      %dot_general3A_2333 = arith.constant dense<0.000000e+00> : vector<1x256xf32>
      %dot_general3A_2334 = tpu.matmul %while3A_2331, %mul3A_1219, %dot_general3A_2333 {dimension_numbers = #tpu.dot_dimension_numbers<[1], [0], [0], [1], [0, 0, 1, 1], [], []>, transpose_lhs_hint = false} : vector<1x256xf32>, vector<256x256xf32>, vector<1x256xf32> -> vector<1x256xf32>
      %gt3A_2335 = arith.constant 5.000000e-01 : f32
      %gt3A_2336 = vector.broadcast %gt3A_2335 : f32 to vector<1x256xf32>
      %gt3A_2337 = arith.cmpf ogt, %dot_general3A_2334, %gt3A_2336 : vector<1x256xf32>
      %jit3A_2338 = arith.constant 0.000000e+00 : f32
      %jit3A_2339 = arith.constant 1.000000e+00 : f32
      %broadcast_in_dim3A_2340 = vector.broadcast %jit3A_2338 : f32 to vector<1x256xf32>
      %broadcast_in_dim3A_2341 = vector.broadcast %jit3A_2339 : f32 to vector<1x256xf32>
      %select_n3A_2342 = arith.select %gt3A_2337, %broadcast_in_dim3A_2340, %broadcast_in_dim3A_2341 : vector<1x256xi1>, vector<1x256xf32>
      %mul3A_2343 = arith.mulf %while3A_2331, %select_n3A_2342 : vector<1x256xf32>
      %dot_general3A_2344 = arith.constant dense<0.000000e+00> : vector<1x256xf32>
      %dot_general3A_2345 = tpu.matmul %mul3A_2343, %mul3A_1219, %dot_general3A_2344 {dimension_numbers = #tpu.dot_dimension_numbers<[1], [0], [0], [1], [0, 0, 1, 1], [], []>, transpose_lhs_hint = false} : vector<1x256xf32>, vector<256x256xf32>, vector<1x256xf32> -> vector<1x256xf32>
      %add3A_2346 = arith.addf %while3A_2332, %mul3A_2343 : vector<1x256xf32>
      %sub3A_2347 = arith.constant 1.000000e+00 : f32
      %sub3A_2348 = vector.broadcast %sub3A_2347 : f32 to vector<1x256xf32>
      %sub3A_2349 = arith.subf %sub3A_2348, %mul3A_2343 : vector<1x256xf32>
      %mul3A_2350 = arith.mulf %while3A_2331, %sub3A_2349 : vector<1x256xf32>
      %gt3A_2351 = arith.constant 5.000000e-01 : f32
      %gt3A_2352 = vector.broadcast %gt3A_2351 : f32 to vector<1x256xf32>
      %gt3A_2353 = arith.cmpf ogt, %dot_general3A_2345, %gt3A_2352 : vector<1x256xf32>
      %jit3A_2354 = arith.constant 0.000000e+00 : f32
      %jit3A_2355 = arith.constant 1.000000e+00 : f32
      %broadcast_in_dim3A_2356 = vector.broadcast %jit3A_2354 : f32 to vector<1x256xf32>
      %broadcast_in_dim3A_2357 = vector.broadcast %jit3A_2355 : f32 to vector<1x256xf32>
      %select_n3A_2358 = arith.select %gt3A_2353, %broadcast_in_dim3A_2356, %broadcast_in_dim3A_2357 : vector<1x256xi1>, vector<1x256xf32>
      %mul3A_2359 = arith.mulf %mul3A_2350, %select_n3A_2358 : vector<1x256xf32>
      scf.yield %mul3A_2359, %add3A_2346 : vector<1x256xf32>, vector<1x256xf32>
    }
    %swap3A_1232 = arith.constant 18 : index
    %swap3A_1233 = arith.constant 0 : index
    %swap3A_1234 = vector.load %arg8[%swap3A_1232, %swap3A_1233] : memref<20x256xf32, #tpu.memory_space<vmem>>, vector<1x256xf32>
    tpu.vector_store %arg8[%swap3A_1232, %swap3A_1233], %while3A_1231#1 {strides = array<i32>} : memref<20x256xf32, #tpu.memory_space<vmem>>, vector<1x256xf32>,
    %get3A_1235 = arith.constant 19 : index
    %get3A_1236 = arith.constant 0 : index
    %get3A_1237 = vector.load %arg1[%get3A_1235, %get3A_1236] : memref<20x256xf32, #tpu.memory_space<vmem>>, vector<1x256xf32>
    %get3A_1238 = arith.constant 19 : index
    %get3A_1239 = arith.constant 0 : index
    %get3A_1240 = vector.load %arg2[%get3A_1238, %get3A_1239] : memref<20x256xf32, #tpu.memory_space<vmem>>, vector<1x256xf32>
    %get3A_1241 = arith.constant 19 : index
    %get3A_1242 = arith.constant 0 : index
    %get3A_1243 = vector.load %arg0[%get3A_1241, %get3A_1242] : memref<20x256xf32, #tpu.memory_space<vmem>>, vector<1x256xf32>
    %get3A_1244 = arith.constant 4864 : index
    %get3A_1245 = arith.constant 0 : index
    %get3A_1246 = vector.load %arg4[%get3A_1244, %get3A_1245] : memref<5120x1xf32, #tpu.memory_space<vmem>>, vector<256x1xf32>
    %get3A_1247 = arith.constant 4864 : index
    %get3A_1248 = arith.constant 0 : index
    %get3A_1249 = vector.load %arg5[%get3A_1247, %get3A_1248] : memref<5120x1xf32, #tpu.memory_space<vmem>>, vector<256x1xf32>
    %ge3A_1250 = arith.constant 2.000000e-01 : f32
    %ge3A_1251 = vector.broadcast %ge3A_1250 : f32 to vector<1x256xf32>
    %ge3A_1252 = arith.cmpf oge, %get3A_1243, %ge3A_1251 : vector<1x256xf32>
    %jit3A_1253 = arith.constant 1.000000e+00 : f32
    %jit3A_1254 = arith.constant 0.000000e+00 : f32
    %broadcast_in_dim3A_1255 = vector.broadcast %jit3A_1253 : f32 to vector<1x256xf32>
    %broadcast_in_dim3A_1256 = vector.broadcast %jit3A_1254 : f32 to vector<1x256xf32>
    %select_n3A_1257 = arith.select %ge3A_1252, %broadcast_in_dim3A_1255, %broadcast_in_dim3A_1256 : vector<1x256xi1>, vector<1x256xf32>
    %broadcast_in_dim3A_1258 = arith.constant 0.000000e+00 : f32
    %broadcast_in_dim3A_1259 = vector.broadcast %broadcast_in_dim3A_1258 : f32 to vector<1x256xf32>
    %scan3A_1260 = arith.constant 0 : i32
    %scan3A_1261 = arith.constant 19 : i32
    %scan3A_1262 = arith.addi %scan3A_1260, %scan3A_1261 : i32
    %scan3A_1263 = arith.constant 1 : i32
    %scan3A_1264 = scf.for %scan3A_2331 = %scan3A_1260 to %scan3A_1262 step %scan3A_1263 iter_args(%scan3A_2332 = %broadcast_in_dim3A_1259) -> (vector<1x256xf32>)  : i32 {
      %mul3A_2333 = arith.constant 256 : i32
      %mul3A_2334 = arith.muli %scan3A_2331, %mul3A_2333 : i32
      %get3A_2335 = arith.index_cast %mul3A_2334 : i32 to index
      %get3A_2336 = arith.constant 0 : index
      %get3A_2337 = vector.load %arg4[%get3A_2335, %get3A_2336] : memref<5120x1xf32, #tpu.memory_space<vmem>>, vector<256x1xf32>
      %get3A_2338 = arith.index_cast %mul3A_2334 : i32 to index
      %get3A_2339 = arith.constant 0 : index
      %get3A_2340 = vector.load %arg5[%get3A_2338, %get3A_2339] : memref<5120x1xf32, #tpu.memory_space<vmem>>, vector<256x1xf32>
      %get3A_2341 = arith.index_cast %scan3A_2331 : i32 to index
      %get3A_2342 = arith.constant 0 : index
      %get3A_2343 = vector.load %arg8[%get3A_2341, %get3A_2342] : memref<20x256xf32, #tpu.memory_space<vmem>>, vector<1x256xf32>
      %sub3A_2344 = vector.broadcast %get3A_2337 : vector<256x1xf32> to vector<256x256xf32>
      %sub3A_2345 = vector.broadcast %get3A_1237 : vector<1x256xf32> to vector<256x256xf32>
      %sub3A_2346 = arith.subf %sub3A_2344, %sub3A_2345 : vector<256x256xf32>
      %sub3A_2347 = vector.broadcast %get3A_2340 : vector<256x1xf32> to vector<256x256xf32>
      %sub3A_2348 = vector.broadcast %get3A_1240 : vector<1x256xf32> to vector<256x256xf32>
      %sub3A_2349 = arith.subf %sub3A_2347, %sub3A_2348 : vector<256x256xf32>
      %mul3A_2350 = arith.mulf %sub3A_2346, %sub3A_2346 : vector<256x256xf32>
      %mul3A_2351 = arith.mulf %sub3A_2349, %sub3A_2349 : vector<256x256xf32>
      %add3A_2352 = arith.addf %mul3A_2350, %mul3A_2351 : vector<256x256xf32>
      %lt3A_2353 = arith.constant 6.400000e+01 : f32
      %lt3A_2354 = vector.broadcast %lt3A_2353 : f32 to vector<256x256xf32>
      %lt3A_2355 = arith.cmpf olt, %add3A_2352, %lt3A_2354 : vector<256x256xf32>
      %jit3A_2356 = arith.constant 1.000000e+00 : f32
      %jit3A_2357 = arith.constant 0.000000e+00 : f32
      %broadcast_in_dim3A_2358 = vector.broadcast %jit3A_2356 : f32 to vector<256x256xf32>
      %broadcast_in_dim3A_2359 = vector.broadcast %jit3A_2357 : f32 to vector<256x256xf32>
      %select_n3A_2360 = arith.select %lt3A_2355, %broadcast_in_dim3A_2358, %broadcast_in_dim3A_2359 : vector<256x256xi1>, vector<256x256xf32>
      %dot_general3A_2361 = arith.constant dense<0.000000e+00> : vector<1x256xf32>
      %dot_general3A_2362 = tpu.matmul %get3A_2343, %select_n3A_2360, %dot_general3A_2361 {dimension_numbers = #tpu.dot_dimension_numbers<[1], [0], [0], [1], [0, 0, 1, 1], [], []>, transpose_lhs_hint = false} : vector<1x256xf32>, vector<256x256xf32>, vector<1x256xf32> -> vector<1x256xf32>
      %add3A_2363 = arith.addf %scan3A_2332, %dot_general3A_2362 : vector<1x256xf32>
      scf.yield %add3A_2363 : vector<1x256xf32>
    }
    %scan3A_1265 = arith.constant 19 : i32
    %sub3A_1266 = vector.broadcast %get3A_1246 : vector<256x1xf32> to vector<256x256xf32>
    %sub3A_1267 = vector.broadcast %get3A_1237 : vector<1x256xf32> to vector<256x256xf32>
    %sub3A_1268 = arith.subf %sub3A_1266, %sub3A_1267 : vector<256x256xf32>
    %sub3A_1269 = vector.broadcast %get3A_1249 : vector<256x1xf32> to vector<256x256xf32>
    %sub3A_1270 = vector.broadcast %get3A_1240 : vector<1x256xf32> to vector<256x256xf32>
    %sub3A_1271 = arith.subf %sub3A_1269, %sub3A_1270 : vector<256x256xf32>
    %mul3A_1272 = arith.mulf %sub3A_1268, %sub3A_1268 : vector<256x256xf32>
    %mul3A_1273 = arith.mulf %sub3A_1271, %sub3A_1271 : vector<256x256xf32>
    %add3A_1274 = arith.addf %mul3A_1272, %mul3A_1273 : vector<256x256xf32>
    %lt3A_1275 = arith.constant 6.400000e+01 : f32
    %lt3A_1276 = vector.broadcast %lt3A_1275 : f32 to vector<256x256xf32>
    %lt3A_1277 = arith.cmpf olt, %add3A_1274, %lt3A_1276 : vector<256x256xf32>
    %jit3A_1278 = arith.constant 1.000000e+00 : f32
    %jit3A_1279 = arith.constant 0.000000e+00 : f32
    %broadcast_in_dim3A_1280 = vector.broadcast %jit3A_1278 : f32 to vector<256x256xf32>
    %broadcast_in_dim3A_1281 = vector.broadcast %jit3A_1279 : f32 to vector<256x256xf32>
    %select_n3A_1282 = arith.select %lt3A_1277, %broadcast_in_dim3A_1280, %broadcast_in_dim3A_1281 : vector<256x256xi1>, vector<256x256xf32>
    %mul3A_1283 = arith.mulf %select_n3A_1282, %select_n3A : vector<256x256xf32>
    %gt3A_1284 = arith.constant 5.000000e-01 : f32
    %gt3A_1285 = vector.broadcast %gt3A_1284 : f32 to vector<1x256xf32>
    %gt3A_1286 = arith.cmpf ogt, %scan3A_1264, %gt3A_1285 : vector<1x256xf32>
    %jit3A_1287 = arith.constant 0.000000e+00 : f32
    %jit3A_1288 = arith.constant 1.000000e+00 : f32
    %broadcast_in_dim3A_1289 = vector.broadcast %jit3A_1287 : f32 to vector<1x256xf32>
    %broadcast_in_dim3A_1290 = vector.broadcast %jit3A_1288 : f32 to vector<1x256xf32>
    %select_n3A_1291 = arith.select %gt3A_1286, %broadcast_in_dim3A_1289, %broadcast_in_dim3A_1290 : vector<1x256xi1>, vector<1x256xf32>
    %mul3A_1292 = arith.mulf %select_n3A_1257, %select_n3A_1291 : vector<1x256xf32>
    %broadcast_in_dim3A_1293 = arith.constant 0.000000e+00 : f32
    %broadcast_in_dim3A_1294 = vector.broadcast %broadcast_in_dim3A_1293 : f32 to vector<1x256xf32>
    %while3A_1295:2 = scf.while (%while3A_2331 = %mul3A_1292, %while3A_2332 = %broadcast_in_dim3A_1294) : (vector<1x256xf32>, vector<1x256xf32>) -> (vector<1x256xf32>, vector<1x256xf32>) {
      %reduce_sum3A_2333 = vector.shape_cast %while3A_2331 : vector<1x256xf32> to vector<1x1x256xf32>
      %reduce_sum3A_2334 = arith.constant dense<0.000000e+00> : vector<1xf32>
      %reduce_sum3A_2335 = vector.multi_reduction <add>, %reduce_sum3A_2333, %reduce_sum3A_2334 [1, 2] : vector<1x1x256xf32> to vector<1xf32>
      %reduce_sum3A_2336 = vector.shape_cast %reduce_sum3A_2335 : vector<1xf32> to vector<1x1x1xf32>
      %reduce_sum3A_2337 = vector.extract %reduce_sum3A_2336[0, 0, 0] : f32 from vector<1x1x1xf32>
      %gt3A_2338 = arith.constant 0.000000e+00 : f32
      %gt3A_2339 = arith.cmpf ogt, %reduce_sum3A_2337, %gt3A_2338 : f32
      scf.condition(%gt3A_2339) %while3A_2331, %while3A_2332 : vector<1x256xf32>, vector<1x256xf32>
    } do {
    ^bb0(%while3A_2331: vector<1x256xf32>, %while3A_2332: vector<1x256xf32>):
      %dot_general3A_2333 = arith.constant dense<0.000000e+00> : vector<1x256xf32>
      %dot_general3A_2334 = tpu.matmul %while3A_2331, %mul3A_1283, %dot_general3A_2333 {dimension_numbers = #tpu.dot_dimension_numbers<[1], [0], [0], [1], [0, 0, 1, 1], [], []>, transpose_lhs_hint = false} : vector<1x256xf32>, vector<256x256xf32>, vector<1x256xf32> -> vector<1x256xf32>
      %gt3A_2335 = arith.constant 5.000000e-01 : f32
      %gt3A_2336 = vector.broadcast %gt3A_2335 : f32 to vector<1x256xf32>
      %gt3A_2337 = arith.cmpf ogt, %dot_general3A_2334, %gt3A_2336 : vector<1x256xf32>
      %jit3A_2338 = arith.constant 0.000000e+00 : f32
      %jit3A_2339 = arith.constant 1.000000e+00 : f32
      %broadcast_in_dim3A_2340 = vector.broadcast %jit3A_2338 : f32 to vector<1x256xf32>
      %broadcast_in_dim3A_2341 = vector.broadcast %jit3A_2339 : f32 to vector<1x256xf32>
      %select_n3A_2342 = arith.select %gt3A_2337, %broadcast_in_dim3A_2340, %broadcast_in_dim3A_2341 : vector<1x256xi1>, vector<1x256xf32>
      %mul3A_2343 = arith.mulf %while3A_2331, %select_n3A_2342 : vector<1x256xf32>
      %dot_general3A_2344 = arith.constant dense<0.000000e+00> : vector<1x256xf32>
      %dot_general3A_2345 = tpu.matmul %mul3A_2343, %mul3A_1283, %dot_general3A_2344 {dimension_numbers = #tpu.dot_dimension_numbers<[1], [0], [0], [1], [0, 0, 1, 1], [], []>, transpose_lhs_hint = false} : vector<1x256xf32>, vector<256x256xf32>, vector<1x256xf32> -> vector<1x256xf32>
      %add3A_2346 = arith.addf %while3A_2332, %mul3A_2343 : vector<1x256xf32>
      %sub3A_2347 = arith.constant 1.000000e+00 : f32
      %sub3A_2348 = vector.broadcast %sub3A_2347 : f32 to vector<1x256xf32>
      %sub3A_2349 = arith.subf %sub3A_2348, %mul3A_2343 : vector<1x256xf32>
      %mul3A_2350 = arith.mulf %while3A_2331, %sub3A_2349 : vector<1x256xf32>
      %gt3A_2351 = arith.constant 5.000000e-01 : f32
      %gt3A_2352 = vector.broadcast %gt3A_2351 : f32 to vector<1x256xf32>
      %gt3A_2353 = arith.cmpf ogt, %dot_general3A_2345, %gt3A_2352 : vector<1x256xf32>
      %jit3A_2354 = arith.constant 0.000000e+00 : f32
      %jit3A_2355 = arith.constant 1.000000e+00 : f32
      %broadcast_in_dim3A_2356 = vector.broadcast %jit3A_2354 : f32 to vector<1x256xf32>
      %broadcast_in_dim3A_2357 = vector.broadcast %jit3A_2355 : f32 to vector<1x256xf32>
      %select_n3A_2358 = arith.select %gt3A_2353, %broadcast_in_dim3A_2356, %broadcast_in_dim3A_2357 : vector<1x256xi1>, vector<1x256xf32>
      %mul3A_2359 = arith.mulf %mul3A_2350, %select_n3A_2358 : vector<1x256xf32>
      scf.yield %mul3A_2359, %add3A_2346 : vector<1x256xf32>, vector<1x256xf32>
    }
    %swap3A_1296 = arith.constant 19 : index
    %swap3A_1297 = arith.constant 0 : index
    %swap3A_1298 = vector.load %arg8[%swap3A_1296, %swap3A_1297] : memref<20x256xf32, #tpu.memory_space<vmem>>, vector<1x256xf32>
    tpu.vector_store %arg8[%swap3A_1296, %swap3A_1297], %while3A_1295#1 {strides = array<i32>} : memref<20x256xf32, #tpu.memory_space<vmem>>, vector<1x256xf32>,
    %get3A_1299 = arith.constant 0 : index
    %get3A_1300 = arith.constant 0 : index
    %get3A_1301 = vector.load %arg8[%get3A_1299, %get3A_1300] : memref<20x256xf32, #tpu.memory_space<vmem>>, vector<20x256xf32>
    %ge3A_1302 = arith.cmpi sge, %iota3A_0, %iota3A : vector<256x256xi32>
    %jit3A_1303 = arith.constant 1.000000e+00 : f32
    %jit3A_1304 = arith.constant 0.000000e+00 : f32
    %broadcast_in_dim3A_1305 = vector.broadcast %jit3A_1303 : f32 to vector<256x256xf32>
    %broadcast_in_dim3A_1306 = vector.broadcast %jit3A_1304 : f32 to vector<256x256xf32>
    %select_n3A_1307 = arith.select %ge3A_1302, %broadcast_in_dim3A_1305, %broadcast_in_dim3A_1306 : vector<256x256xi1>, vector<256x256xf32>
    %dot_general3A_1308 = arith.constant dense<0.000000e+00> : vector<20x256xf32>
    %dot_general3A_1309 = tpu.matmul %get3A_1301, %select_n3A_1307, %dot_general3A_1308 {dimension_numbers = #tpu.dot_dimension_numbers<[1], [0], [0], [1], [0, 0, 1, 1], [], []>, transpose_lhs_hint = false} : vector<20x256xf32>, vector<256x256xf32>, vector<20x256xf32> -> vector<20x256xf32>
    %broadcast_in_dim3A_1310 = arith.constant 1.000000e+00 : f32
    %broadcast_in_dim3A_1311 = vector.broadcast %broadcast_in_dim3A_1310 : f32 to vector<256x1xf32>
    %dot_general3A_1312 = arith.constant dense<0.000000e+00> : vector<20x1xf32>
    %dot_general3A_1313 = tpu.matmul %get3A_1301, %broadcast_in_dim3A_1311, %dot_general3A_1312 {dimension_numbers = #tpu.dot_dimension_numbers<[1], [0], [0], [1], [0, 0, 1, 1], [], []>, transpose_lhs_hint = false} : vector<20x256xf32>, vector<256x1xf32>, vector<20x1xf32> -> vector<20x1xf32>
    %iota3A_1314 = tpu.iota {dimensions = array<i32: 0>} : vector<20x20xi32>
    %iota3A_1315 = tpu.iota {dimensions = array<i32: 1>} : vector<20x20xi32>
    %lt3A_1316 = arith.cmpi slt, %iota3A_1315, %iota3A_1314 : vector<20x20xi32>
    %jit3A_1317 = arith.constant 1.000000e+00 : f32
    %jit3A_1318 = arith.constant 0.000000e+00 : f32
    %broadcast_in_dim3A_1319 = vector.broadcast %jit3A_1317 : f32 to vector<20x20xf32>
    %broadcast_in_dim3A_1320 = vector.broadcast %jit3A_1318 : f32 to vector<20x20xf32>
    %select_n3A_1321 = arith.select %lt3A_1316, %broadcast_in_dim3A_1319, %broadcast_in_dim3A_1320 : vector<20x20xi1>, vector<20x20xf32>
    %dot_general3A_1322 = arith.constant dense<0.000000e+00> : vector<20x1xf32>
    %dot_general3A_1323 = tpu.matmul %select_n3A_1321, %dot_general3A_1313, %dot_general3A_1322 {dimension_numbers = #tpu.dot_dimension_numbers<[1], [0], [0], [1], [0, 0, 1, 1], [], []>, transpose_lhs_hint = false} : vector<20x20xf32>, vector<20x1xf32>, vector<20x1xf32> -> vector<20x1xf32>
    %add3A_1324 = vector.broadcast %dot_general3A_1323 : vector<20x1xf32> to vector<20x256xf32>
    %add3A_1325 = arith.addf %dot_general3A_1309, %add3A_1324 : vector<20x256xf32>
    %iota3A_1326 = tpu.iota {dimensions = array<i32: 0>} : vector<2560x1xi32>
    %convert_element_type3A = arith.sitofp %iota3A_1326 : vector<2560x1xi32> to vector<2560x1xf32>
    %broadcast_in_dim3A_1327 = arith.constant 0.000000e+00 : f32
    %broadcast_in_dim3A_1328 = vector.broadcast %broadcast_in_dim3A_1327 : f32 to vector<2560x1xf32>
    %broadcast_in_dim3A_1329 = arith.constant 0.000000e+00 : f32
    %broadcast_in_dim3A_1330 = vector.broadcast %broadcast_in_dim3A_1329 : f32 to vector<2560x1xf32>
    %broadcast_in_dim3A_1331 = arith.constant 0.000000e+00 : f32
    %broadcast_in_dim3A_1332 = vector.broadcast %broadcast_in_dim3A_1331 : f32 to vector<2560x1xf32>
    %broadcast_in_dim3A_1333 = arith.constant 0.000000e+00 : f32
    %broadcast_in_dim3A_1334 = vector.broadcast %broadcast_in_dim3A_1333 : f32 to vector<2560x1xf32>
    %slice3A = vector.extract_strided_slice %add3A_1325 {offsets = [0, 0], sizes = [1, 256], strides = [1, 1]} : vector<20x256xf32> to vector<1x256xf32>
    %slice3A_1335 = vector.extract_strided_slice %get3A_1301 {offsets = [0, 0], sizes = [1, 256], strides = [1, 1]} : vector<20x256xf32> to vector<1x256xf32>
    %sub3A_1336 = arith.constant 1.000000e+00 : f32
    %sub3A_1337 = vector.broadcast %sub3A_1336 : f32 to vector<1x256xf32>
    %sub3A_1338 = arith.subf %slice3A, %sub3A_1337 : vector<1x256xf32>
    %eq3A = vector.broadcast %sub3A_1338 : vector<1x256xf32> to vector<2560x256xf32>
    %eq3A_1339 = vector.broadcast %convert_element_type3A : vector<2560x1xf32> to vector<2560x256xf32>
    %eq3A_1340 = arith.cmpf oeq, %eq3A, %eq3A_1339 : vector<2560x256xf32>
    %gt3A_1341 = arith.constant 5.000000e-01 : f32
    %gt3A_1342 = vector.broadcast %gt3A_1341 : f32 to vector<1x256xf32>
    %gt3A_1343 = arith.cmpf ogt, %slice3A_1335, %gt3A_1342 : vector<1x256xf32>
    %and3A = vector.broadcast %gt3A_1343 : vector<1x256xi1> to vector<2560x256xi1>
    %and3A_1344 = arith.andi %eq3A_1340, %and3A : vector<2560x256xi1>
    %jit3A_1345 = arith.constant 1.000000e+00 : f32
    %jit3A_1346 = arith.constant 0.000000e+00 : f32
    %broadcast_in_dim3A_1347 = vector.broadcast %jit3A_1345 : f32 to vector<2560x256xf32>
    %broadcast_in_dim3A_1348 = vector.broadcast %jit3A_1346 : f32 to vector<2560x256xf32>
    %select_n3A_1349 = arith.select %and3A_1344, %broadcast_in_dim3A_1347, %broadcast_in_dim3A_1348 : vector<2560x256xi1>, vector<2560x256xf32>
    %get3A_1350 = arith.constant 0 : index
    %get3A_1351 = arith.constant 0 : index
    %get3A_1352 = vector.load %arg0[%get3A_1350, %get3A_1351] : memref<20x256xf32, #tpu.memory_space<vmem>>, vector<1x256xf32>
    %mul3A_1353 = vector.broadcast %get3A_1352 : vector<1x256xf32> to vector<2560x256xf32>
    %mul3A_1354 = arith.mulf %select_n3A_1349, %mul3A_1353 : vector<2560x256xf32>
    %reduce_sum3A = arith.constant dense<0.000000e+00> : vector<2560xf32>
    %reduce_sum3A_1355 = vector.multi_reduction <add>, %mul3A_1354, %reduce_sum3A [1] : vector<2560x256xf32> to vector<2560xf32>
    %broadcast_in_dim3A_1356 = vector.shape_cast %reduce_sum3A_1355 : vector<2560xf32> to vector<2560x1xf32>
    %add3A_1357 = arith.addf %broadcast_in_dim3A_1328, %broadcast_in_dim3A_1356 : vector<2560x1xf32>
    %get3A_1358 = arith.constant 0 : index
    %get3A_1359 = arith.constant 0 : index
    %get3A_1360 = vector.load %arg1[%get3A_1358, %get3A_1359] : memref<20x256xf32, #tpu.memory_space<vmem>>, vector<1x256xf32>
    %mul3A_1361 = vector.broadcast %get3A_1360 : vector<1x256xf32> to vector<2560x256xf32>
    %mul3A_1362 = arith.mulf %select_n3A_1349, %mul3A_1361 : vector<2560x256xf32>
    %reduce_sum3A_1363 = arith.constant dense<0.000000e+00> : vector<2560xf32>
    %reduce_sum3A_1364 = vector.multi_reduction <add>, %mul3A_1362, %reduce_sum3A_1363 [1] : vector<2560x256xf32> to vector<2560xf32>
    %broadcast_in_dim3A_1365 = vector.shape_cast %reduce_sum3A_1364 : vector<2560xf32> to vector<2560x1xf32>
    %add3A_1366 = arith.addf %broadcast_in_dim3A_1330, %broadcast_in_dim3A_1365 : vector<2560x1xf32>
    %get3A_1367 = arith.constant 0 : index
    %get3A_1368 = arith.constant 0 : index
    %get3A_1369 = vector.load %arg2[%get3A_1367, %get3A_1368] : memref<20x256xf32, #tpu.memory_space<vmem>>, vector<1x256xf32>
    %mul3A_1370 = vector.broadcast %get3A_1369 : vector<1x256xf32> to vector<2560x256xf32>
    %mul3A_1371 = arith.mulf %select_n3A_1349, %mul3A_1370 : vector<2560x256xf32>
    %reduce_sum3A_1372 = arith.constant dense<0.000000e+00> : vector<2560xf32>
    %reduce_sum3A_1373 = vector.multi_reduction <add>, %mul3A_1371, %reduce_sum3A_1372 [1] : vector<2560x256xf32> to vector<2560xf32>
    %broadcast_in_dim3A_1374 = vector.shape_cast %reduce_sum3A_1373 : vector<2560xf32> to vector<2560x1xf32>
    %add3A_1375 = arith.addf %broadcast_in_dim3A_1332, %broadcast_in_dim3A_1374 : vector<2560x1xf32>
    %reduce_sum3A_1376 = arith.constant dense<0.000000e+00> : vector<2560xf32>
    %reduce_sum3A_1377 = vector.multi_reduction <add>, %select_n3A_1349, %reduce_sum3A_1376 [1] : vector<2560x256xf32> to vector<2560xf32>
    %broadcast_in_dim3A_1378 = vector.shape_cast %reduce_sum3A_1377 : vector<2560xf32> to vector<2560x1xf32>
    %add3A_1379 = arith.addf %broadcast_in_dim3A_1334, %broadcast_in_dim3A_1378 : vector<2560x1xf32>
    %slice3A_1380 = vector.extract_strided_slice %add3A_1325 {offsets = [1, 0], sizes = [1, 256], strides = [1, 1]} : vector<20x256xf32> to vector<1x256xf32>
    %slice3A_1381 = vector.extract_strided_slice %get3A_1301 {offsets = [1, 0], sizes = [1, 256], strides = [1, 1]} : vector<20x256xf32> to vector<1x256xf32>
    %sub3A_1382 = arith.constant 1.000000e+00 : f32
    %sub3A_1383 = vector.broadcast %sub3A_1382 : f32 to vector<1x256xf32>
    %sub3A_1384 = arith.subf %slice3A_1380, %sub3A_1383 : vector<1x256xf32>
    %eq3A_1385 = vector.broadcast %sub3A_1384 : vector<1x256xf32> to vector<2560x256xf32>
    %eq3A_1386 = vector.broadcast %convert_element_type3A : vector<2560x1xf32> to vector<2560x256xf32>
    %eq3A_1387 = arith.cmpf oeq, %eq3A_1385, %eq3A_1386 : vector<2560x256xf32>
    %gt3A_1388 = arith.constant 5.000000e-01 : f32
    %gt3A_1389 = vector.broadcast %gt3A_1388 : f32 to vector<1x256xf32>
    %gt3A_1390 = arith.cmpf ogt, %slice3A_1381, %gt3A_1389 : vector<1x256xf32>
    %and3A_1391 = vector.broadcast %gt3A_1390 : vector<1x256xi1> to vector<2560x256xi1>
    %and3A_1392 = arith.andi %eq3A_1387, %and3A_1391 : vector<2560x256xi1>
    %jit3A_1393 = arith.constant 1.000000e+00 : f32
    %jit3A_1394 = arith.constant 0.000000e+00 : f32
    %broadcast_in_dim3A_1395 = vector.broadcast %jit3A_1393 : f32 to vector<2560x256xf32>
    %broadcast_in_dim3A_1396 = vector.broadcast %jit3A_1394 : f32 to vector<2560x256xf32>
    %select_n3A_1397 = arith.select %and3A_1392, %broadcast_in_dim3A_1395, %broadcast_in_dim3A_1396 : vector<2560x256xi1>, vector<2560x256xf32>
    %get3A_1398 = arith.constant 1 : index
    %get3A_1399 = arith.constant 0 : index
    %get3A_1400 = vector.load %arg0[%get3A_1398, %get3A_1399] : memref<20x256xf32, #tpu.memory_space<vmem>>, vector<1x256xf32>
    %mul3A_1401 = vector.broadcast %get3A_1400 : vector<1x256xf32> to vector<2560x256xf32>
    %mul3A_1402 = arith.mulf %select_n3A_1397, %mul3A_1401 : vector<2560x256xf32>
    %reduce_sum3A_1403 = arith.constant dense<0.000000e+00> : vector<2560xf32>
    %reduce_sum3A_1404 = vector.multi_reduction <add>, %mul3A_1402, %reduce_sum3A_1403 [1] : vector<2560x256xf32> to vector<2560xf32>
    %broadcast_in_dim3A_1405 = vector.shape_cast %reduce_sum3A_1404 : vector<2560xf32> to vector<2560x1xf32>
    %add3A_1406 = arith.addf %add3A_1357, %broadcast_in_dim3A_1405 : vector<2560x1xf32>
    %get3A_1407 = arith.constant 1 : index
    %get3A_1408 = arith.constant 0 : index
    %get3A_1409 = vector.load %arg1[%get3A_1407, %get3A_1408] : memref<20x256xf32, #tpu.memory_space<vmem>>, vector<1x256xf32>
    %mul3A_1410 = vector.broadcast %get3A_1409 : vector<1x256xf32> to vector<2560x256xf32>
    %mul3A_1411 = arith.mulf %select_n3A_1397, %mul3A_1410 : vector<2560x256xf32>
    %reduce_sum3A_1412 = arith.constant dense<0.000000e+00> : vector<2560xf32>
    %reduce_sum3A_1413 = vector.multi_reduction <add>, %mul3A_1411, %reduce_sum3A_1412 [1] : vector<2560x256xf32> to vector<2560xf32>
    %broadcast_in_dim3A_1414 = vector.shape_cast %reduce_sum3A_1413 : vector<2560xf32> to vector<2560x1xf32>
    %add3A_1415 = arith.addf %add3A_1366, %broadcast_in_dim3A_1414 : vector<2560x1xf32>
    %get3A_1416 = arith.constant 1 : index
    %get3A_1417 = arith.constant 0 : index
    %get3A_1418 = vector.load %arg2[%get3A_1416, %get3A_1417] : memref<20x256xf32, #tpu.memory_space<vmem>>, vector<1x256xf32>
    %mul3A_1419 = vector.broadcast %get3A_1418 : vector<1x256xf32> to vector<2560x256xf32>
    %mul3A_1420 = arith.mulf %select_n3A_1397, %mul3A_1419 : vector<2560x256xf32>
    %reduce_sum3A_1421 = arith.constant dense<0.000000e+00> : vector<2560xf32>
    %reduce_sum3A_1422 = vector.multi_reduction <add>, %mul3A_1420, %reduce_sum3A_1421 [1] : vector<2560x256xf32> to vector<2560xf32>
    %broadcast_in_dim3A_1423 = vector.shape_cast %reduce_sum3A_1422 : vector<2560xf32> to vector<2560x1xf32>
    %add3A_1424 = arith.addf %add3A_1375, %broadcast_in_dim3A_1423 : vector<2560x1xf32>
    %reduce_sum3A_1425 = arith.constant dense<0.000000e+00> : vector<2560xf32>
    %reduce_sum3A_1426 = vector.multi_reduction <add>, %select_n3A_1397, %reduce_sum3A_1425 [1] : vector<2560x256xf32> to vector<2560xf32>
    %broadcast_in_dim3A_1427 = vector.shape_cast %reduce_sum3A_1426 : vector<2560xf32> to vector<2560x1xf32>
    %add3A_1428 = arith.addf %add3A_1379, %broadcast_in_dim3A_1427 : vector<2560x1xf32>
    %slice3A_1429 = vector.extract_strided_slice %add3A_1325 {offsets = [2, 0], sizes = [1, 256], strides = [1, 1]} : vector<20x256xf32> to vector<1x256xf32>
    %slice3A_1430 = vector.extract_strided_slice %get3A_1301 {offsets = [2, 0], sizes = [1, 256], strides = [1, 1]} : vector<20x256xf32> to vector<1x256xf32>
    %sub3A_1431 = arith.constant 1.000000e+00 : f32
    %sub3A_1432 = vector.broadcast %sub3A_1431 : f32 to vector<1x256xf32>
    %sub3A_1433 = arith.subf %slice3A_1429, %sub3A_1432 : vector<1x256xf32>
    %eq3A_1434 = vector.broadcast %sub3A_1433 : vector<1x256xf32> to vector<2560x256xf32>
    %eq3A_1435 = vector.broadcast %convert_element_type3A : vector<2560x1xf32> to vector<2560x256xf32>
    %eq3A_1436 = arith.cmpf oeq, %eq3A_1434, %eq3A_1435 : vector<2560x256xf32>
    %gt3A_1437 = arith.constant 5.000000e-01 : f32
    %gt3A_1438 = vector.broadcast %gt3A_1437 : f32 to vector<1x256xf32>
    %gt3A_1439 = arith.cmpf ogt, %slice3A_1430, %gt3A_1438 : vector<1x256xf32>
    %and3A_1440 = vector.broadcast %gt3A_1439 : vector<1x256xi1> to vector<2560x256xi1>
    %and3A_1441 = arith.andi %eq3A_1436, %and3A_1440 : vector<2560x256xi1>
    %jit3A_1442 = arith.constant 1.000000e+00 : f32
    %jit3A_1443 = arith.constant 0.000000e+00 : f32
    %broadcast_in_dim3A_1444 = vector.broadcast %jit3A_1442 : f32 to vector<2560x256xf32>
    %broadcast_in_dim3A_1445 = vector.broadcast %jit3A_1443 : f32 to vector<2560x256xf32>
    %select_n3A_1446 = arith.select %and3A_1441, %broadcast_in_dim3A_1444, %broadcast_in_dim3A_1445 : vector<2560x256xi1>, vector<2560x256xf32>
    %get3A_1447 = arith.constant 2 : index
    %get3A_1448 = arith.constant 0 : index
    %get3A_1449 = vector.load %arg0[%get3A_1447, %get3A_1448] : memref<20x256xf32, #tpu.memory_space<vmem>>, vector<1x256xf32>
    %mul3A_1450 = vector.broadcast %get3A_1449 : vector<1x256xf32> to vector<2560x256xf32>
    %mul3A_1451 = arith.mulf %select_n3A_1446, %mul3A_1450 : vector<2560x256xf32>
    %reduce_sum3A_1452 = arith.constant dense<0.000000e+00> : vector<2560xf32>
    %reduce_sum3A_1453 = vector.multi_reduction <add>, %mul3A_1451, %reduce_sum3A_1452 [1] : vector<2560x256xf32> to vector<2560xf32>
    %broadcast_in_dim3A_1454 = vector.shape_cast %reduce_sum3A_1453 : vector<2560xf32> to vector<2560x1xf32>
    %add3A_1455 = arith.addf %add3A_1406, %broadcast_in_dim3A_1454 : vector<2560x1xf32>
    %get3A_1456 = arith.constant 2 : index
    %get3A_1457 = arith.constant 0 : index
    %get3A_1458 = vector.load %arg1[%get3A_1456, %get3A_1457] : memref<20x256xf32, #tpu.memory_space<vmem>>, vector<1x256xf32>
    %mul3A_1459 = vector.broadcast %get3A_1458 : vector<1x256xf32> to vector<2560x256xf32>
    %mul3A_1460 = arith.mulf %select_n3A_1446, %mul3A_1459 : vector<2560x256xf32>
    %reduce_sum3A_1461 = arith.constant dense<0.000000e+00> : vector<2560xf32>
    %reduce_sum3A_1462 = vector.multi_reduction <add>, %mul3A_1460, %reduce_sum3A_1461 [1] : vector<2560x256xf32> to vector<2560xf32>
    %broadcast_in_dim3A_1463 = vector.shape_cast %reduce_sum3A_1462 : vector<2560xf32> to vector<2560x1xf32>
    %add3A_1464 = arith.addf %add3A_1415, %broadcast_in_dim3A_1463 : vector<2560x1xf32>
    %get3A_1465 = arith.constant 2 : index
    %get3A_1466 = arith.constant 0 : index
    %get3A_1467 = vector.load %arg2[%get3A_1465, %get3A_1466] : memref<20x256xf32, #tpu.memory_space<vmem>>, vector<1x256xf32>
    %mul3A_1468 = vector.broadcast %get3A_1467 : vector<1x256xf32> to vector<2560x256xf32>
    %mul3A_1469 = arith.mulf %select_n3A_1446, %mul3A_1468 : vector<2560x256xf32>
    %reduce_sum3A_1470 = arith.constant dense<0.000000e+00> : vector<2560xf32>
    %reduce_sum3A_1471 = vector.multi_reduction <add>, %mul3A_1469, %reduce_sum3A_1470 [1] : vector<2560x256xf32> to vector<2560xf32>
    %broadcast_in_dim3A_1472 = vector.shape_cast %reduce_sum3A_1471 : vector<2560xf32> to vector<2560x1xf32>
    %add3A_1473 = arith.addf %add3A_1424, %broadcast_in_dim3A_1472 : vector<2560x1xf32>
    %reduce_sum3A_1474 = arith.constant dense<0.000000e+00> : vector<2560xf32>
    %reduce_sum3A_1475 = vector.multi_reduction <add>, %select_n3A_1446, %reduce_sum3A_1474 [1] : vector<2560x256xf32> to vector<2560xf32>
    %broadcast_in_dim3A_1476 = vector.shape_cast %reduce_sum3A_1475 : vector<2560xf32> to vector<2560x1xf32>
    %add3A_1477 = arith.addf %add3A_1428, %broadcast_in_dim3A_1476 : vector<2560x1xf32>
    %slice3A_1478 = vector.extract_strided_slice %add3A_1325 {offsets = [3, 0], sizes = [1, 256], strides = [1, 1]} : vector<20x256xf32> to vector<1x256xf32>
    %slice3A_1479 = vector.extract_strided_slice %get3A_1301 {offsets = [3, 0], sizes = [1, 256], strides = [1, 1]} : vector<20x256xf32> to vector<1x256xf32>
    %sub3A_1480 = arith.constant 1.000000e+00 : f32
    %sub3A_1481 = vector.broadcast %sub3A_1480 : f32 to vector<1x256xf32>
    %sub3A_1482 = arith.subf %slice3A_1478, %sub3A_1481 : vector<1x256xf32>
    %eq3A_1483 = vector.broadcast %sub3A_1482 : vector<1x256xf32> to vector<2560x256xf32>
    %eq3A_1484 = vector.broadcast %convert_element_type3A : vector<2560x1xf32> to vector<2560x256xf32>
    %eq3A_1485 = arith.cmpf oeq, %eq3A_1483, %eq3A_1484 : vector<2560x256xf32>
    %gt3A_1486 = arith.constant 5.000000e-01 : f32
    %gt3A_1487 = vector.broadcast %gt3A_1486 : f32 to vector<1x256xf32>
    %gt3A_1488 = arith.cmpf ogt, %slice3A_1479, %gt3A_1487 : vector<1x256xf32>
    %and3A_1489 = vector.broadcast %gt3A_1488 : vector<1x256xi1> to vector<2560x256xi1>
    %and3A_1490 = arith.andi %eq3A_1485, %and3A_1489 : vector<2560x256xi1>
    %jit3A_1491 = arith.constant 1.000000e+00 : f32
    %jit3A_1492 = arith.constant 0.000000e+00 : f32
    %broadcast_in_dim3A_1493 = vector.broadcast %jit3A_1491 : f32 to vector<2560x256xf32>
    %broadcast_in_dim3A_1494 = vector.broadcast %jit3A_1492 : f32 to vector<2560x256xf32>
    %select_n3A_1495 = arith.select %and3A_1490, %broadcast_in_dim3A_1493, %broadcast_in_dim3A_1494 : vector<2560x256xi1>, vector<2560x256xf32>
    %get3A_1496 = arith.constant 3 : index
    %get3A_1497 = arith.constant 0 : index
    %get3A_1498 = vector.load %arg0[%get3A_1496, %get3A_1497] : memref<20x256xf32, #tpu.memory_space<vmem>>, vector<1x256xf32>
    %mul3A_1499 = vector.broadcast %get3A_1498 : vector<1x256xf32> to vector<2560x256xf32>
    %mul3A_1500 = arith.mulf %select_n3A_1495, %mul3A_1499 : vector<2560x256xf32>
    %reduce_sum3A_1501 = arith.constant dense<0.000000e+00> : vector<2560xf32>
    %reduce_sum3A_1502 = vector.multi_reduction <add>, %mul3A_1500, %reduce_sum3A_1501 [1] : vector<2560x256xf32> to vector<2560xf32>
    %broadcast_in_dim3A_1503 = vector.shape_cast %reduce_sum3A_1502 : vector<2560xf32> to vector<2560x1xf32>
    %add3A_1504 = arith.addf %add3A_1455, %broadcast_in_dim3A_1503 : vector<2560x1xf32>
    %get3A_1505 = arith.constant 3 : index
    %get3A_1506 = arith.constant 0 : index
    %get3A_1507 = vector.load %arg1[%get3A_1505, %get3A_1506] : memref<20x256xf32, #tpu.memory_space<vmem>>, vector<1x256xf32>
    %mul3A_1508 = vector.broadcast %get3A_1507 : vector<1x256xf32> to vector<2560x256xf32>
    %mul3A_1509 = arith.mulf %select_n3A_1495, %mul3A_1508 : vector<2560x256xf32>
    %reduce_sum3A_1510 = arith.constant dense<0.000000e+00> : vector<2560xf32>
    %reduce_sum3A_1511 = vector.multi_reduction <add>, %mul3A_1509, %reduce_sum3A_1510 [1] : vector<2560x256xf32> to vector<2560xf32>
    %broadcast_in_dim3A_1512 = vector.shape_cast %reduce_sum3A_1511 : vector<2560xf32> to vector<2560x1xf32>
    %add3A_1513 = arith.addf %add3A_1464, %broadcast_in_dim3A_1512 : vector<2560x1xf32>
    %get3A_1514 = arith.constant 3 : index
    %get3A_1515 = arith.constant 0 : index
    %get3A_1516 = vector.load %arg2[%get3A_1514, %get3A_1515] : memref<20x256xf32, #tpu.memory_space<vmem>>, vector<1x256xf32>
    %mul3A_1517 = vector.broadcast %get3A_1516 : vector<1x256xf32> to vector<2560x256xf32>
    %mul3A_1518 = arith.mulf %select_n3A_1495, %mul3A_1517 : vector<2560x256xf32>
    %reduce_sum3A_1519 = arith.constant dense<0.000000e+00> : vector<2560xf32>
    %reduce_sum3A_1520 = vector.multi_reduction <add>, %mul3A_1518, %reduce_sum3A_1519 [1] : vector<2560x256xf32> to vector<2560xf32>
    %broadcast_in_dim3A_1521 = vector.shape_cast %reduce_sum3A_1520 : vector<2560xf32> to vector<2560x1xf32>
    %add3A_1522 = arith.addf %add3A_1473, %broadcast_in_dim3A_1521 : vector<2560x1xf32>
    %reduce_sum3A_1523 = arith.constant dense<0.000000e+00> : vector<2560xf32>
    %reduce_sum3A_1524 = vector.multi_reduction <add>, %select_n3A_1495, %reduce_sum3A_1523 [1] : vector<2560x256xf32> to vector<2560xf32>
    %broadcast_in_dim3A_1525 = vector.shape_cast %reduce_sum3A_1524 : vector<2560xf32> to vector<2560x1xf32>
    %add3A_1526 = arith.addf %add3A_1477, %broadcast_in_dim3A_1525 : vector<2560x1xf32>
    %slice3A_1527 = vector.extract_strided_slice %add3A_1325 {offsets = [4, 0], sizes = [1, 256], strides = [1, 1]} : vector<20x256xf32> to vector<1x256xf32>
    %slice3A_1528 = vector.extract_strided_slice %get3A_1301 {offsets = [4, 0], sizes = [1, 256], strides = [1, 1]} : vector<20x256xf32> to vector<1x256xf32>
    %sub3A_1529 = arith.constant 1.000000e+00 : f32
    %sub3A_1530 = vector.broadcast %sub3A_1529 : f32 to vector<1x256xf32>
    %sub3A_1531 = arith.subf %slice3A_1527, %sub3A_1530 : vector<1x256xf32>
    %eq3A_1532 = vector.broadcast %sub3A_1531 : vector<1x256xf32> to vector<2560x256xf32>
    %eq3A_1533 = vector.broadcast %convert_element_type3A : vector<2560x1xf32> to vector<2560x256xf32>
    %eq3A_1534 = arith.cmpf oeq, %eq3A_1532, %eq3A_1533 : vector<2560x256xf32>
    %gt3A_1535 = arith.constant 5.000000e-01 : f32
    %gt3A_1536 = vector.broadcast %gt3A_1535 : f32 to vector<1x256xf32>
    %gt3A_1537 = arith.cmpf ogt, %slice3A_1528, %gt3A_1536 : vector<1x256xf32>
    %and3A_1538 = vector.broadcast %gt3A_1537 : vector<1x256xi1> to vector<2560x256xi1>
    %and3A_1539 = arith.andi %eq3A_1534, %and3A_1538 : vector<2560x256xi1>
    %jit3A_1540 = arith.constant 1.000000e+00 : f32
    %jit3A_1541 = arith.constant 0.000000e+00 : f32
    %broadcast_in_dim3A_1542 = vector.broadcast %jit3A_1540 : f32 to vector<2560x256xf32>
    %broadcast_in_dim3A_1543 = vector.broadcast %jit3A_1541 : f32 to vector<2560x256xf32>
    %select_n3A_1544 = arith.select %and3A_1539, %broadcast_in_dim3A_1542, %broadcast_in_dim3A_1543 : vector<2560x256xi1>, vector<2560x256xf32>
    %get3A_1545 = arith.constant 4 : index
    %get3A_1546 = arith.constant 0 : index
    %get3A_1547 = vector.load %arg0[%get3A_1545, %get3A_1546] : memref<20x256xf32, #tpu.memory_space<vmem>>, vector<1x256xf32>
    %mul3A_1548 = vector.broadcast %get3A_1547 : vector<1x256xf32> to vector<2560x256xf32>
    %mul3A_1549 = arith.mulf %select_n3A_1544, %mul3A_1548 : vector<2560x256xf32>
    %reduce_sum3A_1550 = arith.constant dense<0.000000e+00> : vector<2560xf32>
    %reduce_sum3A_1551 = vector.multi_reduction <add>, %mul3A_1549, %reduce_sum3A_1550 [1] : vector<2560x256xf32> to vector<2560xf32>
    %broadcast_in_dim3A_1552 = vector.shape_cast %reduce_sum3A_1551 : vector<2560xf32> to vector<2560x1xf32>
    %add3A_1553 = arith.addf %add3A_1504, %broadcast_in_dim3A_1552 : vector<2560x1xf32>
    %get3A_1554 = arith.constant 4 : index
    %get3A_1555 = arith.constant 0 : index
    %get3A_1556 = vector.load %arg1[%get3A_1554, %get3A_1555] : memref<20x256xf32, #tpu.memory_space<vmem>>, vector<1x256xf32>
    %mul3A_1557 = vector.broadcast %get3A_1556 : vector<1x256xf32> to vector<2560x256xf32>
    %mul3A_1558 = arith.mulf %select_n3A_1544, %mul3A_1557 : vector<2560x256xf32>
    %reduce_sum3A_1559 = arith.constant dense<0.000000e+00> : vector<2560xf32>
    %reduce_sum3A_1560 = vector.multi_reduction <add>, %mul3A_1558, %reduce_sum3A_1559 [1] : vector<2560x256xf32> to vector<2560xf32>
    %broadcast_in_dim3A_1561 = vector.shape_cast %reduce_sum3A_1560 : vector<2560xf32> to vector<2560x1xf32>
    %add3A_1562 = arith.addf %add3A_1513, %broadcast_in_dim3A_1561 : vector<2560x1xf32>
    %get3A_1563 = arith.constant 4 : index
    %get3A_1564 = arith.constant 0 : index
    %get3A_1565 = vector.load %arg2[%get3A_1563, %get3A_1564] : memref<20x256xf32, #tpu.memory_space<vmem>>, vector<1x256xf32>
    %mul3A_1566 = vector.broadcast %get3A_1565 : vector<1x256xf32> to vector<2560x256xf32>
    %mul3A_1567 = arith.mulf %select_n3A_1544, %mul3A_1566 : vector<2560x256xf32>
    %reduce_sum3A_1568 = arith.constant dense<0.000000e+00> : vector<2560xf32>
    %reduce_sum3A_1569 = vector.multi_reduction <add>, %mul3A_1567, %reduce_sum3A_1568 [1] : vector<2560x256xf32> to vector<2560xf32>
    %broadcast_in_dim3A_1570 = vector.shape_cast %reduce_sum3A_1569 : vector<2560xf32> to vector<2560x1xf32>
    %add3A_1571 = arith.addf %add3A_1522, %broadcast_in_dim3A_1570 : vector<2560x1xf32>
    %reduce_sum3A_1572 = arith.constant dense<0.000000e+00> : vector<2560xf32>
    %reduce_sum3A_1573 = vector.multi_reduction <add>, %select_n3A_1544, %reduce_sum3A_1572 [1] : vector<2560x256xf32> to vector<2560xf32>
    %broadcast_in_dim3A_1574 = vector.shape_cast %reduce_sum3A_1573 : vector<2560xf32> to vector<2560x1xf32>
    %add3A_1575 = arith.addf %add3A_1526, %broadcast_in_dim3A_1574 : vector<2560x1xf32>
    %slice3A_1576 = vector.extract_strided_slice %add3A_1325 {offsets = [5, 0], sizes = [1, 256], strides = [1, 1]} : vector<20x256xf32> to vector<1x256xf32>
    %slice3A_1577 = vector.extract_strided_slice %get3A_1301 {offsets = [5, 0], sizes = [1, 256], strides = [1, 1]} : vector<20x256xf32> to vector<1x256xf32>
    %sub3A_1578 = arith.constant 1.000000e+00 : f32
    %sub3A_1579 = vector.broadcast %sub3A_1578 : f32 to vector<1x256xf32>
    %sub3A_1580 = arith.subf %slice3A_1576, %sub3A_1579 : vector<1x256xf32>
    %eq3A_1581 = vector.broadcast %sub3A_1580 : vector<1x256xf32> to vector<2560x256xf32>
    %eq3A_1582 = vector.broadcast %convert_element_type3A : vector<2560x1xf32> to vector<2560x256xf32>
    %eq3A_1583 = arith.cmpf oeq, %eq3A_1581, %eq3A_1582 : vector<2560x256xf32>
    %gt3A_1584 = arith.constant 5.000000e-01 : f32
    %gt3A_1585 = vector.broadcast %gt3A_1584 : f32 to vector<1x256xf32>
    %gt3A_1586 = arith.cmpf ogt, %slice3A_1577, %gt3A_1585 : vector<1x256xf32>
    %and3A_1587 = vector.broadcast %gt3A_1586 : vector<1x256xi1> to vector<2560x256xi1>
    %and3A_1588 = arith.andi %eq3A_1583, %and3A_1587 : vector<2560x256xi1>
    %jit3A_1589 = arith.constant 1.000000e+00 : f32
    %jit3A_1590 = arith.constant 0.000000e+00 : f32
    %broadcast_in_dim3A_1591 = vector.broadcast %jit3A_1589 : f32 to vector<2560x256xf32>
    %broadcast_in_dim3A_1592 = vector.broadcast %jit3A_1590 : f32 to vector<2560x256xf32>
    %select_n3A_1593 = arith.select %and3A_1588, %broadcast_in_dim3A_1591, %broadcast_in_dim3A_1592 : vector<2560x256xi1>, vector<2560x256xf32>
    %get3A_1594 = arith.constant 5 : index
    %get3A_1595 = arith.constant 0 : index
    %get3A_1596 = vector.load %arg0[%get3A_1594, %get3A_1595] : memref<20x256xf32, #tpu.memory_space<vmem>>, vector<1x256xf32>
    %mul3A_1597 = vector.broadcast %get3A_1596 : vector<1x256xf32> to vector<2560x256xf32>
    %mul3A_1598 = arith.mulf %select_n3A_1593, %mul3A_1597 : vector<2560x256xf32>
    %reduce_sum3A_1599 = arith.constant dense<0.000000e+00> : vector<2560xf32>
    %reduce_sum3A_1600 = vector.multi_reduction <add>, %mul3A_1598, %reduce_sum3A_1599 [1] : vector<2560x256xf32> to vector<2560xf32>
    %broadcast_in_dim3A_1601 = vector.shape_cast %reduce_sum3A_1600 : vector<2560xf32> to vector<2560x1xf32>
    %add3A_1602 = arith.addf %add3A_1553, %broadcast_in_dim3A_1601 : vector<2560x1xf32>
    %get3A_1603 = arith.constant 5 : index
    %get3A_1604 = arith.constant 0 : index
    %get3A_1605 = vector.load %arg1[%get3A_1603, %get3A_1604] : memref<20x256xf32, #tpu.memory_space<vmem>>, vector<1x256xf32>
    %mul3A_1606 = vector.broadcast %get3A_1605 : vector<1x256xf32> to vector<2560x256xf32>
    %mul3A_1607 = arith.mulf %select_n3A_1593, %mul3A_1606 : vector<2560x256xf32>
    %reduce_sum3A_1608 = arith.constant dense<0.000000e+00> : vector<2560xf32>
    %reduce_sum3A_1609 = vector.multi_reduction <add>, %mul3A_1607, %reduce_sum3A_1608 [1] : vector<2560x256xf32> to vector<2560xf32>
    %broadcast_in_dim3A_1610 = vector.shape_cast %reduce_sum3A_1609 : vector<2560xf32> to vector<2560x1xf32>
    %add3A_1611 = arith.addf %add3A_1562, %broadcast_in_dim3A_1610 : vector<2560x1xf32>
    %get3A_1612 = arith.constant 5 : index
    %get3A_1613 = arith.constant 0 : index
    %get3A_1614 = vector.load %arg2[%get3A_1612, %get3A_1613] : memref<20x256xf32, #tpu.memory_space<vmem>>, vector<1x256xf32>
    %mul3A_1615 = vector.broadcast %get3A_1614 : vector<1x256xf32> to vector<2560x256xf32>
    %mul3A_1616 = arith.mulf %select_n3A_1593, %mul3A_1615 : vector<2560x256xf32>
    %reduce_sum3A_1617 = arith.constant dense<0.000000e+00> : vector<2560xf32>
    %reduce_sum3A_1618 = vector.multi_reduction <add>, %mul3A_1616, %reduce_sum3A_1617 [1] : vector<2560x256xf32> to vector<2560xf32>
    %broadcast_in_dim3A_1619 = vector.shape_cast %reduce_sum3A_1618 : vector<2560xf32> to vector<2560x1xf32>
    %add3A_1620 = arith.addf %add3A_1571, %broadcast_in_dim3A_1619 : vector<2560x1xf32>
    %reduce_sum3A_1621 = arith.constant dense<0.000000e+00> : vector<2560xf32>
    %reduce_sum3A_1622 = vector.multi_reduction <add>, %select_n3A_1593, %reduce_sum3A_1621 [1] : vector<2560x256xf32> to vector<2560xf32>
    %broadcast_in_dim3A_1623 = vector.shape_cast %reduce_sum3A_1622 : vector<2560xf32> to vector<2560x1xf32>
    %add3A_1624 = arith.addf %add3A_1575, %broadcast_in_dim3A_1623 : vector<2560x1xf32>
    %slice3A_1625 = vector.extract_strided_slice %add3A_1325 {offsets = [6, 0], sizes = [1, 256], strides = [1, 1]} : vector<20x256xf32> to vector<1x256xf32>
    %slice3A_1626 = vector.extract_strided_slice %get3A_1301 {offsets = [6, 0], sizes = [1, 256], strides = [1, 1]} : vector<20x256xf32> to vector<1x256xf32>
    %sub3A_1627 = arith.constant 1.000000e+00 : f32
    %sub3A_1628 = vector.broadcast %sub3A_1627 : f32 to vector<1x256xf32>
    %sub3A_1629 = arith.subf %slice3A_1625, %sub3A_1628 : vector<1x256xf32>
    %eq3A_1630 = vector.broadcast %sub3A_1629 : vector<1x256xf32> to vector<2560x256xf32>
    %eq3A_1631 = vector.broadcast %convert_element_type3A : vector<2560x1xf32> to vector<2560x256xf32>
    %eq3A_1632 = arith.cmpf oeq, %eq3A_1630, %eq3A_1631 : vector<2560x256xf32>
    %gt3A_1633 = arith.constant 5.000000e-01 : f32
    %gt3A_1634 = vector.broadcast %gt3A_1633 : f32 to vector<1x256xf32>
    %gt3A_1635 = arith.cmpf ogt, %slice3A_1626, %gt3A_1634 : vector<1x256xf32>
    %and3A_1636 = vector.broadcast %gt3A_1635 : vector<1x256xi1> to vector<2560x256xi1>
    %and3A_1637 = arith.andi %eq3A_1632, %and3A_1636 : vector<2560x256xi1>
    %jit3A_1638 = arith.constant 1.000000e+00 : f32
    %jit3A_1639 = arith.constant 0.000000e+00 : f32
    %broadcast_in_dim3A_1640 = vector.broadcast %jit3A_1638 : f32 to vector<2560x256xf32>
    %broadcast_in_dim3A_1641 = vector.broadcast %jit3A_1639 : f32 to vector<2560x256xf32>
    %select_n3A_1642 = arith.select %and3A_1637, %broadcast_in_dim3A_1640, %broadcast_in_dim3A_1641 : vector<2560x256xi1>, vector<2560x256xf32>
    %get3A_1643 = arith.constant 6 : index
    %get3A_1644 = arith.constant 0 : index
    %get3A_1645 = vector.load %arg0[%get3A_1643, %get3A_1644] : memref<20x256xf32, #tpu.memory_space<vmem>>, vector<1x256xf32>
    %mul3A_1646 = vector.broadcast %get3A_1645 : vector<1x256xf32> to vector<2560x256xf32>
    %mul3A_1647 = arith.mulf %select_n3A_1642, %mul3A_1646 : vector<2560x256xf32>
    %reduce_sum3A_1648 = arith.constant dense<0.000000e+00> : vector<2560xf32>
    %reduce_sum3A_1649 = vector.multi_reduction <add>, %mul3A_1647, %reduce_sum3A_1648 [1] : vector<2560x256xf32> to vector<2560xf32>
    %broadcast_in_dim3A_1650 = vector.shape_cast %reduce_sum3A_1649 : vector<2560xf32> to vector<2560x1xf32>
    %add3A_1651 = arith.addf %add3A_1602, %broadcast_in_dim3A_1650 : vector<2560x1xf32>
    %get3A_1652 = arith.constant 6 : index
    %get3A_1653 = arith.constant 0 : index
    %get3A_1654 = vector.load %arg1[%get3A_1652, %get3A_1653] : memref<20x256xf32, #tpu.memory_space<vmem>>, vector<1x256xf32>
    %mul3A_1655 = vector.broadcast %get3A_1654 : vector<1x256xf32> to vector<2560x256xf32>
    %mul3A_1656 = arith.mulf %select_n3A_1642, %mul3A_1655 : vector<2560x256xf32>
    %reduce_sum3A_1657 = arith.constant dense<0.000000e+00> : vector<2560xf32>
    %reduce_sum3A_1658 = vector.multi_reduction <add>, %mul3A_1656, %reduce_sum3A_1657 [1] : vector<2560x256xf32> to vector<2560xf32>
    %broadcast_in_dim3A_1659 = vector.shape_cast %reduce_sum3A_1658 : vector<2560xf32> to vector<2560x1xf32>
    %add3A_1660 = arith.addf %add3A_1611, %broadcast_in_dim3A_1659 : vector<2560x1xf32>
    %get3A_1661 = arith.constant 6 : index
    %get3A_1662 = arith.constant 0 : index
    %get3A_1663 = vector.load %arg2[%get3A_1661, %get3A_1662] : memref<20x256xf32, #tpu.memory_space<vmem>>, vector<1x256xf32>
    %mul3A_1664 = vector.broadcast %get3A_1663 : vector<1x256xf32> to vector<2560x256xf32>
    %mul3A_1665 = arith.mulf %select_n3A_1642, %mul3A_1664 : vector<2560x256xf32>
    %reduce_sum3A_1666 = arith.constant dense<0.000000e+00> : vector<2560xf32>
    %reduce_sum3A_1667 = vector.multi_reduction <add>, %mul3A_1665, %reduce_sum3A_1666 [1] : vector<2560x256xf32> to vector<2560xf32>
    %broadcast_in_dim3A_1668 = vector.shape_cast %reduce_sum3A_1667 : vector<2560xf32> to vector<2560x1xf32>
    %add3A_1669 = arith.addf %add3A_1620, %broadcast_in_dim3A_1668 : vector<2560x1xf32>
    %reduce_sum3A_1670 = arith.constant dense<0.000000e+00> : vector<2560xf32>
    %reduce_sum3A_1671 = vector.multi_reduction <add>, %select_n3A_1642, %reduce_sum3A_1670 [1] : vector<2560x256xf32> to vector<2560xf32>
    %broadcast_in_dim3A_1672 = vector.shape_cast %reduce_sum3A_1671 : vector<2560xf32> to vector<2560x1xf32>
    %add3A_1673 = arith.addf %add3A_1624, %broadcast_in_dim3A_1672 : vector<2560x1xf32>
    %slice3A_1674 = vector.extract_strided_slice %add3A_1325 {offsets = [7, 0], sizes = [1, 256], strides = [1, 1]} : vector<20x256xf32> to vector<1x256xf32>
    %slice3A_1675 = vector.extract_strided_slice %get3A_1301 {offsets = [7, 0], sizes = [1, 256], strides = [1, 1]} : vector<20x256xf32> to vector<1x256xf32>
    %sub3A_1676 = arith.constant 1.000000e+00 : f32
    %sub3A_1677 = vector.broadcast %sub3A_1676 : f32 to vector<1x256xf32>
    %sub3A_1678 = arith.subf %slice3A_1674, %sub3A_1677 : vector<1x256xf32>
    %eq3A_1679 = vector.broadcast %sub3A_1678 : vector<1x256xf32> to vector<2560x256xf32>
    %eq3A_1680 = vector.broadcast %convert_element_type3A : vector<2560x1xf32> to vector<2560x256xf32>
    %eq3A_1681 = arith.cmpf oeq, %eq3A_1679, %eq3A_1680 : vector<2560x256xf32>
    %gt3A_1682 = arith.constant 5.000000e-01 : f32
    %gt3A_1683 = vector.broadcast %gt3A_1682 : f32 to vector<1x256xf32>
    %gt3A_1684 = arith.cmpf ogt, %slice3A_1675, %gt3A_1683 : vector<1x256xf32>
    %and3A_1685 = vector.broadcast %gt3A_1684 : vector<1x256xi1> to vector<2560x256xi1>
    %and3A_1686 = arith.andi %eq3A_1681, %and3A_1685 : vector<2560x256xi1>
    %jit3A_1687 = arith.constant 1.000000e+00 : f32
    %jit3A_1688 = arith.constant 0.000000e+00 : f32
    %broadcast_in_dim3A_1689 = vector.broadcast %jit3A_1687 : f32 to vector<2560x256xf32>
    %broadcast_in_dim3A_1690 = vector.broadcast %jit3A_1688 : f32 to vector<2560x256xf32>
    %select_n3A_1691 = arith.select %and3A_1686, %broadcast_in_dim3A_1689, %broadcast_in_dim3A_1690 : vector<2560x256xi1>, vector<2560x256xf32>
    %get3A_1692 = arith.constant 7 : index
    %get3A_1693 = arith.constant 0 : index
    %get3A_1694 = vector.load %arg0[%get3A_1692, %get3A_1693] : memref<20x256xf32, #tpu.memory_space<vmem>>, vector<1x256xf32>
    %mul3A_1695 = vector.broadcast %get3A_1694 : vector<1x256xf32> to vector<2560x256xf32>
    %mul3A_1696 = arith.mulf %select_n3A_1691, %mul3A_1695 : vector<2560x256xf32>
    %reduce_sum3A_1697 = arith.constant dense<0.000000e+00> : vector<2560xf32>
    %reduce_sum3A_1698 = vector.multi_reduction <add>, %mul3A_1696, %reduce_sum3A_1697 [1] : vector<2560x256xf32> to vector<2560xf32>
    %broadcast_in_dim3A_1699 = vector.shape_cast %reduce_sum3A_1698 : vector<2560xf32> to vector<2560x1xf32>
    %add3A_1700 = arith.addf %add3A_1651, %broadcast_in_dim3A_1699 : vector<2560x1xf32>
    %get3A_1701 = arith.constant 7 : index
    %get3A_1702 = arith.constant 0 : index
    %get3A_1703 = vector.load %arg1[%get3A_1701, %get3A_1702] : memref<20x256xf32, #tpu.memory_space<vmem>>, vector<1x256xf32>
    %mul3A_1704 = vector.broadcast %get3A_1703 : vector<1x256xf32> to vector<2560x256xf32>
    %mul3A_1705 = arith.mulf %select_n3A_1691, %mul3A_1704 : vector<2560x256xf32>
    %reduce_sum3A_1706 = arith.constant dense<0.000000e+00> : vector<2560xf32>
    %reduce_sum3A_1707 = vector.multi_reduction <add>, %mul3A_1705, %reduce_sum3A_1706 [1] : vector<2560x256xf32> to vector<2560xf32>
    %broadcast_in_dim3A_1708 = vector.shape_cast %reduce_sum3A_1707 : vector<2560xf32> to vector<2560x1xf32>
    %add3A_1709 = arith.addf %add3A_1660, %broadcast_in_dim3A_1708 : vector<2560x1xf32>
    %get3A_1710 = arith.constant 7 : index
    %get3A_1711 = arith.constant 0 : index
    %get3A_1712 = vector.load %arg2[%get3A_1710, %get3A_1711] : memref<20x256xf32, #tpu.memory_space<vmem>>, vector<1x256xf32>
    %mul3A_1713 = vector.broadcast %get3A_1712 : vector<1x256xf32> to vector<2560x256xf32>
    %mul3A_1714 = arith.mulf %select_n3A_1691, %mul3A_1713 : vector<2560x256xf32>
    %reduce_sum3A_1715 = arith.constant dense<0.000000e+00> : vector<2560xf32>
    %reduce_sum3A_1716 = vector.multi_reduction <add>, %mul3A_1714, %reduce_sum3A_1715 [1] : vector<2560x256xf32> to vector<2560xf32>
    %broadcast_in_dim3A_1717 = vector.shape_cast %reduce_sum3A_1716 : vector<2560xf32> to vector<2560x1xf32>
    %add3A_1718 = arith.addf %add3A_1669, %broadcast_in_dim3A_1717 : vector<2560x1xf32>
    %reduce_sum3A_1719 = arith.constant dense<0.000000e+00> : vector<2560xf32>
    %reduce_sum3A_1720 = vector.multi_reduction <add>, %select_n3A_1691, %reduce_sum3A_1719 [1] : vector<2560x256xf32> to vector<2560xf32>
    %broadcast_in_dim3A_1721 = vector.shape_cast %reduce_sum3A_1720 : vector<2560xf32> to vector<2560x1xf32>
    %add3A_1722 = arith.addf %add3A_1673, %broadcast_in_dim3A_1721 : vector<2560x1xf32>
    %slice3A_1723 = vector.extract_strided_slice %add3A_1325 {offsets = [8, 0], sizes = [1, 256], strides = [1, 1]} : vector<20x256xf32> to vector<1x256xf32>
    %slice3A_1724 = vector.extract_strided_slice %get3A_1301 {offsets = [8, 0], sizes = [1, 256], strides = [1, 1]} : vector<20x256xf32> to vector<1x256xf32>
    %sub3A_1725 = arith.constant 1.000000e+00 : f32
    %sub3A_1726 = vector.broadcast %sub3A_1725 : f32 to vector<1x256xf32>
    %sub3A_1727 = arith.subf %slice3A_1723, %sub3A_1726 : vector<1x256xf32>
    %eq3A_1728 = vector.broadcast %sub3A_1727 : vector<1x256xf32> to vector<2560x256xf32>
    %eq3A_1729 = vector.broadcast %convert_element_type3A : vector<2560x1xf32> to vector<2560x256xf32>
    %eq3A_1730 = arith.cmpf oeq, %eq3A_1728, %eq3A_1729 : vector<2560x256xf32>
    %gt3A_1731 = arith.constant 5.000000e-01 : f32
    %gt3A_1732 = vector.broadcast %gt3A_1731 : f32 to vector<1x256xf32>
    %gt3A_1733 = arith.cmpf ogt, %slice3A_1724, %gt3A_1732 : vector<1x256xf32>
    %and3A_1734 = vector.broadcast %gt3A_1733 : vector<1x256xi1> to vector<2560x256xi1>
    %and3A_1735 = arith.andi %eq3A_1730, %and3A_1734 : vector<2560x256xi1>
    %jit3A_1736 = arith.constant 1.000000e+00 : f32
    %jit3A_1737 = arith.constant 0.000000e+00 : f32
    %broadcast_in_dim3A_1738 = vector.broadcast %jit3A_1736 : f32 to vector<2560x256xf32>
    %broadcast_in_dim3A_1739 = vector.broadcast %jit3A_1737 : f32 to vector<2560x256xf32>
    %select_n3A_1740 = arith.select %and3A_1735, %broadcast_in_dim3A_1738, %broadcast_in_dim3A_1739 : vector<2560x256xi1>, vector<2560x256xf32>
    %get3A_1741 = arith.constant 8 : index
    %get3A_1742 = arith.constant 0 : index
    %get3A_1743 = vector.load %arg0[%get3A_1741, %get3A_1742] : memref<20x256xf32, #tpu.memory_space<vmem>>, vector<1x256xf32>
    %mul3A_1744 = vector.broadcast %get3A_1743 : vector<1x256xf32> to vector<2560x256xf32>
    %mul3A_1745 = arith.mulf %select_n3A_1740, %mul3A_1744 : vector<2560x256xf32>
    %reduce_sum3A_1746 = arith.constant dense<0.000000e+00> : vector<2560xf32>
    %reduce_sum3A_1747 = vector.multi_reduction <add>, %mul3A_1745, %reduce_sum3A_1746 [1] : vector<2560x256xf32> to vector<2560xf32>
    %broadcast_in_dim3A_1748 = vector.shape_cast %reduce_sum3A_1747 : vector<2560xf32> to vector<2560x1xf32>
    %add3A_1749 = arith.addf %add3A_1700, %broadcast_in_dim3A_1748 : vector<2560x1xf32>
    %get3A_1750 = arith.constant 8 : index
    %get3A_1751 = arith.constant 0 : index
    %get3A_1752 = vector.load %arg1[%get3A_1750, %get3A_1751] : memref<20x256xf32, #tpu.memory_space<vmem>>, vector<1x256xf32>
    %mul3A_1753 = vector.broadcast %get3A_1752 : vector<1x256xf32> to vector<2560x256xf32>
    %mul3A_1754 = arith.mulf %select_n3A_1740, %mul3A_1753 : vector<2560x256xf32>
    %reduce_sum3A_1755 = arith.constant dense<0.000000e+00> : vector<2560xf32>
    %reduce_sum3A_1756 = vector.multi_reduction <add>, %mul3A_1754, %reduce_sum3A_1755 [1] : vector<2560x256xf32> to vector<2560xf32>
    %broadcast_in_dim3A_1757 = vector.shape_cast %reduce_sum3A_1756 : vector<2560xf32> to vector<2560x1xf32>
    %add3A_1758 = arith.addf %add3A_1709, %broadcast_in_dim3A_1757 : vector<2560x1xf32>
    %get3A_1759 = arith.constant 8 : index
    %get3A_1760 = arith.constant 0 : index
    %get3A_1761 = vector.load %arg2[%get3A_1759, %get3A_1760] : memref<20x256xf32, #tpu.memory_space<vmem>>, vector<1x256xf32>
    %mul3A_1762 = vector.broadcast %get3A_1761 : vector<1x256xf32> to vector<2560x256xf32>
    %mul3A_1763 = arith.mulf %select_n3A_1740, %mul3A_1762 : vector<2560x256xf32>
    %reduce_sum3A_1764 = arith.constant dense<0.000000e+00> : vector<2560xf32>
    %reduce_sum3A_1765 = vector.multi_reduction <add>, %mul3A_1763, %reduce_sum3A_1764 [1] : vector<2560x256xf32> to vector<2560xf32>
    %broadcast_in_dim3A_1766 = vector.shape_cast %reduce_sum3A_1765 : vector<2560xf32> to vector<2560x1xf32>
    %add3A_1767 = arith.addf %add3A_1718, %broadcast_in_dim3A_1766 : vector<2560x1xf32>
    %reduce_sum3A_1768 = arith.constant dense<0.000000e+00> : vector<2560xf32>
    %reduce_sum3A_1769 = vector.multi_reduction <add>, %select_n3A_1740, %reduce_sum3A_1768 [1] : vector<2560x256xf32> to vector<2560xf32>
    %broadcast_in_dim3A_1770 = vector.shape_cast %reduce_sum3A_1769 : vector<2560xf32> to vector<2560x1xf32>
    %add3A_1771 = arith.addf %add3A_1722, %broadcast_in_dim3A_1770 : vector<2560x1xf32>
    %slice3A_1772 = vector.extract_strided_slice %add3A_1325 {offsets = [9, 0], sizes = [1, 256], strides = [1, 1]} : vector<20x256xf32> to vector<1x256xf32>
    %slice3A_1773 = vector.extract_strided_slice %get3A_1301 {offsets = [9, 0], sizes = [1, 256], strides = [1, 1]} : vector<20x256xf32> to vector<1x256xf32>
    %sub3A_1774 = arith.constant 1.000000e+00 : f32
    %sub3A_1775 = vector.broadcast %sub3A_1774 : f32 to vector<1x256xf32>
    %sub3A_1776 = arith.subf %slice3A_1772, %sub3A_1775 : vector<1x256xf32>
    %eq3A_1777 = vector.broadcast %sub3A_1776 : vector<1x256xf32> to vector<2560x256xf32>
    %eq3A_1778 = vector.broadcast %convert_element_type3A : vector<2560x1xf32> to vector<2560x256xf32>
    %eq3A_1779 = arith.cmpf oeq, %eq3A_1777, %eq3A_1778 : vector<2560x256xf32>
    %gt3A_1780 = arith.constant 5.000000e-01 : f32
    %gt3A_1781 = vector.broadcast %gt3A_1780 : f32 to vector<1x256xf32>
    %gt3A_1782 = arith.cmpf ogt, %slice3A_1773, %gt3A_1781 : vector<1x256xf32>
    %and3A_1783 = vector.broadcast %gt3A_1782 : vector<1x256xi1> to vector<2560x256xi1>
    %and3A_1784 = arith.andi %eq3A_1779, %and3A_1783 : vector<2560x256xi1>
    %jit3A_1785 = arith.constant 1.000000e+00 : f32
    %jit3A_1786 = arith.constant 0.000000e+00 : f32
    %broadcast_in_dim3A_1787 = vector.broadcast %jit3A_1785 : f32 to vector<2560x256xf32>
    %broadcast_in_dim3A_1788 = vector.broadcast %jit3A_1786 : f32 to vector<2560x256xf32>
    %select_n3A_1789 = arith.select %and3A_1784, %broadcast_in_dim3A_1787, %broadcast_in_dim3A_1788 : vector<2560x256xi1>, vector<2560x256xf32>
    %get3A_1790 = arith.constant 9 : index
    %get3A_1791 = arith.constant 0 : index
    %get3A_1792 = vector.load %arg0[%get3A_1790, %get3A_1791] : memref<20x256xf32, #tpu.memory_space<vmem>>, vector<1x256xf32>
    %mul3A_1793 = vector.broadcast %get3A_1792 : vector<1x256xf32> to vector<2560x256xf32>
    %mul3A_1794 = arith.mulf %select_n3A_1789, %mul3A_1793 : vector<2560x256xf32>
    %reduce_sum3A_1795 = arith.constant dense<0.000000e+00> : vector<2560xf32>
    %reduce_sum3A_1796 = vector.multi_reduction <add>, %mul3A_1794, %reduce_sum3A_1795 [1] : vector<2560x256xf32> to vector<2560xf32>
    %broadcast_in_dim3A_1797 = vector.shape_cast %reduce_sum3A_1796 : vector<2560xf32> to vector<2560x1xf32>
    %add3A_1798 = arith.addf %add3A_1749, %broadcast_in_dim3A_1797 : vector<2560x1xf32>
    %get3A_1799 = arith.constant 9 : index
    %get3A_1800 = arith.constant 0 : index
    %get3A_1801 = vector.load %arg1[%get3A_1799, %get3A_1800] : memref<20x256xf32, #tpu.memory_space<vmem>>, vector<1x256xf32>
    %mul3A_1802 = vector.broadcast %get3A_1801 : vector<1x256xf32> to vector<2560x256xf32>
    %mul3A_1803 = arith.mulf %select_n3A_1789, %mul3A_1802 : vector<2560x256xf32>
    %reduce_sum3A_1804 = arith.constant dense<0.000000e+00> : vector<2560xf32>
    %reduce_sum3A_1805 = vector.multi_reduction <add>, %mul3A_1803, %reduce_sum3A_1804 [1] : vector<2560x256xf32> to vector<2560xf32>
    %broadcast_in_dim3A_1806 = vector.shape_cast %reduce_sum3A_1805 : vector<2560xf32> to vector<2560x1xf32>
    %add3A_1807 = arith.addf %add3A_1758, %broadcast_in_dim3A_1806 : vector<2560x1xf32>
    %get3A_1808 = arith.constant 9 : index
    %get3A_1809 = arith.constant 0 : index
    %get3A_1810 = vector.load %arg2[%get3A_1808, %get3A_1809] : memref<20x256xf32, #tpu.memory_space<vmem>>, vector<1x256xf32>
    %mul3A_1811 = vector.broadcast %get3A_1810 : vector<1x256xf32> to vector<2560x256xf32>
    %mul3A_1812 = arith.mulf %select_n3A_1789, %mul3A_1811 : vector<2560x256xf32>
    %reduce_sum3A_1813 = arith.constant dense<0.000000e+00> : vector<2560xf32>
    %reduce_sum3A_1814 = vector.multi_reduction <add>, %mul3A_1812, %reduce_sum3A_1813 [1] : vector<2560x256xf32> to vector<2560xf32>
    %broadcast_in_dim3A_1815 = vector.shape_cast %reduce_sum3A_1814 : vector<2560xf32> to vector<2560x1xf32>
    %add3A_1816 = arith.addf %add3A_1767, %broadcast_in_dim3A_1815 : vector<2560x1xf32>
    %reduce_sum3A_1817 = arith.constant dense<0.000000e+00> : vector<2560xf32>
    %reduce_sum3A_1818 = vector.multi_reduction <add>, %select_n3A_1789, %reduce_sum3A_1817 [1] : vector<2560x256xf32> to vector<2560xf32>
    %broadcast_in_dim3A_1819 = vector.shape_cast %reduce_sum3A_1818 : vector<2560xf32> to vector<2560x1xf32>
    %add3A_1820 = arith.addf %add3A_1771, %broadcast_in_dim3A_1819 : vector<2560x1xf32>
    %slice3A_1821 = vector.extract_strided_slice %add3A_1325 {offsets = [10, 0], sizes = [1, 256], strides = [1, 1]} : vector<20x256xf32> to vector<1x256xf32>
    %slice3A_1822 = vector.extract_strided_slice %get3A_1301 {offsets = [10, 0], sizes = [1, 256], strides = [1, 1]} : vector<20x256xf32> to vector<1x256xf32>
    %sub3A_1823 = arith.constant 1.000000e+00 : f32
    %sub3A_1824 = vector.broadcast %sub3A_1823 : f32 to vector<1x256xf32>
    %sub3A_1825 = arith.subf %slice3A_1821, %sub3A_1824 : vector<1x256xf32>
    %eq3A_1826 = vector.broadcast %sub3A_1825 : vector<1x256xf32> to vector<2560x256xf32>
    %eq3A_1827 = vector.broadcast %convert_element_type3A : vector<2560x1xf32> to vector<2560x256xf32>
    %eq3A_1828 = arith.cmpf oeq, %eq3A_1826, %eq3A_1827 : vector<2560x256xf32>
    %gt3A_1829 = arith.constant 5.000000e-01 : f32
    %gt3A_1830 = vector.broadcast %gt3A_1829 : f32 to vector<1x256xf32>
    %gt3A_1831 = arith.cmpf ogt, %slice3A_1822, %gt3A_1830 : vector<1x256xf32>
    %and3A_1832 = vector.broadcast %gt3A_1831 : vector<1x256xi1> to vector<2560x256xi1>
    %and3A_1833 = arith.andi %eq3A_1828, %and3A_1832 : vector<2560x256xi1>
    %jit3A_1834 = arith.constant 1.000000e+00 : f32
    %jit3A_1835 = arith.constant 0.000000e+00 : f32
    %broadcast_in_dim3A_1836 = vector.broadcast %jit3A_1834 : f32 to vector<2560x256xf32>
    %broadcast_in_dim3A_1837 = vector.broadcast %jit3A_1835 : f32 to vector<2560x256xf32>
    %select_n3A_1838 = arith.select %and3A_1833, %broadcast_in_dim3A_1836, %broadcast_in_dim3A_1837 : vector<2560x256xi1>, vector<2560x256xf32>
    %get3A_1839 = arith.constant 10 : index
    %get3A_1840 = arith.constant 0 : index
    %get3A_1841 = vector.load %arg0[%get3A_1839, %get3A_1840] : memref<20x256xf32, #tpu.memory_space<vmem>>, vector<1x256xf32>
    %mul3A_1842 = vector.broadcast %get3A_1841 : vector<1x256xf32> to vector<2560x256xf32>
    %mul3A_1843 = arith.mulf %select_n3A_1838, %mul3A_1842 : vector<2560x256xf32>
    %reduce_sum3A_1844 = arith.constant dense<0.000000e+00> : vector<2560xf32>
    %reduce_sum3A_1845 = vector.multi_reduction <add>, %mul3A_1843, %reduce_sum3A_1844 [1] : vector<2560x256xf32> to vector<2560xf32>
    %broadcast_in_dim3A_1846 = vector.shape_cast %reduce_sum3A_1845 : vector<2560xf32> to vector<2560x1xf32>
    %add3A_1847 = arith.addf %add3A_1798, %broadcast_in_dim3A_1846 : vector<2560x1xf32>
    %get3A_1848 = arith.constant 10 : index
    %get3A_1849 = arith.constant 0 : index
    %get3A_1850 = vector.load %arg1[%get3A_1848, %get3A_1849] : memref<20x256xf32, #tpu.memory_space<vmem>>, vector<1x256xf32>
    %mul3A_1851 = vector.broadcast %get3A_1850 : vector<1x256xf32> to vector<2560x256xf32>
    %mul3A_1852 = arith.mulf %select_n3A_1838, %mul3A_1851 : vector<2560x256xf32>
    %reduce_sum3A_1853 = arith.constant dense<0.000000e+00> : vector<2560xf32>
    %reduce_sum3A_1854 = vector.multi_reduction <add>, %mul3A_1852, %reduce_sum3A_1853 [1] : vector<2560x256xf32> to vector<2560xf32>
    %broadcast_in_dim3A_1855 = vector.shape_cast %reduce_sum3A_1854 : vector<2560xf32> to vector<2560x1xf32>
    %add3A_1856 = arith.addf %add3A_1807, %broadcast_in_dim3A_1855 : vector<2560x1xf32>
    %get3A_1857 = arith.constant 10 : index
    %get3A_1858 = arith.constant 0 : index
    %get3A_1859 = vector.load %arg2[%get3A_1857, %get3A_1858] : memref<20x256xf32, #tpu.memory_space<vmem>>, vector<1x256xf32>
    %mul3A_1860 = vector.broadcast %get3A_1859 : vector<1x256xf32> to vector<2560x256xf32>
    %mul3A_1861 = arith.mulf %select_n3A_1838, %mul3A_1860 : vector<2560x256xf32>
    %reduce_sum3A_1862 = arith.constant dense<0.000000e+00> : vector<2560xf32>
    %reduce_sum3A_1863 = vector.multi_reduction <add>, %mul3A_1861, %reduce_sum3A_1862 [1] : vector<2560x256xf32> to vector<2560xf32>
    %broadcast_in_dim3A_1864 = vector.shape_cast %reduce_sum3A_1863 : vector<2560xf32> to vector<2560x1xf32>
    %add3A_1865 = arith.addf %add3A_1816, %broadcast_in_dim3A_1864 : vector<2560x1xf32>
    %reduce_sum3A_1866 = arith.constant dense<0.000000e+00> : vector<2560xf32>
    %reduce_sum3A_1867 = vector.multi_reduction <add>, %select_n3A_1838, %reduce_sum3A_1866 [1] : vector<2560x256xf32> to vector<2560xf32>
    %broadcast_in_dim3A_1868 = vector.shape_cast %reduce_sum3A_1867 : vector<2560xf32> to vector<2560x1xf32>
    %add3A_1869 = arith.addf %add3A_1820, %broadcast_in_dim3A_1868 : vector<2560x1xf32>
    %slice3A_1870 = vector.extract_strided_slice %add3A_1325 {offsets = [11, 0], sizes = [1, 256], strides = [1, 1]} : vector<20x256xf32> to vector<1x256xf32>
    %slice3A_1871 = vector.extract_strided_slice %get3A_1301 {offsets = [11, 0], sizes = [1, 256], strides = [1, 1]} : vector<20x256xf32> to vector<1x256xf32>
    %sub3A_1872 = arith.constant 1.000000e+00 : f32
    %sub3A_1873 = vector.broadcast %sub3A_1872 : f32 to vector<1x256xf32>
    %sub3A_1874 = arith.subf %slice3A_1870, %sub3A_1873 : vector<1x256xf32>
    %eq3A_1875 = vector.broadcast %sub3A_1874 : vector<1x256xf32> to vector<2560x256xf32>
    %eq3A_1876 = vector.broadcast %convert_element_type3A : vector<2560x1xf32> to vector<2560x256xf32>
    %eq3A_1877 = arith.cmpf oeq, %eq3A_1875, %eq3A_1876 : vector<2560x256xf32>
    %gt3A_1878 = arith.constant 5.000000e-01 : f32
    %gt3A_1879 = vector.broadcast %gt3A_1878 : f32 to vector<1x256xf32>
    %gt3A_1880 = arith.cmpf ogt, %slice3A_1871, %gt3A_1879 : vector<1x256xf32>
    %and3A_1881 = vector.broadcast %gt3A_1880 : vector<1x256xi1> to vector<2560x256xi1>
    %and3A_1882 = arith.andi %eq3A_1877, %and3A_1881 : vector<2560x256xi1>
    %jit3A_1883 = arith.constant 1.000000e+00 : f32
    %jit3A_1884 = arith.constant 0.000000e+00 : f32
    %broadcast_in_dim3A_1885 = vector.broadcast %jit3A_1883 : f32 to vector<2560x256xf32>
    %broadcast_in_dim3A_1886 = vector.broadcast %jit3A_1884 : f32 to vector<2560x256xf32>
    %select_n3A_1887 = arith.select %and3A_1882, %broadcast_in_dim3A_1885, %broadcast_in_dim3A_1886 : vector<2560x256xi1>, vector<2560x256xf32>
    %get3A_1888 = arith.constant 11 : index
    %get3A_1889 = arith.constant 0 : index
    %get3A_1890 = vector.load %arg0[%get3A_1888, %get3A_1889] : memref<20x256xf32, #tpu.memory_space<vmem>>, vector<1x256xf32>
    %mul3A_1891 = vector.broadcast %get3A_1890 : vector<1x256xf32> to vector<2560x256xf32>
    %mul3A_1892 = arith.mulf %select_n3A_1887, %mul3A_1891 : vector<2560x256xf32>
    %reduce_sum3A_1893 = arith.constant dense<0.000000e+00> : vector<2560xf32>
    %reduce_sum3A_1894 = vector.multi_reduction <add>, %mul3A_1892, %reduce_sum3A_1893 [1] : vector<2560x256xf32> to vector<2560xf32>
    %broadcast_in_dim3A_1895 = vector.shape_cast %reduce_sum3A_1894 : vector<2560xf32> to vector<2560x1xf32>
    %add3A_1896 = arith.addf %add3A_1847, %broadcast_in_dim3A_1895 : vector<2560x1xf32>
    %get3A_1897 = arith.constant 11 : index
    %get3A_1898 = arith.constant 0 : index
    %get3A_1899 = vector.load %arg1[%get3A_1897, %get3A_1898] : memref<20x256xf32, #tpu.memory_space<vmem>>, vector<1x256xf32>
    %mul3A_1900 = vector.broadcast %get3A_1899 : vector<1x256xf32> to vector<2560x256xf32>
    %mul3A_1901 = arith.mulf %select_n3A_1887, %mul3A_1900 : vector<2560x256xf32>
    %reduce_sum3A_1902 = arith.constant dense<0.000000e+00> : vector<2560xf32>
    %reduce_sum3A_1903 = vector.multi_reduction <add>, %mul3A_1901, %reduce_sum3A_1902 [1] : vector<2560x256xf32> to vector<2560xf32>
    %broadcast_in_dim3A_1904 = vector.shape_cast %reduce_sum3A_1903 : vector<2560xf32> to vector<2560x1xf32>
    %add3A_1905 = arith.addf %add3A_1856, %broadcast_in_dim3A_1904 : vector<2560x1xf32>
    %get3A_1906 = arith.constant 11 : index
    %get3A_1907 = arith.constant 0 : index
    %get3A_1908 = vector.load %arg2[%get3A_1906, %get3A_1907] : memref<20x256xf32, #tpu.memory_space<vmem>>, vector<1x256xf32>
    %mul3A_1909 = vector.broadcast %get3A_1908 : vector<1x256xf32> to vector<2560x256xf32>
    %mul3A_1910 = arith.mulf %select_n3A_1887, %mul3A_1909 : vector<2560x256xf32>
    %reduce_sum3A_1911 = arith.constant dense<0.000000e+00> : vector<2560xf32>
    %reduce_sum3A_1912 = vector.multi_reduction <add>, %mul3A_1910, %reduce_sum3A_1911 [1] : vector<2560x256xf32> to vector<2560xf32>
    %broadcast_in_dim3A_1913 = vector.shape_cast %reduce_sum3A_1912 : vector<2560xf32> to vector<2560x1xf32>
    %add3A_1914 = arith.addf %add3A_1865, %broadcast_in_dim3A_1913 : vector<2560x1xf32>
    %reduce_sum3A_1915 = arith.constant dense<0.000000e+00> : vector<2560xf32>
    %reduce_sum3A_1916 = vector.multi_reduction <add>, %select_n3A_1887, %reduce_sum3A_1915 [1] : vector<2560x256xf32> to vector<2560xf32>
    %broadcast_in_dim3A_1917 = vector.shape_cast %reduce_sum3A_1916 : vector<2560xf32> to vector<2560x1xf32>
    %add3A_1918 = arith.addf %add3A_1869, %broadcast_in_dim3A_1917 : vector<2560x1xf32>
    %slice3A_1919 = vector.extract_strided_slice %add3A_1325 {offsets = [12, 0], sizes = [1, 256], strides = [1, 1]} : vector<20x256xf32> to vector<1x256xf32>
    %slice3A_1920 = vector.extract_strided_slice %get3A_1301 {offsets = [12, 0], sizes = [1, 256], strides = [1, 1]} : vector<20x256xf32> to vector<1x256xf32>
    %sub3A_1921 = arith.constant 1.000000e+00 : f32
    %sub3A_1922 = vector.broadcast %sub3A_1921 : f32 to vector<1x256xf32>
    %sub3A_1923 = arith.subf %slice3A_1919, %sub3A_1922 : vector<1x256xf32>
    %eq3A_1924 = vector.broadcast %sub3A_1923 : vector<1x256xf32> to vector<2560x256xf32>
    %eq3A_1925 = vector.broadcast %convert_element_type3A : vector<2560x1xf32> to vector<2560x256xf32>
    %eq3A_1926 = arith.cmpf oeq, %eq3A_1924, %eq3A_1925 : vector<2560x256xf32>
    %gt3A_1927 = arith.constant 5.000000e-01 : f32
    %gt3A_1928 = vector.broadcast %gt3A_1927 : f32 to vector<1x256xf32>
    %gt3A_1929 = arith.cmpf ogt, %slice3A_1920, %gt3A_1928 : vector<1x256xf32>
    %and3A_1930 = vector.broadcast %gt3A_1929 : vector<1x256xi1> to vector<2560x256xi1>
    %and3A_1931 = arith.andi %eq3A_1926, %and3A_1930 : vector<2560x256xi1>
    %jit3A_1932 = arith.constant 1.000000e+00 : f32
    %jit3A_1933 = arith.constant 0.000000e+00 : f32
    %broadcast_in_dim3A_1934 = vector.broadcast %jit3A_1932 : f32 to vector<2560x256xf32>
    %broadcast_in_dim3A_1935 = vector.broadcast %jit3A_1933 : f32 to vector<2560x256xf32>
    %select_n3A_1936 = arith.select %and3A_1931, %broadcast_in_dim3A_1934, %broadcast_in_dim3A_1935 : vector<2560x256xi1>, vector<2560x256xf32>
    %get3A_1937 = arith.constant 12 : index
    %get3A_1938 = arith.constant 0 : index
    %get3A_1939 = vector.load %arg0[%get3A_1937, %get3A_1938] : memref<20x256xf32, #tpu.memory_space<vmem>>, vector<1x256xf32>
    %mul3A_1940 = vector.broadcast %get3A_1939 : vector<1x256xf32> to vector<2560x256xf32>
    %mul3A_1941 = arith.mulf %select_n3A_1936, %mul3A_1940 : vector<2560x256xf32>
    %reduce_sum3A_1942 = arith.constant dense<0.000000e+00> : vector<2560xf32>
    %reduce_sum3A_1943 = vector.multi_reduction <add>, %mul3A_1941, %reduce_sum3A_1942 [1] : vector<2560x256xf32> to vector<2560xf32>
    %broadcast_in_dim3A_1944 = vector.shape_cast %reduce_sum3A_1943 : vector<2560xf32> to vector<2560x1xf32>
    %add3A_1945 = arith.addf %add3A_1896, %broadcast_in_dim3A_1944 : vector<2560x1xf32>
    %get3A_1946 = arith.constant 12 : index
    %get3A_1947 = arith.constant 0 : index
    %get3A_1948 = vector.load %arg1[%get3A_1946, %get3A_1947] : memref<20x256xf32, #tpu.memory_space<vmem>>, vector<1x256xf32>
    %mul3A_1949 = vector.broadcast %get3A_1948 : vector<1x256xf32> to vector<2560x256xf32>
    %mul3A_1950 = arith.mulf %select_n3A_1936, %mul3A_1949 : vector<2560x256xf32>
    %reduce_sum3A_1951 = arith.constant dense<0.000000e+00> : vector<2560xf32>
    %reduce_sum3A_1952 = vector.multi_reduction <add>, %mul3A_1950, %reduce_sum3A_1951 [1] : vector<2560x256xf32> to vector<2560xf32>
    %broadcast_in_dim3A_1953 = vector.shape_cast %reduce_sum3A_1952 : vector<2560xf32> to vector<2560x1xf32>
    %add3A_1954 = arith.addf %add3A_1905, %broadcast_in_dim3A_1953 : vector<2560x1xf32>
    %get3A_1955 = arith.constant 12 : index
    %get3A_1956 = arith.constant 0 : index
    %get3A_1957 = vector.load %arg2[%get3A_1955, %get3A_1956] : memref<20x256xf32, #tpu.memory_space<vmem>>, vector<1x256xf32>
    %mul3A_1958 = vector.broadcast %get3A_1957 : vector<1x256xf32> to vector<2560x256xf32>
    %mul3A_1959 = arith.mulf %select_n3A_1936, %mul3A_1958 : vector<2560x256xf32>
    %reduce_sum3A_1960 = arith.constant dense<0.000000e+00> : vector<2560xf32>
    %reduce_sum3A_1961 = vector.multi_reduction <add>, %mul3A_1959, %reduce_sum3A_1960 [1] : vector<2560x256xf32> to vector<2560xf32>
    %broadcast_in_dim3A_1962 = vector.shape_cast %reduce_sum3A_1961 : vector<2560xf32> to vector<2560x1xf32>
    %add3A_1963 = arith.addf %add3A_1914, %broadcast_in_dim3A_1962 : vector<2560x1xf32>
    %reduce_sum3A_1964 = arith.constant dense<0.000000e+00> : vector<2560xf32>
    %reduce_sum3A_1965 = vector.multi_reduction <add>, %select_n3A_1936, %reduce_sum3A_1964 [1] : vector<2560x256xf32> to vector<2560xf32>
    %broadcast_in_dim3A_1966 = vector.shape_cast %reduce_sum3A_1965 : vector<2560xf32> to vector<2560x1xf32>
    %add3A_1967 = arith.addf %add3A_1918, %broadcast_in_dim3A_1966 : vector<2560x1xf32>
    %slice3A_1968 = vector.extract_strided_slice %add3A_1325 {offsets = [13, 0], sizes = [1, 256], strides = [1, 1]} : vector<20x256xf32> to vector<1x256xf32>
    %slice3A_1969 = vector.extract_strided_slice %get3A_1301 {offsets = [13, 0], sizes = [1, 256], strides = [1, 1]} : vector<20x256xf32> to vector<1x256xf32>
    %sub3A_1970 = arith.constant 1.000000e+00 : f32
    %sub3A_1971 = vector.broadcast %sub3A_1970 : f32 to vector<1x256xf32>
    %sub3A_1972 = arith.subf %slice3A_1968, %sub3A_1971 : vector<1x256xf32>
    %eq3A_1973 = vector.broadcast %sub3A_1972 : vector<1x256xf32> to vector<2560x256xf32>
    %eq3A_1974 = vector.broadcast %convert_element_type3A : vector<2560x1xf32> to vector<2560x256xf32>
    %eq3A_1975 = arith.cmpf oeq, %eq3A_1973, %eq3A_1974 : vector<2560x256xf32>
    %gt3A_1976 = arith.constant 5.000000e-01 : f32
    %gt3A_1977 = vector.broadcast %gt3A_1976 : f32 to vector<1x256xf32>
    %gt3A_1978 = arith.cmpf ogt, %slice3A_1969, %gt3A_1977 : vector<1x256xf32>
    %and3A_1979 = vector.broadcast %gt3A_1978 : vector<1x256xi1> to vector<2560x256xi1>
    %and3A_1980 = arith.andi %eq3A_1975, %and3A_1979 : vector<2560x256xi1>
    %jit3A_1981 = arith.constant 1.000000e+00 : f32
    %jit3A_1982 = arith.constant 0.000000e+00 : f32
    %broadcast_in_dim3A_1983 = vector.broadcast %jit3A_1981 : f32 to vector<2560x256xf32>
    %broadcast_in_dim3A_1984 = vector.broadcast %jit3A_1982 : f32 to vector<2560x256xf32>
    %select_n3A_1985 = arith.select %and3A_1980, %broadcast_in_dim3A_1983, %broadcast_in_dim3A_1984 : vector<2560x256xi1>, vector<2560x256xf32>
    %get3A_1986 = arith.constant 13 : index
    %get3A_1987 = arith.constant 0 : index
    %get3A_1988 = vector.load %arg0[%get3A_1986, %get3A_1987] : memref<20x256xf32, #tpu.memory_space<vmem>>, vector<1x256xf32>
    %mul3A_1989 = vector.broadcast %get3A_1988 : vector<1x256xf32> to vector<2560x256xf32>
    %mul3A_1990 = arith.mulf %select_n3A_1985, %mul3A_1989 : vector<2560x256xf32>
    %reduce_sum3A_1991 = arith.constant dense<0.000000e+00> : vector<2560xf32>
    %reduce_sum3A_1992 = vector.multi_reduction <add>, %mul3A_1990, %reduce_sum3A_1991 [1] : vector<2560x256xf32> to vector<2560xf32>
    %broadcast_in_dim3A_1993 = vector.shape_cast %reduce_sum3A_1992 : vector<2560xf32> to vector<2560x1xf32>
    %add3A_1994 = arith.addf %add3A_1945, %broadcast_in_dim3A_1993 : vector<2560x1xf32>
    %get3A_1995 = arith.constant 13 : index
    %get3A_1996 = arith.constant 0 : index
    %get3A_1997 = vector.load %arg1[%get3A_1995, %get3A_1996] : memref<20x256xf32, #tpu.memory_space<vmem>>, vector<1x256xf32>
    %mul3A_1998 = vector.broadcast %get3A_1997 : vector<1x256xf32> to vector<2560x256xf32>
    %mul3A_1999 = arith.mulf %select_n3A_1985, %mul3A_1998 : vector<2560x256xf32>
    %reduce_sum3A_2000 = arith.constant dense<0.000000e+00> : vector<2560xf32>
    %reduce_sum3A_2001 = vector.multi_reduction <add>, %mul3A_1999, %reduce_sum3A_2000 [1] : vector<2560x256xf32> to vector<2560xf32>
    %broadcast_in_dim3A_2002 = vector.shape_cast %reduce_sum3A_2001 : vector<2560xf32> to vector<2560x1xf32>
    %add3A_2003 = arith.addf %add3A_1954, %broadcast_in_dim3A_2002 : vector<2560x1xf32>
    %get3A_2004 = arith.constant 13 : index
    %get3A_2005 = arith.constant 0 : index
    %get3A_2006 = vector.load %arg2[%get3A_2004, %get3A_2005] : memref<20x256xf32, #tpu.memory_space<vmem>>, vector<1x256xf32>
    %mul3A_2007 = vector.broadcast %get3A_2006 : vector<1x256xf32> to vector<2560x256xf32>
    %mul3A_2008 = arith.mulf %select_n3A_1985, %mul3A_2007 : vector<2560x256xf32>
    %reduce_sum3A_2009 = arith.constant dense<0.000000e+00> : vector<2560xf32>
    %reduce_sum3A_2010 = vector.multi_reduction <add>, %mul3A_2008, %reduce_sum3A_2009 [1] : vector<2560x256xf32> to vector<2560xf32>
    %broadcast_in_dim3A_2011 = vector.shape_cast %reduce_sum3A_2010 : vector<2560xf32> to vector<2560x1xf32>
    %add3A_2012 = arith.addf %add3A_1963, %broadcast_in_dim3A_2011 : vector<2560x1xf32>
    %reduce_sum3A_2013 = arith.constant dense<0.000000e+00> : vector<2560xf32>
    %reduce_sum3A_2014 = vector.multi_reduction <add>, %select_n3A_1985, %reduce_sum3A_2013 [1] : vector<2560x256xf32> to vector<2560xf32>
    %broadcast_in_dim3A_2015 = vector.shape_cast %reduce_sum3A_2014 : vector<2560xf32> to vector<2560x1xf32>
    %add3A_2016 = arith.addf %add3A_1967, %broadcast_in_dim3A_2015 : vector<2560x1xf32>
    %slice3A_2017 = vector.extract_strided_slice %add3A_1325 {offsets = [14, 0], sizes = [1, 256], strides = [1, 1]} : vector<20x256xf32> to vector<1x256xf32>
    %slice3A_2018 = vector.extract_strided_slice %get3A_1301 {offsets = [14, 0], sizes = [1, 256], strides = [1, 1]} : vector<20x256xf32> to vector<1x256xf32>
    %sub3A_2019 = arith.constant 1.000000e+00 : f32
    %sub3A_2020 = vector.broadcast %sub3A_2019 : f32 to vector<1x256xf32>
    %sub3A_2021 = arith.subf %slice3A_2017, %sub3A_2020 : vector<1x256xf32>
    %eq3A_2022 = vector.broadcast %sub3A_2021 : vector<1x256xf32> to vector<2560x256xf32>
    %eq3A_2023 = vector.broadcast %convert_element_type3A : vector<2560x1xf32> to vector<2560x256xf32>
    %eq3A_2024 = arith.cmpf oeq, %eq3A_2022, %eq3A_2023 : vector<2560x256xf32>
    %gt3A_2025 = arith.constant 5.000000e-01 : f32
    %gt3A_2026 = vector.broadcast %gt3A_2025 : f32 to vector<1x256xf32>
    %gt3A_2027 = arith.cmpf ogt, %slice3A_2018, %gt3A_2026 : vector<1x256xf32>
    %and3A_2028 = vector.broadcast %gt3A_2027 : vector<1x256xi1> to vector<2560x256xi1>
    %and3A_2029 = arith.andi %eq3A_2024, %and3A_2028 : vector<2560x256xi1>
    %jit3A_2030 = arith.constant 1.000000e+00 : f32
    %jit3A_2031 = arith.constant 0.000000e+00 : f32
    %broadcast_in_dim3A_2032 = vector.broadcast %jit3A_2030 : f32 to vector<2560x256xf32>
    %broadcast_in_dim3A_2033 = vector.broadcast %jit3A_2031 : f32 to vector<2560x256xf32>
    %select_n3A_2034 = arith.select %and3A_2029, %broadcast_in_dim3A_2032, %broadcast_in_dim3A_2033 : vector<2560x256xi1>, vector<2560x256xf32>
    %get3A_2035 = arith.constant 14 : index
    %get3A_2036 = arith.constant 0 : index
    %get3A_2037 = vector.load %arg0[%get3A_2035, %get3A_2036] : memref<20x256xf32, #tpu.memory_space<vmem>>, vector<1x256xf32>
    %mul3A_2038 = vector.broadcast %get3A_2037 : vector<1x256xf32> to vector<2560x256xf32>
    %mul3A_2039 = arith.mulf %select_n3A_2034, %mul3A_2038 : vector<2560x256xf32>
    %reduce_sum3A_2040 = arith.constant dense<0.000000e+00> : vector<2560xf32>
    %reduce_sum3A_2041 = vector.multi_reduction <add>, %mul3A_2039, %reduce_sum3A_2040 [1] : vector<2560x256xf32> to vector<2560xf32>
    %broadcast_in_dim3A_2042 = vector.shape_cast %reduce_sum3A_2041 : vector<2560xf32> to vector<2560x1xf32>
    %add3A_2043 = arith.addf %add3A_1994, %broadcast_in_dim3A_2042 : vector<2560x1xf32>
    %get3A_2044 = arith.constant 14 : index
    %get3A_2045 = arith.constant 0 : index
    %get3A_2046 = vector.load %arg1[%get3A_2044, %get3A_2045] : memref<20x256xf32, #tpu.memory_space<vmem>>, vector<1x256xf32>
    %mul3A_2047 = vector.broadcast %get3A_2046 : vector<1x256xf32> to vector<2560x256xf32>
    %mul3A_2048 = arith.mulf %select_n3A_2034, %mul3A_2047 : vector<2560x256xf32>
    %reduce_sum3A_2049 = arith.constant dense<0.000000e+00> : vector<2560xf32>
    %reduce_sum3A_2050 = vector.multi_reduction <add>, %mul3A_2048, %reduce_sum3A_2049 [1] : vector<2560x256xf32> to vector<2560xf32>
    %broadcast_in_dim3A_2051 = vector.shape_cast %reduce_sum3A_2050 : vector<2560xf32> to vector<2560x1xf32>
    %add3A_2052 = arith.addf %add3A_2003, %broadcast_in_dim3A_2051 : vector<2560x1xf32>
    %get3A_2053 = arith.constant 14 : index
    %get3A_2054 = arith.constant 0 : index
    %get3A_2055 = vector.load %arg2[%get3A_2053, %get3A_2054] : memref<20x256xf32, #tpu.memory_space<vmem>>, vector<1x256xf32>
    %mul3A_2056 = vector.broadcast %get3A_2055 : vector<1x256xf32> to vector<2560x256xf32>
    %mul3A_2057 = arith.mulf %select_n3A_2034, %mul3A_2056 : vector<2560x256xf32>
    %reduce_sum3A_2058 = arith.constant dense<0.000000e+00> : vector<2560xf32>
    %reduce_sum3A_2059 = vector.multi_reduction <add>, %mul3A_2057, %reduce_sum3A_2058 [1] : vector<2560x256xf32> to vector<2560xf32>
    %broadcast_in_dim3A_2060 = vector.shape_cast %reduce_sum3A_2059 : vector<2560xf32> to vector<2560x1xf32>
    %add3A_2061 = arith.addf %add3A_2012, %broadcast_in_dim3A_2060 : vector<2560x1xf32>
    %reduce_sum3A_2062 = arith.constant dense<0.000000e+00> : vector<2560xf32>
    %reduce_sum3A_2063 = vector.multi_reduction <add>, %select_n3A_2034, %reduce_sum3A_2062 [1] : vector<2560x256xf32> to vector<2560xf32>
    %broadcast_in_dim3A_2064 = vector.shape_cast %reduce_sum3A_2063 : vector<2560xf32> to vector<2560x1xf32>
    %add3A_2065 = arith.addf %add3A_2016, %broadcast_in_dim3A_2064 : vector<2560x1xf32>
    %slice3A_2066 = vector.extract_strided_slice %add3A_1325 {offsets = [15, 0], sizes = [1, 256], strides = [1, 1]} : vector<20x256xf32> to vector<1x256xf32>
    %slice3A_2067 = vector.extract_strided_slice %get3A_1301 {offsets = [15, 0], sizes = [1, 256], strides = [1, 1]} : vector<20x256xf32> to vector<1x256xf32>
    %sub3A_2068 = arith.constant 1.000000e+00 : f32
    %sub3A_2069 = vector.broadcast %sub3A_2068 : f32 to vector<1x256xf32>
    %sub3A_2070 = arith.subf %slice3A_2066, %sub3A_2069 : vector<1x256xf32>
    %eq3A_2071 = vector.broadcast %sub3A_2070 : vector<1x256xf32> to vector<2560x256xf32>
    %eq3A_2072 = vector.broadcast %convert_element_type3A : vector<2560x1xf32> to vector<2560x256xf32>
    %eq3A_2073 = arith.cmpf oeq, %eq3A_2071, %eq3A_2072 : vector<2560x256xf32>
    %gt3A_2074 = arith.constant 5.000000e-01 : f32
    %gt3A_2075 = vector.broadcast %gt3A_2074 : f32 to vector<1x256xf32>
    %gt3A_2076 = arith.cmpf ogt, %slice3A_2067, %gt3A_2075 : vector<1x256xf32>
    %and3A_2077 = vector.broadcast %gt3A_2076 : vector<1x256xi1> to vector<2560x256xi1>
    %and3A_2078 = arith.andi %eq3A_2073, %and3A_2077 : vector<2560x256xi1>
    %jit3A_2079 = arith.constant 1.000000e+00 : f32
    %jit3A_2080 = arith.constant 0.000000e+00 : f32
    %broadcast_in_dim3A_2081 = vector.broadcast %jit3A_2079 : f32 to vector<2560x256xf32>
    %broadcast_in_dim3A_2082 = vector.broadcast %jit3A_2080 : f32 to vector<2560x256xf32>
    %select_n3A_2083 = arith.select %and3A_2078, %broadcast_in_dim3A_2081, %broadcast_in_dim3A_2082 : vector<2560x256xi1>, vector<2560x256xf32>
    %get3A_2084 = arith.constant 15 : index
    %get3A_2085 = arith.constant 0 : index
    %get3A_2086 = vector.load %arg0[%get3A_2084, %get3A_2085] : memref<20x256xf32, #tpu.memory_space<vmem>>, vector<1x256xf32>
    %mul3A_2087 = vector.broadcast %get3A_2086 : vector<1x256xf32> to vector<2560x256xf32>
    %mul3A_2088 = arith.mulf %select_n3A_2083, %mul3A_2087 : vector<2560x256xf32>
    %reduce_sum3A_2089 = arith.constant dense<0.000000e+00> : vector<2560xf32>
    %reduce_sum3A_2090 = vector.multi_reduction <add>, %mul3A_2088, %reduce_sum3A_2089 [1] : vector<2560x256xf32> to vector<2560xf32>
    %broadcast_in_dim3A_2091 = vector.shape_cast %reduce_sum3A_2090 : vector<2560xf32> to vector<2560x1xf32>
    %add3A_2092 = arith.addf %add3A_2043, %broadcast_in_dim3A_2091 : vector<2560x1xf32>
    %get3A_2093 = arith.constant 15 : index
    %get3A_2094 = arith.constant 0 : index
    %get3A_2095 = vector.load %arg1[%get3A_2093, %get3A_2094] : memref<20x256xf32, #tpu.memory_space<vmem>>, vector<1x256xf32>
    %mul3A_2096 = vector.broadcast %get3A_2095 : vector<1x256xf32> to vector<2560x256xf32>
    %mul3A_2097 = arith.mulf %select_n3A_2083, %mul3A_2096 : vector<2560x256xf32>
    %reduce_sum3A_2098 = arith.constant dense<0.000000e+00> : vector<2560xf32>
    %reduce_sum3A_2099 = vector.multi_reduction <add>, %mul3A_2097, %reduce_sum3A_2098 [1] : vector<2560x256xf32> to vector<2560xf32>
    %broadcast_in_dim3A_2100 = vector.shape_cast %reduce_sum3A_2099 : vector<2560xf32> to vector<2560x1xf32>
    %add3A_2101 = arith.addf %add3A_2052, %broadcast_in_dim3A_2100 : vector<2560x1xf32>
    %get3A_2102 = arith.constant 15 : index
    %get3A_2103 = arith.constant 0 : index
    %get3A_2104 = vector.load %arg2[%get3A_2102, %get3A_2103] : memref<20x256xf32, #tpu.memory_space<vmem>>, vector<1x256xf32>
    %mul3A_2105 = vector.broadcast %get3A_2104 : vector<1x256xf32> to vector<2560x256xf32>
    %mul3A_2106 = arith.mulf %select_n3A_2083, %mul3A_2105 : vector<2560x256xf32>
    %reduce_sum3A_2107 = arith.constant dense<0.000000e+00> : vector<2560xf32>
    %reduce_sum3A_2108 = vector.multi_reduction <add>, %mul3A_2106, %reduce_sum3A_2107 [1] : vector<2560x256xf32> to vector<2560xf32>
    %broadcast_in_dim3A_2109 = vector.shape_cast %reduce_sum3A_2108 : vector<2560xf32> to vector<2560x1xf32>
    %add3A_2110 = arith.addf %add3A_2061, %broadcast_in_dim3A_2109 : vector<2560x1xf32>
    %reduce_sum3A_2111 = arith.constant dense<0.000000e+00> : vector<2560xf32>
    %reduce_sum3A_2112 = vector.multi_reduction <add>, %select_n3A_2083, %reduce_sum3A_2111 [1] : vector<2560x256xf32> to vector<2560xf32>
    %broadcast_in_dim3A_2113 = vector.shape_cast %reduce_sum3A_2112 : vector<2560xf32> to vector<2560x1xf32>
    %add3A_2114 = arith.addf %add3A_2065, %broadcast_in_dim3A_2113 : vector<2560x1xf32>
    %slice3A_2115 = vector.extract_strided_slice %add3A_1325 {offsets = [16, 0], sizes = [1, 256], strides = [1, 1]} : vector<20x256xf32> to vector<1x256xf32>
    %slice3A_2116 = vector.extract_strided_slice %get3A_1301 {offsets = [16, 0], sizes = [1, 256], strides = [1, 1]} : vector<20x256xf32> to vector<1x256xf32>
    %sub3A_2117 = arith.constant 1.000000e+00 : f32
    %sub3A_2118 = vector.broadcast %sub3A_2117 : f32 to vector<1x256xf32>
    %sub3A_2119 = arith.subf %slice3A_2115, %sub3A_2118 : vector<1x256xf32>
    %eq3A_2120 = vector.broadcast %sub3A_2119 : vector<1x256xf32> to vector<2560x256xf32>
    %eq3A_2121 = vector.broadcast %convert_element_type3A : vector<2560x1xf32> to vector<2560x256xf32>
    %eq3A_2122 = arith.cmpf oeq, %eq3A_2120, %eq3A_2121 : vector<2560x256xf32>
    %gt3A_2123 = arith.constant 5.000000e-01 : f32
    %gt3A_2124 = vector.broadcast %gt3A_2123 : f32 to vector<1x256xf32>
    %gt3A_2125 = arith.cmpf ogt, %slice3A_2116, %gt3A_2124 : vector<1x256xf32>
    %and3A_2126 = vector.broadcast %gt3A_2125 : vector<1x256xi1> to vector<2560x256xi1>
    %and3A_2127 = arith.andi %eq3A_2122, %and3A_2126 : vector<2560x256xi1>
    %jit3A_2128 = arith.constant 1.000000e+00 : f32
    %jit3A_2129 = arith.constant 0.000000e+00 : f32
    %broadcast_in_dim3A_2130 = vector.broadcast %jit3A_2128 : f32 to vector<2560x256xf32>
    %broadcast_in_dim3A_2131 = vector.broadcast %jit3A_2129 : f32 to vector<2560x256xf32>
    %select_n3A_2132 = arith.select %and3A_2127, %broadcast_in_dim3A_2130, %broadcast_in_dim3A_2131 : vector<2560x256xi1>, vector<2560x256xf32>
    %get3A_2133 = arith.constant 16 : index
    %get3A_2134 = arith.constant 0 : index
    %get3A_2135 = vector.load %arg0[%get3A_2133, %get3A_2134] : memref<20x256xf32, #tpu.memory_space<vmem>>, vector<1x256xf32>
    %mul3A_2136 = vector.broadcast %get3A_2135 : vector<1x256xf32> to vector<2560x256xf32>
    %mul3A_2137 = arith.mulf %select_n3A_2132, %mul3A_2136 : vector<2560x256xf32>
    %reduce_sum3A_2138 = arith.constant dense<0.000000e+00> : vector<2560xf32>
    %reduce_sum3A_2139 = vector.multi_reduction <add>, %mul3A_2137, %reduce_sum3A_2138 [1] : vector<2560x256xf32> to vector<2560xf32>
    %broadcast_in_dim3A_2140 = vector.shape_cast %reduce_sum3A_2139 : vector<2560xf32> to vector<2560x1xf32>
    %add3A_2141 = arith.addf %add3A_2092, %broadcast_in_dim3A_2140 : vector<2560x1xf32>
    %get3A_2142 = arith.constant 16 : index
    %get3A_2143 = arith.constant 0 : index
    %get3A_2144 = vector.load %arg1[%get3A_2142, %get3A_2143] : memref<20x256xf32, #tpu.memory_space<vmem>>, vector<1x256xf32>
    %mul3A_2145 = vector.broadcast %get3A_2144 : vector<1x256xf32> to vector<2560x256xf32>
    %mul3A_2146 = arith.mulf %select_n3A_2132, %mul3A_2145 : vector<2560x256xf32>
    %reduce_sum3A_2147 = arith.constant dense<0.000000e+00> : vector<2560xf32>
    %reduce_sum3A_2148 = vector.multi_reduction <add>, %mul3A_2146, %reduce_sum3A_2147 [1] : vector<2560x256xf32> to vector<2560xf32>
    %broadcast_in_dim3A_2149 = vector.shape_cast %reduce_sum3A_2148 : vector<2560xf32> to vector<2560x1xf32>
    %add3A_2150 = arith.addf %add3A_2101, %broadcast_in_dim3A_2149 : vector<2560x1xf32>
    %get3A_2151 = arith.constant 16 : index
    %get3A_2152 = arith.constant 0 : index
    %get3A_2153 = vector.load %arg2[%get3A_2151, %get3A_2152] : memref<20x256xf32, #tpu.memory_space<vmem>>, vector<1x256xf32>
    %mul3A_2154 = vector.broadcast %get3A_2153 : vector<1x256xf32> to vector<2560x256xf32>
    %mul3A_2155 = arith.mulf %select_n3A_2132, %mul3A_2154 : vector<2560x256xf32>
    %reduce_sum3A_2156 = arith.constant dense<0.000000e+00> : vector<2560xf32>
    %reduce_sum3A_2157 = vector.multi_reduction <add>, %mul3A_2155, %reduce_sum3A_2156 [1] : vector<2560x256xf32> to vector<2560xf32>
    %broadcast_in_dim3A_2158 = vector.shape_cast %reduce_sum3A_2157 : vector<2560xf32> to vector<2560x1xf32>
    %add3A_2159 = arith.addf %add3A_2110, %broadcast_in_dim3A_2158 : vector<2560x1xf32>
    %reduce_sum3A_2160 = arith.constant dense<0.000000e+00> : vector<2560xf32>
    %reduce_sum3A_2161 = vector.multi_reduction <add>, %select_n3A_2132, %reduce_sum3A_2160 [1] : vector<2560x256xf32> to vector<2560xf32>
    %broadcast_in_dim3A_2162 = vector.shape_cast %reduce_sum3A_2161 : vector<2560xf32> to vector<2560x1xf32>
    %add3A_2163 = arith.addf %add3A_2114, %broadcast_in_dim3A_2162 : vector<2560x1xf32>
    %slice3A_2164 = vector.extract_strided_slice %add3A_1325 {offsets = [17, 0], sizes = [1, 256], strides = [1, 1]} : vector<20x256xf32> to vector<1x256xf32>
    %slice3A_2165 = vector.extract_strided_slice %get3A_1301 {offsets = [17, 0], sizes = [1, 256], strides = [1, 1]} : vector<20x256xf32> to vector<1x256xf32>
    %sub3A_2166 = arith.constant 1.000000e+00 : f32
    %sub3A_2167 = vector.broadcast %sub3A_2166 : f32 to vector<1x256xf32>
    %sub3A_2168 = arith.subf %slice3A_2164, %sub3A_2167 : vector<1x256xf32>
    %eq3A_2169 = vector.broadcast %sub3A_2168 : vector<1x256xf32> to vector<2560x256xf32>
    %eq3A_2170 = vector.broadcast %convert_element_type3A : vector<2560x1xf32> to vector<2560x256xf32>
    %eq3A_2171 = arith.cmpf oeq, %eq3A_2169, %eq3A_2170 : vector<2560x256xf32>
    %gt3A_2172 = arith.constant 5.000000e-01 : f32
    %gt3A_2173 = vector.broadcast %gt3A_2172 : f32 to vector<1x256xf32>
    %gt3A_2174 = arith.cmpf ogt, %slice3A_2165, %gt3A_2173 : vector<1x256xf32>
    %and3A_2175 = vector.broadcast %gt3A_2174 : vector<1x256xi1> to vector<2560x256xi1>
    %and3A_2176 = arith.andi %eq3A_2171, %and3A_2175 : vector<2560x256xi1>
    %jit3A_2177 = arith.constant 1.000000e+00 : f32
    %jit3A_2178 = arith.constant 0.000000e+00 : f32
    %broadcast_in_dim3A_2179 = vector.broadcast %jit3A_2177 : f32 to vector<2560x256xf32>
    %broadcast_in_dim3A_2180 = vector.broadcast %jit3A_2178 : f32 to vector<2560x256xf32>
    %select_n3A_2181 = arith.select %and3A_2176, %broadcast_in_dim3A_2179, %broadcast_in_dim3A_2180 : vector<2560x256xi1>, vector<2560x256xf32>
    %get3A_2182 = arith.constant 17 : index
    %get3A_2183 = arith.constant 0 : index
    %get3A_2184 = vector.load %arg0[%get3A_2182, %get3A_2183] : memref<20x256xf32, #tpu.memory_space<vmem>>, vector<1x256xf32>
    %mul3A_2185 = vector.broadcast %get3A_2184 : vector<1x256xf32> to vector<2560x256xf32>
    %mul3A_2186 = arith.mulf %select_n3A_2181, %mul3A_2185 : vector<2560x256xf32>
    %reduce_sum3A_2187 = arith.constant dense<0.000000e+00> : vector<2560xf32>
    %reduce_sum3A_2188 = vector.multi_reduction <add>, %mul3A_2186, %reduce_sum3A_2187 [1] : vector<2560x256xf32> to vector<2560xf32>
    %broadcast_in_dim3A_2189 = vector.shape_cast %reduce_sum3A_2188 : vector<2560xf32> to vector<2560x1xf32>
    %add3A_2190 = arith.addf %add3A_2141, %broadcast_in_dim3A_2189 : vector<2560x1xf32>
    %get3A_2191 = arith.constant 17 : index
    %get3A_2192 = arith.constant 0 : index
    %get3A_2193 = vector.load %arg1[%get3A_2191, %get3A_2192] : memref<20x256xf32, #tpu.memory_space<vmem>>, vector<1x256xf32>
    %mul3A_2194 = vector.broadcast %get3A_2193 : vector<1x256xf32> to vector<2560x256xf32>
    %mul3A_2195 = arith.mulf %select_n3A_2181, %mul3A_2194 : vector<2560x256xf32>
    %reduce_sum3A_2196 = arith.constant dense<0.000000e+00> : vector<2560xf32>
    %reduce_sum3A_2197 = vector.multi_reduction <add>, %mul3A_2195, %reduce_sum3A_2196 [1] : vector<2560x256xf32> to vector<2560xf32>
    %broadcast_in_dim3A_2198 = vector.shape_cast %reduce_sum3A_2197 : vector<2560xf32> to vector<2560x1xf32>
    %add3A_2199 = arith.addf %add3A_2150, %broadcast_in_dim3A_2198 : vector<2560x1xf32>
    %get3A_2200 = arith.constant 17 : index
    %get3A_2201 = arith.constant 0 : index
    %get3A_2202 = vector.load %arg2[%get3A_2200, %get3A_2201] : memref<20x256xf32, #tpu.memory_space<vmem>>, vector<1x256xf32>
    %mul3A_2203 = vector.broadcast %get3A_2202 : vector<1x256xf32> to vector<2560x256xf32>
    %mul3A_2204 = arith.mulf %select_n3A_2181, %mul3A_2203 : vector<2560x256xf32>
    %reduce_sum3A_2205 = arith.constant dense<0.000000e+00> : vector<2560xf32>
    %reduce_sum3A_2206 = vector.multi_reduction <add>, %mul3A_2204, %reduce_sum3A_2205 [1] : vector<2560x256xf32> to vector<2560xf32>
    %broadcast_in_dim3A_2207 = vector.shape_cast %reduce_sum3A_2206 : vector<2560xf32> to vector<2560x1xf32>
    %add3A_2208 = arith.addf %add3A_2159, %broadcast_in_dim3A_2207 : vector<2560x1xf32>
    %reduce_sum3A_2209 = arith.constant dense<0.000000e+00> : vector<2560xf32>
    %reduce_sum3A_2210 = vector.multi_reduction <add>, %select_n3A_2181, %reduce_sum3A_2209 [1] : vector<2560x256xf32> to vector<2560xf32>
    %broadcast_in_dim3A_2211 = vector.shape_cast %reduce_sum3A_2210 : vector<2560xf32> to vector<2560x1xf32>
    %add3A_2212 = arith.addf %add3A_2163, %broadcast_in_dim3A_2211 : vector<2560x1xf32>
    %slice3A_2213 = vector.extract_strided_slice %add3A_1325 {offsets = [18, 0], sizes = [1, 256], strides = [1, 1]} : vector<20x256xf32> to vector<1x256xf32>
    %slice3A_2214 = vector.extract_strided_slice %get3A_1301 {offsets = [18, 0], sizes = [1, 256], strides = [1, 1]} : vector<20x256xf32> to vector<1x256xf32>
    %sub3A_2215 = arith.constant 1.000000e+00 : f32
    %sub3A_2216 = vector.broadcast %sub3A_2215 : f32 to vector<1x256xf32>
    %sub3A_2217 = arith.subf %slice3A_2213, %sub3A_2216 : vector<1x256xf32>
    %eq3A_2218 = vector.broadcast %sub3A_2217 : vector<1x256xf32> to vector<2560x256xf32>
    %eq3A_2219 = vector.broadcast %convert_element_type3A : vector<2560x1xf32> to vector<2560x256xf32>
    %eq3A_2220 = arith.cmpf oeq, %eq3A_2218, %eq3A_2219 : vector<2560x256xf32>
    %gt3A_2221 = arith.constant 5.000000e-01 : f32
    %gt3A_2222 = vector.broadcast %gt3A_2221 : f32 to vector<1x256xf32>
    %gt3A_2223 = arith.cmpf ogt, %slice3A_2214, %gt3A_2222 : vector<1x256xf32>
    %and3A_2224 = vector.broadcast %gt3A_2223 : vector<1x256xi1> to vector<2560x256xi1>
    %and3A_2225 = arith.andi %eq3A_2220, %and3A_2224 : vector<2560x256xi1>
    %jit3A_2226 = arith.constant 1.000000e+00 : f32
    %jit3A_2227 = arith.constant 0.000000e+00 : f32
    %broadcast_in_dim3A_2228 = vector.broadcast %jit3A_2226 : f32 to vector<2560x256xf32>
    %broadcast_in_dim3A_2229 = vector.broadcast %jit3A_2227 : f32 to vector<2560x256xf32>
    %select_n3A_2230 = arith.select %and3A_2225, %broadcast_in_dim3A_2228, %broadcast_in_dim3A_2229 : vector<2560x256xi1>, vector<2560x256xf32>
    %get3A_2231 = arith.constant 18 : index
    %get3A_2232 = arith.constant 0 : index
    %get3A_2233 = vector.load %arg0[%get3A_2231, %get3A_2232] : memref<20x256xf32, #tpu.memory_space<vmem>>, vector<1x256xf32>
    %mul3A_2234 = vector.broadcast %get3A_2233 : vector<1x256xf32> to vector<2560x256xf32>
    %mul3A_2235 = arith.mulf %select_n3A_2230, %mul3A_2234 : vector<2560x256xf32>
    %reduce_sum3A_2236 = arith.constant dense<0.000000e+00> : vector<2560xf32>
    %reduce_sum3A_2237 = vector.multi_reduction <add>, %mul3A_2235, %reduce_sum3A_2236 [1] : vector<2560x256xf32> to vector<2560xf32>
    %broadcast_in_dim3A_2238 = vector.shape_cast %reduce_sum3A_2237 : vector<2560xf32> to vector<2560x1xf32>
    %add3A_2239 = arith.addf %add3A_2190, %broadcast_in_dim3A_2238 : vector<2560x1xf32>
    %get3A_2240 = arith.constant 18 : index
    %get3A_2241 = arith.constant 0 : index
    %get3A_2242 = vector.load %arg1[%get3A_2240, %get3A_2241] : memref<20x256xf32, #tpu.memory_space<vmem>>, vector<1x256xf32>
    %mul3A_2243 = vector.broadcast %get3A_2242 : vector<1x256xf32> to vector<2560x256xf32>
    %mul3A_2244 = arith.mulf %select_n3A_2230, %mul3A_2243 : vector<2560x256xf32>
    %reduce_sum3A_2245 = arith.constant dense<0.000000e+00> : vector<2560xf32>
    %reduce_sum3A_2246 = vector.multi_reduction <add>, %mul3A_2244, %reduce_sum3A_2245 [1] : vector<2560x256xf32> to vector<2560xf32>
    %broadcast_in_dim3A_2247 = vector.shape_cast %reduce_sum3A_2246 : vector<2560xf32> to vector<2560x1xf32>
    %add3A_2248 = arith.addf %add3A_2199, %broadcast_in_dim3A_2247 : vector<2560x1xf32>
    %get3A_2249 = arith.constant 18 : index
    %get3A_2250 = arith.constant 0 : index
    %get3A_2251 = vector.load %arg2[%get3A_2249, %get3A_2250] : memref<20x256xf32, #tpu.memory_space<vmem>>, vector<1x256xf32>
    %mul3A_2252 = vector.broadcast %get3A_2251 : vector<1x256xf32> to vector<2560x256xf32>
    %mul3A_2253 = arith.mulf %select_n3A_2230, %mul3A_2252 : vector<2560x256xf32>
    %reduce_sum3A_2254 = arith.constant dense<0.000000e+00> : vector<2560xf32>
    %reduce_sum3A_2255 = vector.multi_reduction <add>, %mul3A_2253, %reduce_sum3A_2254 [1] : vector<2560x256xf32> to vector<2560xf32>
    %broadcast_in_dim3A_2256 = vector.shape_cast %reduce_sum3A_2255 : vector<2560xf32> to vector<2560x1xf32>
    %add3A_2257 = arith.addf %add3A_2208, %broadcast_in_dim3A_2256 : vector<2560x1xf32>
    %reduce_sum3A_2258 = arith.constant dense<0.000000e+00> : vector<2560xf32>
    %reduce_sum3A_2259 = vector.multi_reduction <add>, %select_n3A_2230, %reduce_sum3A_2258 [1] : vector<2560x256xf32> to vector<2560xf32>
    %broadcast_in_dim3A_2260 = vector.shape_cast %reduce_sum3A_2259 : vector<2560xf32> to vector<2560x1xf32>
    %add3A_2261 = arith.addf %add3A_2212, %broadcast_in_dim3A_2260 : vector<2560x1xf32>
    %slice3A_2262 = vector.extract_strided_slice %add3A_1325 {offsets = [19, 0], sizes = [1, 256], strides = [1, 1]} : vector<20x256xf32> to vector<1x256xf32>
    %slice3A_2263 = vector.extract_strided_slice %get3A_1301 {offsets = [19, 0], sizes = [1, 256], strides = [1, 1]} : vector<20x256xf32> to vector<1x256xf32>
    %sub3A_2264 = arith.constant 1.000000e+00 : f32
    %sub3A_2265 = vector.broadcast %sub3A_2264 : f32 to vector<1x256xf32>
    %sub3A_2266 = arith.subf %slice3A_2262, %sub3A_2265 : vector<1x256xf32>
    %eq3A_2267 = vector.broadcast %sub3A_2266 : vector<1x256xf32> to vector<2560x256xf32>
    %eq3A_2268 = vector.broadcast %convert_element_type3A : vector<2560x1xf32> to vector<2560x256xf32>
    %eq3A_2269 = arith.cmpf oeq, %eq3A_2267, %eq3A_2268 : vector<2560x256xf32>
    %gt3A_2270 = arith.constant 5.000000e-01 : f32
    %gt3A_2271 = vector.broadcast %gt3A_2270 : f32 to vector<1x256xf32>
    %gt3A_2272 = arith.cmpf ogt, %slice3A_2263, %gt3A_2271 : vector<1x256xf32>
    %and3A_2273 = vector.broadcast %gt3A_2272 : vector<1x256xi1> to vector<2560x256xi1>
    %and3A_2274 = arith.andi %eq3A_2269, %and3A_2273 : vector<2560x256xi1>
    %jit3A_2275 = arith.constant 1.000000e+00 : f32
    %jit3A_2276 = arith.constant 0.000000e+00 : f32
    %broadcast_in_dim3A_2277 = vector.broadcast %jit3A_2275 : f32 to vector<2560x256xf32>
    %broadcast_in_dim3A_2278 = vector.broadcast %jit3A_2276 : f32 to vector<2560x256xf32>
    %select_n3A_2279 = arith.select %and3A_2274, %broadcast_in_dim3A_2277, %broadcast_in_dim3A_2278 : vector<2560x256xi1>, vector<2560x256xf32>
    %get3A_2280 = arith.constant 19 : index
    %get3A_2281 = arith.constant 0 : index
    %get3A_2282 = vector.load %arg0[%get3A_2280, %get3A_2281] : memref<20x256xf32, #tpu.memory_space<vmem>>, vector<1x256xf32>
    %mul3A_2283 = vector.broadcast %get3A_2282 : vector<1x256xf32> to vector<2560x256xf32>
    %mul3A_2284 = arith.mulf %select_n3A_2279, %mul3A_2283 : vector<2560x256xf32>
    %reduce_sum3A_2285 = arith.constant dense<0.000000e+00> : vector<2560xf32>
    %reduce_sum3A_2286 = vector.multi_reduction <add>, %mul3A_2284, %reduce_sum3A_2285 [1] : vector<2560x256xf32> to vector<2560xf32>
    %broadcast_in_dim3A_2287 = vector.shape_cast %reduce_sum3A_2286 : vector<2560xf32> to vector<2560x1xf32>
    %add3A_2288 = arith.addf %add3A_2239, %broadcast_in_dim3A_2287 : vector<2560x1xf32>
    %get3A_2289 = arith.constant 19 : index
    %get3A_2290 = arith.constant 0 : index
    %get3A_2291 = vector.load %arg1[%get3A_2289, %get3A_2290] : memref<20x256xf32, #tpu.memory_space<vmem>>, vector<1x256xf32>
    %mul3A_2292 = vector.broadcast %get3A_2291 : vector<1x256xf32> to vector<2560x256xf32>
    %mul3A_2293 = arith.mulf %select_n3A_2279, %mul3A_2292 : vector<2560x256xf32>
    %reduce_sum3A_2294 = arith.constant dense<0.000000e+00> : vector<2560xf32>
    %reduce_sum3A_2295 = vector.multi_reduction <add>, %mul3A_2293, %reduce_sum3A_2294 [1] : vector<2560x256xf32> to vector<2560xf32>
    %broadcast_in_dim3A_2296 = vector.shape_cast %reduce_sum3A_2295 : vector<2560xf32> to vector<2560x1xf32>
    %add3A_2297 = arith.addf %add3A_2248, %broadcast_in_dim3A_2296 : vector<2560x1xf32>
    %get3A_2298 = arith.constant 19 : index
    %get3A_2299 = arith.constant 0 : index
    %get3A_2300 = vector.load %arg2[%get3A_2298, %get3A_2299] : memref<20x256xf32, #tpu.memory_space<vmem>>, vector<1x256xf32>
    %mul3A_2301 = vector.broadcast %get3A_2300 : vector<1x256xf32> to vector<2560x256xf32>
    %mul3A_2302 = arith.mulf %select_n3A_2279, %mul3A_2301 : vector<2560x256xf32>
    %reduce_sum3A_2303 = arith.constant dense<0.000000e+00> : vector<2560xf32>
    %reduce_sum3A_2304 = vector.multi_reduction <add>, %mul3A_2302, %reduce_sum3A_2303 [1] : vector<2560x256xf32> to vector<2560xf32>
    %broadcast_in_dim3A_2305 = vector.shape_cast %reduce_sum3A_2304 : vector<2560xf32> to vector<2560x1xf32>
    %add3A_2306 = arith.addf %add3A_2257, %broadcast_in_dim3A_2305 : vector<2560x1xf32>
    %reduce_sum3A_2307 = arith.constant dense<0.000000e+00> : vector<2560xf32>
    %reduce_sum3A_2308 = vector.multi_reduction <add>, %select_n3A_2279, %reduce_sum3A_2307 [1] : vector<2560x256xf32> to vector<2560xf32>
    %broadcast_in_dim3A_2309 = vector.shape_cast %reduce_sum3A_2308 : vector<2560xf32> to vector<2560x1xf32>
    %add3A_2310 = arith.addf %add3A_2261, %broadcast_in_dim3A_2309 : vector<2560x1xf32>
    %gt3A_2311 = arith.constant 5.000000e-01 : f32
    %gt3A_2312 = vector.broadcast %gt3A_2311 : f32 to vector<2560x1xf32>
    %gt3A_2313 = arith.cmpf ogt, %add3A_2310, %gt3A_2312 : vector<2560x1xf32>
    %jit3A_2314 = arith.constant -1.000000e+00 : f32
    %broadcast_in_dim3A_2315 = vector.broadcast %jit3A_2314 : f32 to vector<2560x1xf32>
    %select_n3A_2316 = arith.select %gt3A_2313, %add3A_2288, %broadcast_in_dim3A_2315 : vector<2560x1xi1>, vector<2560x1xf32>
    %swap3A_2317 = arith.constant 0 : index
    %swap3A_2318 = arith.constant 0 : index
    %swap3A_2319 = vector.load %arg6[%swap3A_2317, %swap3A_2318] : memref<2560x1xf32, #tpu.memory_space<vmem>>, vector<2560x1xf32>
    tpu.vector_store %arg6[%swap3A_2317, %swap3A_2318], %select_n3A_2316 {strides = array<i32>} : memref<2560x1xf32, #tpu.memory_space<vmem>>, vector<2560x1xf32>,
    %gt3A_2320 = arith.constant 5.000000e-01 : f32
    %gt3A_2321 = vector.broadcast %gt3A_2320 : f32 to vector<2560x1xf32>
    %gt3A_2322 = arith.cmpf ogt, %add3A_2310, %gt3A_2321 : vector<2560x1xf32>
    %concatenate3A = tpu.concatenate %add3A_2297, %add3A_2306 in 1 : vector<2560x1xf32>, vector<2560x1xf32> -> vector<2560x2xf32>
    %jit3A_2323 = arith.constant -1.000000e+00 : f32
    %broadcast_in_dim3A_2324 = vector.shape_cast %gt3A_2322 : vector<2560x1xi1> to vector<2560x1xi1>
    %broadcast_in_dim3A_2325 = vector.broadcast %broadcast_in_dim3A_2324 : vector<2560x1xi1> to vector<2560x2xi1>
    %broadcast_in_dim3A_2326 = vector.broadcast %jit3A_2323 : f32 to vector<2560x2xf32>
    %select_n3A_2327 = arith.select %broadcast_in_dim3A_2325, %concatenate3A, %broadcast_in_dim3A_2326 : vector<2560x2xi1>, vector<2560x2xf32>
    %swap3A_2328 = arith.constant 0 : index
    %swap3A_2329 = arith.constant 0 : index
    %swap3A_2330 = vector.load %arg7[%swap3A_2328, %swap3A_2329] : memref<2560x2xf32, #tpu.memory_space<vmem>>, vector<2560x2xf32>
    tpu.vector_store %arg7[%swap3A_2328, %swap3A_2329], %select_n3A_2327 {strides = array<i32>} : memref<2560x2xf32, #tpu.memory_space<vmem>>, vector<2560x2xf32>,
    return
  }
}

</mosaic_0001>

<sc_bundles>
// kernel: gather_offload_async_start.1
scs
__scs_entry_jumppad:
0x0: {  	(pc) =	sbr.rel $0x88, $3  }
0x1: {  	(tag) =	ssettag $0x0;
	lr =	simm.s32 $0x1  }
0x2: {  	[smem:$0x3F9D] =	sst lr;
	_ =	strace $0xD0000000  }
0x3: {  	_ = 	snop  }
0x4: {  	_ = 	snop  }
0x5: {  	_ = 	snop  }
0x6: {  	_ = 	snop  }
0x7: {  	_ = 	snop  }
__scs_overlays_trampoline_lowered:
0x8: {  	[smem:$0x3FAC] =	sst s0  }
0x9: {  	[smem:$0x3FAD] =	sst s1  }
0xa: {  	[smem:$0x3FAE] =	sst s2  }
0xb: {  	[smem:$0x3FAF] =	sst s3  }
0xc: {  	[smem:$0x3FB0] =	sst s4  }
0xd: {  	[smem:$0x3FB1] =	sst s5  }
0xe: {  	[smem:$0x3FB2] =	sst s6  }
0xf: {  	[smem:$0x3FB3] =	sst s7  }
0x10: {  	[smem:$0x3FB4] =	sst s8  }
0x11: {  	[smem:$0x3FB5] =	sst s9;
	s0 =	simm.s32 @!p0 $0x0  }
0x12: {  	s1 =	sld [smem:$0x3F9B];
	s0 =	simm.s32 @p0 $0x1  }
0x13: {  	[smem:$0x3FB6] =	sst s0;
	s0 =	simm.s32 @!p1 $0x0  }
0x14: {  	s2 =	sld [smem:$0x3F9A];
	s0 =	simm.s32 @p1 $0x1  }
0x15: {  	[smem:$0x3FB7] =	sst s0;
	s0 =	simm.s32 @!p2 $0x0  }
0x16: {  	s3 =	sld [smem:$0x3FDB];
	s0 =	simm.s32 @p2 $0x1  }
0x17: {  	s4 =	simm.s32 $0x1BF5;
	[smem:$0x3FB9] =	sst s0  }
0x18: {  	s0 =	sld [smem:$0x3F9C];
	_ =	swait.ge [sflag:s4], $0x0  }
0x19: {  	s7 =	sld [smem:$0x3F9D]  }
0x1a: {  	s8 =	sadd.s32 $0xFFFFE003, lr  }
0x1b: {  	s9 =	sadd.s32 $0xFFFFFEF7, lr;
	s5 =	simm.s32 $0xFFFFFFFF;
	p2 =	slt.u32 s8, $0xFFFFF086  }
0x1c: {  	p1 =	slt.u32 s9, $0xF7A;
	s5 =	simm.s32 @!p2 $0x0  }
0x1d: {  	s5 =	simm.s32 @p1 $0x1;
	p0 =	seq.s32 s7, s2  }
0x1e: {  	s7 =	smul.u32 @!p0 $0xF7A, s2;
	p2 =	seq.s32 @!p0 s5, $0x0  }
0x1f: {  	s9 =	smul.u32 $0xF7A, s1;
	s8 =	simm.s32 @!p0 $0x1BF5;
	p2 =	por !p2, p0  }
0x20: {  	[sflag:s8] =	ssyncset.s32 @!p0 $0xFFFFF086;
	s6 =	sadd.s32 @!p0 s3, s7;
	s7 =	simm.s32 @!p0 $0x108  }
0x21: {  	s3 =	sadd.s32 s3, s9;
	s6 =	sadd.s32 @!p0 $0x88, s6;
	s7 =	simm.s32 @p2 $0x1082  }
0x22: {  	[simem:s7], [sflag:s8] =	dma.local @!p0 [hbm:s6], $0xF7A  }
0x23: {  	s9 =	sor.u32 $0xD0000000, s2;
	s6 =	simm.s32 $0x108;
	_ =	swait.ge @!p0 [sflag:s8], $0x0  }
0x24: {  	s3 =	sadd.s32 $0x88, s3;
	s6 =	simm.s32 @!p1 $0x1082;
	[sflag:s4] =	ssyncset.s32 $0xFFFFF086  }
0x25: {  	[simem:s6], [sflag:s4] =	dma.local [hbm:s3], $0xF7A  }
0x26: {  	[smem:$0x3F9D] =	sst s1;
	(tag) =	ssettag s2;
	_ =	strace s9  }
0x27: {  	s1 =	sld [smem:$0x3FAD]  }
0x28: {  	s2 =	sld [smem:$0x3FAE]  }
0x29: {  	s4 =	sld [smem:$0x3FB0]  }
0x2a: {  	p0 =	seq.s32 s5, $0x0;
	s5 =	sld [smem:$0x3FB1]  }
0x2b: {  	s6 =	sld [smem:$0x3FB2]  }
0x2c: {  	s7 =	sld [smem:$0x3FB3]  }
0x2d: {  	s3 =	simm.s32 $0x108;
	s8 =	sld [smem:$0x3FB4]  }
0x2e: {  	s3 =	simm.s32 @!p0 $0x1082;
	s9 =	sld [smem:$0x3FB5]  }
0x2f: {  	lr =	sadd.s32 s0, s3;
	s0 =	sld [smem:$0x3FAC]  }
0x30: {  	s3 =	sld [smem:$0x3FAF]  }
0x31: {  	[smem:$0x3FB8] =	sst s10  }
0x32: {  	s10 =	sld [smem:$0x3FB6];
	_ =	sdelay $0x3  }
0x33: {  	p0 =	seq.s32 s10, $0x1;
	s10 =	sld [smem:$0x3FB8];
	_ =	sdelay $0x3  }
0x34: {  	[smem:$0x3FB8] =	sst s10  }
0x35: {  	s10 =	sld [smem:$0x3FB7];
	_ =	sdelay $0x3  }
0x36: {  	p1 =	seq.s32 s10, $0x1;
	s10 =	sld [smem:$0x3FB8];
	_ =	sdelay $0x3  }
0x37: {  	[smem:$0x3FB8] =	sst s10  }
0x38: {  	s10 =	sld [smem:$0x3FB9]  }
0x39: {  	_ = 	snop;
	(pc) =	sbr.ind lr, $3  }
0x3a: {  	_ = 	snop  }
0x3b: {  	_ = 	snop  }
0x3c: {  	p2 =	seq.s32 s10, $0x1;
	s10 =	sld [smem:$0x3FB8]  }
0x3d: {  	_ =	shalt  }
0x3e: {  	_ =	shalt  }
0x3f: {  	_ =	shalt  }
0x40: {  	_ =	shalt  }
0x41: {  	_ =	shalt  }
0x42: {  	_ =	shalt  }
0x43: {  	_ =	shalt  }
0x44: {  	_ =	shalt  }
0x45: {  	_ =	shalt  }
0x46: {  	_ =	shalt  }
0x47: {  	_ =	shalt  }
0x48: {  	_ =	shalt  }
0x49: {  	_ =	shalt  }
0x4a: {  	_ =	shalt  }
0x4b: {  	_ =	shalt  }
0x4c: {  	_ =	shalt  }
0x4d: {  	_ =	shalt  }
0x4e: {  	_ =	shalt  }
0x4f: {  	_ =	shalt  }
0x50: {  	_ =	shalt  }
0x51: {  	_ =	shalt  }
0x52: {  	_ =	shalt  }
0x53: {  	_ =	shalt  }
0x54: {  	_ =	shalt  }
0x55: {  	_ =	shalt  }
0x56: {  	_ =	shalt  }
0x57: {  	_ =	shalt  }
0x58: {  	_ =	shalt  }
0x59: {  	_ =	shalt  }
0x5a: {  	_ =	shalt  }
0x5b: {  	_ =	shalt  }
0x5c: {  	_ =	shalt  }
0x5d: {  	_ =	shalt  }
0x5e: {  	_ =	shalt  }
0x5f: {  	_ =	shalt  }
0x60: {  	_ =	shalt  }
0x61: {  	_ =	shalt  }
0x62: {  	_ =	shalt  }
0x63: {  	_ =	shalt  }
0x64: {  	_ =	shalt  }
0x65: {  	_ =	shalt  }
0x66: {  	_ =	shalt  }
0x67: {  	_ =	shalt  }
0x68: {  	_ =	shalt  }
0x69: {  	_ =	shalt  }
0x6a: {  	_ =	shalt  }
0x6b: {  	_ =	shalt  }
0x6c: {  	_ =	shalt  }
0x6d: {  	_ =	shalt  }
0x6e: {  	_ =	shalt  }
0x6f: {  	_ =	shalt  }
0x70: {  	_ =	shalt  }
0x71: {  	_ =	shalt  }
0x72: {  	_ =	shalt  }
0x73: {  	_ =	shalt  }
0x74: {  	_ =	shalt  }
0x75: {  	_ =	shalt  }
0x76: {  	_ =	shalt  }
0x77: {  	_ =	shalt  }
0x78: {  	_ =	shalt  }
0x79: {  	_ =	shalt  }
0x7a: {  	_ =	shalt  }
0x7b: {  	_ =	shalt  }
0x7c: {  	_ =	shalt  }
0x7d: {  	_ =	shalt  }
0x7e: {  	_ =	shalt  }
0x7f: {  	_ =	shalt  }
0x80: {  	_ =	shalt  }
0x81: {  	_ =	shalt  }
0x82: {  	_ =	shalt  }
0x83: {  	_ =	shalt  }
0x84: {  	_ =	shalt  }
0x85: {  	_ =	shalt  }
0x86: {  	_ =	shalt  }
0x87: {  	_ =	shalt  }
.Lfunc_end0:
.L_simem_size_0:
called_computation.2_lowered:
.L_overlay_start_0:
0x88: {  	s0 =	sld [smem:$0x3FD9]  }
0x89: {  	s1 =	sld [smem:$0x3FFE];
	_ =	sdelay $0x3  }
0x8a: {  	s0 =	sadd.s32 s1, s0  }
0x8b: {  	[smem:$0x3FC4] =	sst s0  }
0x8c: {  	_ = 	snop  }
0x8d: {  	s0 =	sld [smem:$0x3FD0];
	_ =	sdelay $0x2  }
0x8e: {  	s13 =	simm.s32 $0xA;
	s2 =	simm.s32 $0x10  }
0x8f: {  	[smem:s2], [sflag:s13] =	dma.local [hbm:s0], $0x1  }
0x90: {  	_ =	swait.eq [sflag:s13], $0x1  }
0x91: {  	[sflag:s13] =	ssyncset.done $0x0  }
0x92: {  	[sflag:s13] =	ssyncadd.s32 $0xFFFFFFFF  }
0x93: {  	s14 =	sld [smem:$0x11];
	(tm) =	ssettm $0x1  }
0x94: {  	s15 =	sld [smem:$0x3FFB];
	_ =	sdelay $0x3  }
0x95: {  	_ =	strace s15  }
0x96: {  	s1 =	sld [smem:$0x3FFC];
	_ =	sdelay $0x3  }
0x97: {  	_ =	strace s1  }
0x98: {  	s1 =	sld [smem:$0x3FFD];
	_ =	sdelay $0x3  }
0x99: {  	_ =	strace s1  }
0x9a: {  	_ =	strace $0x8FFFFFFF  }
0x9b: {  	s16 =	sld [smem:$0x3FDB];
	_ =	sdelay $0x1  }
0x9c: {  	s17 =	simm.s32 $_scs_section_size  }
0x9d: {  	s3 =	simm.s32 $_size__tile_overlayer_lowered;
	s4 =	simm.s32 $_tile_overlayer_lowered  }
0x9e: {  	s20 =	simm.s32 $0x1BFF;
	s19 =	sshll.u32 s4, $0x1;
	s1 =	sadd.s32 s17, s16  }
0x9f: {  	s5 =	simm.s32 $0x0;
	s18 =	sshll.u32 s3, $0x1;
	s3 =	sadd.s32 s19, s1  }
0xa0: {  	[timem:s5], [sflag:s20] =	dma.local [hbm:s3], s18  }
0xa1: {  	_ =	swait.ge [sflag:s20], s18  }
0xa2: {  	s2 =	ssub.s32 $0x0, s18;
	[sflag:s20] =	ssyncset.done $0x0  }
0xa3: {  	[sflag:s20] =	ssyncadd.s32 s2;
	_ =	sdelay $0x1  }
0xa4: {  	s21 =	simm.s32 $0x1B8B  }
0xa5: {  	_ =	swait.ge [sflag:s21], $0x1  }
0xa6: {  	[sflag:s21] =	ssyncset.done $0x0  }
0xa7: {  	s23 =	simm.s32 $0x1B8E;
	s22 =	sld [smem:$0x3FFE];
	[sflag:s21] =	ssyncadd.s32 $0xFFFFFFFF  }
0xa8: {  	s24 =	simm.s32 $execute0_lowered;
	[smem:$0x3FD2] =	sst s23  }
0xa9: {  	s3 =	sshll.u32 s24, $0x1;
	_ =	strace $0x8000004F;
	[dreg:$0x1] =	wrdreg $0xFFFFFFFF  }
0xaa: {  	s25 =	simm.s32 $_size_execute0_lowered;
	s1 =	sadd.s32 s1, s3;
	[dreg:$0x0] =	wrdreg $0x0  }
0xab: {  	s3 =	sshll.u32 s25, $0x1;
	[dreg:$0x2] =	wrdreg s1  }
0xac: {  	[dreg:$0x3] =	wrdreg s3  }
0xad: {  	[dreg:$0x4] =	wrdreg $0xC0  }
0xae: {  	_ =	task [dreg:s5], $0x5FFFF  }
0xaf: {  	[dreg:$0x1] =	wrdreg $0xFFFFFFFF  }
0xb0: {  	[dreg:$0x0] =	wrdreg $0x60  }
0xb1: {  	[dreg:$0x2] =	wrdreg s22  }
0xb2: {  	[dreg:$0x3] =	wrdreg s14  }
0xb3: {  	[dreg:$0x4] =	wrdreg $0x9  }
0xb4: {  	_ =	task.clear_ibuf [dreg:s5], $0x5FFFF;
	_ =	strace $0x9000004F  }
0xb5: {  	s26 =	simm.s32 $0x9;
	_ =	strace $0x80000051  }
0xb6: {  	_ =	swait.ge [sflag:s26], $0x1  }
0xb7: {  	[sflag:s26] =	ssyncadd.s32 $0xFFFFFFFF  }
0xb8: {  	_ =	strace $0x90000051  }
0xb9: {  	_ =	sfence  }
0xba: {  	s28 =	sld [smem:$0x0];
	_ =	sdelay $0x1  }
0xbb: {  	s29 =	srdreg.scid  }
0xbc: {  	s30 =	sshll.u32 s29, $0xD;
	s31 =	sshrl.u32 s29, $0x2  }
0xbd: {  	s2 =	sand.u32 $0x4000, s30;
	s1 =	sand.u32 $0x1, s29;
	s0 =	sadd.s32 s31, s28  }
0xbe: {  	s1 =	sor.u32 s2, s1;
	s0 =	sshll.u32 s0, $0x11  }
0xbf: {  	s0 =	sor.u32 s0, s1  }
0xc0: {  	s0 =	sadd.s32 $0x8F2B, s0  }
0xc1: {  	[sflag:s0] =	ssyncadd.remote.s32 $0x1  }
0xc2: {  	_ =	sfence.sel $0xFFFF  }
0xc3: {  	[dreg:$0x0] =	wrdreg $0xFFFFFFFF;
	(pc) =	sbr.abs _section_cstart, $3  }
0xc4: {  	[dreg:$0x1] =	wrdreg $0xFFFFFFFF  }
0xc5: {  	_ =	task.clear_ibuf [dreg:s5], $0x2FFFF;
	_ =	strace $0x9FFFFFFF  }
0xc6: {  	(tm) =	ssettm $0x7FFFFFFF  }
0xc7: {  	_ =	shalt  }
tec
execute0_lowered:
.L_overlay_start_1:
0x0: {  	(tag) =	ssettag $0x1  }
0x1: {  	s5 =	rddreg [dreg:$0x0]  }
0x2: {  	s2 =	rddreg [dreg:$0x1]  }
0x3: {  	s0 =	rddreg [dreg:$0x2];
	s1 =	stileid.u32;
	_ =	strace $0x80000050  }
0x4: {  	s6 =	simm.s32 $0x1;
	s8 =	simm.s32 $0x2;
	s30 =	simm.s32 $0x3  }
0x5: {  	s12 =	simm.s32 $0x0;
	s9 =	simm.s32 $0x0;
	s4 =	sshll.u32 s1, $0x4  }
0x6: {  	s10 =	simm.s32 $0x0;
	s3 =	sadd.s32 $0x14200, s5;
	s7 =	ssub.s32 $0x1380, s4  }
0x7: {  	s5 =	sadd.s32 $0x15400, s5;
	[sflag:s6] =	ssyncpa.u1 $0x0;
	s6 =	sshrl.u32 s7, $0x8  }
0x8: {  	[sflag:s8] =	ssyncpa.u1 $0x0;
	s11 =	smov.u32 s4;
	s31 =	sshll.u32 s6, $0x4  }
0x9: {  	[sflag:s30] =	ssyncpa.u1 $0x0;
	s7 =	sadd.s32 $0x2, s6;
	s8 =	sadd.s32 $0x30, s31  }
.LBB2_1:
0xa: {  	p0 =	sgt.u32 s10, s6  }
0xb: {  	s13 =	sxor.u32 @!p0 $0xFFFFFFFF, s9;
	s14 =	sshrl.u32 @!p0 s11, $0x3  }
0xc: {  	s15 =	sand.u32 @!p0 $0x7, s11;
	s13 =	sand.u32 @!p0 $0x10, s13;
	s14 =	sadd.s32 @!p0 s5, s14  }
0xd: {  	[tilespmem:s13], [sflag:$0x2] =	stream.linear.gather @!p0 [hbm4b:s14+s15], $0x10, $0x38;
	[tilespmem:$0x40] =	vst v63  }
0xe: {  	p0 =	seq.s32 s9, $0x0  }
0xf: {  	p1 =	sge.u32 @!p0 s10, s7  }
0x10: {  	p0 =	por p1, p0  }
0x11: {  	s13 =	simm.s32 @!p0 $0x2  }
0x12: {  	_ =	swait.ge @!p0 [sflag:s13], $0x10  }
0x13: {  	[sflag:s13] =	ssyncset.done @!p0 $0x0  }
0x14: {  	[sflag:s13] =	ssyncadd.s32 @!p0 $0xFFFFFFF0;
	s13 =	sand.u32 @!p0 $0x10, s9  }
0x15: {  	(ifvalue) =	ssetifvalue @!p0 $0x7FFFFFFF;
	v0 =	vld.msk @!p0 [tilespmem:s13+$0x0 ss:$0x1], $0xffff;
	_ =	sdelay $0x4  }
0x16: {  	vm0 =	vgt.s32 @!p0 v0, $0x0  }
0x17: {  	v0 =	vnsel @!p0 vm0, $0x0, v0  }
0x18: {  	v0 =	vmin.u32 @!p0 v0, $0x8FFF;
	_ =	sdelay $0x3  }
0x19: {  	s14 =	simm.s32 @!p0 $0x0;
	s13 =	sor.u32 @!p0 $0x20, s13;
	(ifvalue) =	ssetifvalue @!p0 $0x7FFFFFFF;
	vm0 =	vmmov @!p0 $0xffff  }
0x1a: {  	[tilespmem:s13], [sflag:$0x1] =	stream.indirect_vreg.gather @!p0 [hbm4b:s3+s14], $0x1, v0, vm0, $0x4038;
	[tilespmem:$0x40] =	vst v63  }
0x1b: {  	s14 =	simm.s32 @!p0 $0x1  }
0x1c: {  	_ =	swait.ge @!p0 [sflag:s14], $0x10  }
0x1d: {  	s15 =	sshrl.u32 @!p0 s12, $0x3;
	[sflag:s14] =	ssyncset.done @!p0 $0x0  }
0x1e: {  	s12 =	sand.u32 @!p0 $0x7, s12;
	[sflag:s14] =	ssyncadd.s32 @!p0 $0xFFFFFFF0;
	s14 =	sadd.s32 @!p0 s2, s15  }
0x1f: {  	[hbm4b:s14+s12] =	stream.linear.scatter @!p0 [tilespmem:s13], [sflag:$0x3], $0x10, $0x38;
	[tilespmem:$0x40] =	vst v63  }
0x20: {  	s14 =	sadd.s32 $0x100, s11  }
0x21: {  	s9 =	sadd.s32 $0x10, s9;
	p1 =	sgt.s32 s14, $0x1387  }
0x22: {  	s14 =	smov.u32 @p1 s4;
	p1 =	sne.s32 s8, s9  }
.Ltmp0:
0x23: {  	p0 =	slt.u32 s10, $0x2;
	(pc) =	sbr.rel @p1 .LBB2_1-.Ltmp0, $4  }
0x24: {  	s13 =	simm.s32 @!p0 $0x3  }
0x25: {  	_ =	swait.ge @!p0 [sflag:s13], $0x10  }
0x26: {  	s12 =	smov.u32 s11;
	[sflag:s13] =	ssyncset.done @!p0 $0x0  }
0x27: {  	s10 =	sadd.s32 $0x1, s10;
	s11 =	smov.u32 s14;
	[sflag:s13] =	ssyncadd.s32 @!p0 $0xFFFFFFF0  }
0x28: {  	_ =	sfence.sel $0x180000  }
0x29: {  	s2 =	simm.s32 $0x2;
	[bflag:$0x0] =	sbarrier.arrive $0xFFFF  }
0x2a: {  	s30 =	simm.s32 $0x3;
	[sflag:s2] =	ssyncpa.u1 $0x1  }
0x2b: {  	s31 =	simm.s32 $0x1;
	[sflag:s30] =	ssyncpa.u1 $0x1  }
0x2c: {  	[sflag:s31] =	ssyncpa.u1 $0x1  }
0x2d: {  	p0 =	sne.s32 s1, $0x0;
	_ =	strace $0x90000050  }
0x2e: {  	s0 =	sadd.s32 @!p0 $0x100000, s0;
	[bflag:$0x2] =	sbarrier.arrive $0xFFFF  }
0x2f: {  	[sflag:s0] =	ssyncadd.tile.s32 @!p0 $0x1;
	_ =	shalt  }
.Lfunc_end2:
_tile_overlayer_lowered:
.L_overlay_start_2:
0x30: {  	(tag) =	ssettag $0x2  }
0x31: {  	s0 =	rddreg [dreg:$0x0];
	s2 =	stileid.u32  }
0x32: {  	s1 =	rddreg [dreg:$0x1];
	p0 =	sne.s32 s2, $0x0  }
0x33: {  	s3 =	rddreg [dreg:$0x2];
	[bflag:$0x3] =	sbarrier.arrive $0xFFFF;
	s2 =	simm.s32 @!p0 $0x1C01  }
0x34: {  	[timem:s3], [sflag:s2] =	dma.local @!p0 [hbm:s0], s1  }
0x35: {  	s0 =	simm.s32 @!p0 $0x1  }
0x36: {  	_ =	swait.ge @!p0 [sflag:s0], s1  }
0x37: {  	s1 =	ssub.s32 @!p0 $0x0, s1;
	[sflag:s0] =	ssyncset.done @!p0 $0x0  }
0x38: {  	[sflag:s0] =	ssyncadd.s32 @!p0 s1  }
0x39: {  	[bflag:$0x3] =	sbarrier.arrive $0xFFFF  }
0x3a: {  	_ =	shalt  }

// kernel: gather_offload_async_start.2
scs
__scs_entry_jumppad:
0x0: {  	(pc) =	sbr.rel $0x88, $3  }
0x1: {  	(tag) =	ssettag $0x0;
	lr =	simm.s32 $0x1  }
0x2: {  	[smem:$0x3F9D] =	sst lr;
	_ =	strace $0xD0000000  }
0x3: {  	_ = 	snop  }
0x4: {  	_ = 	snop  }
0x5: {  	_ = 	snop  }
0x6: {  	_ = 	snop  }
0x7: {  	_ = 	snop  }
__scs_overlays_trampoline_lowered:
0x8: {  	[smem:$0x3FAC] =	sst s0  }
0x9: {  	[smem:$0x3FAD] =	sst s1  }
0xa: {  	[smem:$0x3FAE] =	sst s2  }
0xb: {  	[smem:$0x3FAF] =	sst s3  }
0xc: {  	[smem:$0x3FB0] =	sst s4  }
0xd: {  	[smem:$0x3FB1] =	sst s5  }
0xe: {  	[smem:$0x3FB2] =	sst s6  }
0xf: {  	[smem:$0x3FB3] =	sst s7  }
0x10: {  	[smem:$0x3FB4] =	sst s8  }
0x11: {  	[smem:$0x3FB5] =	sst s9;
	s0 =	simm.s32 @!p0 $0x0  }
0x12: {  	s1 =	sld [smem:$0x3F9B];
	s0 =	simm.s32 @p0 $0x1  }
0x13: {  	[smem:$0x3FB6] =	sst s0;
	s0 =	simm.s32 @!p1 $0x0  }
0x14: {  	s2 =	sld [smem:$0x3F9A];
	s0 =	simm.s32 @p1 $0x1  }
0x15: {  	[smem:$0x3FB7] =	sst s0;
	s0 =	simm.s32 @!p2 $0x0  }
0x16: {  	s3 =	sld [smem:$0x3FDB];
	s0 =	simm.s32 @p2 $0x1  }
0x17: {  	s4 =	simm.s32 $0x1BF5;
	[smem:$0x3FB9] =	sst s0  }
0x18: {  	s0 =	sld [smem:$0x3F9C];
	_ =	swait.ge [sflag:s4], $0x0  }
0x19: {  	s7 =	sld [smem:$0x3F9D]  }
0x1a: {  	s8 =	sadd.s32 $0xFFFFE003, lr  }
0x1b: {  	s9 =	sadd.s32 $0xFFFFFEF7, lr;
	s5 =	simm.s32 $0xFFFFFFFF;
	p2 =	slt.u32 s8, $0xFFFFF086  }
0x1c: {  	p1 =	slt.u32 s9, $0xF7A;
	s5 =	simm.s32 @!p2 $0x0  }
0x1d: {  	s5 =	simm.s32 @p1 $0x1;
	p0 =	seq.s32 s7, s2  }
0x1e: {  	s7 =	smul.u32 @!p0 $0xF7A, s2;
	p2 =	seq.s32 @!p0 s5, $0x0  }
0x1f: {  	s9 =	smul.u32 $0xF7A, s1;
	s8 =	simm.s32 @!p0 $0x1BF5;
	p2 =	por !p2, p0  }
0x20: {  	[sflag:s8] =	ssyncset.s32 @!p0 $0xFFFFF086;
	s6 =	sadd.s32 @!p0 s3, s7;
	s7 =	simm.s32 @!p0 $0x108  }
0x21: {  	s3 =	sadd.s32 s3, s9;
	s6 =	sadd.s32 @!p0 $0x88, s6;
	s7 =	simm.s32 @p2 $0x1082  }
0x22: {  	[simem:s7], [sflag:s8] =	dma.local @!p0 [hbm:s6], $0xF7A  }
0x23: {  	s9 =	sor.u32 $0xD0000000, s2;
	s6 =	simm.s32 $0x108;
	_ =	swait.ge @!p0 [sflag:s8], $0x0  }
0x24: {  	s3 =	sadd.s32 $0x88, s3;
	s6 =	simm.s32 @!p1 $0x1082;
	[sflag:s4] =	ssyncset.s32 $0xFFFFF086  }
0x25: {  	[simem:s6], [sflag:s4] =	dma.local [hbm:s3], $0xF7A  }
0x26: {  	[smem:$0x3F9D] =	sst s1;
	(tag) =	ssettag s2;
	_ =	strace s9  }
0x27: {  	s1 =	sld [smem:$0x3FAD]  }
0x28: {  	s2 =	sld [smem:$0x3FAE]  }
0x29: {  	s4 =	sld [smem:$0x3FB0]  }
0x2a: {  	p0 =	seq.s32 s5, $0x0;
	s5 =	sld [smem:$0x3FB1]  }
0x2b: {  	s6 =	sld [smem:$0x3FB2]  }
0x2c: {  	s7 =	sld [smem:$0x3FB3]  }
0x2d: {  	s3 =	simm.s32 $0x108;
	s8 =	sld [smem:$0x3FB4]  }
0x2e: {  	s3 =	simm.s32 @!p0 $0x1082;
	s9 =	sld [smem:$0x3FB5]  }
0x2f: {  	lr =	sadd.s32 s0, s3;
	s0 =	sld [smem:$0x3FAC]  }
0x30: {  	s3 =	sld [smem:$0x3FAF]  }
0x31: {  	[smem:$0x3FB8] =	sst s10  }
0x32: {  	s10 =	sld [smem:$0x3FB6];
	_ =	sdelay $0x3  }
0x33: {  	p0 =	seq.s32 s10, $0x1;
	s10 =	sld [smem:$0x3FB8];
	_ =	sdelay $0x3  }
0x34: {  	[smem:$0x3FB8] =	sst s10  }
0x35: {  	s10 =	sld [smem:$0x3FB7];
	_ =	sdelay $0x3  }
0x36: {  	p1 =	seq.s32 s10, $0x1;
	s10 =	sld [smem:$0x3FB8];
	_ =	sdelay $0x3  }
0x37: {  	[smem:$0x3FB8] =	sst s10  }
0x38: {  	s10 =	sld [smem:$0x3FB9]  }
0x39: {  	_ = 	snop;
	(pc) =	sbr.ind lr, $3  }
0x3a: {  	_ = 	snop  }
0x3b: {  	_ = 	snop  }
0x3c: {  	p2 =	seq.s32 s10, $0x1;
	s10 =	sld [smem:$0x3FB8]  }
0x3d: {  	_ =	shalt  }
0x3e: {  	_ =	shalt  }
0x3f: {  	_ =	shalt  }
0x40: {  	_ =	shalt  }
0x41: {  	_ =	shalt  }
0x42: {  	_ =	shalt  }
0x43: {  	_ =	shalt  }
0x44: {  	_ =	shalt  }
0x45: {  	_ =	shalt  }
0x46: {  	_ =	shalt  }
0x47: {  	_ =	shalt  }
0x48: {  	_ =	shalt  }
0x49: {  	_ =	shalt  }
0x4a: {  	_ =	shalt  }
0x4b: {  	_ =	shalt  }
0x4c: {  	_ =	shalt  }
0x4d: {  	_ =	shalt  }
0x4e: {  	_ =	shalt  }
0x4f: {  	_ =	shalt  }
0x50: {  	_ =	shalt  }
0x51: {  	_ =	shalt  }
0x52: {  	_ =	shalt  }
0x53: {  	_ =	shalt  }
0x54: {  	_ =	shalt  }
0x55: {  	_ =	shalt  }
0x56: {  	_ =	shalt  }
0x57: {  	_ =	shalt  }
0x58: {  	_ =	shalt  }
0x59: {  	_ =	shalt  }
0x5a: {  	_ =	shalt  }
0x5b: {  	_ =	shalt  }
0x5c: {  	_ =	shalt  }
0x5d: {  	_ =	shalt  }
0x5e: {  	_ =	shalt  }
0x5f: {  	_ =	shalt  }
0x60: {  	_ =	shalt  }
0x61: {  	_ =	shalt  }
0x62: {  	_ =	shalt  }
0x63: {  	_ =	shalt  }
0x64: {  	_ =	shalt  }
0x65: {  	_ =	shalt  }
0x66: {  	_ =	shalt  }
0x67: {  	_ =	shalt  }
0x68: {  	_ =	shalt  }
0x69: {  	_ =	shalt  }
0x6a: {  	_ =	shalt  }
0x6b: {  	_ =	shalt  }
0x6c: {  	_ =	shalt  }
0x6d: {  	_ =	shalt  }
0x6e: {  	_ =	shalt  }
0x6f: {  	_ =	shalt  }
0x70: {  	_ =	shalt  }
0x71: {  	_ =	shalt  }
0x72: {  	_ =	shalt  }
0x73: {  	_ =	shalt  }
0x74: {  	_ =	shalt  }
0x75: {  	_ =	shalt  }
0x76: {  	_ =	shalt  }
0x77: {  	_ =	shalt  }
0x78: {  	_ =	shalt  }
0x79: {  	_ =	shalt  }
0x7a: {  	_ =	shalt  }
0x7b: {  	_ =	shalt  }
0x7c: {  	_ =	shalt  }
0x7d: {  	_ =	shalt  }
0x7e: {  	_ =	shalt  }
0x7f: {  	_ =	shalt  }
0x80: {  	_ =	shalt  }
0x81: {  	_ =	shalt  }
0x82: {  	_ =	shalt  }
0x83: {  	_ =	shalt  }
0x84: {  	_ =	shalt  }
0x85: {  	_ =	shalt  }
0x86: {  	_ =	shalt  }
0x87: {  	_ =	shalt  }
.Lfunc_end0:
.L_simem_size_0:
called_computation.3_lowered:
.L_overlay_start_0:
0x88: {  	s2 =	sld [smem:$0x3FD9]  }
0x89: {  	s3 =	sld [smem:$0x3FFE];
	_ =	sdelay $0x1  }
0x8a: {  	s1 =	srdreg.scid  }
0x8b: {  	s0 =	sand.u32 $0x1, s1  }
0x8c: {  	s14 =	sshll.u32 s0, $0xA;
	s2 =	sadd.s32 s3, s2  }
0x8d: {  	s2 =	sadd.s32 s2, s14  }
0x8e: {  	[smem:$0x3FC4] =	sst s2  }
0x8f: {  	_ = 	snop  }
0x90: {  	s2 =	sld [smem:$0x3FD0];
	_ =	sdelay $0x2  }
0x91: {  	s15 =	simm.s32 $0xA;
	s4 =	simm.s32 $0x10  }
0x92: {  	[smem:s4], [sflag:s15] =	dma.local [hbm:s2], $0x1  }
0x93: {  	_ =	swait.eq [sflag:s15], $0x1  }
0x94: {  	[sflag:s15] =	ssyncset.done $0x0  }
0x95: {  	[sflag:s15] =	ssyncadd.s32 $0xFFFFFFFF  }
0x96: {  	s16 =	sld [smem:$0x11];
	(tm) =	ssettm $0x1  }
0x97: {  	s17 =	sld [smem:$0x3FFB];
	_ =	sdelay $0x3  }
0x98: {  	_ =	strace s17  }
0x99: {  	s3 =	sld [smem:$0x3FFC];
	_ =	sdelay $0x3  }
0x9a: {  	_ =	strace s3  }
0x9b: {  	s3 =	sld [smem:$0x3FFD];
	_ =	sdelay $0x3  }
0x9c: {  	_ =	strace s3  }
0x9d: {  	_ =	strace $0x8FFFFFFF  }
0x9e: {  	s18 =	sld [smem:$0x3FDB];
	_ =	sdelay $0x1  }
0x9f: {  	s19 =	simm.s32 $_scs_section_size  }
0xa0: {  	s5 =	simm.s32 $_size__tile_overlayer_lowered;
	s6 =	simm.s32 $_tile_overlayer_lowered  }
0xa1: {  	s22 =	simm.s32 $0x1BFF;
	s21 =	sshll.u32 s6, $0x1;
	s3 =	sadd.s32 s19, s18  }
0xa2: {  	s7 =	simm.s32 $0x0;
	s20 =	sshll.u32 s5, $0x1;
	s5 =	sadd.s32 s21, s3  }
0xa3: {  	[timem:s7], [sflag:s22] =	dma.local [hbm:s5], s20  }
0xa4: {  	_ =	swait.ge [sflag:s22], s20  }
0xa5: {  	s4 =	ssub.s32 $0x0, s20;
	[sflag:s22] =	ssyncset.done $0x0  }
0xa6: {  	[sflag:s22] =	ssyncadd.s32 s4;
	_ =	sdelay $0x1  }
0xa7: {  	s23 =	simm.s32 $0x1B8B  }
0xa8: {  	_ =	swait.ge [sflag:s23], $0x1  }
0xa9: {  	[sflag:s23] =	ssyncset.done $0x0  }
0xaa: {  	s25 =	simm.s32 $0x1B8E;
	s24 =	sld [smem:$0x3FFE];
	[sflag:s23] =	ssyncadd.s32 $0xFFFFFFFF  }
0xab: {  	s26 =	simm.s32 $execute0_lowered;
	[smem:$0x3FD2] =	sst s25  }
0xac: {  	s5 =	sshll.u32 s26, $0x1;
	_ =	strace $0x80000046;
	[dreg:$0x1] =	wrdreg $0xFFFFFFFF  }
0xad: {  	s28 =	simm.s32 $_size_execute0_lowered;
	s3 =	sadd.s32 s3, s5;
	[dreg:$0x0] =	wrdreg $0x0  }
0xae: {  	s5 =	sshll.u32 s28, $0x1;
	[dreg:$0x2] =	wrdreg s3  }
0xaf: {  	[dreg:$0x3] =	wrdreg s5  }
0xb0: {  	[dreg:$0x4] =	wrdreg $0xC0  }
0xb1: {  	_ =	task [dreg:s7], $0x5FFFF  }
0xb2: {  	[dreg:$0x1] =	wrdreg $0xFFFFFFFF  }
0xb3: {  	[dreg:$0x0] =	wrdreg $0x60  }
0xb4: {  	[dreg:$0x2] =	wrdreg s24  }
0xb5: {  	[dreg:$0x3] =	wrdreg s16  }
0xb6: {  	[dreg:$0x4] =	wrdreg $0x9  }
0xb7: {  	_ =	task.clear_ibuf [dreg:s7], $0x5FFFF;
	_ =	strace $0x90000046  }
0xb8: {  	s29 =	simm.s32 $0x9;
	_ =	strace $0x80000048  }
0xb9: {  	_ =	swait.ge [sflag:s29], $0x1  }
0xba: {  	[sflag:s29] =	ssyncadd.s32 $0xFFFFFFFF  }
0xbb: {  	_ =	strace $0x90000048  }
0xbc: {  	_ =	sfence  }
0xbd: {  	s30 =	sld [smem:$0x0];
	_ =	sdelay $0x2  }
0xbe: {  	s31 =	sshll.u32 s1, $0xD;
	s1 =	sshrl.u32 s1, $0x2  }
0xbf: {  	s3 =	sand.u32 $0x4000, s31;
	s1 =	sadd.s32 s1, s30  }
0xc0: {  	s0 =	sor.u32 s3, s0;
	s1 =	sshll.u32 s1, $0x11  }
0xc1: {  	s0 =	sor.u32 s1, s0  }
0xc2: {  	s0 =	sadd.s32 $0x8F2B, s0  }
0xc3: {  	[sflag:s0] =	ssyncadd.remote.s32 $0x1  }
0xc4: {  	_ =	sfence.sel $0xFFFF  }
0xc5: {  	[dreg:$0x0] =	wrdreg $0xFFFFFFFF;
	(pc) =	sbr.abs _section_cstart, $3  }
0xc6: {  	[dreg:$0x1] =	wrdreg $0xFFFFFFFF  }
0xc7: {  	_ =	task.clear_ibuf [dreg:s7], $0x2FFFF;
	_ =	strace $0x9FFFFFFF  }
0xc8: {  	(tm) =	ssettm $0x7FFFFFFF  }
0xc9: {  	_ =	shalt  }
tec
execute0_lowered:
.L_overlay_start_1:
0x0: {  	(tag) =	ssettag $0x1  }
0x1: {  	s1 =	srdreg.scid;
	s2 =	rddreg [dreg:$0x0]  }
0x2: {  	s0 =	stileid.u32;
	s3 =	rddreg [dreg:$0x1]  }
0x3: {  	s6 =	simm.s32 $0x1;
	s9 =	simm.s32 $0x1;
	s1 =	sshll.u32 s1, $0x7  }
0x4: {  	s10 =	simm.s32 $0x3;
	s4 =	sshll.u32 s0, $0x8;
	s5 =	sand.u32 $0x80, s1  }
0x5: {  	s13 =	simm.s32 $0x0;
	s12 =	simm.s32 $0x0;
	s4 =	sor.u32 s4, s5  }
0x6: {  	s1 =	rddreg [dreg:$0x2];
	_ =	strace $0x80000047;
	s8 =	ssub.s32 $0x1400, s4  }
.Ltmp0:
0x7: {  	s5 =	sadd.s32 $0x28400, s2;
	s7 =	sand.u32 $0xF80, s8;
	(pc) =	sbr.rel .LBB2_1-.Ltmp0, $4  }
0x8: {  	[sflag:s6] =	ssyncpa.u1 $0x0;
	s11 =	smov.u32 s4;
	p0 =	sne.s32 s7, $0x0  }
0x9: {  	s8 =	sshrl.u32 s8, $0xC;
	s7 =	simm.s32 $0x2;
	s9 =	simm.s32 @!p0 $0x0  }
0xa: {  	[sflag:s7] =	ssyncpa.u1 $0x0;
	p0 =	por $0x0, $0x0;
	s8 =	sadd.s32 s9, s8  }
0xb: {  	vm0 =	vmmov $0xffff;
	v0 =	vlaneseq.u32;
	[sflag:s10] =	ssyncpa.u1 $0x0;
	s10 =	simm.s32 $0x0;
	s9 =	sadd.s32 $0x1, s8  }
.LBB2_4:
0xc: {  	vm1 =	vgt.s32 v1, $0x0;
	s14 =	sadd.s32 $0xFFFFFFF0, s16  }
0xd: {  	v1 =	vnsel vm1, $0x0, v1;
	p1 =	sgt.s32 s14, $0x0  }
0xe: {  	v1 =	vmin.u32 v1, $0x4FFFF;
	s14 =	simm.s32 @!p1 $0x0  }
0xf: {  	v2 =	vshll.u32 v1, $0x1;
	s14 =	smin.u32 s14, $0x10  }
0x10: {  	v1 =	vand.u32 $0x7F, v1;
	v2 =	vand.u32 $0xFFF00, v2;
	v3 =	vmov s14  }
0x11: {  	v1 =	vor.u32 v1, v2;
	vm1 =	vgt.u32 v3, v0  }
0x12: {  	v2 =	vnsel vm1, $0x7FFFFFFF, v1;
	_ =	sdelay $0x1  }
0x13: {  	v1 =	vor.u32 $0x80, v1  }
0x14: {  	(ifvalue) =	ssetifvalue $0x7FFFFFFF;
	v1 =	vnsel vm1, $0x7FFFFFFF, v1  }
0x15: {  	s29 =	sadd.s32 s18, s17;
	(ifvalue) =	ssetifvalue $0x7FFFFFFF  }
0x16: {  	[tilespmem:s29], [sflag:$0x1] =	stream.indirect_vreg.gather [hbm4b:s5+s10], $0x1, v2, vm0, $0x4038;
	[tilespmem:$0x300] =	vst v63  }
0x17: {  	(ifvalue) =	ssetifvalue $0x7FFFFFFF  }
0x18: {  	s30 =	sshll.u32 s13, $0x1;
	s14 =	sadd.s32 $0x80, s29;
	(ifvalue) =	ssetifvalue $0x7FFFFFFF  }
0x19: {  	[tilespmem:s14], [sflag:$0x1] =	stream.indirect_vreg.gather [hbm4b:s5+s10], $0x1, v1, vm0, $0x4038;
	[tilespmem:$0x300] =	vst v63  }
0x1a: {  	s31 =	sand.u32 $0x78, s13;
	s14 =	sand.u32 $0xFFFFFF00, s30  }
0x1b: {  	_ =	swait.ge [sflag:s6], $0x100;
	s13 =	sor.u32 s31, s14  }
0x1c: {  	[sflag:s6] =	ssyncset.done $0x0;
	s13 =	sshrl.u32 s13, $0x3  }
0x1d: {  	[sflag:s6] =	ssyncadd.s32 $0xFFFFFF00;
	s13 =	sadd.s32 s2, s13  }
0x1e: {  	[hbm:s13] =	stream.linear.scatter [tilespmem:s15], [sflag:$0x3], $0x100, $0x38;
	[tilespmem:$0x300] =	vst v63  }
.LBB2_5:
0x1f: {  	s15 =	sadd.s32 $0x1000, s11  }
0x20: {  	p2 =	sgt.s32 s15, $0x13FF  }
0x21: {  	s15 =	smov.u32 @p2 s4;
	p2 =	sne.s32 s12, s9  }
.Ltmp1:
0x22: {  	p1 =	slt.u32 s12, $0x2;
	(pc) =	sbr.rel @!p2 .LBB2_6-.Ltmp1, $4  }
0x23: {  	s14 =	simm.s32 @!p1 $0x3  }
0x24: {  	s16 =	sadd.s32 $0x1, s12;
	_ =	swait.ge @!p1 [sflag:s14], $0x100  }
0x25: {  	s13 =	smov.u32 s11;
	p0 =	por !p0, !p0;
	[sflag:s14] =	ssyncset.done @!p1 $0x0  }
0x26: {  	s12 =	smov.u32 s16;
	s11 =	smov.u32 s15;
	[sflag:s14] =	ssyncadd.s32 @!p1 $0xFFFFFF00  }
.LBB2_1:
0x27: {  	p1 =	sge.u32 s12, s8  }
0x28: {  	s14 =	sxor.u32 @!p1 $0xFFFFFFFF, s12  }
0x29: {  	s31 =	sadd.s32 $0xFFFFFFFF, s12;
	s15 =	sshrl.u32 @!p1 s11, $0x3;
	s14 =	sshll.u32 @!p1 s14, $0x7  }
0x2a: {  	s16 =	sand.u32 @!p1 $0x7, s11;
	s15 =	sadd.s32 @!p1 s3, s15;
	s14 =	sand.u32 @!p1 $0x80, s14  }
0x2b: {  	[tilespmem:s14], [sflag:$0x2] =	stream.linear.gather @!p1 [hbm4b:s15+s16], $0x80, $0x38;
	[tilespmem:$0x300] =	vst v63  }
0x2c: {  	p1 =	sge.u32 s31, s8  }
.Ltmp2:
0x2d: {  	_ = 	snop;
	(pc) =	sbr.rel @p1 .LBB2_5-.Ltmp2, $1  }
0x2e: {  	_ =	sdelay $0x3  }
0x2f: {  	s15 =	simm.s32 $0x1  }
0x30: {  	_ =	swait.ge [sflag:s7], $0x80;
	s15 =	simm.s32 @!p0 $0x0  }
0x31: {  	[sflag:s7] =	ssyncset.done $0x0;
	s14 =	sshll.u32 s15, $0x7  }
0x32: {  	[sflag:s7] =	ssyncadd.s32 $0xFFFFFF80;
	s16 =	sadd.s32 $0x0, s14  }
0x33: {  	v1 =	vld.msk [tilespmem:s16+$0x0 ss:$0x1], $0xffff;
	_ =	sdelay $0x2  }
0x34: {  	s16 =	ssub.s32 $0x1388, s13  }
0x35: {  	p1 =	slt.s32 s16, $0x80  }
0x36: {  	s16 =	simm.s32 @!p1 $0x80;
	vm1 =	vgt.s32 v1, $0x0  }
0x37: {  	p1 =	sgt.s32 s16, $0x0;
	s17 =	smov.u32 s16;
	v1 =	vnsel vm1, $0x0, v1  }
0x38: {  	s17 =	simm.s32 @!p1 $0x0;
	v1 =	vmin.u32 v1, $0x4FFFF  }
0x39: {  	s17 =	smin.u32 s17, $0x10;
	v2 =	vshll.u32 v1, $0x1  }
0x3a: {  	v3 =	vmov s17;
	v1 =	vand.u32 $0x7F, v1;
	v2 =	vand.u32 $0xFFF00, v2  }
0x3b: {  	vm1 =	vgt.u32 v3, v0;
	v1 =	vor.u32 v1, v2  }
0x3c: {  	v2 =	vnsel vm1, $0x7FFFFFFF, v1;
	_ =	sdelay $0x1  }
0x3d: {  	s15 =	sshll.u32 s15, $0x8;
	v1 =	vor.u32 $0x80, v1  }
0x3e: {  	(ifvalue) =	ssetifvalue $0x7FFFFFFF;
	s17 =	sadd.s32 $0x100, s15;
	v1 =	vnsel vm1, $0x7FFFFFFF, v1  }
0x3f: {  	s18 =	sand.u32 $0x1, s12;
	(ifvalue) =	ssetifvalue $0x7FFFFFFF;
	s15 =	sadd.s32 $0x0, s17  }
0x40: {  	[tilespmem:s15], [sflag:$0x1] =	stream.indirect_vreg.gather [hbm4b:s5+s10], $0x1, v2, vm0, $0x4038;
	[tilespmem:$0x300] =	vst v63  }
0x41: {  	s31 =	sshll.u32 s18, $0x8;
	(ifvalue) =	ssetifvalue $0x7FFFFFFF  }
0x42: {  	s19 =	sadd.s32 $0x10, s14;
	s15 =	sadd.s32 $0x80, s15;
	(ifvalue) =	ssetifvalue $0x7FFFFFFF  }
0x43: {  	[tilespmem:s15], [sflag:$0x1] =	stream.indirect_vreg.gather [hbm4b:s5+s10], $0x1, v1, vm0, $0x4038;
	[tilespmem:$0x300] =	vst v63  }
0x44: {  	s18 =	simm.s32 $0x10;
	s15 =	sadd.s32 $0x100, s31;
	v1 =	vld.msk [tilespmem:s19+$0x0 ss:$0x1], $0xffff;
	s19 =	simm.s32 $0x80  }
.LBB2_3:
0x45: {  	p1 =	sne.s32 s19, $0x1C0;
	_ =	sdelay $0x4  }
0x46: {  	vm1 =	vgt.s32 v1, $0x0;
	s16 =	sadd.s32 $0xFFFFFFF0, s16  }
0x47: {  	v1 =	vnsel vm1, $0x0, v1;
	p2 =	sgt.s32 s16, $0x0;
	s20 =	smov.u32 s16  }
0x48: {  	v1 =	vmin.u32 v1, $0x4FFFF;
	s20 =	simm.s32 @!p2 $0x0  }
0x49: {  	v2 =	vshll.u32 v1, $0x1;
	s20 =	smin.u32 s20, $0x10  }
0x4a: {  	v1 =	vand.u32 $0x7F, v1;
	v2 =	vand.u32 $0xFFF00, v2;
	v3 =	vmov s20  }
0x4b: {  	v1 =	vor.u32 v1, v2;
	vm1 =	vgt.u32 v3, v0  }
0x4c: {  	v2 =	vnsel vm1, $0x7FFFFFFF, v1;
	_ =	sdelay $0x1  }
0x4d: {  	v1 =	vor.u32 $0x80, v1  }
0x4e: {  	v1 =	vnsel vm1, $0x7FFFFFFF, v1;
	(ifvalue) =	ssetifvalue $0x7FFFFFFF  }
0x4f: {  	s20 =	sadd.s32 s18, s17;
	(ifvalue) =	ssetifvalue $0x7FFFFFFF  }
0x50: {  	[tilespmem:s20], [sflag:$0x1] =	stream.indirect_vreg.gather [hbm4b:s5+s10], $0x1, v2, vm0, $0x4038;
	[tilespmem:$0x300] =	vst v63  }
.Ltmp3:
0x51: {  	_ = 	snop;
	(pc) =	sbr.rel @p1 .LBB2_3-.Ltmp3, $4  }
0x52: {  	s18 =	sshra.s32 s19, $0x2;
	(ifvalue) =	ssetifvalue $0x7FFFFFFF  }
0x53: {  	s21 =	sadd.s32 s18, s14;
	s20 =	sadd.s32 $0x80, s20;
	(ifvalue) =	ssetifvalue $0x7FFFFFFF  }
0x54: {  	[tilespmem:s20], [sflag:$0x1] =	stream.indirect_vreg.gather [hbm4b:s5+s10], $0x1, v1, vm0, $0x4038;
	[tilespmem:$0x300] =	vst v63  }
0x55: {  	s19 =	sadd.s32 $0x40, s19;
	v1 =	vld.msk [tilespmem:s21+$0x0 ss:$0x1], $0xffff  }
.Ltmp4:
0x56: {  	_ = 	snop;
	(pc) =	sbr.rel .LBB2_4-.Ltmp4, $1  }
0x57: {  	_ =	sdelay $0x3  }
.LBB2_6:
0x58: {  	_ =	sfence.sel $0x180000  }
0x59: {  	s2 =	simm.s32 $0x2;
	[bflag:$0x0] =	sbarrier.arrive $0xFFFF  }
0x5a: {  	s30 =	simm.s32 $0x3;
	[sflag:s2] =	ssyncpa.u1 $0x1  }
0x5b: {  	s31 =	simm.s32 $0x1;
	[sflag:s30] =	ssyncpa.u1 $0x1  }
0x5c: {  	[sflag:s31] =	ssyncpa.u1 $0x1  }
0x5d: {  	p0 =	sne.s32 s0, $0x0;
	_ =	strace $0x90000047  }
0x5e: {  	s0 =	sadd.s32 @!p0 $0x100000, s1;
	[bflag:$0x2] =	sbarrier.arrive $0xFFFF  }
0x5f: {  	[sflag:s0] =	ssyncadd.tile.s32 @!p0 $0x1;
	_ =	shalt  }
.Lfunc_end2:
_tile_overlayer_lowered:
.L_overlay_start_2:
0x60: {  	(tag) =	ssettag $0x2  }
0x61: {  	s0 =	rddreg [dreg:$0x0];
	s2 =	stileid.u32  }
0x62: {  	s1 =	rddreg [dreg:$0x1];
	p0 =	sne.s32 s2, $0x0  }
0x63: {  	s3 =	rddreg [dreg:$0x2];
	[bflag:$0x3] =	sbarrier.arrive $0xFFFF;
	s2 =	simm.s32 @!p0 $0x1C01  }
0x64: {  	[timem:s3], [sflag:s2] =	dma.local @!p0 [hbm:s0], s1  }
0x65: {  	s0 =	simm.s32 @!p0 $0x1  }
0x66: {  	_ =	swait.ge @!p0 [sflag:s0], s1  }
0x67: {  	s1 =	ssub.s32 @!p0 $0x0, s1;
	[sflag:s0] =	ssyncset.done @!p0 $0x0  }
0x68: {  	[sflag:s0] =	ssyncadd.s32 @!p0 s1  }
0x69: {  	[bflag:$0x3] =	sbarrier.arrive $0xFFFF  }
0x6a: {  	_ =	shalt  }

// kernel: gather_offload_async_start
scs
__scs_entry_jumppad:
0x0: {  	(pc) =	sbr.rel $0x88, $3  }
0x1: {  	(tag) =	ssettag $0x0;
	lr =	simm.s32 $0x1  }
0x2: {  	[smem:$0x3F9D] =	sst lr;
	_ =	strace $0xD0000000  }
0x3: {  	_ = 	snop  }
0x4: {  	_ = 	snop  }
0x5: {  	_ = 	snop  }
0x6: {  	_ = 	snop  }
0x7: {  	_ = 	snop  }
__scs_overlays_trampoline_lowered:
0x8: {  	[smem:$0x3FAC] =	sst s0  }
0x9: {  	[smem:$0x3FAD] =	sst s1  }
0xa: {  	[smem:$0x3FAE] =	sst s2  }
0xb: {  	[smem:$0x3FAF] =	sst s3  }
0xc: {  	[smem:$0x3FB0] =	sst s4  }
0xd: {  	[smem:$0x3FB1] =	sst s5  }
0xe: {  	[smem:$0x3FB2] =	sst s6  }
0xf: {  	[smem:$0x3FB3] =	sst s7  }
0x10: {  	[smem:$0x3FB4] =	sst s8  }
0x11: {  	[smem:$0x3FB5] =	sst s9;
	s0 =	simm.s32 @!p0 $0x0  }
0x12: {  	s1 =	sld [smem:$0x3F9B];
	s0 =	simm.s32 @p0 $0x1  }
0x13: {  	[smem:$0x3FB6] =	sst s0;
	s0 =	simm.s32 @!p1 $0x0  }
0x14: {  	s2 =	sld [smem:$0x3F9A];
	s0 =	simm.s32 @p1 $0x1  }
0x15: {  	[smem:$0x3FB7] =	sst s0;
	s0 =	simm.s32 @!p2 $0x0  }
0x16: {  	s3 =	sld [smem:$0x3FDB];
	s0 =	simm.s32 @p2 $0x1  }
0x17: {  	s4 =	simm.s32 $0x1BF5;
	[smem:$0x3FB9] =	sst s0  }
0x18: {  	s0 =	sld [smem:$0x3F9C];
	_ =	swait.ge [sflag:s4], $0x0  }
0x19: {  	s7 =	sld [smem:$0x3F9D]  }
0x1a: {  	s8 =	sadd.s32 $0xFFFFE003, lr  }
0x1b: {  	s9 =	sadd.s32 $0xFFFFFEF7, lr;
	s5 =	simm.s32 $0xFFFFFFFF;
	p2 =	slt.u32 s8, $0xFFFFF086  }
0x1c: {  	p1 =	slt.u32 s9, $0xF7A;
	s5 =	simm.s32 @!p2 $0x0  }
0x1d: {  	s5 =	simm.s32 @p1 $0x1;
	p0 =	seq.s32 s7, s2  }
0x1e: {  	s7 =	smul.u32 @!p0 $0xF7A, s2;
	p2 =	seq.s32 @!p0 s5, $0x0  }
0x1f: {  	s9 =	smul.u32 $0xF7A, s1;
	s8 =	simm.s32 @!p0 $0x1BF5;
	p2 =	por !p2, p0  }
0x20: {  	[sflag:s8] =	ssyncset.s32 @!p0 $0xFFFFF086;
	s6 =	sadd.s32 @!p0 s3, s7;
	s7 =	simm.s32 @!p0 $0x108  }
0x21: {  	s3 =	sadd.s32 s3, s9;
	s6 =	sadd.s32 @!p0 $0x88, s6;
	s7 =	simm.s32 @p2 $0x1082  }
0x22: {  	[simem:s7], [sflag:s8] =	dma.local @!p0 [hbm:s6], $0xF7A  }
0x23: {  	s9 =	sor.u32 $0xD0000000, s2;
	s6 =	simm.s32 $0x108;
	_ =	swait.ge @!p0 [sflag:s8], $0x0  }
0x24: {  	s3 =	sadd.s32 $0x88, s3;
	s6 =	simm.s32 @!p1 $0x1082;
	[sflag:s4] =	ssyncset.s32 $0xFFFFF086  }
0x25: {  	[simem:s6], [sflag:s4] =	dma.local [hbm:s3], $0xF7A  }
0x26: {  	[smem:$0x3F9D] =	sst s1;
	(tag) =	ssettag s2;
	_ =	strace s9  }
0x27: {  	s1 =	sld [smem:$0x3FAD]  }
0x28: {  	s2 =	sld [smem:$0x3FAE]  }
0x29: {  	s4 =	sld [smem:$0x3FB0]  }
0x2a: {  	p0 =	seq.s32 s5, $0x0;
	s5 =	sld [smem:$0x3FB1]  }
0x2b: {  	s6 =	sld [smem:$0x3FB2]  }
0x2c: {  	s7 =	sld [smem:$0x3FB3]  }
0x2d: {  	s3 =	simm.s32 $0x108;
	s8 =	sld [smem:$0x3FB4]  }
0x2e: {  	s3 =	simm.s32 @!p0 $0x1082;
	s9 =	sld [smem:$0x3FB5]  }
0x2f: {  	lr =	sadd.s32 s0, s3;
	s0 =	sld [smem:$0x3FAC]  }
0x30: {  	s3 =	sld [smem:$0x3FAF]  }
0x31: {  	[smem:$0x3FB8] =	sst s10  }
0x32: {  	s10 =	sld [smem:$0x3FB6];
	_ =	sdelay $0x3  }
0x33: {  	p0 =	seq.s32 s10, $0x1;
	s10 =	sld [smem:$0x3FB8];
	_ =	sdelay $0x3  }
0x34: {  	[smem:$0x3FB8] =	sst s10  }
0x35: {  	s10 =	sld [smem:$0x3FB7];
	_ =	sdelay $0x3  }
0x36: {  	p1 =	seq.s32 s10, $0x1;
	s10 =	sld [smem:$0x3FB8];
	_ =	sdelay $0x3  }
0x37: {  	[smem:$0x3FB8] =	sst s10  }
0x38: {  	s10 =	sld [smem:$0x3FB9]  }
0x39: {  	_ = 	snop;
	(pc) =	sbr.ind lr, $3  }
0x3a: {  	_ = 	snop  }
0x3b: {  	_ = 	snop  }
0x3c: {  	p2 =	seq.s32 s10, $0x1;
	s10 =	sld [smem:$0x3FB8]  }
0x3d: {  	_ =	shalt  }
0x3e: {  	_ =	shalt  }
0x3f: {  	_ =	shalt  }
0x40: {  	_ =	shalt  }
0x41: {  	_ =	shalt  }
0x42: {  	_ =	shalt  }
0x43: {  	_ =	shalt  }
0x44: {  	_ =	shalt  }
0x45: {  	_ =	shalt  }
0x46: {  	_ =	shalt  }
0x47: {  	_ =	shalt  }
0x48: {  	_ =	shalt  }
0x49: {  	_ =	shalt  }
0x4a: {  	_ =	shalt  }
0x4b: {  	_ =	shalt  }
0x4c: {  	_ =	shalt  }
0x4d: {  	_ =	shalt  }
0x4e: {  	_ =	shalt  }
0x4f: {  	_ =	shalt  }
0x50: {  	_ =	shalt  }
0x51: {  	_ =	shalt  }
0x52: {  	_ =	shalt  }
0x53: {  	_ =	shalt  }
0x54: {  	_ =	shalt  }
0x55: {  	_ =	shalt  }
0x56: {  	_ =	shalt  }
0x57: {  	_ =	shalt  }
0x58: {  	_ =	shalt  }
0x59: {  	_ =	shalt  }
0x5a: {  	_ =	shalt  }
0x5b: {  	_ =	shalt  }
0x5c: {  	_ =	shalt  }
0x5d: {  	_ =	shalt  }
0x5e: {  	_ =	shalt  }
0x5f: {  	_ =	shalt  }
0x60: {  	_ =	shalt  }
0x61: {  	_ =	shalt  }
0x62: {  	_ =	shalt  }
0x63: {  	_ =	shalt  }
0x64: {  	_ =	shalt  }
0x65: {  	_ =	shalt  }
0x66: {  	_ =	shalt  }
0x67: {  	_ =	shalt  }
0x68: {  	_ =	shalt  }
0x69: {  	_ =	shalt  }
0x6a: {  	_ =	shalt  }
0x6b: {  	_ =	shalt  }
0x6c: {  	_ =	shalt  }
0x6d: {  	_ =	shalt  }
0x6e: {  	_ =	shalt  }
0x6f: {  	_ =	shalt  }
0x70: {  	_ =	shalt  }
0x71: {  	_ =	shalt  }
0x72: {  	_ =	shalt  }
0x73: {  	_ =	shalt  }
0x74: {  	_ =	shalt  }
0x75: {  	_ =	shalt  }
0x76: {  	_ =	shalt  }
0x77: {  	_ =	shalt  }
0x78: {  	_ =	shalt  }
0x79: {  	_ =	shalt  }
0x7a: {  	_ =	shalt  }
0x7b: {  	_ =	shalt  }
0x7c: {  	_ =	shalt  }
0x7d: {  	_ =	shalt  }
0x7e: {  	_ =	shalt  }
0x7f: {  	_ =	shalt  }
0x80: {  	_ =	shalt  }
0x81: {  	_ =	shalt  }
0x82: {  	_ =	shalt  }
0x83: {  	_ =	shalt  }
0x84: {  	_ =	shalt  }
0x85: {  	_ =	shalt  }
0x86: {  	_ =	shalt  }
0x87: {  	_ =	shalt  }
.Lfunc_end0:
.L_simem_size_0:
called_computation.1_lowered:
.L_overlay_start_0:
0x88: {  	s2 =	sld [smem:$0x3FD9]  }
0x89: {  	s3 =	sld [smem:$0x3FFE];
	_ =	sdelay $0x1  }
0x8a: {  	s1 =	srdreg.scid  }
0x8b: {  	s0 =	sand.u32 $0x1, s1  }
0x8c: {  	s16 =	sshll.u32 s0, $0xA;
	s2 =	sadd.s32 s3, s2  }
0x8d: {  	s2 =	sadd.s32 s2, s16  }
0x8e: {  	[smem:$0x3FC4] =	sst s2  }
0x8f: {  	_ = 	snop  }
0x90: {  	(tm) =	ssettm $0x1  }
0x91: {  	s17 =	sld [smem:$0x3FFB];
	_ =	sdelay $0x3  }
0x92: {  	_ =	strace s17  }
0x93: {  	s2 =	sld [smem:$0x3FFC];
	_ =	sdelay $0x3  }
0x94: {  	_ =	strace s2  }
0x95: {  	s2 =	sld [smem:$0x3FFD];
	_ =	sdelay $0x3  }
0x96: {  	_ =	strace s2  }
0x97: {  	_ =	strace $0x8FFFFFFF  }
0x98: {  	s18 =	sld [smem:$0x3FDB];
	_ =	sdelay $0x1  }
0x99: {  	s19 =	simm.s32 $_scs_section_size  }
0x9a: {  	s4 =	simm.s32 $_size__tile_overlayer_lowered;
	s5 =	simm.s32 $_tile_overlayer_lowered  }
0x9b: {  	s22 =	simm.s32 $0x1BFF;
	s21 =	sshll.u32 s5, $0x1;
	s2 =	sadd.s32 s19, s18  }
0x9c: {  	s6 =	simm.s32 $0x0;
	s20 =	sshll.u32 s4, $0x1;
	s4 =	sadd.s32 s21, s2  }
0x9d: {  	[timem:s6], [sflag:s22] =	dma.local [hbm:s4], s20  }
0x9e: {  	_ =	swait.ge [sflag:s22], s20  }
0x9f: {  	s3 =	ssub.s32 $0x0, s20;
	[sflag:s22] =	ssyncset.done $0x0  }
0xa0: {  	[sflag:s22] =	ssyncadd.s32 s3;
	_ =	sdelay $0x1  }
0xa1: {  	s23 =	simm.s32 $0x1B8B  }
0xa2: {  	_ =	swait.ge [sflag:s23], $0x1  }
0xa3: {  	[sflag:s23] =	ssyncset.done $0x0  }
0xa4: {  	s25 =	simm.s32 $0x1B8E;
	s24 =	sld [smem:$0x3FFE];
	[sflag:s23] =	ssyncadd.s32 $0xFFFFFFFF  }
0xa5: {  	s26 =	simm.s32 $execute0_lowered;
	[smem:$0x3FD2] =	sst s25  }
0xa6: {  	s4 =	sshll.u32 s26, $0x1;
	_ =	strace $0x8000004C;
	[dreg:$0x1] =	wrdreg $0xFFFFFFFF  }
0xa7: {  	s28 =	simm.s32 $_size_execute0_lowered;
	s2 =	sadd.s32 s2, s4;
	[dreg:$0x0] =	wrdreg $0x0  }
0xa8: {  	s4 =	sshll.u32 s28, $0x1;
	[dreg:$0x2] =	wrdreg s2  }
0xa9: {  	[dreg:$0x3] =	wrdreg s4  }
0xaa: {  	[dreg:$0x4] =	wrdreg $0xC0  }
0xab: {  	_ =	task [dreg:s6], $0x5FFFF  }
0xac: {  	[dreg:$0x1] =	wrdreg $0xFFFFFFFF  }
0xad: {  	[dreg:$0x0] =	wrdreg $0x60  }
0xae: {  	[dreg:$0x2] =	wrdreg s24  }
0xaf: {  	[dreg:$0x3] =	wrdreg $0x9  }
0xb0: {  	_ =	task.clear_ibuf [dreg:s6], $0x4FFFF;
	_ =	strace $0x9000004C  }
0xb1: {  	s29 =	simm.s32 $0x9;
	_ =	strace $0x8000004E  }
0xb2: {  	_ =	swait.ge [sflag:s29], $0x1  }
0xb3: {  	[sflag:s29] =	ssyncadd.s32 $0xFFFFFFFF  }
0xb4: {  	_ =	strace $0x9000004E  }
0xb5: {  	_ =	sfence  }
0xb6: {  	s30 =	sld [smem:$0x0];
	_ =	sdelay $0x2  }
0xb7: {  	s31 =	sshll.u32 s1, $0xD;
	s1 =	sshrl.u32 s1, $0x2  }
0xb8: {  	s3 =	sand.u32 $0x4000, s31;
	s1 =	sadd.s32 s1, s30  }
0xb9: {  	s0 =	sor.u32 s3, s0;
	s1 =	sshll.u32 s1, $0x11  }
0xba: {  	s0 =	sor.u32 s1, s0  }
0xbb: {  	s0 =	sadd.s32 $0x8F2B, s0  }
0xbc: {  	[sflag:s0] =	ssyncadd.remote.s32 $0x1  }
0xbd: {  	_ =	sfence.sel $0xFFFF  }
0xbe: {  	[dreg:$0x0] =	wrdreg $0xFFFFFFFF;
	(pc) =	sbr.abs _section_cstart, $3  }
0xbf: {  	[dreg:$0x1] =	wrdreg $0xFFFFFFFF  }
0xc0: {  	_ =	task.clear_ibuf [dreg:s6], $0x2FFFF;
	_ =	strace $0x9FFFFFFF  }
0xc1: {  	(tm) =	ssettm $0x7FFFFFFF  }
tec
execute0_lowered:
.L_overlay_start_1:
0x0: {  	(tag) =	ssettag $0x1  }
0x1: {  	s0 =	srdreg.scid;
	s5 =	rddreg [dreg:$0x0]  }
0x2: {  	s1 =	stileid.u32;
	s6 =	simm.s32 $0x1;
	s9 =	simm.s32 $0x1  }
0x3: {  	s10 =	simm.s32 $0x3;
	s13 =	simm.s32 $0x0;
	s2 =	sshll.u32 s0, $0xA  }
0x4: {  	s12 =	simm.s32 $0x0;
	s3 =	sshll.u32 s1, $0xB;
	s2 =	sand.u32 $0x400, s2  }
0x5: {  	s0 =	rddreg [dreg:$0x1];
	_ =	strace $0x8000004D;
	s2 =	sor.u32 s3, s2  }
0x6: {  	s4 =	sadd.s32 $0x15400, s5;
	[sflag:s6] =	ssyncpa.u1 $0x0;
	s8 =	ssub.s32 $0x9000, s2  }
.Ltmp0:
0x7: {  	s3 =	sadd.s32 $0x16A00, s5;
	s7 =	sand.u32 $0x7C00, s8;
	(pc) =	sbr.rel .LBB2_1-.Ltmp0, $4  }
0x8: {  	s5 =	sadd.s32 $0x20A00, s5;
	s11 =	smov.u32 s2;
	p0 =	sne.s32 s7, $0x0  }
0x9: {  	s8 =	sshrl.u32 s8, $0xF;
	s7 =	simm.s32 $0x2;
	s9 =	simm.s32 @!p0 $0x0  }
0xa: {  	[sflag:s7] =	ssyncpa.u1 $0x0;
	p0 =	por $0x0, $0x0;
	s8 =	sadd.s32 s9, s8  }
0xb: {  	vm0 =	vmmov $0xffff;
	[sflag:s10] =	ssyncpa.u1 $0x0;
	s10 =	simm.s32 $0x0;
	s9 =	sadd.s32 $0x1, s8  }
.LBB2_4:
0xc: {  	v2 =	vnsel vm1, $0x0, v2  }
0xd: {  	vm1 =	vgt.s32 v0, $0x0;
	v2 =	vmin.u32 v2, $0x4FFFF  }
0xe: {  	v0 =	vnsel vm1, $0x0, v0  }
0xf: {  	v0 =	vmin.u32 v0, $0x4FFFF  }
0x10: {  	[tilespmem:s15], [sflag:$0x1] =	stream.indirect_vreg.gather [hbm4b:s3+s10], $0x1, v1, vm0, $0x4038;
	[tilespmem:$0x1000] =	vst v63  }
0x11: {  	(ifvalue) =	ssetifvalue $0x7FFFFFFF  }
0x12: {  	[tilespmem:s16], [sflag:$0x1] =	stream.indirect_vreg.gather [hbm4b:s3+s10], $0x1, v2, vm0, $0x4038;
	[tilespmem:$0x1000] =	vst v63  }
0x13: {  	s29 =	sadd.s32 $0x10, s16;
	(ifvalue) =	ssetifvalue $0x7FFFFFFF  }
0x14: {  	[tilespmem:s29], [sflag:$0x1] =	stream.indirect_vreg.gather [hbm4b:s3+s10], $0x1, v0, vm0, $0x4038;
	[tilespmem:$0x1000] =	vst v63  }
0x15: {  	_ =	swait.ge [sflag:s6], $0x400  }
0x16: {  	s30 =	sshrl.u32 s13, $0x3;
	[sflag:s6] =	ssyncset.done $0x0  }
0x17: {  	s31 =	sand.u32 $0x7, s13;
	s15 =	sadd.s32 s5, s30;
	[sflag:s6] =	ssyncadd.s32 $0xFFFFFC00  }
0x18: {  	[hbm4b:s15+s31] =	stream.linear.scatter [tilespmem:s14], [sflag:$0x3], $0x400, $0x38;
	[tilespmem:$0x1000] =	vst v63  }
.LBB2_5:
0x19: {  	s15 =	sadd.s32 $0x8000, s11  }
0x1a: {  	p2 =	sgt.s32 s15, $0x8FFF  }
0x1b: {  	s15 =	smov.u32 @p2 s2;
	p2 =	sne.s32 s12, s9  }
.Ltmp1:
0x1c: {  	p1 =	slt.u32 s12, $0x2;
	(pc) =	sbr.rel @!p2 .LBB2_6-.Ltmp1, $4  }
0x1d: {  	s14 =	simm.s32 @!p1 $0x3  }
0x1e: {  	s16 =	sadd.s32 $0x1, s12;
	_ =	swait.ge @!p1 [sflag:s14], $0x400  }
0x1f: {  	s13 =	smov.u32 s11;
	p0 =	por !p0, !p0;
	[sflag:s14] =	ssyncset.done @!p1 $0x0  }
0x20: {  	s12 =	smov.u32 s16;
	s11 =	smov.u32 s15;
	[sflag:s14] =	ssyncadd.s32 @!p1 $0xFFFFFC00  }
.LBB2_1:
0x21: {  	p1 =	sge.u32 s12, s8  }
0x22: {  	s14 =	sxor.u32 @!p1 $0xFFFFFFFF, s12  }
0x23: {  	s31 =	sadd.s32 $0xFFFFFFFF, s12;
	s15 =	sshrl.u32 @!p1 s11, $0x3;
	s14 =	sshll.u32 @!p1 s14, $0xA  }
0x24: {  	s16 =	sand.u32 @!p1 $0x7, s11;
	s15 =	sadd.s32 @!p1 s4, s15;
	s14 =	sand.u32 @!p1 $0x400, s14  }
0x25: {  	[tilespmem:s14], [sflag:$0x2] =	stream.linear.gather @!p1 [hbm4b:s15+s16], $0x400, $0x38;
	[tilespmem:$0x1000] =	vst v63  }
0x26: {  	p1 =	sge.u32 s31, s8  }
.Ltmp2:
0x27: {  	_ = 	snop;
	(pc) =	sbr.rel @p1 .LBB2_5-.Ltmp2, $1  }
0x28: {  	_ =	sdelay $0x3  }
0x29: {  	s14 =	simm.s32 $0x1  }
0x2a: {  	_ =	swait.ge [sflag:s7], $0x400;
	s14 =	simm.s32 @!p0 $0x0  }
0x2b: {  	[sflag:s7] =	ssyncset.done $0x0;
	s14 =	sshll.u32 s14, $0xA  }
0x2c: {  	[sflag:s7] =	ssyncadd.s32 $0xFFFFFC00;
	(ifvalue) =	ssetifvalue $0x7FFFFFFF;
	v0 =	vld.msk [tilespmem:s14+$0x0 ss:$0x1], $0xffff;
	_ =	sdelay $0x4  }
0x2d: {  	s15 =	sadd.s32 $0x10, s14;
	vm1 =	vgt.s32 v0, $0x0  }
0x2e: {  	v2 =	vld.msk [tilespmem:s15+$0x0 ss:$0x1], $0xffff;
	v1 =	vnsel vm1, $0x0, v0  }
0x2f: {  	v1 =	vmin.u32 v1, $0x4FFFF;
	_ =	sdelay $0x1  }
0x30: {  	s16 =	sshll.u32 s12, $0xA;
	s18 =	simm.s32 $0x20  }
0x31: {  	s16 =	sand.u32 $0x400, s16;
	s17 =	sadd.s32 $0x10, s15;
	s15 =	sor.u32 $0x800, s14  }
0x32: {  	s14 =	sor.u32 $0x800, s16;
	s16 =	sadd.s32 $0x10, s15;
	v0 =	vld.msk [tilespmem:s17+$0x0 ss:$0x1], $0xffff;
	vm1 =	vgt.s32 v2, $0x0;
	(ifvalue) =	ssetifvalue $0x7FFFFFFF  }
.LBB2_3:
0x33: {  	[tilespmem:s15], [sflag:$0x1] =	stream.indirect_vreg.gather [hbm4b:s3+s10], $0x1, v1, vm0, $0x4038;
	[tilespmem:$0x1000] =	vst v63  }
0x34: {  	s18 =	sadd.s32 $0x10, s18  }
0x35: {  	v2 =	vnsel vm1, $0x0, v2;
	p1 =	slt.u32 s18, $0x3F0  }
.Ltmp3:
0x36: {  	s15 =	smov.u32 s16;
	v1 =	vmin.u32 v2, $0x4FFFF;
	(pc) =	sbr.rel @p1 .LBB2_3-.Ltmp3, $3  }
0x37: {  	_ =	sdelay $0x1  }
0x38: {  	s17 =	sadd.s32 $0x10, s17  }
0x39: {  	vm1 =	vgt.s32 v0, $0x0;
	s16 =	sadd.s32 $0x10, s16;
	v2 =	vmov v0;
	(ifvalue) =	ssetifvalue $0x7FFFFFFF;
	v0 =	vld.msk [tilespmem:s17+$0x0 ss:$0x1], $0xffff  }
.Ltmp4:
0x3a: {  	_ = 	snop;
	(pc) =	sbr.rel .LBB2_4-.Ltmp4, $1  }
0x3b: {  	_ =	sdelay $0x3  }
.LBB2_6:
0x3c: {  	_ =	sfence.sel $0x180000  }
0x3d: {  	s2 =	simm.s32 $0x2;
	[bflag:$0x0] =	sbarrier.arrive $0xFFFF  }
0x3e: {  	s30 =	simm.s32 $0x3;
	[sflag:s2] =	ssyncpa.u1 $0x1  }
0x3f: {  	s31 =	simm.s32 $0x1;
	[sflag:s30] =	ssyncpa.u1 $0x1  }
0x40: {  	[sflag:s31] =	ssyncpa.u1 $0x1  }
0x41: {  	p0 =	sne.s32 s1, $0x0;
	_ =	strace $0x9000004D  }
0x42: {  	s0 =	sadd.s32 @!p0 $0x100000, s0;
	[bflag:$0x2] =	sbarrier.arrive $0xFFFF  }
0x43: {  	[sflag:s0] =	ssyncadd.tile.s32 @!p0 $0x1;
	_ =	shalt  }
.Lfunc_end2:
_tile_overlayer_lowered:
.L_overlay_start_2:
0x44: {  	(tag) =	ssettag $0x2  }
0x45: {  	s0 =	rddreg [dreg:$0x0];
	s2 =	stileid.u32  }
0x46: {  	s1 =	rddreg [dreg:$0x1];
	p0 =	sne.s32 s2, $0x0  }
0x47: {  	s3 =	rddreg [dreg:$0x2];
	[bflag:$0x3] =	sbarrier.arrive $0xFFFF;
	s2 =	simm.s32 @!p0 $0x1C01  }
0x48: {  	[timem:s3], [sflag:s2] =	dma.local @!p0 [hbm:s0], s1  }
0x49: {  	s0 =	simm.s32 @!p0 $0x1  }
0x4a: {  	_ =	swait.ge @!p0 [sflag:s0], s1  }
0x4b: {  	s1 =	ssub.s32 @!p0 $0x0, s1;
	[sflag:s0] =	ssyncset.done @!p0 $0x0  }
0x4c: {  	[sflag:s0] =	ssyncadd.s32 @!p0 s1  }
0x4d: {  	[bflag:$0x3] =	sbarrier.arrive $0xFFFF  }
0x4e: {  	_ =	shalt  }

// kernel: scatter_offload_async_start
scs
__scs_entry_jumppad:
0x0: {  	(pc) =	sbr.rel $0x88, $3  }
0x1: {  	(tag) =	ssettag $0x0;
	lr =	simm.s32 $0x1  }
0x2: {  	[smem:$0x3F9D] =	sst lr;
	_ =	strace $0xD0000000  }
0x3: {  	_ = 	snop  }
0x4: {  	_ = 	snop  }
0x5: {  	_ = 	snop  }
0x6: {  	_ = 	snop  }
0x7: {  	_ = 	snop  }
__scs_overlays_trampoline_lowered:
0x8: {  	[smem:$0x3FAC] =	sst s0  }
0x9: {  	[smem:$0x3FAD] =	sst s1  }
0xa: {  	[smem:$0x3FAE] =	sst s2  }
0xb: {  	[smem:$0x3FAF] =	sst s3  }
0xc: {  	[smem:$0x3FB0] =	sst s4  }
0xd: {  	[smem:$0x3FB1] =	sst s5  }
0xe: {  	[smem:$0x3FB2] =	sst s6  }
0xf: {  	[smem:$0x3FB3] =	sst s7  }
0x10: {  	[smem:$0x3FB4] =	sst s8  }
0x11: {  	[smem:$0x3FB5] =	sst s9;
	s0 =	simm.s32 @!p0 $0x0  }
0x12: {  	s1 =	sld [smem:$0x3F9B];
	s0 =	simm.s32 @p0 $0x1  }
0x13: {  	[smem:$0x3FB6] =	sst s0;
	s0 =	simm.s32 @!p1 $0x0  }
0x14: {  	s2 =	sld [smem:$0x3F9A];
	s0 =	simm.s32 @p1 $0x1  }
0x15: {  	[smem:$0x3FB7] =	sst s0;
	s0 =	simm.s32 @!p2 $0x0  }
0x16: {  	s3 =	sld [smem:$0x3FDB];
	s0 =	simm.s32 @p2 $0x1  }
0x17: {  	s4 =	simm.s32 $0x1BF5;
	[smem:$0x3FB9] =	sst s0  }
0x18: {  	s0 =	sld [smem:$0x3F9C];
	_ =	swait.ge [sflag:s4], $0x0  }
0x19: {  	s7 =	sld [smem:$0x3F9D]  }
0x1a: {  	s8 =	sadd.s32 $0xFFFFE003, lr  }
0x1b: {  	s9 =	sadd.s32 $0xFFFFFEF7, lr;
	s5 =	simm.s32 $0xFFFFFFFF;
	p2 =	slt.u32 s8, $0xFFFFF086  }
0x1c: {  	p1 =	slt.u32 s9, $0xF7A;
	s5 =	simm.s32 @!p2 $0x0  }
0x1d: {  	s5 =	simm.s32 @p1 $0x1;
	p0 =	seq.s32 s7, s2  }
0x1e: {  	s7 =	smul.u32 @!p0 $0xF7A, s2;
	p2 =	seq.s32 @!p0 s5, $0x0  }
0x1f: {  	s9 =	smul.u32 $0xF7A, s1;
	s8 =	simm.s32 @!p0 $0x1BF5;
	p2 =	por !p2, p0  }
0x20: {  	[sflag:s8] =	ssyncset.s32 @!p0 $0xFFFFF086;
	s6 =	sadd.s32 @!p0 s3, s7;
	s7 =	simm.s32 @!p0 $0x108  }
0x21: {  	s3 =	sadd.s32 s3, s9;
	s6 =	sadd.s32 @!p0 $0x88, s6;
	s7 =	simm.s32 @p2 $0x1082  }
0x22: {  	[simem:s7], [sflag:s8] =	dma.local @!p0 [hbm:s6], $0xF7A  }
0x23: {  	s9 =	sor.u32 $0xD0000000, s2;
	s6 =	simm.s32 $0x108;
	_ =	swait.ge @!p0 [sflag:s8], $0x0  }
0x24: {  	s3 =	sadd.s32 $0x88, s3;
	s6 =	simm.s32 @!p1 $0x1082;
	[sflag:s4] =	ssyncset.s32 $0xFFFFF086  }
0x25: {  	[simem:s6], [sflag:s4] =	dma.local [hbm:s3], $0xF7A  }
0x26: {  	[smem:$0x3F9D] =	sst s1;
	(tag) =	ssettag s2;
	_ =	strace s9  }
0x27: {  	s1 =	sld [smem:$0x3FAD]  }
0x28: {  	s2 =	sld [smem:$0x3FAE]  }
0x29: {  	s4 =	sld [smem:$0x3FB0]  }
0x2a: {  	p0 =	seq.s32 s5, $0x0;
	s5 =	sld [smem:$0x3FB1]  }
0x2b: {  	s6 =	sld [smem:$0x3FB2]  }
0x2c: {  	s7 =	sld [smem:$0x3FB3]  }
0x2d: {  	s3 =	simm.s32 $0x108;
	s8 =	sld [smem:$0x3FB4]  }
0x2e: {  	s3 =	simm.s32 @!p0 $0x1082;
	s9 =	sld [smem:$0x3FB5]  }
0x2f: {  	lr =	sadd.s32 s0, s3;
	s0 =	sld [smem:$0x3FAC]  }
0x30: {  	s3 =	sld [smem:$0x3FAF]  }
0x31: {  	[smem:$0x3FB8] =	sst s10  }
0x32: {  	s10 =	sld [smem:$0x3FB6];
	_ =	sdelay $0x3  }
0x33: {  	p0 =	seq.s32 s10, $0x1;
	s10 =	sld [smem:$0x3FB8];
	_ =	sdelay $0x3  }
0x34: {  	[smem:$0x3FB8] =	sst s10  }
0x35: {  	s10 =	sld [smem:$0x3FB7];
	_ =	sdelay $0x3  }
0x36: {  	p1 =	seq.s32 s10, $0x1;
	s10 =	sld [smem:$0x3FB8];
	_ =	sdelay $0x3  }
0x37: {  	[smem:$0x3FB8] =	sst s10  }
0x38: {  	s10 =	sld [smem:$0x3FB9]  }
0x39: {  	_ = 	snop;
	(pc) =	sbr.ind lr, $3  }
0x3a: {  	_ = 	snop  }
0x3b: {  	_ = 	snop  }
0x3c: {  	p2 =	seq.s32 s10, $0x1;
	s10 =	sld [smem:$0x3FB8]  }
0x3d: {  	_ =	shalt  }
0x3e: {  	_ =	shalt  }
0x3f: {  	_ =	shalt  }
0x40: {  	_ =	shalt  }
0x41: {  	_ =	shalt  }
0x42: {  	_ =	shalt  }
0x43: {  	_ =	shalt  }
0x44: {  	_ =	shalt  }
0x45: {  	_ =	shalt  }
0x46: {  	_ =	shalt  }
0x47: {  	_ =	shalt  }
0x48: {  	_ =	shalt  }
0x49: {  	_ =	shalt  }
0x4a: {  	_ =	shalt  }
0x4b: {  	_ =	shalt  }
0x4c: {  	_ =	shalt  }
0x4d: {  	_ =	shalt  }
0x4e: {  	_ =	shalt  }
0x4f: {  	_ =	shalt  }
0x50: {  	_ =	shalt  }
0x51: {  	_ =	shalt  }
0x52: {  	_ =	shalt  }
0x53: {  	_ =	shalt  }
0x54: {  	_ =	shalt  }
0x55: {  	_ =	shalt  }
0x56: {  	_ =	shalt  }
0x57: {  	_ =	shalt  }
0x58: {  	_ =	shalt  }
0x59: {  	_ =	shalt  }
0x5a: {  	_ =	shalt  }
0x5b: {  	_ =	shalt  }
0x5c: {  	_ =	shalt  }
0x5d: {  	_ =	shalt  }
0x5e: {  	_ =	shalt  }
0x5f: {  	_ =	shalt  }
0x60: {  	_ =	shalt  }
0x61: {  	_ =	shalt  }
0x62: {  	_ =	shalt  }
0x63: {  	_ =	shalt  }
0x64: {  	_ =	shalt  }
0x65: {  	_ =	shalt  }
0x66: {  	_ =	shalt  }
0x67: {  	_ =	shalt  }
0x68: {  	_ =	shalt  }
0x69: {  	_ =	shalt  }
0x6a: {  	_ =	shalt  }
0x6b: {  	_ =	shalt  }
0x6c: {  	_ =	shalt  }
0x6d: {  	_ =	shalt  }
0x6e: {  	_ =	shalt  }
0x6f: {  	_ =	shalt  }
0x70: {  	_ =	shalt  }
0x71: {  	_ =	shalt  }
0x72: {  	_ =	shalt  }
0x73: {  	_ =	shalt  }
0x74: {  	_ =	shalt  }
0x75: {  	_ =	shalt  }
0x76: {  	_ =	shalt  }
0x77: {  	_ =	shalt  }
0x78: {  	_ =	shalt  }
0x79: {  	_ =	shalt  }
0x7a: {  	_ =	shalt  }
0x7b: {  	_ =	shalt  }
0x7c: {  	_ =	shalt  }
0x7d: {  	_ =	shalt  }
0x7e: {  	_ =	shalt  }
0x7f: {  	_ =	shalt  }
0x80: {  	_ =	shalt  }
0x81: {  	_ =	shalt  }
0x82: {  	_ =	shalt  }
0x83: {  	_ =	shalt  }
0x84: {  	_ =	shalt  }
0x85: {  	_ =	shalt  }
0x86: {  	_ =	shalt  }
0x87: {  	_ =	shalt  }
.Lfunc_end0:
.L_simem_size_0:
called_computation_lowered:
.L_overlay_start_0:
0x88: {  	s0 =	sld [smem:$0x3FD9]  }
0x89: {  	s1 =	sld [smem:$0x3FFE];
	_ =	sdelay $0x3  }
0x8a: {  	s0 =	sadd.s32 s1, s0  }
0x8b: {  	[smem:$0x3FC4] =	sst s0  }
0x8c: {  	_ = 	snop  }
0x8d: {  	(tm) =	ssettm $0x1  }
0x8e: {  	s15 =	sld [smem:$0x3FFB];
	_ =	sdelay $0x3  }
0x8f: {  	_ =	strace s15  }
0x90: {  	s0 =	sld [smem:$0x3FFC];
	_ =	sdelay $0x3  }
0x91: {  	_ =	strace s0  }
0x92: {  	s0 =	sld [smem:$0x3FFD];
	_ =	sdelay $0x3  }
0x93: {  	_ =	strace s0  }
0x94: {  	_ =	strace $0x8FFFFFFF  }
0x95: {  	s16 =	sld [smem:$0x3FDB];
	_ =	sdelay $0x1  }
0x96: {  	s17 =	simm.s32 $_scs_section_size  }
0x97: {  	s2 =	simm.s32 $_size__tile_overlayer_lowered;
	s3 =	simm.s32 $_tile_overlayer_lowered  }
0x98: {  	s20 =	simm.s32 $0x1BFF;
	s19 =	sshll.u32 s3, $0x1;
	s0 =	sadd.s32 s17, s16  }
0x99: {  	s4 =	simm.s32 $0x0;
	s18 =	sshll.u32 s2, $0x1;
	s2 =	sadd.s32 s19, s0  }
0x9a: {  	[timem:s4], [sflag:s20] =	dma.local [hbm:s2], s18  }
0x9b: {  	_ =	swait.ge [sflag:s20], s18  }
0x9c: {  	s1 =	ssub.s32 $0x0, s18;
	[sflag:s20] =	ssyncset.done $0x0  }
0x9d: {  	[sflag:s20] =	ssyncadd.s32 s1;
	_ =	sdelay $0x1  }
0x9e: {  	s21 =	simm.s32 $0x1B8B  }
0x9f: {  	_ =	swait.ge [sflag:s21], $0x1  }
0xa0: {  	[sflag:s21] =	ssyncset.done $0x0  }
0xa1: {  	s23 =	simm.s32 $0x1B8E;
	s22 =	sld [smem:$0x3FFE];
	[sflag:s21] =	ssyncadd.s32 $0xFFFFFFFF  }
0xa2: {  	s24 =	simm.s32 $execute0_lowered;
	[smem:$0x3FD2] =	sst s23  }
0xa3: {  	s2 =	sshll.u32 s24, $0x1;
	_ =	strace $0x80000049;
	[dreg:$0x1] =	wrdreg $0xFFFFFFFF  }
0xa4: {  	s25 =	simm.s32 $_size_execute0_lowered;
	s0 =	sadd.s32 s0, s2;
	[dreg:$0x0] =	wrdreg $0x0  }
0xa5: {  	s2 =	sshll.u32 s25, $0x1;
	[dreg:$0x2] =	wrdreg s0  }
0xa6: {  	[dreg:$0x3] =	wrdreg s2  }
0xa7: {  	[dreg:$0x4] =	wrdreg $0xC0  }
0xa8: {  	_ =	task [dreg:s4], $0x5FFFF  }
0xa9: {  	[dreg:$0x1] =	wrdreg $0xFFFFFFFF  }
0xaa: {  	[dreg:$0x0] =	wrdreg $0x60  }
0xab: {  	[dreg:$0x2] =	wrdreg s22  }
0xac: {  	[dreg:$0x3] =	wrdreg $0x9  }
0xad: {  	_ =	task.clear_ibuf [dreg:s4], $0x4FFFF;
	_ =	strace $0x90000049  }
0xae: {  	s26 =	simm.s32 $0x9;
	_ =	strace $0x8000004B  }
0xaf: {  	_ =	swait.ge [sflag:s26], $0x1  }
0xb0: {  	[sflag:s26] =	ssyncadd.s32 $0xFFFFFFFF  }
0xb1: {  	_ =	strace $0x9000004B  }
0xb2: {  	_ =	sfence  }
0xb3: {  	s28 =	sld [smem:$0x0];
	_ =	sdelay $0x1  }
0xb4: {  	s29 =	srdreg.scid  }
0xb5: {  	s30 =	sshll.u32 s29, $0xD;
	s31 =	sshrl.u32 s29, $0x2  }
0xb6: {  	s1 =	sand.u32 $0x1, s29;
	s2 =	sand.u32 $0x4000, s30;
	s0 =	sadd.s32 s31, s28  }
0xb7: {  	s1 =	sor.u32 s2, s1;
	s0 =	sshll.u32 s0, $0x11  }
0xb8: {  	s0 =	sor.u32 s0, s1  }
0xb9: {  	s0 =	sadd.s32 $0x8F2B, s0  }
0xba: {  	[sflag:s0] =	ssyncadd.remote.s32 $0x1  }
0xbb: {  	_ =	sfence.sel $0xFFFF  }
0xbc: {  	[dreg:$0x0] =	wrdreg $0xFFFFFFFF;
	(pc) =	sbr.abs _section_cstart, $3  }
0xbd: {  	[dreg:$0x1] =	wrdreg $0xFFFFFFFF  }
0xbe: {  	_ =	task.clear_ibuf [dreg:s4], $0x2FFFF;
	_ =	strace $0x9FFFFFFF  }
0xbf: {  	(tm) =	ssettm $0x7FFFFFFF  }
tec
execute0_lowered:
.L_overlay_start_1:
0x0: {  	(tag) =	ssettag $0x1  }
0x1: {  	s7 =	rddreg [dreg:$0x0]  }
0x2: {  	s0 =	rddreg [dreg:$0x1]  }
0x3: {  	_ =	strace $0x8000004A;
	s2 =	stileid.u32;
	s4 =	simm.s32 $0x3E  }
0x4: {  	s8 =	simm.s32 $0x6000;
	s9 =	simm.s32 $0x0;
	s11 =	simm.s32 $0x0  }
0x5: {  	s1 =	sadd.s32 $0x2AA00, s7;
	p0 =	sne.s32 s2, $0x0;
	[sflag:s4] =	ssyncpa.u1 $0x0  }
0x6: {  	s30 =	smin.u32 s2, $0x8;
	s3 =	simm.s32 @!p0 $0x1C3E;
	s5 =	simm.s32 @!p0 $0x0  }
0x7: {  	[spmem:s5], [sflag:s3] =	dma.local @!p0 [hbm:s1], $0x1200  }
0x8: {  	s6 =	sshll.u32 s2, $0xE;
	p1 =	slt.u32 s2, $0x8;
	s3 =	simm.s32 @!p0 $0x3E  }
0x9: {  	s8 =	simm.s32 @!p1 $0x4000;
	s5 =	sshll.u32 s30, $0xD;
	_ =	swait.ge @!p0 [sflag:s3], $0x1200  }
0xa: {  	s2 =	sadd.s32 s6, s5;
	s5 =	sadd.s32 $0x20A00, s7;
	s6 =	simm.s32 $0x2  }
0xb: {  	s7 =	sadd.s32 $0x2BC00, s7;
	[sflag:s3] =	ssyncset.done @!p0 $0x0;
	s31 =	sadd.s32 s8, s2  }
.Ltmp0:
0xc: {  	[sflag:s3] =	ssyncadd.s32 @!p0 $0xFFFFEE00;
	s3 =	smin.u32 s31, $0x50000;
	(pc) =	sbr.rel .LBB2_1-.Ltmp0, $4  }
0xd: {  	s10 =	smov.u32 s2;
	[bflag:$0x0] =	sbarrier.arrive $0xFFFF;
	s8 =	ssub.s32 s3, s2  }
0xe: {  	[sflag:s4] =	ssyncpa.u1 $0x1;
	s4 =	simm.s32 $0x1;
	p1 =	sgt.s32 s8, $0x0  }
0xf: {  	[sflag:s4] =	ssyncpa.u1 $0x0;
	(ifvalue) =	ssetifvalue $0x9000;
	s8 =	simm.s32 @!p1 $0x0  }
0x10: {  	vm0 =	vmmov $0xffff;
	[sflag:s6] =	ssyncpa.u1 $0x0;
	p1 =	por $0x0, $0x0;
	s8 =	sshrl.u32 s8, $0xD  }
.LBB2_5:
0x11: {  	p3 =	sne.s32 s11, s8  }
.Ltmp1:
0x12: {  	_ = 	snop;
	(pc) =	sbr.rel @!p3 .LBB2_6-.Ltmp1, $4  }
0x13: {  	_ = 	snop  }
0x14: {  	s12 =	sadd.s32 $0x2000, s10  }
0x15: {  	s10 =	smov.u32 s2;
	s13 =	sadd.s32 $0x1, s11;
	p2 =	slt.s32 s12, s3  }
0x16: {  	p1 =	por !p1, !p1;
	s11 =	smov.u32 s13;
	s10 =	smov.u32 @p2 s12  }
.LBB2_1:
0x17: {  	p2 =	sge.u32 s11, s8  }
0x18: {  	s12 =	sxor.u32 @!p2 $0xFFFFFFFF, s11  }
0x19: {  	s12 =	sshll.u32 @!p2 s12, $0xD  }
0x1a: {  	s13 =	sshrl.u32 @!p2 s10, $0x3;
	s12 =	sand.u32 @!p2 $0x2000, s12  }
0x1b: {  	s16 =	sand.u32 @!p2 $0x7, s10;
	s14 =	sadd.s32 @!p2 s5, s13;
	s15 =	sor.u32 @!p2 $0x900, s12  }
0x1c: {  	[tilespmem:s15], [sflag:$0x2] =	stream.linear.gather @!p2 [hbm4b:s14+s16], $0x2000, $0x38;
	[tilespmem:$0x8900] =	vst v63  }
0x1d: {  	s13 =	sadd.s32 @!p2 s7, s13;
	s12 =	sor.u32 @!p2 $0x4900, s12  }
0x1e: {  	[tilespmem:s12], [sflag:$0x2] =	stream.linear.gather @!p2 [hbm4b:s13+s16], $0x2000, $0x38;
	[tilespmem:$0x8900] =	vst v63  }
0x1f: {  	p2 =	seq.s32 s11, $0x0  }
.Ltmp2:
0x20: {  	_ = 	snop;
	(pc) =	sbr.rel @p2 .LBB2_5-.Ltmp2, $1  }
0x21: {  	_ =	sdelay $0x3  }
0x22: {  	s12 =	simm.s32 $0x1  }
0x23: {  	_ =	swait.ge [sflag:s6], $0x4000;
	s12 =	simm.s32 @!p1 $0x0  }
0x24: {  	[sflag:s6] =	ssyncset.done $0x0;
	s12 =	sshll.u32 s12, $0xD  }
0x25: {  	[sflag:s6] =	ssyncadd.s32 $0xFFFFC000;
	s14 =	sor.u32 $0x900, s12  }
0x26: {  	v0 =	vld.msk [tilespmem:s14+$0x0 ss:$0x1], $0xffff;
	_ =	sdelay $0x4  }
0x27: {  	v0 =	vmin.u32 v0, $0x9000;
	_ =	sdelay $0x3  }
0x28: {  	s13 =	simm.s32 $0x0;
	s12 =	sor.u32 $0x4900, s12;
	s14 =	sadd.s32 $0x10, s14  }
0x29: {  	[spmem:s9] =	stream.indirect_vreg.scatter.add.s32 [tilespmem:s12], [sflag:$0x1], $0x1, v0, vm0, $0x4038;
	[tilespmem:$0x8900] =	vst v63  }
.LBB2_3:
0x2a: {  	v0 =	vld.msk [tilespmem:s14+$0x0 ss:$0x1], $0xffff;
	s13 =	sadd.s32 $0x10, s13  }
0x2b: {  	p2 =	slt.u32 s13, $0x1FF0;
	_ =	sdelay $0x4  }
0x2c: {  	v0 =	vmin.u32 v0, $0x9000  }
.Ltmp3:
0x2d: {  	(pc) =	sbr.rel @p2 .LBB2_3-.Ltmp3, $3  }
0x2e: {  	_ =	sdelay $0x1  }
0x2f: {  	s14 =	sadd.s32 $0x10, s14;
	s12 =	sadd.s32 $0x10, s12  }
0x30: {  	[spmem:s9] =	stream.indirect_vreg.scatter.add.s32 [tilespmem:s12], [sflag:$0x1], $0x1, v0, vm0, $0x4038;
	[tilespmem:$0x8900] =	vst v63  }
.Ltmp4:
0x31: {  	(pc) =	sbr.rel .LBB2_5-.Ltmp4, $4  }
0x32: {  	_ = 	snop  }
0x33: {  	_ =	swait.ge [sflag:s4], $0x2000  }
0x34: {  	[sflag:s4] =	ssyncset.done $0x0  }
0x35: {  	[sflag:s4] =	ssyncadd.s32 $0xFFFFE000  }
.LBB2_6:
0x36: {  	_ =	sfence.sel $0x180000  }
0x37: {  	s2 =	simm.s32 $0x2;
	[bflag:$0x0] =	sbarrier.arrive $0xFFFF  }
0x38: {  	s30 =	simm.s32 $0x1;
	[sflag:s2] =	ssyncpa.u1 $0x1  }
0x39: {  	[sflag:s30] =	ssyncpa.u1 $0x1  }
0x3a: {  	_ =	sfence.stream.spmem  }
0x3b: {  	s31 =	simm.s32 $0x3D;
	[bflag:$0x0] =	sbarrier.arrive $0xFFFF  }
0x3c: {  	s2 =	simm.s32 @p0 $0x3D;
	[sflag:s31] =	ssyncpa.u1 $0x0  }
0x3d: {  	[sflag:s2] =	ssyncpa.u1 @p0 $0x1  }
0x3e: {  	[bflag:$0x0] =	sbarrier.arrive @p0 $0xFFFF  }
0x3f: {  	_ =	strace @p0 $0x9000004A  }
0x40: {  	s3 =	simm.s32 @!p0 $0x1C3D;
	s2 =	simm.s32 @!p0 $0x0;
	[bflag:$0x2] =	sbarrier.arrive @p0 $0xFFFF  }
0x41: {  	[hbm:s1], [sflag:s3] =	dma.local @!p0 [spmem:s2], $0x1200  }
0x42: {  	s1 =	simm.s32 @!p0 $0x3D  }
0x43: {  	_ =	swait.ge @!p0 [sflag:s1], $0x1200  }
0x44: {  	[sflag:s1] =	ssyncset.done @!p0 $0x0  }
0x45: {  	[sflag:s1] =	ssyncadd.s32 @!p0 $0xFFFFEE00  }
0x46: {  	[sflag:s1] =	ssyncpa.u1 @!p0 $0x1  }
0x47: {  	[bflag:$0x0] =	sbarrier.arrive @!p0 $0xFFFF  }
0x48: {  	_ =	strace @!p0 $0x9000004A  }
0x49: {  	s0 =	sadd.s32 @!p0 $0x100000, s0;
	[bflag:$0x2] =	sbarrier.arrive @!p0 $0xFFFF  }
0x4a: {  	[sflag:s0] =	ssyncadd.tile.s32 @!p0 $0x1;
	_ =	shalt  }
.Lfunc_end2:
_tile_overlayer_lowered:
.L_overlay_start_2:
0x4b: {  	(tag) =	ssettag $0x2  }
0x4c: {  	s0 =	rddreg [dreg:$0x0];
	s2 =	stileid.u32  }
0x4d: {  	s1 =	rddreg [dreg:$0x1];
	p0 =	sne.s32 s2, $0x0  }
0x4e: {  	s3 =	rddreg [dreg:$0x2];
	[bflag:$0x3] =	sbarrier.arrive $0xFFFF;
	s2 =	simm.s32 @!p0 $0x1C01  }
0x4f: {  	[timem:s3], [sflag:s2] =	dma.local @!p0 [hbm:s0], s1  }
0x50: {  	s0 =	simm.s32 @!p0 $0x1  }
0x51: {  	_ =	swait.ge @!p0 [sflag:s0], s1  }
0x52: {  	s1 =	ssub.s32 @!p0 $0x0, s1;
	[sflag:s0] =	ssyncset.done @!p0 $0x0  }
0x53: {  	[sflag:s0] =	ssyncadd.s32 @!p0 s1  }
0x54: {  	[bflag:$0x3] =	sbarrier.arrive $0xFFFF  }
0x55: {  	_ =	shalt  }

</sc_bundles>
